<compile_context>
chip_gen: v7x
topology: tpu7x:2x2x1
jax: 0.10.2.dev20260603
libtpu: 0.0.44.dev20260713+nightly
codegen_flags: <defaults>
</compile_context>

<pallas_src>
import functools

import jax
import jax.numpy as jnp
from jax import lax
from jax.experimental import pallas as pl
from jax.experimental.pallas import tpu as pltpu
from jax.experimental.pallas import tpu_sc as plsc

KNN = 20
B = 16
N = 2048
M = B * N
CP = 128
NEG = -3.0e38

SC_CORES = 2
SC_SUBCORES = 16
SC_WORKERS = SC_CORES * SC_SUBCORES
SC_LANES = 16


def _xx_body(xt_ref, xx_ref):
    xt = xt_ref[0]
    sq = xt * xt
    acc = sq[0:8]
    for g in range(1, CP // 8):
        acc = acc + sq[8 * g:8 * g + 8]
    t = acc[0:4] + acc[4:8]
    t = t[0:2] + t[2:4]
    xx_ref[0] = t[0:1] + t[1:2]


def _xx(xt):
    return pl.pallas_call(
        _xx_body,
        grid=(B,),
        in_specs=[pl.BlockSpec((1, CP, N), lambda b: (b, 0, 0))],
        out_specs=pl.BlockSpec((1, 1, N), lambda b: (b, 0, 0)),
        out_shape=jax.ShapeDtypeStruct((B, 1, N), jnp.float32),
    )(xt)


def _dist_topk_body(xr_ref, xa_ref, xxr_ref, xxa_ref, idx_ref):
    b = pl.program_id(0)
    xr = xr_ref[0]
    xa = xa_ref[0]
    inner = lax.dot_general(xr.astype(jnp.bfloat16), xa.astype(jnp.bfloat16),
                            (((1,), (1,)), ((), ())),
                            preferred_element_type=jnp.float32)
    xxr = xxr_ref[0]
    xxa = xxa_ref[0]
    pd = 2.0 * inner - xxr - xxa
    rt, n = pd.shape
    iota = lax.broadcasted_iota(jnp.int32, (rt, n), 1)
    cols = []
    for _ in range(KNN):
        m = jnp.max(pd, axis=1, keepdims=True)
        cand = jnp.where(pd == m, iota, n)
        am = jnp.min(cand, axis=1, keepdims=True)
        cols.append(am)
        pd = jnp.where(iota == am, NEG, pd)
    idx_ref[0] = jnp.concatenate(cols, axis=1) + b * N


def _dist_topk(xp, rt=256):
    c = xp.shape[-1]
    xx = _xx(jnp.swapaxes(xp, 1, 2))
    xxt = jnp.swapaxes(xx, 1, 2)
    return pl.pallas_call(
        _dist_topk_body,
        grid=(B, N // rt),
        in_specs=[
            pl.BlockSpec((1, rt, c), lambda b, i: (b, i, 0)),
            pl.BlockSpec((1, N, c), lambda b, i: (b, 0, 0)),
            pl.BlockSpec((1, rt, 1), lambda b, i: (b, i, 0)),
            pl.BlockSpec((1, 1, N), lambda b, i: (b, 0, 0)),
        ],
        out_specs=pl.BlockSpec((1, rt, KNN), lambda b, i: (b, i, 0)),
        out_shape=jax.ShapeDtypeStruct((B, N, KNN), jnp.int32),
    )(xp, xp, xxt, xx)


_SC_P = 4


def _sc_gather_scatter(idx_flat, table, pattern):
    p = _SC_P
    per_w = M // SC_WORKERS
    ngroups = per_w // p
    nvec = (p * KNN) // SC_LANES
    mesh = plsc.VectorSubcoreMesh(
        core_axis_name="c", subcore_axis_name="s",
        num_cores=SC_CORES, num_subcores=SC_SUBCORES)

    @functools.partial(
        pl.kernel,
        mesh=mesh,
        out_type=jax.ShapeDtypeStruct((KNN * M, CP), jnp.float32),
        scratch_types=[
            pltpu.VMEM((p * KNN,), jnp.int32),
            pltpu.VMEM((p * KNN,), jnp.int32),
            pltpu.VMEM((p * KNN,), jnp.int32),
            pltpu.VMEM((p * KNN, CP), jnp.float32),
            pltpu.SemaphoreType.DMA,
            pltpu.SemaphoreType.DMA,
        ],
    )
    def k(idx_hbm, tab_hbm, pat_hbm, g_hbm,
          idx_v, pat_v, didx_v, rows_v, sem_g, sem_s):
        wid = lax.axis_index("s") * SC_CORES + lax.axis_index("c")
        base = wid * per_w
        pltpu.sync_copy(pat_hbm, pat_v)

        def group(g, _):
            pt0 = base + g * p
            pltpu.sync_copy(idx_hbm.at[pl.ds(pt0 * KNN, p * KNN)], idx_v)
            for v in range(nvec):
                sl = pl.ds(v * SC_LANES, SC_LANES)
                didx_v[sl] = pat_v[sl] + pt0
            pltpu.async_copy(tab_hbm.at[idx_v], rows_v, sem_g).wait()
            pltpu.async_copy(rows_v, g_hbm.at[didx_v], sem_s).wait()
            return 0

        lax.fori_loop(0, ngroups, group, 0)

    return k(idx_flat, table, pattern)


def _econv_body(x_ref, g_ref, wf_ref, ymax_ref, mean_ref, sqv_ref, acc_ref):
    i = pl.program_id(0)

    @pl.when(i == 0)
    def _():
        acc_ref[...] = jnp.zeros_like(acc_ref)

    x = x_ref[...]
    wf = wf_ref[...].astype(jnp.bfloat16)
    c0 = wf.shape[0] // 2
    o = wf.shape[1]
    pt = x.shape[0]
    amax = jnp.full((pt, o), NEG, jnp.float32)
    asum = jnp.zeros((pt, o), jnp.float32)
    asq = jnp.zeros((pt, o), jnp.float32)
    for kk in range(KNN):
        ec = jnp.concatenate([(g_ref[kk] - x)[:, :c0], x[:, :c0]],
                             axis=1).astype(jnp.bfloat16)
        yk = lax.dot_general(ec, wf, (((1,), (0,)), ((), ())),
                             preferred_element_type=jnp.float32)
        amax = jnp.maximum(amax, yk)
        asum = asum + yk
        asq = asq + yk * yk
    ymax_ref[...] = amax
    acc_ref[...] += jnp.concatenate([
        jnp.sum(asum, 0, keepdims=True),
        jnp.sum(asq, 0, keepdims=True),
        jnp.zeros((6, o), jnp.float32),
    ], axis=0)

    @pl.when(i == pl.num_programs(0) - 1)
    def _():
        a = acc_ref[...]
        cnt = float(M * KNN)
        mean = a[0:1] / cnt
        var = a[1:2] / cnt - mean * mean
        mean_ref[...] = mean
        sqv_ref[...] = jnp.sqrt(var + 1e-5)


def _econv(x, g, wfull, o, pt=256):
    c2 = wfull.shape[0]
    return pl.pallas_call(
        _econv_body,
        grid=(M // pt,),
        in_specs=[
            pl.BlockSpec((pt, CP), lambda i: (i, 0)),
            pl.BlockSpec((KNN, pt, CP), lambda i: (0, i, 0)),
            pl.BlockSpec((c2, o), lambda i: (0, 0)),
        ],
        out_specs=[
            pl.BlockSpec((pt, o), lambda i: (i, 0)),
            pl.BlockSpec((1, o), lambda i: (0, 0)),
            pl.BlockSpec((1, o), lambda i: (0, 0)),
        ],
        out_shape=[
            jax.ShapeDtypeStruct((M, o), jnp.float32),
            jax.ShapeDtypeStruct((1, o), jnp.float32),
            jax.ShapeDtypeStruct((1, o), jnp.float32),
        ],
        scratch_shapes=[pltpu.VMEM((8, o), jnp.float32)],
    )(x, g.reshape(KNN, M, CP), wfull)


def _combine_body(ymax_ref, mean_ref, sqv_ref, g_ref, b_ref, out_ref):
    y = ymax_ref[...]
    y = (y - mean_ref[...]) / sqv_ref[...] * g_ref[...] + b_ref[...]
    y = jnp.where(y >= 0, y, 0.2 * y)
    o = y.shape[1]
    pad = out_ref.shape[1] - o
    if pad:
        y = jnp.concatenate([y, jnp.zeros((y.shape[0], pad), jnp.float32)], 1)
    out_ref[...] = y


def _combine(ymax, mean, sqv, g, b, o, opad, rt=1024):
    return pl.pallas_call(
        _combine_body,
        grid=(M // rt,),
        in_specs=[
            pl.BlockSpec((rt, o), lambda i: (i, 0)),
            pl.BlockSpec((1, o), lambda i: (0, 0)),
            pl.BlockSpec((1, o), lambda i: (0, 0)),
            pl.BlockSpec((1, o), lambda i: (0, 0)),
            pl.BlockSpec((1, o), lambda i: (0, 0)),
        ],
        out_specs=pl.BlockSpec((rt, opad), lambda i: (i, 0)),
        out_shape=jax.ShapeDtypeStruct((M, opad), jnp.float32),
    )(ymax, mean, sqv, g, b)


def _edge_layer(xpad, c0, w, g, b, opad, idx_pattern):
    o = w.shape[0]
    wfull = w.T

    idx = _dist_topk(xpad.reshape(B, N, CP))
    gth = _sc_gather_scatter(idx.reshape(M * KNN), xpad, idx_pattern)
    ymax, mean, sqv = _econv(xpad, gth, wfull, o)
    return _combine(ymax, mean, sqv, g.reshape(1, o), b.reshape(1, o),
                    o, opad)


def _conv5_p1_body(x_ref, w_ref, y_ref, mean_ref, sqv_ref, acc_ref):
    i = pl.program_id(0)

    @pl.when(i == 0)
    def _():
        acc_ref[...] = jnp.zeros_like(acc_ref)

    y = lax.dot_general(x_ref[...].astype(jnp.bfloat16),
                        w_ref[...].astype(jnp.bfloat16),
                        (((1,), (0,)), ((), ())),
                        preferred_element_type=jnp.float32)
    y_ref[...] = y
    o = y.shape[1]
    acc_ref[...] += jnp.concatenate([
        jnp.sum(y, 0, keepdims=True),
        jnp.sum(y * y, 0, keepdims=True),
        jnp.zeros((6, o), jnp.float32),
    ], axis=0)

    @pl.when(i == pl.num_programs(0) - 1)
    def _():
        a = acc_ref[...]
        mean = a[0:1] / float(M)
        var = a[1:2] / float(M) - mean * mean
        mean_ref[...] = mean
        sqv_ref[...] = jnp.sqrt(var + 1e-5)


def _conv5_p1(xcat, w5t, rt=512):
    emb = w5t.shape[1]
    return pl.pallas_call(
        _conv5_p1_body,
        grid=(M // rt,),
        in_specs=[
            pl.BlockSpec((rt, 512), lambda i: (i, 0)),
            pl.BlockSpec((512, emb), lambda i: (0, 0)),
        ],
        out_specs=[
            pl.BlockSpec((rt, emb), lambda i: (i, 0)),
            pl.BlockSpec((1, emb), lambda i: (0, 0)),
            pl.BlockSpec((1, emb), lambda i: (0, 0)),
        ],
        out_shape=[
            jax.ShapeDtypeStruct((M, emb), jnp.float32),
            jax.ShapeDtypeStruct((1, emb), jnp.float32),
            jax.ShapeDtypeStruct((1, emb), jnp.float32),
        ],
        scratch_shapes=[pltpu.VMEM((8, emb), jnp.float32)],
    )(xcat, w5t)


def _conv5_p2_body(y_ref, mean_ref, sqv_ref, g_ref, b_ref,
                   hmax_ref, hmean_ref, accm_ref, accs_ref):
    j = pl.program_id(1)

    @pl.when(j == 0)
    def _():
        accm_ref[...] = jnp.full_like(accm_ref, NEG)
        accs_ref[...] = jnp.zeros_like(accs_ref)

    z = y_ref[0]
    z = (z - mean_ref[...]) / sqv_ref[...] * g_ref[...] + b_ref[...]
    z = jnp.where(z >= 0, z, 0.2 * z)
    accm_ref[0:1] = jnp.maximum(accm_ref[0:1], jnp.max(z, 0, keepdims=True))
    accs_ref[0:1] += jnp.sum(z, 0, keepdims=True)

    @pl.when(j == pl.num_programs(1) - 1)
    def _():
        hmax_ref[0] = accm_ref[0:1]
        hmean_ref[0] = accs_ref[0:1] / float(N)


def _conv5_p2(y5, mean, sqv, g, b, rt=512):
    emb = y5.shape[2]
    return pl.pallas_call(
        _conv5_p2_body,
        grid=(B, N // rt),
        in_specs=[
            pl.BlockSpec((1, rt, emb), lambda bb, j: (bb, j, 0)),
            pl.BlockSpec((1, emb), lambda bb, j: (0, 0)),
            pl.BlockSpec((1, emb), lambda bb, j: (0, 0)),
            pl.BlockSpec((1, emb), lambda bb, j: (0, 0)),
            pl.BlockSpec((1, emb), lambda bb, j: (0, 0)),
        ],
        out_specs=[
            pl.BlockSpec((1, 1, emb), lambda bb, j: (bb, 0, 0)),
            pl.BlockSpec((1, 1, emb), lambda bb, j: (bb, 0, 0)),
        ],
        out_shape=[
            jax.ShapeDtypeStruct((B, 1, emb), jnp.float32),
            jax.ShapeDtypeStruct((B, 1, emb), jnp.float32),
        ],
        scratch_shapes=[
            pltpu.VMEM((8, emb), jnp.float32),
            pltpu.VMEM((8, emb), jnp.float32),
        ],
    )(y5, mean, sqv, g, b)


def _head_body(h_ref, l1_ref, g1_ref, b1_ref, l2_ref, g2_ref, b2_ref,
               l3_ref, b3_ref, out_ref):
    def lin(t, w_ref):
        return lax.dot_general(t.astype(jnp.bfloat16),
                               w_ref[...].astype(jnp.bfloat16),
                               (((1,), (0,)), ((), ())),
                               preferred_element_type=jnp.float32)

    def lin_bn(t, w_ref, g_ref, b_ref):
        y = lin(t, w_ref)
        m = jnp.mean(y, 0, keepdims=True)
        v = jnp.mean((y - m) * (y - m), 0, keepdims=True)
        y = (y - m) / jnp.sqrt(v + 1e-5) * g_ref[...] + b_ref[...]
        return jnp.where(y >= 0, y, 0.2 * y)

    t = lin_bn(h_ref[...], l1_ref, g1_ref, b1_ref)
    t = lin_bn(t, l2_ref, g2_ref, b2_ref)
    out_ref[...] = lin(t, l3_ref) + b3_ref[...]


def _head(h, l1t, gl1, bl1, l2t, gl2, bl2, l3t, bl3):
    return pl.pallas_call(
        _head_body,
        out_shape=jax.ShapeDtypeStruct((B, l3t.shape[1]), jnp.float32),
    )(h, l1t, gl1.reshape(1, -1), bl1.reshape(1, -1),
      l2t, gl2.reshape(1, -1), bl2.reshape(1, -1), l3t, bl3.reshape(1, -1))


def kernel(x, W1, g1, b1, W2, g2, b2, W3, g3, b3, W4, g4, b4, W5, g5, b5,
           L1, gl1, bl1, L2, gl2, bl2, L3, bL3):
    pat = (jnp.arange(_SC_P * KNN, dtype=jnp.int32) % KNN) * M \
        + (jnp.arange(_SC_P * KNN, dtype=jnp.int32) // KNN)
    xpad = jnp.pad(x.reshape(M, 3), ((0, 0), (0, CP - 3)))

    x1p = _edge_layer(xpad, 3, W1, g1, b1, CP, pat)
    x2p = _edge_layer(x1p, 64, W2, g2, b2, CP, pat)
    x3p = _edge_layer(x2p, 64, W3, g3, b3, CP, pat)
    x4 = _edge_layer(x3p, 128, W4, g4, b4, 256, pat)

    xcat = jnp.concatenate(
        [x1p[:, :64], x2p[:, :64], x3p, x4], axis=1)
    y5, mean5, sqv5 = _conv5_p1(xcat, W5.T)
    emb = W5.shape[0]
    hmax, hmean = _conv5_p2(y5.reshape(B, N, emb), mean5, sqv5,
                            g5.reshape(1, emb), b5.reshape(1, emb))
    h = jnp.concatenate([hmax.reshape(B, emb), hmean.reshape(B, emb)],
                        axis=1)
    return _head(h, L1.T, gl1, bl1, L2.T, gl2, bl2, L3.T, bL3)

# --- scband reference (transcript-rebuilt; emitter-appended) ---
"""Pipeline reference for scband-dgcnn-70153995813096 (READ-ONLY COPY).

The authoritative reference and input builder live on the scoring server;
editing this copy changes nothing except your own understanding.
"""

import jax, jax.numpy as jnp
import numpy as np

K = 20

def knn(x, k):
    xt = jnp.swapaxes(x, 2, 1)
    inner = -2.0 * jnp.matmul(xt, x)
    xx = jnp.sum(x * x, axis=1, keepdims=True)
    pd = -xx - inner - jnp.swapaxes(xx, 2, 1)
    _, idx = jax.lax.top_k(pd, k)
    return idx

def get_graph_feature(x, k):
    B, C, N = x.shape
    idx = knn(x, k)
    xt = jnp.swapaxes(x, 2, 1)
    feat = jax.vmap(lambda pts, ii: pts[ii])(xt, idx)
    xc = jnp.broadcast_to(xt[:, :, None, :], (B, N, k, C))
    feat = jnp.concatenate([feat - xc, xc], axis=3)
    return jnp.transpose(feat, (0, 3, 1, 2))

def lrelu(x):
    return jnp.where(x >= 0, x, 0.2 * x)

def conv2d_bn(x, W, g, b):
    y = jnp.einsum('oi,bink->bonk', W, x)
    m = jnp.mean(y, axis=(0, 2, 3), keepdims=True)
    v = jnp.var(y, axis=(0, 2, 3), keepdims=True)
    y = (y - m) / jnp.sqrt(v + 1e-5) * g.reshape(1, -1, 1, 1) + b.reshape(1, -1, 1, 1)
    return lrelu(y)

def conv1d_bn(x, W, g, b):
    y = jnp.einsum('oi,bin->bon', W, x)
    m = jnp.mean(y, axis=(0, 2), keepdims=True)
    v = jnp.var(y, axis=(0, 2), keepdims=True)
    y = (y - m) / jnp.sqrt(v + 1e-5) * g.reshape(1, -1, 1) + b.reshape(1, -1, 1)
    return lrelu(y)

def linear_bn(x, W, g, b):
    y = x @ W.T
    m = jnp.mean(y, axis=0, keepdims=True)
    v = jnp.var(y, axis=0, keepdims=True)
    y = (y - m) / jnp.sqrt(v + 1e-5) * g.reshape(1, -1) + b.reshape(1, -1)
    return lrelu(y)

def setup_inputs(seed: int = 0):
    key = jax.random.key(seed)
    ks = [jax.random.fold_in(key, i) for i in range(16)]
    B, N, emb = 16, 2048, 1024
    def w(kk, o, i):
        return jax.random.normal(kk, (o, i), dtype=jnp.float32) * (1.0 / np.sqrt(i))
    return {
        'x': jax.random.normal(ks[0], (B, N, 3), dtype=jnp.float32),
        'W1': w(ks[1], 64, 6), 'g1': jnp.ones(64, jnp.float32), 'b1': jnp.zeros(64, jnp.float32),
        'W2': w(ks[2], 64, 128), 'g2': jnp.ones(64, jnp.float32), 'b2': jnp.zeros(64, jnp.float32),
        'W3': w(ks[3], 128, 128), 'g3': jnp.ones(128, jnp.float32), 'b3': jnp.zeros(128, jnp.float32),
        'W4': w(ks[4], 256, 256), 'g4': jnp.ones(256, jnp.float32), 'b4': jnp.zeros(256, jnp.float32),
        'W5': w(ks[5], emb, 512), 'g5': jnp.ones(emb, jnp.float32), 'b5': jnp.zeros(emb, jnp.float32),
        'L1': w(ks[6], 512, 2 * emb), 'gl1': jnp.ones(512, jnp.float32), 'bl1': jnp.zeros(512, jnp.float32),
        'L2': w(ks[7], 256, 512), 'gl2': jnp.ones(256, jnp.float32), 'bl2': jnp.zeros(256, jnp.float32),
        'L3': w(ks[8], 40, 256), 'bL3': jnp.zeros(40, jnp.float32),
    }

def reference(x, W1, g1, b1, W2, g2, b2, W3, g3, b3, W4, g4, b4, W5, g5, b5, L1, gl1, bl1, L2, gl2, bl2, L3, bL3):
    xc = jnp.swapaxes(x, 2, 1)
    e = get_graph_feature(xc, K)
    x1 = jnp.max(conv2d_bn(e, W1, g1, b1), axis=-1)
    e = get_graph_feature(x1, K)
    x2 = jnp.max(conv2d_bn(e, W2, g2, b2), axis=-1)
    e = get_graph_feature(x2, K)
    x3 = jnp.max(conv2d_bn(e, W3, g3, b3), axis=-1)
    e = get_graph_feature(x3, K)
    x4 = jnp.max(conv2d_bn(e, W4, g4, b4), axis=-1)
    xcat = jnp.concatenate([x1, x2, x3, x4], axis=1)
    x5 = conv1d_bn(xcat, W5, g5, b5)
    h = jnp.concatenate([jnp.max(x5, axis=-1), jnp.mean(x5, axis=-1)], axis=1)
    h = linear_bn(h, L1, gl1, bl1)
    h = linear_bn(h, L2, gl2, bl2)
    logits = h @ L3.T + bL3.reshape(1, -1)
    return logits

if __name__ == "__main__":
    import jax
    _d = setup_inputs()
    print(jax.jit(kernel)(*tuple(_d.values())))

</pallas_src>

<mosaic_0001>
#map = affine_map<(d0, d1) -> (0)>
#map1 = affine_map<(d0, d1) -> (0, 0)>
module attributes {stable_mosaic.version = 14 : i64} {
  func.func @k(%arg0: i32, %arg1: i32, %arg2: memref<655360xi32, #tpu.memory_space<hbm>>, %arg3: memref<32768x128xf32, #tpu.memory_space<hbm>>, %arg4: memref<80xi32, #tpu.memory_space<hbm>>, %arg5: memref<655360x128xf32, #tpu.memory_space<hbm>>, %arg6: memref<80xi32, #tpu.memory_space<vmem>>, %arg7: memref<80xi32, #tpu.memory_space<vmem>>, %arg8: memref<80xi32, #tpu.memory_space<vmem>>, %arg9: memref<80x128xf32, #tpu.memory_space<vmem>>, %arg10: memref<!tpu.dma_semaphore, #tpu.memory_space<semaphore_mem>>, %arg11: memref<!tpu.dma_semaphore, #tpu.memory_space<semaphore_mem>>) attributes {dimension_semantics = [#tpu.dimension_semantics<core_parallel>, #tpu.dimension_semantics<subcore_parallel>], iteration_bounds = array<i64: 2, 16>, scalar_prefetch = 0 : i64, scratch_operands = 6 : i64, tpu.core_type = #tpu.core_type<sc_vector_subcore>, window_params = [{transform_indices = #map}, {transform_indices = #map1}, {transform_indices = #map}, {transform_indices = #map1}]} {
    %mul3A = arith.constant 2 : i32
    %mul3A_0 = arith.muli %arg1, %mul3A : i32
    %add3A = arith.addi %mul3A_0, %arg0 : i32
    %mul3A_1 = arith.constant 1024 : i32
    %mul3A_2 = arith.muli %add3A, %mul3A_1 : i32
    "tpu.region"() ({
      %run_scoped3A = tpu.sem_alloc : memref<!tpu.dma_semaphore, #tpu.memory_space<semaphore_mem>>
      tpu.enqueue_dma source(%arg4 : memref<80xi32, #tpu.memory_space<hbm>>) target(%arg7 : memref<80xi32, #tpu.memory_space<vmem>>) target_semaphore(%run_scoped3A : memref<!tpu.dma_semaphore, #tpu.memory_space<semaphore_mem>>)
      tpu.wait_dma2 semaphore(%run_scoped3A : memref<!tpu.dma_semaphore, #tpu.memory_space<semaphore_mem>>) src(%arg4 : memref<80xi32, #tpu.memory_space<hbm>>) dst(%arg7 : memref<80xi32, #tpu.memory_space<vmem>>)
      tpu.yield
    }) : () -> ()
    %scan3A = arith.constant 0 : i32
    %scan3A_3 = arith.constant 0 : i32
    %scan3A_4 = arith.constant 256 : i32
    %scan3A_5 = arith.addi %scan3A_3, %scan3A_4 : i32
    %scan3A_6 = arith.constant 1 : i32
    %scan3A_7 = scf.for %scan3A_9 = %scan3A_3 to %scan3A_5 step %scan3A_6 iter_args(%scan3A_10 = %scan3A) -> (i32)  : i32 {
      %mul3A_11 = arith.constant 4 : i32
      %mul3A_12 = arith.muli %scan3A_9, %mul3A_11 : i32
      %add3A_13 = arith.addi %mul3A_2, %mul3A_12 : i32
      %mul3A_14 = arith.constant 20 : i32
      %mul3A_15 = arith.muli %add3A_13, %mul3A_14 : i32
      "tpu.region"() ({
        %run_scoped3A = tpu.sem_alloc : memref<!tpu.dma_semaphore, #tpu.memory_space<semaphore_mem>>
        %dma_start3A_70 = tpu.memref_slice %arg2[%mul3A_15] : memref<655360xi32, #tpu.memory_space<hbm>> -> memref<80xi32, #tpu.memory_space<hbm>>
        %dma_start3A_71 = tpu.memref_slice %arg2[%mul3A_15] : memref<655360xi32, #tpu.memory_space<hbm>> -> memref<80xi32, #tpu.memory_space<hbm>>
        tpu.enqueue_dma source(%dma_start3A_71 : memref<80xi32, #tpu.memory_space<hbm>>) target(%arg6 : memref<80xi32, #tpu.memory_space<vmem>>) target_semaphore(%run_scoped3A : memref<!tpu.dma_semaphore, #tpu.memory_space<semaphore_mem>>)
        %dma_wait3A_72 = tpu.memref_slice %arg2[%mul3A_15] : memref<655360xi32, #tpu.memory_space<hbm>> -> memref<80xi32, #tpu.memory_space<hbm>>
        %dma_wait3A_73 = tpu.memref_slice %arg2[%mul3A_15] : memref<655360xi32, #tpu.memory_space<hbm>> -> memref<80xi32, #tpu.memory_space<hbm>>
        tpu.wait_dma2 semaphore(%run_scoped3A : memref<!tpu.dma_semaphore, #tpu.memory_space<semaphore_mem>>) src(%dma_wait3A_73 : memref<80xi32, #tpu.memory_space<hbm>>) dst(%arg6 : memref<80xi32, #tpu.memory_space<vmem>>)
        tpu.yield
      }) : () -> ()
      %get3A = arith.constant 0 : index
      %get3A_16 = tpu.vector_load %arg7[%get3A] {strides = array<i32>} : memref<80xi32, #tpu.memory_space<vmem>>, vector<16xi32>,
      %get3A_17 = vector.shape_cast %get3A_16 : vector<16xi32> to vector<16xi32>
      %add3A_18 = vector.broadcast %add3A_13 : i32 to vector<16xi32>
      %add3A_19 = arith.addi %get3A_17, %add3A_18 : vector<16xi32>
      %swap3A = arith.constant 0 : index
      %swap3A_20 = tpu.vector_load %arg8[%swap3A] {strides = array<i32>} : memref<80xi32, #tpu.memory_space<vmem>>, vector<16xi32>,
      %swap3A_21 = vector.shape_cast %swap3A_20 : vector<16xi32> to vector<16xi32>
      %swap3A_22 = vector.shape_cast %add3A_19 : vector<16xi32> to vector<16xi32>
      tpu.vector_store %arg8[%swap3A], %swap3A_22 {strides = array<i32>} : memref<80xi32, #tpu.memory_space<vmem>>, vector<16xi32>,
      %get3A_23 = arith.constant 16 : index
      %get3A_24 = tpu.vector_load %arg7[%get3A_23] {strides = array<i32>} : memref<80xi32, #tpu.memory_space<vmem>>, vector<16xi32>,
      %get3A_25 = vector.shape_cast %get3A_24 : vector<16xi32> to vector<16xi32>
      %add3A_26 = vector.broadcast %add3A_13 : i32 to vector<16xi32>
      %add3A_27 = arith.addi %get3A_25, %add3A_26 : vector<16xi32>
      %swap3A_28 = arith.constant 16 : index
      %swap3A_29 = tpu.vector_load %arg8[%swap3A_28] {strides = array<i32>} : memref<80xi32, #tpu.memory_space<vmem>>, vector<16xi32>,
      %swap3A_30 = vector.shape_cast %swap3A_29 : vector<16xi32> to vector<16xi32>
      %swap3A_31 = vector.shape_cast %add3A_27 : vector<16xi32> to vector<16xi32>
      tpu.vector_store %arg8[%swap3A_28], %swap3A_31 {strides = array<i32>} : memref<80xi32, #tpu.memory_space<vmem>>, vector<16xi32>,
      %get3A_32 = arith.constant 32 : index
      %get3A_33 = tpu.vector_load %arg7[%get3A_32] {strides = array<i32>} : memref<80xi32, #tpu.memory_space<vmem>>, vector<16xi32>,
      %get3A_34 = vector.shape_cast %get3A_33 : vector<16xi32> to vector<16xi32>
      %add3A_35 = vector.broadcast %add3A_13 : i32 to vector<16xi32>
      %add3A_36 = arith.addi %get3A_34, %add3A_35 : vector<16xi32>
      %swap3A_37 = arith.constant 32 : index
      %swap3A_38 = tpu.vector_load %arg8[%swap3A_37] {strides = array<i32>} : memref<80xi32, #tpu.memory_space<vmem>>, vector<16xi32>,
      %swap3A_39 = vector.shape_cast %swap3A_38 : vector<16xi32> to vector<16xi32>
      %swap3A_40 = vector.shape_cast %add3A_36 : vector<16xi32> to vector<16xi32>
      tpu.vector_store %arg8[%swap3A_37], %swap3A_40 {strides = array<i32>} : memref<80xi32, #tpu.memory_space<vmem>>, vector<16xi32>,
      %get3A_41 = arith.constant 48 : index
      %get3A_42 = tpu.vector_load %arg7[%get3A_41] {strides = array<i32>} : memref<80xi32, #tpu.memory_space<vmem>>, vector<16xi32>,
      %get3A_43 = vector.shape_cast %get3A_42 : vector<16xi32> to vector<16xi32>
      %add3A_44 = vector.broadcast %add3A_13 : i32 to vector<16xi32>
      %add3A_45 = arith.addi %get3A_43, %add3A_44 : vector<16xi32>
      %swap3A_46 = arith.constant 48 : index
      %swap3A_47 = tpu.vector_load %arg8[%swap3A_46] {strides = array<i32>} : memref<80xi32, #tpu.memory_space<vmem>>, vector<16xi32>,
      %swap3A_48 = vector.shape_cast %swap3A_47 : vector<16xi32> to vector<16xi32>
      %swap3A_49 = vector.shape_cast %add3A_45 : vector<16xi32> to vector<16xi32>
      tpu.vector_store %arg8[%swap3A_46], %swap3A_49 {strides = array<i32>} : memref<80xi32, #tpu.memory_space<vmem>>, vector<16xi32>,
      %get3A_50 = arith.constant 64 : index
      %get3A_51 = tpu.vector_load %arg7[%get3A_50] {strides = array<i32>} : memref<80xi32, #tpu.memory_space<vmem>>, vector<16xi32>,
      %get3A_52 = vector.shape_cast %get3A_51 : vector<16xi32> to vector<16xi32>
      %add3A_53 = vector.broadcast %add3A_13 : i32 to vector<16xi32>
      %add3A_54 = arith.addi %get3A_52, %add3A_53 : vector<16xi32>
      %swap3A_55 = arith.constant 64 : index
      %swap3A_56 = tpu.vector_load %arg8[%swap3A_55] {strides = array<i32>} : memref<80xi32, #tpu.memory_space<vmem>>, vector<16xi32>,
      %swap3A_57 = vector.shape_cast %swap3A_56 : vector<16xi32> to vector<16xi32>
      %swap3A_58 = vector.shape_cast %add3A_54 : vector<16xi32> to vector<16xi32>
      tpu.vector_store %arg8[%swap3A_55], %swap3A_58 {strides = array<i32>} : memref<80xi32, #tpu.memory_space<vmem>>, vector<16xi32>,
      %dma_start3A = arith.constant 0 : i32
      %dma_start3A_59 = arith.constant 0 : i32
      %dma_start3A_60 = tpu.memref_slice %arg3[%dma_start3A, %dma_start3A_59] : memref<32768x128xf32, #tpu.memory_space<hbm>> -> memref<32768x128xf32, #tpu.memory_space<hbm>>
      tpu.enqueue_indirect_dma source(%dma_start3A_60 : memref<32768x128xf32, #tpu.memory_space<hbm>>) target(%arg9 : memref<80x128xf32, #tpu.memory_space<vmem>>) offsets(%arg6 : memref<80xi32, #tpu.memory_space<vmem>>) semaphore(%arg10 : memref<!tpu.dma_semaphore, #tpu.memory_space<semaphore_mem>>)
      %dma_wait3A = arith.constant 0 : i32
      %dma_wait3A_61 = arith.constant 0 : i32
      %dma_wait3A_62 = tpu.memref_slice %arg3[%dma_wait3A, %dma_wait3A_61] : memref<32768x128xf32, #tpu.memory_space<hbm>> -> memref<32768x128xf32, #tpu.memory_space<hbm>>
      tpu.wait_indirect_dma semaphore(%arg10 : memref<!tpu.dma_semaphore, #tpu.memory_space<semaphore_mem>>) src(%dma_wait3A_62 : memref<32768x128xf32, #tpu.memory_space<hbm>>) dst(%arg9 : memref<80x128xf32, #tpu.memory_space<vmem>>)
      %dma_start3A_63 = arith.constant 0 : i32
      %dma_start3A_64 = arith.constant 0 : i32
      %dma_start3A_65 = tpu.memref_slice %arg5[%dma_start3A_63, %dma_start3A_64] : memref<655360x128xf32, #tpu.memory_space<hbm>> -> memref<655360x128xf32, #tpu.memory_space<hbm>>
      tpu.enqueue_indirect_dma source(%arg9 : memref<80x128xf32, #tpu.memory_space<vmem>>) target(%dma_start3A_65 : memref<655360x128xf32, #tpu.memory_space<hbm>>) offsets(%arg8 : memref<80xi32, #tpu.memory_space<vmem>>) semaphore(%arg11 : memref<!tpu.dma_semaphore, #tpu.memory_space<semaphore_mem>>)
      %dma_wait3A_66 = arith.constant 0 : i32
      %dma_wait3A_67 = arith.constant 0 : i32
      %dma_wait3A_68 = tpu.memref_slice %arg5[%dma_wait3A_66, %dma_wait3A_67] : memref<655360x128xf32, #tpu.memory_space<hbm>> -> memref<655360x128xf32, #tpu.memory_space<hbm>>
      tpu.wait_indirect_dma semaphore(%arg11 : memref<!tpu.dma_semaphore, #tpu.memory_space<semaphore_mem>>) src(%arg9 : memref<80x128xf32, #tpu.memory_space<vmem>>) dst(%dma_wait3A_68 : memref<655360x128xf32, #tpu.memory_space<hbm>>)
      %scan3A_69 = arith.constant 0 : i32
      scf.yield %scan3A_69 : i32
    }
    %scan3A_8 = arith.constant 256 : i32
    return
  }
}

#map = affine_map<(d0, d1) -> (0)>
#map1 = affine_map<(d0, d1) -> (0, 0)>
module attributes {stable_mosaic.version = 14 : i64} {
  func.func @k(%arg0: i32, %arg1: i32, %arg2: memref<655360xi32, #tpu.memory_space<hbm>>, %arg3: memref<32768x128xf32, #tpu.memory_space<hbm>>, %arg4: memref<80xi32, #tpu.memory_space<hbm>>, %arg5: memref<655360x128xf32, #tpu.memory_space<hbm>>, %arg6: memref<80xi32, #tpu.memory_space<vmem>>, %arg7: memref<80xi32, #tpu.memory_space<vmem>>, %arg8: memref<80xi32, #tpu.memory_space<vmem>>, %arg9: memref<80x128xf32, #tpu.memory_space<vmem>>, %arg10: memref<!tpu.dma_semaphore, #tpu.memory_space<semaphore_mem>>, %arg11: memref<!tpu.dma_semaphore, #tpu.memory_space<semaphore_mem>>) attributes {dimension_semantics = [#tpu.dimension_semantics<core_parallel>, #tpu.dimension_semantics<subcore_parallel>], iteration_bounds = array<i64: 2, 16>, scalar_prefetch = 0 : i64, scratch_operands = 6 : i64, tpu.core_type = #tpu.core_type<sc_vector_subcore>, window_params = [{transform_indices = #map}, {transform_indices = #map1}, {transform_indices = #map}, {transform_indices = #map1}]} {
    %mul3A = arith.constant 2 : i32
    %mul3A_0 = arith.muli %arg1, %mul3A : i32
    %add3A = arith.addi %mul3A_0, %arg0 : i32
    %mul3A_1 = arith.constant 1024 : i32
    %mul3A_2 = arith.muli %add3A, %mul3A_1 : i32
    "tpu.region"() ({
      %run_scoped3A = tpu.sem_alloc : memref<!tpu.dma_semaphore, #tpu.memory_space<semaphore_mem>>
      tpu.enqueue_dma source(%arg4 : memref<80xi32, #tpu.memory_space<hbm>>) target(%arg7 : memref<80xi32, #tpu.memory_space<vmem>>) target_semaphore(%run_scoped3A : memref<!tpu.dma_semaphore, #tpu.memory_space<semaphore_mem>>)
      tpu.wait_dma2 semaphore(%run_scoped3A : memref<!tpu.dma_semaphore, #tpu.memory_space<semaphore_mem>>) src(%arg4 : memref<80xi32, #tpu.memory_space<hbm>>) dst(%arg7 : memref<80xi32, #tpu.memory_space<vmem>>)
      tpu.yield
    }) : () -> ()
    %scan3A = arith.constant 0 : i32
    %scan3A_3 = arith.constant 0 : i32
    %scan3A_4 = arith.constant 256 : i32
    %scan3A_5 = arith.addi %scan3A_3, %scan3A_4 : i32
    %scan3A_6 = arith.constant 1 : i32
    %scan3A_7 = scf.for %scan3A_9 = %scan3A_3 to %scan3A_5 step %scan3A_6 iter_args(%scan3A_10 = %scan3A) -> (i32)  : i32 {
      %mul3A_11 = arith.constant 4 : i32
      %mul3A_12 = arith.muli %scan3A_9, %mul3A_11 : i32
      %add3A_13 = arith.addi %mul3A_2, %mul3A_12 : i32
      %mul3A_14 = arith.constant 20 : i32
      %mul3A_15 = arith.muli %add3A_13, %mul3A_14 : i32
      "tpu.region"() ({
        %run_scoped3A = tpu.sem_alloc : memref<!tpu.dma_semaphore, #tpu.memory_space<semaphore_mem>>
        %dma_start3A_70 = tpu.memref_slice %arg2[%mul3A_15] : memref<655360xi32, #tpu.memory_space<hbm>> -> memref<80xi32, #tpu.memory_space<hbm>>
        %dma_start3A_71 = tpu.memref_slice %arg2[%mul3A_15] : memref<655360xi32, #tpu.memory_space<hbm>> -> memref<80xi32, #tpu.memory_space<hbm>>
        tpu.enqueue_dma source(%dma_start3A_71 : memref<80xi32, #tpu.memory_space<hbm>>) target(%arg6 : memref<80xi32, #tpu.memory_space<vmem>>) target_semaphore(%run_scoped3A : memref<!tpu.dma_semaphore, #tpu.memory_space<semaphore_mem>>)
        %dma_wait3A_72 = tpu.memref_slice %arg2[%mul3A_15] : memref<655360xi32, #tpu.memory_space<hbm>> -> memref<80xi32, #tpu.memory_space<hbm>>
        %dma_wait3A_73 = tpu.memref_slice %arg2[%mul3A_15] : memref<655360xi32, #tpu.memory_space<hbm>> -> memref<80xi32, #tpu.memory_space<hbm>>
        tpu.wait_dma2 semaphore(%run_scoped3A : memref<!tpu.dma_semaphore, #tpu.memory_space<semaphore_mem>>) src(%dma_wait3A_73 : memref<80xi32, #tpu.memory_space<hbm>>) dst(%arg6 : memref<80xi32, #tpu.memory_space<vmem>>)
        tpu.yield
      }) : () -> ()
      %get3A = arith.constant 0 : index
      %get3A_16 = tpu.vector_load %arg7[%get3A] {strides = array<i32>} : memref<80xi32, #tpu.memory_space<vmem>>, vector<16xi32>,
      %get3A_17 = vector.shape_cast %get3A_16 : vector<16xi32> to vector<16xi32>
      %add3A_18 = vector.broadcast %add3A_13 : i32 to vector<16xi32>
      %add3A_19 = arith.addi %get3A_17, %add3A_18 : vector<16xi32>
      %swap3A = arith.constant 0 : index
      %swap3A_20 = tpu.vector_load %arg8[%swap3A] {strides = array<i32>} : memref<80xi32, #tpu.memory_space<vmem>>, vector<16xi32>,
      %swap3A_21 = vector.shape_cast %swap3A_20 : vector<16xi32> to vector<16xi32>
      %swap3A_22 = vector.shape_cast %add3A_19 : vector<16xi32> to vector<16xi32>
      tpu.vector_store %arg8[%swap3A], %swap3A_22 {strides = array<i32>} : memref<80xi32, #tpu.memory_space<vmem>>, vector<16xi32>,
      %get3A_23 = arith.constant 16 : index
      %get3A_24 = tpu.vector_load %arg7[%get3A_23] {strides = array<i32>} : memref<80xi32, #tpu.memory_space<vmem>>, vector<16xi32>,
      %get3A_25 = vector.shape_cast %get3A_24 : vector<16xi32> to vector<16xi32>
      %add3A_26 = vector.broadcast %add3A_13 : i32 to vector<16xi32>
      %add3A_27 = arith.addi %get3A_25, %add3A_26 : vector<16xi32>
      %swap3A_28 = arith.constant 16 : index
      %swap3A_29 = tpu.vector_load %arg8[%swap3A_28] {strides = array<i32>} : memref<80xi32, #tpu.memory_space<vmem>>, vector<16xi32>,
      %swap3A_30 = vector.shape_cast %swap3A_29 : vector<16xi32> to vector<16xi32>
      %swap3A_31 = vector.shape_cast %add3A_27 : vector<16xi32> to vector<16xi32>
      tpu.vector_store %arg8[%swap3A_28], %swap3A_31 {strides = array<i32>} : memref<80xi32, #tpu.memory_space<vmem>>, vector<16xi32>,
      %get3A_32 = arith.constant 32 : index
      %get3A_33 = tpu.vector_load %arg7[%get3A_32] {strides = array<i32>} : memref<80xi32, #tpu.memory_space<vmem>>, vector<16xi32>,
      %get3A_34 = vector.shape_cast %get3A_33 : vector<16xi32> to vector<16xi32>
      %add3A_35 = vector.broadcast %add3A_13 : i32 to vector<16xi32>
      %add3A_36 = arith.addi %get3A_34, %add3A_35 : vector<16xi32>
      %swap3A_37 = arith.constant 32 : index
      %swap3A_38 = tpu.vector_load %arg8[%swap3A_37] {strides = array<i32>} : memref<80xi32, #tpu.memory_space<vmem>>, vector<16xi32>,
      %swap3A_39 = vector.shape_cast %swap3A_38 : vector<16xi32> to vector<16xi32>
      %swap3A_40 = vector.shape_cast %add3A_36 : vector<16xi32> to vector<16xi32>
      tpu.vector_store %arg8[%swap3A_37], %swap3A_40 {strides = array<i32>} : memref<80xi32, #tpu.memory_space<vmem>>, vector<16xi32>,
      %get3A_41 = arith.constant 48 : index
      %get3A_42 = tpu.vector_load %arg7[%get3A_41] {strides = array<i32>} : memref<80xi32, #tpu.memory_space<vmem>>, vector<16xi32>,
      %get3A_43 = vector.shape_cast %get3A_42 : vector<16xi32> to vector<16xi32>
      %add3A_44 = vector.broadcast %add3A_13 : i32 to vector<16xi32>
      %add3A_45 = arith.addi %get3A_43, %add3A_44 : vector<16xi32>
      %swap3A_46 = arith.constant 48 : index
      %swap3A_47 = tpu.vector_load %arg8[%swap3A_46] {strides = array<i32>} : memref<80xi32, #tpu.memory_space<vmem>>, vector<16xi32>,
      %swap3A_48 = vector.shape_cast %swap3A_47 : vector<16xi32> to vector<16xi32>
      %swap3A_49 = vector.shape_cast %add3A_45 : vector<16xi32> to vector<16xi32>
      tpu.vector_store %arg8[%swap3A_46], %swap3A_49 {strides = array<i32>} : memref<80xi32, #tpu.memory_space<vmem>>, vector<16xi32>,
      %get3A_50 = arith.constant 64 : index
      %get3A_51 = tpu.vector_load %arg7[%get3A_50] {strides = array<i32>} : memref<80xi32, #tpu.memory_space<vmem>>, vector<16xi32>,
      %get3A_52 = vector.shape_cast %get3A_51 : vector<16xi32> to vector<16xi32>
      %add3A_53 = vector.broadcast %add3A_13 : i32 to vector<16xi32>
      %add3A_54 = arith.addi %get3A_52, %add3A_53 : vector<16xi32>
      %swap3A_55 = arith.constant 64 : index
      %swap3A_56 = tpu.vector_load %arg8[%swap3A_55] {strides = array<i32>} : memref<80xi32, #tpu.memory_space<vmem>>, vector<16xi32>,
      %swap3A_57 = vector.shape_cast %swap3A_56 : vector<16xi32> to vector<16xi32>
      %swap3A_58 = vector.shape_cast %add3A_54 : vector<16xi32> to vector<16xi32>
      tpu.vector_store %arg8[%swap3A_55], %swap3A_58 {strides = array<i32>} : memref<80xi32, #tpu.memory_space<vmem>>, vector<16xi32>,
      %dma_start3A = arith.constant 0 : i32
      %dma_start3A_59 = arith.constant 0 : i32
      %dma_start3A_60 = tpu.memref_slice %arg3[%dma_start3A, %dma_start3A_59] : memref<32768x128xf32, #tpu.memory_space<hbm>> -> memref<32768x128xf32, #tpu.memory_space<hbm>>
      tpu.enqueue_indirect_dma source(%dma_start3A_60 : memref<32768x128xf32, #tpu.memory_space<hbm>>) target(%arg9 : memref<80x128xf32, #tpu.memory_space<vmem>>) offsets(%arg6 : memref<80xi32, #tpu.memory_space<vmem>>) semaphore(%arg10 : memref<!tpu.dma_semaphore, #tpu.memory_space<semaphore_mem>>)
      %dma_wait3A = arith.constant 0 : i32
      %dma_wait3A_61 = arith.constant 0 : i32
      %dma_wait3A_62 = tpu.memref_slice %arg3[%dma_wait3A, %dma_wait3A_61] : memref<32768x128xf32, #tpu.memory_space<hbm>> -> memref<32768x128xf32, #tpu.memory_space<hbm>>
      tpu.wait_indirect_dma semaphore(%arg10 : memref<!tpu.dma_semaphore, #tpu.memory_space<semaphore_mem>>) src(%dma_wait3A_62 : memref<32768x128xf32, #tpu.memory_space<hbm>>) dst(%arg9 : memref<80x128xf32, #tpu.memory_space<vmem>>)
      %dma_start3A_63 = arith.constant 0 : i32
      %dma_start3A_64 = arith.constant 0 : i32
      %dma_start3A_65 = tpu.memref_slice %arg5[%dma_start3A_63, %dma_start3A_64] : memref<655360x128xf32, #tpu.memory_space<hbm>> -> memref<655360x128xf32, #tpu.memory_space<hbm>>
      tpu.enqueue_indirect_dma source(%arg9 : memref<80x128xf32, #tpu.memory_space<vmem>>) target(%dma_start3A_65 : memref<655360x128xf32, #tpu.memory_space<hbm>>) offsets(%arg8 : memref<80xi32, #tpu.memory_space<vmem>>) semaphore(%arg11 : memref<!tpu.dma_semaphore, #tpu.memory_space<semaphore_mem>>)
      %dma_wait3A_66 = arith.constant 0 : i32
      %dma_wait3A_67 = arith.constant 0 : i32
      %dma_wait3A_68 = tpu.memref_slice %arg5[%dma_wait3A_66, %dma_wait3A_67] : memref<655360x128xf32, #tpu.memory_space<hbm>> -> memref<655360x128xf32, #tpu.memory_space<hbm>>
      tpu.wait_indirect_dma semaphore(%arg11 : memref<!tpu.dma_semaphore, #tpu.memory_space<semaphore_mem>>) src(%arg9 : memref<80x128xf32, #tpu.memory_space<vmem>>) dst(%dma_wait3A_68 : memref<655360x128xf32, #tpu.memory_space<hbm>>)
      %scan3A_69 = arith.constant 0 : i32
      scf.yield %scan3A_69 : i32
    }
    %scan3A_8 = arith.constant 256 : i32
    return
  }
}

#map = affine_map<(d0, d1) -> (0)>
#map1 = affine_map<(d0, d1) -> (0, 0)>
module attributes {stable_mosaic.version = 14 : i64} {
  func.func @k(%arg0: i32, %arg1: i32, %arg2: memref<655360xi32, #tpu.memory_space<hbm>>, %arg3: memref<32768x128xf32, #tpu.memory_space<hbm>>, %arg4: memref<80xi32, #tpu.memory_space<hbm>>, %arg5: memref<655360x128xf32, #tpu.memory_space<hbm>>, %arg6: memref<80xi32, #tpu.memory_space<vmem>>, %arg7: memref<80xi32, #tpu.memory_space<vmem>>, %arg8: memref<80xi32, #tpu.memory_space<vmem>>, %arg9: memref<80x128xf32, #tpu.memory_space<vmem>>, %arg10: memref<!tpu.dma_semaphore, #tpu.memory_space<semaphore_mem>>, %arg11: memref<!tpu.dma_semaphore, #tpu.memory_space<semaphore_mem>>) attributes {dimension_semantics = [#tpu.dimension_semantics<core_parallel>, #tpu.dimension_semantics<subcore_parallel>], iteration_bounds = array<i64: 2, 16>, scalar_prefetch = 0 : i64, scratch_operands = 6 : i64, tpu.core_type = #tpu.core_type<sc_vector_subcore>, window_params = [{transform_indices = #map}, {transform_indices = #map1}, {transform_indices = #map}, {transform_indices = #map1}]} {
    %mul3A = arith.constant 2 : i32
    %mul3A_0 = arith.muli %arg1, %mul3A : i32
    %add3A = arith.addi %mul3A_0, %arg0 : i32
    %mul3A_1 = arith.constant 1024 : i32
    %mul3A_2 = arith.muli %add3A, %mul3A_1 : i32
    "tpu.region"() ({
      %run_scoped3A = tpu.sem_alloc : memref<!tpu.dma_semaphore, #tpu.memory_space<semaphore_mem>>
      tpu.enqueue_dma source(%arg4 : memref<80xi32, #tpu.memory_space<hbm>>) target(%arg7 : memref<80xi32, #tpu.memory_space<vmem>>) target_semaphore(%run_scoped3A : memref<!tpu.dma_semaphore, #tpu.memory_space<semaphore_mem>>)
      tpu.wait_dma2 semaphore(%run_scoped3A : memref<!tpu.dma_semaphore, #tpu.memory_space<semaphore_mem>>) src(%arg4 : memref<80xi32, #tpu.memory_space<hbm>>) dst(%arg7 : memref<80xi32, #tpu.memory_space<vmem>>)
      tpu.yield
    }) : () -> ()
    %scan3A = arith.constant 0 : i32
    %scan3A_3 = arith.constant 0 : i32
    %scan3A_4 = arith.constant 256 : i32
    %scan3A_5 = arith.addi %scan3A_3, %scan3A_4 : i32
    %scan3A_6 = arith.constant 1 : i32
    %scan3A_7 = scf.for %scan3A_9 = %scan3A_3 to %scan3A_5 step %scan3A_6 iter_args(%scan3A_10 = %scan3A) -> (i32)  : i32 {
      %mul3A_11 = arith.constant 4 : i32
      %mul3A_12 = arith.muli %scan3A_9, %mul3A_11 : i32
      %add3A_13 = arith.addi %mul3A_2, %mul3A_12 : i32
      %mul3A_14 = arith.constant 20 : i32
      %mul3A_15 = arith.muli %add3A_13, %mul3A_14 : i32
      "tpu.region"() ({
        %run_scoped3A = tpu.sem_alloc : memref<!tpu.dma_semaphore, #tpu.memory_space<semaphore_mem>>
        %dma_start3A_70 = tpu.memref_slice %arg2[%mul3A_15] : memref<655360xi32, #tpu.memory_space<hbm>> -> memref<80xi32, #tpu.memory_space<hbm>>
        %dma_start3A_71 = tpu.memref_slice %arg2[%mul3A_15] : memref<655360xi32, #tpu.memory_space<hbm>> -> memref<80xi32, #tpu.memory_space<hbm>>
        tpu.enqueue_dma source(%dma_start3A_71 : memref<80xi32, #tpu.memory_space<hbm>>) target(%arg6 : memref<80xi32, #tpu.memory_space<vmem>>) target_semaphore(%run_scoped3A : memref<!tpu.dma_semaphore, #tpu.memory_space<semaphore_mem>>)
        %dma_wait3A_72 = tpu.memref_slice %arg2[%mul3A_15] : memref<655360xi32, #tpu.memory_space<hbm>> -> memref<80xi32, #tpu.memory_space<hbm>>
        %dma_wait3A_73 = tpu.memref_slice %arg2[%mul3A_15] : memref<655360xi32, #tpu.memory_space<hbm>> -> memref<80xi32, #tpu.memory_space<hbm>>
        tpu.wait_dma2 semaphore(%run_scoped3A : memref<!tpu.dma_semaphore, #tpu.memory_space<semaphore_mem>>) src(%dma_wait3A_73 : memref<80xi32, #tpu.memory_space<hbm>>) dst(%arg6 : memref<80xi32, #tpu.memory_space<vmem>>)
        tpu.yield
      }) : () -> ()
      %get3A = arith.constant 0 : index
      %get3A_16 = tpu.vector_load %arg7[%get3A] {strides = array<i32>} : memref<80xi32, #tpu.memory_space<vmem>>, vector<16xi32>,
      %get3A_17 = vector.shape_cast %get3A_16 : vector<16xi32> to vector<16xi32>
      %add3A_18 = vector.broadcast %add3A_13 : i32 to vector<16xi32>
      %add3A_19 = arith.addi %get3A_17, %add3A_18 : vector<16xi32>
      %swap3A = arith.constant 0 : index
      %swap3A_20 = tpu.vector_load %arg8[%swap3A] {strides = array<i32>} : memref<80xi32, #tpu.memory_space<vmem>>, vector<16xi32>,
      %swap3A_21 = vector.shape_cast %swap3A_20 : vector<16xi32> to vector<16xi32>
      %swap3A_22 = vector.shape_cast %add3A_19 : vector<16xi32> to vector<16xi32>
      tpu.vector_store %arg8[%swap3A], %swap3A_22 {strides = array<i32>} : memref<80xi32, #tpu.memory_space<vmem>>, vector<16xi32>,
      %get3A_23 = arith.constant 16 : index
      %get3A_24 = tpu.vector_load %arg7[%get3A_23] {strides = array<i32>} : memref<80xi32, #tpu.memory_space<vmem>>, vector<16xi32>,
      %get3A_25 = vector.shape_cast %get3A_24 : vector<16xi32> to vector<16xi32>
      %add3A_26 = vector.broadcast %add3A_13 : i32 to vector<16xi32>
      %add3A_27 = arith.addi %get3A_25, %add3A_26 : vector<16xi32>
      %swap3A_28 = arith.constant 16 : index
      %swap3A_29 = tpu.vector_load %arg8[%swap3A_28] {strides = array<i32>} : memref<80xi32, #tpu.memory_space<vmem>>, vector<16xi32>,
      %swap3A_30 = vector.shape_cast %swap3A_29 : vector<16xi32> to vector<16xi32>
      %swap3A_31 = vector.shape_cast %add3A_27 : vector<16xi32> to vector<16xi32>
      tpu.vector_store %arg8[%swap3A_28], %swap3A_31 {strides = array<i32>} : memref<80xi32, #tpu.memory_space<vmem>>, vector<16xi32>,
      %get3A_32 = arith.constant 32 : index
      %get3A_33 = tpu.vector_load %arg7[%get3A_32] {strides = array<i32>} : memref<80xi32, #tpu.memory_space<vmem>>, vector<16xi32>,
      %get3A_34 = vector.shape_cast %get3A_33 : vector<16xi32> to vector<16xi32>
      %add3A_35 = vector.broadcast %add3A_13 : i32 to vector<16xi32>
      %add3A_36 = arith.addi %get3A_34, %add3A_35 : vector<16xi32>
      %swap3A_37 = arith.constant 32 : index
      %swap3A_38 = tpu.vector_load %arg8[%swap3A_37] {strides = array<i32>} : memref<80xi32, #tpu.memory_space<vmem>>, vector<16xi32>,
      %swap3A_39 = vector.shape_cast %swap3A_38 : vector<16xi32> to vector<16xi32>
      %swap3A_40 = vector.shape_cast %add3A_36 : vector<16xi32> to vector<16xi32>
      tpu.vector_store %arg8[%swap3A_37], %swap3A_40 {strides = array<i32>} : memref<80xi32, #tpu.memory_space<vmem>>, vector<16xi32>,
      %get3A_41 = arith.constant 48 : index
      %get3A_42 = tpu.vector_load %arg7[%get3A_41] {strides = array<i32>} : memref<80xi32, #tpu.memory_space<vmem>>, vector<16xi32>,
      %get3A_43 = vector.shape_cast %get3A_42 : vector<16xi32> to vector<16xi32>
      %add3A_44 = vector.broadcast %add3A_13 : i32 to vector<16xi32>
      %add3A_45 = arith.addi %get3A_43, %add3A_44 : vector<16xi32>
      %swap3A_46 = arith.constant 48 : index
      %swap3A_47 = tpu.vector_load %arg8[%swap3A_46] {strides = array<i32>} : memref<80xi32, #tpu.memory_space<vmem>>, vector<16xi32>,
      %swap3A_48 = vector.shape_cast %swap3A_47 : vector<16xi32> to vector<16xi32>
      %swap3A_49 = vector.shape_cast %add3A_45 : vector<16xi32> to vector<16xi32>
      tpu.vector_store %arg8[%swap3A_46], %swap3A_49 {strides = array<i32>} : memref<80xi32, #tpu.memory_space<vmem>>, vector<16xi32>,
      %get3A_50 = arith.constant 64 : index
      %get3A_51 = tpu.vector_load %arg7[%get3A_50] {strides = array<i32>} : memref<80xi32, #tpu.memory_space<vmem>>, vector<16xi32>,
      %get3A_52 = vector.shape_cast %get3A_51 : vector<16xi32> to vector<16xi32>
      %add3A_53 = vector.broadcast %add3A_13 : i32 to vector<16xi32>
      %add3A_54 = arith.addi %get3A_52, %add3A_53 : vector<16xi32>
      %swap3A_55 = arith.constant 64 : index
      %swap3A_56 = tpu.vector_load %arg8[%swap3A_55] {strides = array<i32>} : memref<80xi32, #tpu.memory_space<vmem>>, vector<16xi32>,
      %swap3A_57 = vector.shape_cast %swap3A_56 : vector<16xi32> to vector<16xi32>
      %swap3A_58 = vector.shape_cast %add3A_54 : vector<16xi32> to vector<16xi32>
      tpu.vector_store %arg8[%swap3A_55], %swap3A_58 {strides = array<i32>} : memref<80xi32, #tpu.memory_space<vmem>>, vector<16xi32>,
      %dma_start3A = arith.constant 0 : i32
      %dma_start3A_59 = arith.constant 0 : i32
      %dma_start3A_60 = tpu.memref_slice %arg3[%dma_start3A, %dma_start3A_59] : memref<32768x128xf32, #tpu.memory_space<hbm>> -> memref<32768x128xf32, #tpu.memory_space<hbm>>
      tpu.enqueue_indirect_dma source(%dma_start3A_60 : memref<32768x128xf32, #tpu.memory_space<hbm>>) target(%arg9 : memref<80x128xf32, #tpu.memory_space<vmem>>) offsets(%arg6 : memref<80xi32, #tpu.memory_space<vmem>>) semaphore(%arg10 : memref<!tpu.dma_semaphore, #tpu.memory_space<semaphore_mem>>)
      %dma_wait3A = arith.constant 0 : i32
      %dma_wait3A_61 = arith.constant 0 : i32
      %dma_wait3A_62 = tpu.memref_slice %arg3[%dma_wait3A, %dma_wait3A_61] : memref<32768x128xf32, #tpu.memory_space<hbm>> -> memref<32768x128xf32, #tpu.memory_space<hbm>>
      tpu.wait_indirect_dma semaphore(%arg10 : memref<!tpu.dma_semaphore, #tpu.memory_space<semaphore_mem>>) src(%dma_wait3A_62 : memref<32768x128xf32, #tpu.memory_space<hbm>>) dst(%arg9 : memref<80x128xf32, #tpu.memory_space<vmem>>)
      %dma_start3A_63 = arith.constant 0 : i32
      %dma_start3A_64 = arith.constant 0 : i32
      %dma_start3A_65 = tpu.memref_slice %arg5[%dma_start3A_63, %dma_start3A_64] : memref<655360x128xf32, #tpu.memory_space<hbm>> -> memref<655360x128xf32, #tpu.memory_space<hbm>>
      tpu.enqueue_indirect_dma source(%arg9 : memref<80x128xf32, #tpu.memory_space<vmem>>) target(%dma_start3A_65 : memref<655360x128xf32, #tpu.memory_space<hbm>>) offsets(%arg8 : memref<80xi32, #tpu.memory_space<vmem>>) semaphore(%arg11 : memref<!tpu.dma_semaphore, #tpu.memory_space<semaphore_mem>>)
      %dma_wait3A_66 = arith.constant 0 : i32
      %dma_wait3A_67 = arith.constant 0 : i32
      %dma_wait3A_68 = tpu.memref_slice %arg5[%dma_wait3A_66, %dma_wait3A_67] : memref<655360x128xf32, #tpu.memory_space<hbm>> -> memref<655360x128xf32, #tpu.memory_space<hbm>>
      tpu.wait_indirect_dma semaphore(%arg11 : memref<!tpu.dma_semaphore, #tpu.memory_space<semaphore_mem>>) src(%arg9 : memref<80x128xf32, #tpu.memory_space<vmem>>) dst(%dma_wait3A_68 : memref<655360x128xf32, #tpu.memory_space<hbm>>)
      %scan3A_69 = arith.constant 0 : i32
      scf.yield %scan3A_69 : i32
    }
    %scan3A_8 = arith.constant 256 : i32
    return
  }
}

#map = affine_map<(d0, d1) -> (0)>
#map1 = affine_map<(d0, d1) -> (0, 0)>
module attributes {stable_mosaic.version = 14 : i64} {
  func.func @k(%arg0: i32, %arg1: i32, %arg2: memref<655360xi32, #tpu.memory_space<hbm>>, %arg3: memref<32768x128xf32, #tpu.memory_space<hbm>>, %arg4: memref<80xi32, #tpu.memory_space<hbm>>, %arg5: memref<655360x128xf32, #tpu.memory_space<hbm>>, %arg6: memref<80xi32, #tpu.memory_space<vmem>>, %arg7: memref<80xi32, #tpu.memory_space<vmem>>, %arg8: memref<80xi32, #tpu.memory_space<vmem>>, %arg9: memref<80x128xf32, #tpu.memory_space<vmem>>, %arg10: memref<!tpu.dma_semaphore, #tpu.memory_space<semaphore_mem>>, %arg11: memref<!tpu.dma_semaphore, #tpu.memory_space<semaphore_mem>>) attributes {dimension_semantics = [#tpu.dimension_semantics<core_parallel>, #tpu.dimension_semantics<subcore_parallel>], iteration_bounds = array<i64: 2, 16>, scalar_prefetch = 0 : i64, scratch_operands = 6 : i64, tpu.core_type = #tpu.core_type<sc_vector_subcore>, window_params = [{transform_indices = #map}, {transform_indices = #map1}, {transform_indices = #map}, {transform_indices = #map1}]} {
    %mul3A = arith.constant 2 : i32
    %mul3A_0 = arith.muli %arg1, %mul3A : i32
    %add3A = arith.addi %mul3A_0, %arg0 : i32
    %mul3A_1 = arith.constant 1024 : i32
    %mul3A_2 = arith.muli %add3A, %mul3A_1 : i32
    "tpu.region"() ({
      %run_scoped3A = tpu.sem_alloc : memref<!tpu.dma_semaphore, #tpu.memory_space<semaphore_mem>>
      tpu.enqueue_dma source(%arg4 : memref<80xi32, #tpu.memory_space<hbm>>) target(%arg7 : memref<80xi32, #tpu.memory_space<vmem>>) target_semaphore(%run_scoped3A : memref<!tpu.dma_semaphore, #tpu.memory_space<semaphore_mem>>)
      tpu.wait_dma2 semaphore(%run_scoped3A : memref<!tpu.dma_semaphore, #tpu.memory_space<semaphore_mem>>) src(%arg4 : memref<80xi32, #tpu.memory_space<hbm>>) dst(%arg7 : memref<80xi32, #tpu.memory_space<vmem>>)
      tpu.yield
    }) : () -> ()
    %scan3A = arith.constant 0 : i32
    %scan3A_3 = arith.constant 0 : i32
    %scan3A_4 = arith.constant 256 : i32
    %scan3A_5 = arith.addi %scan3A_3, %scan3A_4 : i32
    %scan3A_6 = arith.constant 1 : i32
    %scan3A_7 = scf.for %scan3A_9 = %scan3A_3 to %scan3A_5 step %scan3A_6 iter_args(%scan3A_10 = %scan3A) -> (i32)  : i32 {
      %mul3A_11 = arith.constant 4 : i32
      %mul3A_12 = arith.muli %scan3A_9, %mul3A_11 : i32
      %add3A_13 = arith.addi %mul3A_2, %mul3A_12 : i32
      %mul3A_14 = arith.constant 20 : i32
      %mul3A_15 = arith.muli %add3A_13, %mul3A_14 : i32
      "tpu.region"() ({
        %run_scoped3A = tpu.sem_alloc : memref<!tpu.dma_semaphore, #tpu.memory_space<semaphore_mem>>
        %dma_start3A_70 = tpu.memref_slice %arg2[%mul3A_15] : memref<655360xi32, #tpu.memory_space<hbm>> -> memref<80xi32, #tpu.memory_space<hbm>>
        %dma_start3A_71 = tpu.memref_slice %arg2[%mul3A_15] : memref<655360xi32, #tpu.memory_space<hbm>> -> memref<80xi32, #tpu.memory_space<hbm>>
        tpu.enqueue_dma source(%dma_start3A_71 : memref<80xi32, #tpu.memory_space<hbm>>) target(%arg6 : memref<80xi32, #tpu.memory_space<vmem>>) target_semaphore(%run_scoped3A : memref<!tpu.dma_semaphore, #tpu.memory_space<semaphore_mem>>)
        %dma_wait3A_72 = tpu.memref_slice %arg2[%mul3A_15] : memref<655360xi32, #tpu.memory_space<hbm>> -> memref<80xi32, #tpu.memory_space<hbm>>
        %dma_wait3A_73 = tpu.memref_slice %arg2[%mul3A_15] : memref<655360xi32, #tpu.memory_space<hbm>> -> memref<80xi32, #tpu.memory_space<hbm>>
        tpu.wait_dma2 semaphore(%run_scoped3A : memref<!tpu.dma_semaphore, #tpu.memory_space<semaphore_mem>>) src(%dma_wait3A_73 : memref<80xi32, #tpu.memory_space<hbm>>) dst(%arg6 : memref<80xi32, #tpu.memory_space<vmem>>)
        tpu.yield
      }) : () -> ()
      %get3A = arith.constant 0 : index
      %get3A_16 = tpu.vector_load %arg7[%get3A] {strides = array<i32>} : memref<80xi32, #tpu.memory_space<vmem>>, vector<16xi32>,
      %get3A_17 = vector.shape_cast %get3A_16 : vector<16xi32> to vector<16xi32>
      %add3A_18 = vector.broadcast %add3A_13 : i32 to vector<16xi32>
      %add3A_19 = arith.addi %get3A_17, %add3A_18 : vector<16xi32>
      %swap3A = arith.constant 0 : index
      %swap3A_20 = tpu.vector_load %arg8[%swap3A] {strides = array<i32>} : memref<80xi32, #tpu.memory_space<vmem>>, vector<16xi32>,
      %swap3A_21 = vector.shape_cast %swap3A_20 : vector<16xi32> to vector<16xi32>
      %swap3A_22 = vector.shape_cast %add3A_19 : vector<16xi32> to vector<16xi32>
      tpu.vector_store %arg8[%swap3A], %swap3A_22 {strides = array<i32>} : memref<80xi32, #tpu.memory_space<vmem>>, vector<16xi32>,
      %get3A_23 = arith.constant 16 : index
      %get3A_24 = tpu.vector_load %arg7[%get3A_23] {strides = array<i32>} : memref<80xi32, #tpu.memory_space<vmem>>, vector<16xi32>,
      %get3A_25 = vector.shape_cast %get3A_24 : vector<16xi32> to vector<16xi32>
      %add3A_26 = vector.broadcast %add3A_13 : i32 to vector<16xi32>
      %add3A_27 = arith.addi %get3A_25, %add3A_26 : vector<16xi32>
      %swap3A_28 = arith.constant 16 : index
      %swap3A_29 = tpu.vector_load %arg8[%swap3A_28] {strides = array<i32>} : memref<80xi32, #tpu.memory_space<vmem>>, vector<16xi32>,
      %swap3A_30 = vector.shape_cast %swap3A_29 : vector<16xi32> to vector<16xi32>
      %swap3A_31 = vector.shape_cast %add3A_27 : vector<16xi32> to vector<16xi32>
      tpu.vector_store %arg8[%swap3A_28], %swap3A_31 {strides = array<i32>} : memref<80xi32, #tpu.memory_space<vmem>>, vector<16xi32>,
      %get3A_32 = arith.constant 32 : index
      %get3A_33 = tpu.vector_load %arg7[%get3A_32] {strides = array<i32>} : memref<80xi32, #tpu.memory_space<vmem>>, vector<16xi32>,
      %get3A_34 = vector.shape_cast %get3A_33 : vector<16xi32> to vector<16xi32>
      %add3A_35 = vector.broadcast %add3A_13 : i32 to vector<16xi32>
      %add3A_36 = arith.addi %get3A_34, %add3A_35 : vector<16xi32>
      %swap3A_37 = arith.constant 32 : index
      %swap3A_38 = tpu.vector_load %arg8[%swap3A_37] {strides = array<i32>} : memref<80xi32, #tpu.memory_space<vmem>>, vector<16xi32>,
      %swap3A_39 = vector.shape_cast %swap3A_38 : vector<16xi32> to vector<16xi32>
      %swap3A_40 = vector.shape_cast %add3A_36 : vector<16xi32> to vector<16xi32>
      tpu.vector_store %arg8[%swap3A_37], %swap3A_40 {strides = array<i32>} : memref<80xi32, #tpu.memory_space<vmem>>, vector<16xi32>,
      %get3A_41 = arith.constant 48 : index
      %get3A_42 = tpu.vector_load %arg7[%get3A_41] {strides = array<i32>} : memref<80xi32, #tpu.memory_space<vmem>>, vector<16xi32>,
      %get3A_43 = vector.shape_cast %get3A_42 : vector<16xi32> to vector<16xi32>
      %add3A_44 = vector.broadcast %add3A_13 : i32 to vector<16xi32>
      %add3A_45 = arith.addi %get3A_43, %add3A_44 : vector<16xi32>
      %swap3A_46 = arith.constant 48 : index
      %swap3A_47 = tpu.vector_load %arg8[%swap3A_46] {strides = array<i32>} : memref<80xi32, #tpu.memory_space<vmem>>, vector<16xi32>,
      %swap3A_48 = vector.shape_cast %swap3A_47 : vector<16xi32> to vector<16xi32>
      %swap3A_49 = vector.shape_cast %add3A_45 : vector<16xi32> to vector<16xi32>
      tpu.vector_store %arg8[%swap3A_46], %swap3A_49 {strides = array<i32>} : memref<80xi32, #tpu.memory_space<vmem>>, vector<16xi32>,
      %get3A_50 = arith.constant 64 : index
      %get3A_51 = tpu.vector_load %arg7[%get3A_50] {strides = array<i32>} : memref<80xi32, #tpu.memory_space<vmem>>, vector<16xi32>,
      %get3A_52 = vector.shape_cast %get3A_51 : vector<16xi32> to vector<16xi32>
      %add3A_53 = vector.broadcast %add3A_13 : i32 to vector<16xi32>
      %add3A_54 = arith.addi %get3A_52, %add3A_53 : vector<16xi32>
      %swap3A_55 = arith.constant 64 : index
      %swap3A_56 = tpu.vector_load %arg8[%swap3A_55] {strides = array<i32>} : memref<80xi32, #tpu.memory_space<vmem>>, vector<16xi32>,
      %swap3A_57 = vector.shape_cast %swap3A_56 : vector<16xi32> to vector<16xi32>
      %swap3A_58 = vector.shape_cast %add3A_54 : vector<16xi32> to vector<16xi32>
      tpu.vector_store %arg8[%swap3A_55], %swap3A_58 {strides = array<i32>} : memref<80xi32, #tpu.memory_space<vmem>>, vector<16xi32>,
      %dma_start3A = arith.constant 0 : i32
      %dma_start3A_59 = arith.constant 0 : i32
      %dma_start3A_60 = tpu.memref_slice %arg3[%dma_start3A, %dma_start3A_59] : memref<32768x128xf32, #tpu.memory_space<hbm>> -> memref<32768x128xf32, #tpu.memory_space<hbm>>
      tpu.enqueue_indirect_dma source(%dma_start3A_60 : memref<32768x128xf32, #tpu.memory_space<hbm>>) target(%arg9 : memref<80x128xf32, #tpu.memory_space<vmem>>) offsets(%arg6 : memref<80xi32, #tpu.memory_space<vmem>>) semaphore(%arg10 : memref<!tpu.dma_semaphore, #tpu.memory_space<semaphore_mem>>)
      %dma_wait3A = arith.constant 0 : i32
      %dma_wait3A_61 = arith.constant 0 : i32
      %dma_wait3A_62 = tpu.memref_slice %arg3[%dma_wait3A, %dma_wait3A_61] : memref<32768x128xf32, #tpu.memory_space<hbm>> -> memref<32768x128xf32, #tpu.memory_space<hbm>>
      tpu.wait_indirect_dma semaphore(%arg10 : memref<!tpu.dma_semaphore, #tpu.memory_space<semaphore_mem>>) src(%dma_wait3A_62 : memref<32768x128xf32, #tpu.memory_space<hbm>>) dst(%arg9 : memref<80x128xf32, #tpu.memory_space<vmem>>)
      %dma_start3A_63 = arith.constant 0 : i32
      %dma_start3A_64 = arith.constant 0 : i32
      %dma_start3A_65 = tpu.memref_slice %arg5[%dma_start3A_63, %dma_start3A_64] : memref<655360x128xf32, #tpu.memory_space<hbm>> -> memref<655360x128xf32, #tpu.memory_space<hbm>>
      tpu.enqueue_indirect_dma source(%arg9 : memref<80x128xf32, #tpu.memory_space<vmem>>) target(%dma_start3A_65 : memref<655360x128xf32, #tpu.memory_space<hbm>>) offsets(%arg8 : memref<80xi32, #tpu.memory_space<vmem>>) semaphore(%arg11 : memref<!tpu.dma_semaphore, #tpu.memory_space<semaphore_mem>>)
      %dma_wait3A_66 = arith.constant 0 : i32
      %dma_wait3A_67 = arith.constant 0 : i32
      %dma_wait3A_68 = tpu.memref_slice %arg5[%dma_wait3A_66, %dma_wait3A_67] : memref<655360x128xf32, #tpu.memory_space<hbm>> -> memref<655360x128xf32, #tpu.memory_space<hbm>>
      tpu.wait_indirect_dma semaphore(%arg11 : memref<!tpu.dma_semaphore, #tpu.memory_space<semaphore_mem>>) src(%arg9 : memref<80x128xf32, #tpu.memory_space<vmem>>) dst(%dma_wait3A_68 : memref<655360x128xf32, #tpu.memory_space<hbm>>)
      %scan3A_69 = arith.constant 0 : i32
      scf.yield %scan3A_69 : i32
    }
    %scan3A_8 = arith.constant 256 : i32
    return
  }
}

module attributes {stable_mosaic.version = 14 : i64} {
  func.func @_xx_body(%arg0: i32, %arg1: memref<1x128x2048xf32, #tpu.memory_space<vmem>>, %arg2: memref<1x1x2048xf32, #tpu.memory_space<vmem>>) attributes {dimension_semantics = [#tpu.dimension_semantics<arbitrary>], iteration_bounds = array<i64: 16>, scalar_prefetch = 0 : i64, scratch_operands = 0 : i64, tpu.core_type = #tpu.core_type<tc>, window_params = [{transform_indices = @transform_0, window_bounds = array<i64: 1, 128, 2048>}, {transform_indices = @transform_1, window_bounds = array<i64: 1, 1, 2048>}]} {
    %get3A = arith.constant 0 : index
    %get3A_0 = arith.constant 0 : index
    %get3A_1 = arith.constant 0 : index
    %get3A_2 = vector.load %arg1[%get3A, %get3A_0, %get3A_1] : memref<1x128x2048xf32, #tpu.memory_space<vmem>>, vector<1x128x2048xf32>
    %get3A_3 = vector.shape_cast %get3A_2 : vector<1x128x2048xf32> to vector<128x2048xf32>
    %mul3A = arith.mulf %get3A_3, %get3A_3 : vector<128x2048xf32>
    %slice3A = vector.extract_strided_slice %mul3A {offsets = [0, 0], sizes = [8, 2048], strides = [1, 1]} : vector<128x2048xf32> to vector<8x2048xf32>
    %slice3A_4 = vector.extract_strided_slice %mul3A {offsets = [8, 0], sizes = [8, 2048], strides = [1, 1]} : vector<128x2048xf32> to vector<8x2048xf32>
    %add3A = arith.addf %slice3A, %slice3A_4 : vector<8x2048xf32>
    %slice3A_5 = vector.extract_strided_slice %mul3A {offsets = [16, 0], sizes = [8, 2048], strides = [1, 1]} : vector<128x2048xf32> to vector<8x2048xf32>
    %add3A_6 = arith.addf %add3A, %slice3A_5 : vector<8x2048xf32>
    %slice3A_7 = vector.extract_strided_slice %mul3A {offsets = [24, 0], sizes = [8, 2048], strides = [1, 1]} : vector<128x2048xf32> to vector<8x2048xf32>
    %add3A_8 = arith.addf %add3A_6, %slice3A_7 : vector<8x2048xf32>
    %slice3A_9 = vector.extract_strided_slice %mul3A {offsets = [32, 0], sizes = [8, 2048], strides = [1, 1]} : vector<128x2048xf32> to vector<8x2048xf32>
    %add3A_10 = arith.addf %add3A_8, %slice3A_9 : vector<8x2048xf32>
    %slice3A_11 = vector.extract_strided_slice %mul3A {offsets = [40, 0], sizes = [8, 2048], strides = [1, 1]} : vector<128x2048xf32> to vector<8x2048xf32>
    %add3A_12 = arith.addf %add3A_10, %slice3A_11 : vector<8x2048xf32>
    %slice3A_13 = vector.extract_strided_slice %mul3A {offsets = [48, 0], sizes = [8, 2048], strides = [1, 1]} : vector<128x2048xf32> to vector<8x2048xf32>
    %add3A_14 = arith.addf %add3A_12, %slice3A_13 : vector<8x2048xf32>
    %slice3A_15 = vector.extract_strided_slice %mul3A {offsets = [56, 0], sizes = [8, 2048], strides = [1, 1]} : vector<128x2048xf32> to vector<8x2048xf32>
    %add3A_16 = arith.addf %add3A_14, %slice3A_15 : vector<8x2048xf32>
    %slice3A_17 = vector.extract_strided_slice %mul3A {offsets = [64, 0], sizes = [8, 2048], strides = [1, 1]} : vector<128x2048xf32> to vector<8x2048xf32>
    %add3A_18 = arith.addf %add3A_16, %slice3A_17 : vector<8x2048xf32>
    %slice3A_19 = vector.extract_strided_slice %mul3A {offsets = [72, 0], sizes = [8, 2048], strides = [1, 1]} : vector<128x2048xf32> to vector<8x2048xf32>
    %add3A_20 = arith.addf %add3A_18, %slice3A_19 : vector<8x2048xf32>
    %slice3A_21 = vector.extract_strided_slice %mul3A {offsets = [80, 0], sizes = [8, 2048], strides = [1, 1]} : vector<128x2048xf32> to vector<8x2048xf32>
    %add3A_22 = arith.addf %add3A_20, %slice3A_21 : vector<8x2048xf32>
    %slice3A_23 = vector.extract_strided_slice %mul3A {offsets = [88, 0], sizes = [8, 2048], strides = [1, 1]} : vector<128x2048xf32> to vector<8x2048xf32>
    %add3A_24 = arith.addf %add3A_22, %slice3A_23 : vector<8x2048xf32>
    %slice3A_25 = vector.extract_strided_slice %mul3A {offsets = [96, 0], sizes = [8, 2048], strides = [1, 1]} : vector<128x2048xf32> to vector<8x2048xf32>
    %add3A_26 = arith.addf %add3A_24, %slice3A_25 : vector<8x2048xf32>
    %slice3A_27 = vector.extract_strided_slice %mul3A {offsets = [104, 0], sizes = [8, 2048], strides = [1, 1]} : vector<128x2048xf32> to vector<8x2048xf32>
    %add3A_28 = arith.addf %add3A_26, %slice3A_27 : vector<8x2048xf32>
    %slice3A_29 = vector.extract_strided_slice %mul3A {offsets = [112, 0], sizes = [8, 2048], strides = [1, 1]} : vector<128x2048xf32> to vector<8x2048xf32>
    %add3A_30 = arith.addf %add3A_28, %slice3A_29 : vector<8x2048xf32>
    %slice3A_31 = vector.extract_strided_slice %mul3A {offsets = [120, 0], sizes = [8, 2048], strides = [1, 1]} : vector<128x2048xf32> to vector<8x2048xf32>
    %add3A_32 = arith.addf %add3A_30, %slice3A_31 : vector<8x2048xf32>
    %slice3A_33 = vector.extract_strided_slice %add3A_32 {offsets = [0, 0], sizes = [4, 2048], strides = [1, 1]} : vector<8x2048xf32> to vector<4x2048xf32>
    %slice3A_34 = vector.extract_strided_slice %add3A_32 {offsets = [4, 0], sizes = [4, 2048], strides = [1, 1]} : vector<8x2048xf32> to vector<4x2048xf32>
    %add3A_35 = arith.addf %slice3A_33, %slice3A_34 : vector<4x2048xf32>
    %slice3A_36 = vector.extract_strided_slice %add3A_35 {offsets = [0, 0], sizes = [2, 2048], strides = [1, 1]} : vector<4x2048xf32> to vector<2x2048xf32>
    %slice3A_37 = vector.extract_strided_slice %add3A_35 {offsets = [2, 0], sizes = [2, 2048], strides = [1, 1]} : vector<4x2048xf32> to vector<2x2048xf32>
    %add3A_38 = arith.addf %slice3A_36, %slice3A_37 : vector<2x2048xf32>
    %slice3A_39 = vector.extract_strided_slice %add3A_38 {offsets = [0, 0], sizes = [1, 2048], strides = [1, 1]} : vector<2x2048xf32> to vector<1x2048xf32>
    %slice3A_40 = vector.extract_strided_slice %add3A_38 {offsets = [1, 0], sizes = [1, 2048], strides = [1, 1]} : vector<2x2048xf32> to vector<1x2048xf32>
    %add3A_41 = arith.addf %slice3A_39, %slice3A_40 : vector<1x2048xf32>
    %swap3A = arith.constant 0 : index
    %swap3A_42 = arith.constant 0 : index
    %swap3A_43 = arith.constant 0 : index
    %swap3A_44 = vector.load %arg2[%swap3A, %swap3A_42, %swap3A_43] : memref<1x1x2048xf32, #tpu.memory_space<vmem>>, vector<1x1x2048xf32>
    %swap3A_45 = vector.shape_cast %swap3A_44 : vector<1x1x2048xf32> to vector<1x2048xf32>
    %swap3A_46 = vector.shape_cast %add3A_41 : vector<1x2048xf32> to vector<1x1x2048xf32>
    tpu.vector_store %arg2[%swap3A, %swap3A_42, %swap3A_43], %swap3A_46 {strides = array<i32>} : memref<1x1x2048xf32, #tpu.memory_space<vmem>>, vector<1x1x2048xf32>,
    return
  }
  func.func @transform_0(%arg0: i32) -> (i32, i32, i32) {
    %c0_i32 = arith.constant 0 : i32
    %c0_i32_0 = arith.constant 0 : i32
    %c0_i32_1 = arith.constant 0 : i32
    return %arg0, %c0_i32, %c0_i32_0 : i32, i32, i32
  }
  func.func @transform_1(%arg0: i32) -> (i32, i32, i32) {
    %c0_i32 = arith.constant 0 : i32
    %c0_i32_0 = arith.constant 0 : i32
    %c0_i32_1 = arith.constant 0 : i32
    return %arg0, %c0_i32, %c0_i32_0 : i32, i32, i32
  }
}

module attributes {stable_mosaic.version = 14 : i64} {
  func.func @_dist_topk_body(%arg0: i32, %arg1: i32, %arg2: memref<1x256x128xf32, #tpu.memory_space<vmem>>, %arg3: memref<1x2048x128xf32, #tpu.memory_space<vmem>>, %arg4: memref<1x256x1xf32, #tpu.memory_space<vmem>>, %arg5: memref<1x1x2048xf32, #tpu.memory_space<vmem>>, %arg6: memref<1x256x20xi32, #tpu.memory_space<vmem>>) attributes {dimension_semantics = [#tpu.dimension_semantics<arbitrary>, #tpu.dimension_semantics<arbitrary>], iteration_bounds = array<i64: 16, 8>, scalar_prefetch = 0 : i64, scratch_operands = 0 : i64, tpu.core_type = #tpu.core_type<tc>, window_params = [{transform_indices = @transform_0, window_bounds = array<i64: 1, 256, 128>}, {transform_indices = @transform_1, window_bounds = array<i64: 1, 2048, 128>}, {transform_indices = @transform_2, window_bounds = array<i64: 1, 256, 1>}, {transform_indices = @transform_3, window_bounds = array<i64: 1, 1, 2048>}, {transform_indices = @transform_4, window_bounds = array<i64: 1, 256, 20>}]} {
    %get3A = arith.constant 0 : index
    %get3A_0 = arith.constant 0 : index
    %get3A_1 = arith.constant 0 : index
    %get3A_2 = vector.load %arg2[%get3A, %get3A_0, %get3A_1] : memref<1x256x128xf32, #tpu.memory_space<vmem>>, vector<1x256x128xf32>
    %get3A_3 = vector.shape_cast %get3A_2 : vector<1x256x128xf32> to vector<256x128xf32>
    %get3A_4 = arith.constant 0 : index
    %get3A_5 = arith.constant 0 : index
    %get3A_6 = arith.constant 0 : index
    %get3A_7 = vector.load %arg3[%get3A_4, %get3A_5, %get3A_6] : memref<1x2048x128xf32, #tpu.memory_space<vmem>>, vector<1x2048x128xf32>
    %get3A_8 = vector.shape_cast %get3A_7 : vector<1x2048x128xf32> to vector<2048x128xf32>
    %convert_element_type3A = arith.truncf %get3A_3 : vector<256x128xf32> to vector<256x128xbf16>
    %convert_element_type3A_9 = arith.truncf %get3A_8 : vector<2048x128xf32> to vector<2048x128xbf16>
    %dot_general3A = arith.constant dense<0.000000e+00> : vector<256x2048xf32>
    %dot_general3A_10 = tpu.matmul %convert_element_type3A, %convert_element_type3A_9, %dot_general3A {dimension_numbers = #tpu.dot_dimension_numbers<[1], [1], [0], [0], [0, 0, 1, 0], [], []>, transpose_lhs_hint = false} : vector<256x128xbf16>, vector<2048x128xbf16>, vector<256x2048xf32> -> vector<256x2048xf32>
    %get3A_11 = arith.constant 0 : index
    %get3A_12 = arith.constant 0 : index
    %get3A_13 = arith.constant 0 : index
    %get3A_14 = vector.load %arg4[%get3A_11, %get3A_12, %get3A_13] : memref<1x256x1xf32, #tpu.memory_space<vmem>>, vector<1x256x1xf32>
    %get3A_15 = vector.shape_cast %get3A_14 : vector<1x256x1xf32> to vector<256x1xf32>
    %get3A_16 = arith.constant 0 : index
    %get3A_17 = arith.constant 0 : index
    %get3A_18 = arith.constant 0 : index
    %get3A_19 = vector.load %arg5[%get3A_16, %get3A_17, %get3A_18] : memref<1x1x2048xf32, #tpu.memory_space<vmem>>, vector<1x1x2048xf32>
    %get3A_20 = vector.shape_cast %get3A_19 : vector<1x1x2048xf32> to vector<1x2048xf32>
    %mul3A = arith.constant 2.000000e+00 : f32
    %mul3A_21 = vector.broadcast %mul3A : f32 to vector<256x2048xf32>
    %mul3A_22 = arith.mulf %mul3A_21, %dot_general3A_10 : vector<256x2048xf32>
    %sub3A = vector.broadcast %get3A_15 : vector<256x1xf32> to vector<256x2048xf32>
    %sub3A_23 = arith.subf %mul3A_22, %sub3A : vector<256x2048xf32>
    %sub3A_24 = vector.broadcast %get3A_20 : vector<1x2048xf32> to vector<256x2048xf32>
    %sub3A_25 = arith.subf %sub3A_23, %sub3A_24 : vector<256x2048xf32>
    %iota3A = tpu.iota {dimensions = array<i32: 1>} : vector<256x2048xi32>
    %reduce_max3A = arith.constant dense<0xFF800000> : vector<256xf32>
    %reduce_max3A_26 = vector.multi_reduction <maximumf>, %sub3A_25, %reduce_max3A [1] : vector<256x2048xf32> to vector<256xf32>
    %broadcast_in_dim3A = vector.shape_cast %reduce_max3A_26 : vector<256xf32> to vector<256x1xf32>
    %eq3A = vector.broadcast %broadcast_in_dim3A : vector<256x1xf32> to vector<256x2048xf32>
    %eq3A_27 = arith.cmpf oeq, %sub3A_25, %eq3A : vector<256x2048xf32>
    %jit3A = arith.constant 2048 : i32
    %broadcast_in_dim3A_28 = vector.broadcast %jit3A : i32 to vector<256x2048xi32>
    %select_n3A = arith.select %eq3A_27, %iota3A, %broadcast_in_dim3A_28 : vector<256x2048xi1>, vector<256x2048xi32>
    %reduce_min3A = arith.constant dense<2147483647> : vector<256xi32>
    %reduce_min3A_29 = vector.multi_reduction <minsi>, %select_n3A, %reduce_min3A [1] : vector<256x2048xi32> to vector<256xi32>
    %broadcast_in_dim3A_30 = vector.shape_cast %reduce_min3A_29 : vector<256xi32> to vector<256x1xi32>
    %eq3A_31 = vector.broadcast %broadcast_in_dim3A_30 : vector<256x1xi32> to vector<256x2048xi32>
    %eq3A_32 = arith.cmpi eq, %iota3A, %eq3A_31 : vector<256x2048xi32>
    %jit3A_33 = arith.constant -3.000000e+38 : f32
    %broadcast_in_dim3A_34 = vector.broadcast %jit3A_33 : f32 to vector<256x2048xf32>
    %select_n3A_35 = arith.select %eq3A_32, %broadcast_in_dim3A_34, %sub3A_25 : vector<256x2048xi1>, vector<256x2048xf32>
    %reduce_max3A_36 = arith.constant dense<0xFF800000> : vector<256xf32>
    %reduce_max3A_37 = vector.multi_reduction <maximumf>, %select_n3A_35, %reduce_max3A_36 [1] : vector<256x2048xf32> to vector<256xf32>
    %broadcast_in_dim3A_38 = vector.shape_cast %reduce_max3A_37 : vector<256xf32> to vector<256x1xf32>
    %eq3A_39 = vector.broadcast %broadcast_in_dim3A_38 : vector<256x1xf32> to vector<256x2048xf32>
    %eq3A_40 = arith.cmpf oeq, %select_n3A_35, %eq3A_39 : vector<256x2048xf32>
    %jit3A_41 = arith.constant 2048 : i32
    %broadcast_in_dim3A_42 = vector.broadcast %jit3A_41 : i32 to vector<256x2048xi32>
    %select_n3A_43 = arith.select %eq3A_40, %iota3A, %broadcast_in_dim3A_42 : vector<256x2048xi1>, vector<256x2048xi32>
    %reduce_min3A_44 = arith.constant dense<2147483647> : vector<256xi32>
    %reduce_min3A_45 = vector.multi_reduction <minsi>, %select_n3A_43, %reduce_min3A_44 [1] : vector<256x2048xi32> to vector<256xi32>
    %broadcast_in_dim3A_46 = vector.shape_cast %reduce_min3A_45 : vector<256xi32> to vector<256x1xi32>
    %eq3A_47 = vector.broadcast %broadcast_in_dim3A_46 : vector<256x1xi32> to vector<256x2048xi32>
    %eq3A_48 = arith.cmpi eq, %iota3A, %eq3A_47 : vector<256x2048xi32>
    %jit3A_49 = arith.constant -3.000000e+38 : f32
    %broadcast_in_dim3A_50 = vector.broadcast %jit3A_49 : f32 to vector<256x2048xf32>
    %select_n3A_51 = arith.select %eq3A_48, %broadcast_in_dim3A_50, %select_n3A_35 : vector<256x2048xi1>, vector<256x2048xf32>
    %reduce_max3A_52 = arith.constant dense<0xFF800000> : vector<256xf32>
    %reduce_max3A_53 = vector.multi_reduction <maximumf>, %select_n3A_51, %reduce_max3A_52 [1] : vector<256x2048xf32> to vector<256xf32>
    %broadcast_in_dim3A_54 = vector.shape_cast %reduce_max3A_53 : vector<256xf32> to vector<256x1xf32>
    %eq3A_55 = vector.broadcast %broadcast_in_dim3A_54 : vector<256x1xf32> to vector<256x2048xf32>
    %eq3A_56 = arith.cmpf oeq, %select_n3A_51, %eq3A_55 : vector<256x2048xf32>
    %jit3A_57 = arith.constant 2048 : i32
    %broadcast_in_dim3A_58 = vector.broadcast %jit3A_57 : i32 to vector<256x2048xi32>
    %select_n3A_59 = arith.select %eq3A_56, %iota3A, %broadcast_in_dim3A_58 : vector<256x2048xi1>, vector<256x2048xi32>
    %reduce_min3A_60 = arith.constant dense<2147483647> : vector<256xi32>
    %reduce_min3A_61 = vector.multi_reduction <minsi>, %select_n3A_59, %reduce_min3A_60 [1] : vector<256x2048xi32> to vector<256xi32>
    %broadcast_in_dim3A_62 = vector.shape_cast %reduce_min3A_61 : vector<256xi32> to vector<256x1xi32>
    %eq3A_63 = vector.broadcast %broadcast_in_dim3A_62 : vector<256x1xi32> to vector<256x2048xi32>
    %eq3A_64 = arith.cmpi eq, %iota3A, %eq3A_63 : vector<256x2048xi32>
    %jit3A_65 = arith.constant -3.000000e+38 : f32
    %broadcast_in_dim3A_66 = vector.broadcast %jit3A_65 : f32 to vector<256x2048xf32>
    %select_n3A_67 = arith.select %eq3A_64, %broadcast_in_dim3A_66, %select_n3A_51 : vector<256x2048xi1>, vector<256x2048xf32>
    %reduce_max3A_68 = arith.constant dense<0xFF800000> : vector<256xf32>
    %reduce_max3A_69 = vector.multi_reduction <maximumf>, %select_n3A_67, %reduce_max3A_68 [1] : vector<256x2048xf32> to vector<256xf32>
    %broadcast_in_dim3A_70 = vector.shape_cast %reduce_max3A_69 : vector<256xf32> to vector<256x1xf32>
    %eq3A_71 = vector.broadcast %broadcast_in_dim3A_70 : vector<256x1xf32> to vector<256x2048xf32>
    %eq3A_72 = arith.cmpf oeq, %select_n3A_67, %eq3A_71 : vector<256x2048xf32>
    %jit3A_73 = arith.constant 2048 : i32
    %broadcast_in_dim3A_74 = vector.broadcast %jit3A_73 : i32 to vector<256x2048xi32>
    %select_n3A_75 = arith.select %eq3A_72, %iota3A, %broadcast_in_dim3A_74 : vector<256x2048xi1>, vector<256x2048xi32>
    %reduce_min3A_76 = arith.constant dense<2147483647> : vector<256xi32>
    %reduce_min3A_77 = vector.multi_reduction <minsi>, %select_n3A_75, %reduce_min3A_76 [1] : vector<256x2048xi32> to vector<256xi32>
    %broadcast_in_dim3A_78 = vector.shape_cast %reduce_min3A_77 : vector<256xi32> to vector<256x1xi32>
    %eq3A_79 = vector.broadcast %broadcast_in_dim3A_78 : vector<256x1xi32> to vector<256x2048xi32>
    %eq3A_80 = arith.cmpi eq, %iota3A, %eq3A_79 : vector<256x2048xi32>
    %jit3A_81 = arith.constant -3.000000e+38 : f32
    %broadcast_in_dim3A_82 = vector.broadcast %jit3A_81 : f32 to vector<256x2048xf32>
    %select_n3A_83 = arith.select %eq3A_80, %broadcast_in_dim3A_82, %select_n3A_67 : vector<256x2048xi1>, vector<256x2048xf32>
    %reduce_max3A_84 = arith.constant dense<0xFF800000> : vector<256xf32>
    %reduce_max3A_85 = vector.multi_reduction <maximumf>, %select_n3A_83, %reduce_max3A_84 [1] : vector<256x2048xf32> to vector<256xf32>
    %broadcast_in_dim3A_86 = vector.shape_cast %reduce_max3A_85 : vector<256xf32> to vector<256x1xf32>
    %eq3A_87 = vector.broadcast %broadcast_in_dim3A_86 : vector<256x1xf32> to vector<256x2048xf32>
    %eq3A_88 = arith.cmpf oeq, %select_n3A_83, %eq3A_87 : vector<256x2048xf32>
    %jit3A_89 = arith.constant 2048 : i32
    %broadcast_in_dim3A_90 = vector.broadcast %jit3A_89 : i32 to vector<256x2048xi32>
    %select_n3A_91 = arith.select %eq3A_88, %iota3A, %broadcast_in_dim3A_90 : vector<256x2048xi1>, vector<256x2048xi32>
    %reduce_min3A_92 = arith.constant dense<2147483647> : vector<256xi32>
    %reduce_min3A_93 = vector.multi_reduction <minsi>, %select_n3A_91, %reduce_min3A_92 [1] : vector<256x2048xi32> to vector<256xi32>
    %broadcast_in_dim3A_94 = vector.shape_cast %reduce_min3A_93 : vector<256xi32> to vector<256x1xi32>
    %eq3A_95 = vector.broadcast %broadcast_in_dim3A_94 : vector<256x1xi32> to vector<256x2048xi32>
    %eq3A_96 = arith.cmpi eq, %iota3A, %eq3A_95 : vector<256x2048xi32>
    %jit3A_97 = arith.constant -3.000000e+38 : f32
    %broadcast_in_dim3A_98 = vector.broadcast %jit3A_97 : f32 to vector<256x2048xf32>
    %select_n3A_99 = arith.select %eq3A_96, %broadcast_in_dim3A_98, %select_n3A_83 : vector<256x2048xi1>, vector<256x2048xf32>
    %reduce_max3A_100 = arith.constant dense<0xFF800000> : vector<256xf32>
    %reduce_max3A_101 = vector.multi_reduction <maximumf>, %select_n3A_99, %reduce_max3A_100 [1] : vector<256x2048xf32> to vector<256xf32>
    %broadcast_in_dim3A_102 = vector.shape_cast %reduce_max3A_101 : vector<256xf32> to vector<256x1xf32>
    %eq3A_103 = vector.broadcast %broadcast_in_dim3A_102 : vector<256x1xf32> to vector<256x2048xf32>
    %eq3A_104 = arith.cmpf oeq, %select_n3A_99, %eq3A_103 : vector<256x2048xf32>
    %jit3A_105 = arith.constant 2048 : i32
    %broadcast_in_dim3A_106 = vector.broadcast %jit3A_105 : i32 to vector<256x2048xi32>
    %select_n3A_107 = arith.select %eq3A_104, %iota3A, %broadcast_in_dim3A_106 : vector<256x2048xi1>, vector<256x2048xi32>
    %reduce_min3A_108 = arith.constant dense<2147483647> : vector<256xi32>
    %reduce_min3A_109 = vector.multi_reduction <minsi>, %select_n3A_107, %reduce_min3A_108 [1] : vector<256x2048xi32> to vector<256xi32>
    %broadcast_in_dim3A_110 = vector.shape_cast %reduce_min3A_109 : vector<256xi32> to vector<256x1xi32>
    %eq3A_111 = vector.broadcast %broadcast_in_dim3A_110 : vector<256x1xi32> to vector<256x2048xi32>
    %eq3A_112 = arith.cmpi eq, %iota3A, %eq3A_111 : vector<256x2048xi32>
    %jit3A_113 = arith.constant -3.000000e+38 : f32
    %broadcast_in_dim3A_114 = vector.broadcast %jit3A_113 : f32 to vector<256x2048xf32>
    %select_n3A_115 = arith.select %eq3A_112, %broadcast_in_dim3A_114, %select_n3A_99 : vector<256x2048xi1>, vector<256x2048xf32>
    %reduce_max3A_116 = arith.constant dense<0xFF800000> : vector<256xf32>
    %reduce_max3A_117 = vector.multi_reduction <maximumf>, %select_n3A_115, %reduce_max3A_116 [1] : vector<256x2048xf32> to vector<256xf32>
    %broadcast_in_dim3A_118 = vector.shape_cast %reduce_max3A_117 : vector<256xf32> to vector<256x1xf32>
    %eq3A_119 = vector.broadcast %broadcast_in_dim3A_118 : vector<256x1xf32> to vector<256x2048xf32>
    %eq3A_120 = arith.cmpf oeq, %select_n3A_115, %eq3A_119 : vector<256x2048xf32>
    %jit3A_121 = arith.constant 2048 : i32
    %broadcast_in_dim3A_122 = vector.broadcast %jit3A_121 : i32 to vector<256x2048xi32>
    %select_n3A_123 = arith.select %eq3A_120, %iota3A, %broadcast_in_dim3A_122 : vector<256x2048xi1>, vector<256x2048xi32>
    %reduce_min3A_124 = arith.constant dense<2147483647> : vector<256xi32>
    %reduce_min3A_125 = vector.multi_reduction <minsi>, %select_n3A_123, %reduce_min3A_124 [1] : vector<256x2048xi32> to vector<256xi32>
    %broadcast_in_dim3A_126 = vector.shape_cast %reduce_min3A_125 : vector<256xi32> to vector<256x1xi32>
    %eq3A_127 = vector.broadcast %broadcast_in_dim3A_126 : vector<256x1xi32> to vector<256x2048xi32>
    %eq3A_128 = arith.cmpi eq, %iota3A, %eq3A_127 : vector<256x2048xi32>
    %jit3A_129 = arith.constant -3.000000e+38 : f32
    %broadcast_in_dim3A_130 = vector.broadcast %jit3A_129 : f32 to vector<256x2048xf32>
    %select_n3A_131 = arith.select %eq3A_128, %broadcast_in_dim3A_130, %select_n3A_115 : vector<256x2048xi1>, vector<256x2048xf32>
    %reduce_max3A_132 = arith.constant dense<0xFF800000> : vector<256xf32>
    %reduce_max3A_133 = vector.multi_reduction <maximumf>, %select_n3A_131, %reduce_max3A_132 [1] : vector<256x2048xf32> to vector<256xf32>
    %broadcast_in_dim3A_134 = vector.shape_cast %reduce_max3A_133 : vector<256xf32> to vector<256x1xf32>
    %eq3A_135 = vector.broadcast %broadcast_in_dim3A_134 : vector<256x1xf32> to vector<256x2048xf32>
    %eq3A_136 = arith.cmpf oeq, %select_n3A_131, %eq3A_135 : vector<256x2048xf32>
    %jit3A_137 = arith.constant 2048 : i32
    %broadcast_in_dim3A_138 = vector.broadcast %jit3A_137 : i32 to vector<256x2048xi32>
    %select_n3A_139 = arith.select %eq3A_136, %iota3A, %broadcast_in_dim3A_138 : vector<256x2048xi1>, vector<256x2048xi32>
    %reduce_min3A_140 = arith.constant dense<2147483647> : vector<256xi32>
    %reduce_min3A_141 = vector.multi_reduction <minsi>, %select_n3A_139, %reduce_min3A_140 [1] : vector<256x2048xi32> to vector<256xi32>
    %broadcast_in_dim3A_142 = vector.shape_cast %reduce_min3A_141 : vector<256xi32> to vector<256x1xi32>
    %eq3A_143 = vector.broadcast %broadcast_in_dim3A_142 : vector<256x1xi32> to vector<256x2048xi32>
    %eq3A_144 = arith.cmpi eq, %iota3A, %eq3A_143 : vector<256x2048xi32>
    %jit3A_145 = arith.constant -3.000000e+38 : f32
    %broadcast_in_dim3A_146 = vector.broadcast %jit3A_145 : f32 to vector<256x2048xf32>
    %select_n3A_147 = arith.select %eq3A_144, %broadcast_in_dim3A_146, %select_n3A_131 : vector<256x2048xi1>, vector<256x2048xf32>
    %reduce_max3A_148 = arith.constant dense<0xFF800000> : vector<256xf32>
    %reduce_max3A_149 = vector.multi_reduction <maximumf>, %select_n3A_147, %reduce_max3A_148 [1] : vector<256x2048xf32> to vector<256xf32>
    %broadcast_in_dim3A_150 = vector.shape_cast %reduce_max3A_149 : vector<256xf32> to vector<256x1xf32>
    %eq3A_151 = vector.broadcast %broadcast_in_dim3A_150 : vector<256x1xf32> to vector<256x2048xf32>
    %eq3A_152 = arith.cmpf oeq, %select_n3A_147, %eq3A_151 : vector<256x2048xf32>
    %jit3A_153 = arith.constant 2048 : i32
    %broadcast_in_dim3A_154 = vector.broadcast %jit3A_153 : i32 to vector<256x2048xi32>
    %select_n3A_155 = arith.select %eq3A_152, %iota3A, %broadcast_in_dim3A_154 : vector<256x2048xi1>, vector<256x2048xi32>
    %reduce_min3A_156 = arith.constant dense<2147483647> : vector<256xi32>
    %reduce_min3A_157 = vector.multi_reduction <minsi>, %select_n3A_155, %reduce_min3A_156 [1] : vector<256x2048xi32> to vector<256xi32>
    %broadcast_in_dim3A_158 = vector.shape_cast %reduce_min3A_157 : vector<256xi32> to vector<256x1xi32>
    %eq3A_159 = vector.broadcast %broadcast_in_dim3A_158 : vector<256x1xi32> to vector<256x2048xi32>
    %eq3A_160 = arith.cmpi eq, %iota3A, %eq3A_159 : vector<256x2048xi32>
    %jit3A_161 = arith.constant -3.000000e+38 : f32
    %broadcast_in_dim3A_162 = vector.broadcast %jit3A_161 : f32 to vector<256x2048xf32>
    %select_n3A_163 = arith.select %eq3A_160, %broadcast_in_dim3A_162, %select_n3A_147 : vector<256x2048xi1>, vector<256x2048xf32>
    %reduce_max3A_164 = arith.constant dense<0xFF800000> : vector<256xf32>
    %reduce_max3A_165 = vector.multi_reduction <maximumf>, %select_n3A_163, %reduce_max3A_164 [1] : vector<256x2048xf32> to vector<256xf32>
    %broadcast_in_dim3A_166 = vector.shape_cast %reduce_max3A_165 : vector<256xf32> to vector<256x1xf32>
    %eq3A_167 = vector.broadcast %broadcast_in_dim3A_166 : vector<256x1xf32> to vector<256x2048xf32>
    %eq3A_168 = arith.cmpf oeq, %select_n3A_163, %eq3A_167 : vector<256x2048xf32>
    %jit3A_169 = arith.constant 2048 : i32
    %broadcast_in_dim3A_170 = vector.broadcast %jit3A_169 : i32 to vector<256x2048xi32>
    %select_n3A_171 = arith.select %eq3A_168, %iota3A, %broadcast_in_dim3A_170 : vector<256x2048xi1>, vector<256x2048xi32>
    %reduce_min3A_172 = arith.constant dense<2147483647> : vector<256xi32>
    %reduce_min3A_173 = vector.multi_reduction <minsi>, %select_n3A_171, %reduce_min3A_172 [1] : vector<256x2048xi32> to vector<256xi32>
    %broadcast_in_dim3A_174 = vector.shape_cast %reduce_min3A_173 : vector<256xi32> to vector<256x1xi32>
    %eq3A_175 = vector.broadcast %broadcast_in_dim3A_174 : vector<256x1xi32> to vector<256x2048xi32>
    %eq3A_176 = arith.cmpi eq, %iota3A, %eq3A_175 : vector<256x2048xi32>
    %jit3A_177 = arith.constant -3.000000e+38 : f32
    %broadcast_in_dim3A_178 = vector.broadcast %jit3A_177 : f32 to vector<256x2048xf32>
    %select_n3A_179 = arith.select %eq3A_176, %broadcast_in_dim3A_178, %select_n3A_163 : vector<256x2048xi1>, vector<256x2048xf32>
    %reduce_max3A_180 = arith.constant dense<0xFF800000> : vector<256xf32>
    %reduce_max3A_181 = vector.multi_reduction <maximumf>, %select_n3A_179, %reduce_max3A_180 [1] : vector<256x2048xf32> to vector<256xf32>
    %broadcast_in_dim3A_182 = vector.shape_cast %reduce_max3A_181 : vector<256xf32> to vector<256x1xf32>
    %eq3A_183 = vector.broadcast %broadcast_in_dim3A_182 : vector<256x1xf32> to vector<256x2048xf32>
    %eq3A_184 = arith.cmpf oeq, %select_n3A_179, %eq3A_183 : vector<256x2048xf32>
    %jit3A_185 = arith.constant 2048 : i32
    %broadcast_in_dim3A_186 = vector.broadcast %jit3A_185 : i32 to vector<256x2048xi32>
    %select_n3A_187 = arith.select %eq3A_184, %iota3A, %broadcast_in_dim3A_186 : vector<256x2048xi1>, vector<256x2048xi32>
    %reduce_min3A_188 = arith.constant dense<2147483647> : vector<256xi32>
    %reduce_min3A_189 = vector.multi_reduction <minsi>, %select_n3A_187, %reduce_min3A_188 [1] : vector<256x2048xi32> to vector<256xi32>
    %broadcast_in_dim3A_190 = vector.shape_cast %reduce_min3A_189 : vector<256xi32> to vector<256x1xi32>
    %eq3A_191 = vector.broadcast %broadcast_in_dim3A_190 : vector<256x1xi32> to vector<256x2048xi32>
    %eq3A_192 = arith.cmpi eq, %iota3A, %eq3A_191 : vector<256x2048xi32>
    %jit3A_193 = arith.constant -3.000000e+38 : f32
    %broadcast_in_dim3A_194 = vector.broadcast %jit3A_193 : f32 to vector<256x2048xf32>
    %select_n3A_195 = arith.select %eq3A_192, %broadcast_in_dim3A_194, %select_n3A_179 : vector<256x2048xi1>, vector<256x2048xf32>
    %reduce_max3A_196 = arith.constant dense<0xFF800000> : vector<256xf32>
    %reduce_max3A_197 = vector.multi_reduction <maximumf>, %select_n3A_195, %reduce_max3A_196 [1] : vector<256x2048xf32> to vector<256xf32>
    %broadcast_in_dim3A_198 = vector.shape_cast %reduce_max3A_197 : vector<256xf32> to vector<256x1xf32>
    %eq3A_199 = vector.broadcast %broadcast_in_dim3A_198 : vector<256x1xf32> to vector<256x2048xf32>
    %eq3A_200 = arith.cmpf oeq, %select_n3A_195, %eq3A_199 : vector<256x2048xf32>
    %jit3A_201 = arith.constant 2048 : i32
    %broadcast_in_dim3A_202 = vector.broadcast %jit3A_201 : i32 to vector<256x2048xi32>
    %select_n3A_203 = arith.select %eq3A_200, %iota3A, %broadcast_in_dim3A_202 : vector<256x2048xi1>, vector<256x2048xi32>
    %reduce_min3A_204 = arith.constant dense<2147483647> : vector<256xi32>
    %reduce_min3A_205 = vector.multi_reduction <minsi>, %select_n3A_203, %reduce_min3A_204 [1] : vector<256x2048xi32> to vector<256xi32>
    %broadcast_in_dim3A_206 = vector.shape_cast %reduce_min3A_205 : vector<256xi32> to vector<256x1xi32>
    %eq3A_207 = vector.broadcast %broadcast_in_dim3A_206 : vector<256x1xi32> to vector<256x2048xi32>
    %eq3A_208 = arith.cmpi eq, %iota3A, %eq3A_207 : vector<256x2048xi32>
    %jit3A_209 = arith.constant -3.000000e+38 : f32
    %broadcast_in_dim3A_210 = vector.broadcast %jit3A_209 : f32 to vector<256x2048xf32>
    %select_n3A_211 = arith.select %eq3A_208, %broadcast_in_dim3A_210, %select_n3A_195 : vector<256x2048xi1>, vector<256x2048xf32>
    %reduce_max3A_212 = arith.constant dense<0xFF800000> : vector<256xf32>
    %reduce_max3A_213 = vector.multi_reduction <maximumf>, %select_n3A_211, %reduce_max3A_212 [1] : vector<256x2048xf32> to vector<256xf32>
    %broadcast_in_dim3A_214 = vector.shape_cast %reduce_max3A_213 : vector<256xf32> to vector<256x1xf32>
    %eq3A_215 = vector.broadcast %broadcast_in_dim3A_214 : vector<256x1xf32> to vector<256x2048xf32>
    %eq3A_216 = arith.cmpf oeq, %select_n3A_211, %eq3A_215 : vector<256x2048xf32>
    %jit3A_217 = arith.constant 2048 : i32
    %broadcast_in_dim3A_218 = vector.broadcast %jit3A_217 : i32 to vector<256x2048xi32>
    %select_n3A_219 = arith.select %eq3A_216, %iota3A, %broadcast_in_dim3A_218 : vector<256x2048xi1>, vector<256x2048xi32>
    %reduce_min3A_220 = arith.constant dense<2147483647> : vector<256xi32>
    %reduce_min3A_221 = vector.multi_reduction <minsi>, %select_n3A_219, %reduce_min3A_220 [1] : vector<256x2048xi32> to vector<256xi32>
    %broadcast_in_dim3A_222 = vector.shape_cast %reduce_min3A_221 : vector<256xi32> to vector<256x1xi32>
    %eq3A_223 = vector.broadcast %broadcast_in_dim3A_222 : vector<256x1xi32> to vector<256x2048xi32>
    %eq3A_224 = arith.cmpi eq, %iota3A, %eq3A_223 : vector<256x2048xi32>
    %jit3A_225 = arith.constant -3.000000e+38 : f32
    %broadcast_in_dim3A_226 = vector.broadcast %jit3A_225 : f32 to vector<256x2048xf32>
    %select_n3A_227 = arith.select %eq3A_224, %broadcast_in_dim3A_226, %select_n3A_211 : vector<256x2048xi1>, vector<256x2048xf32>
    %reduce_max3A_228 = arith.constant dense<0xFF800000> : vector<256xf32>
    %reduce_max3A_229 = vector.multi_reduction <maximumf>, %select_n3A_227, %reduce_max3A_228 [1] : vector<256x2048xf32> to vector<256xf32>
    %broadcast_in_dim3A_230 = vector.shape_cast %reduce_max3A_229 : vector<256xf32> to vector<256x1xf32>
    %eq3A_231 = vector.broadcast %broadcast_in_dim3A_230 : vector<256x1xf32> to vector<256x2048xf32>
    %eq3A_232 = arith.cmpf oeq, %select_n3A_227, %eq3A_231 : vector<256x2048xf32>
    %jit3A_233 = arith.constant 2048 : i32
    %broadcast_in_dim3A_234 = vector.broadcast %jit3A_233 : i32 to vector<256x2048xi32>
    %select_n3A_235 = arith.select %eq3A_232, %iota3A, %broadcast_in_dim3A_234 : vector<256x2048xi1>, vector<256x2048xi32>
    %reduce_min3A_236 = arith.constant dense<2147483647> : vector<256xi32>
    %reduce_min3A_237 = vector.multi_reduction <minsi>, %select_n3A_235, %reduce_min3A_236 [1] : vector<256x2048xi32> to vector<256xi32>
    %broadcast_in_dim3A_238 = vector.shape_cast %reduce_min3A_237 : vector<256xi32> to vector<256x1xi32>
    %eq3A_239 = vector.broadcast %broadcast_in_dim3A_238 : vector<256x1xi32> to vector<256x2048xi32>
    %eq3A_240 = arith.cmpi eq, %iota3A, %eq3A_239 : vector<256x2048xi32>
    %jit3A_241 = arith.constant -3.000000e+38 : f32
    %broadcast_in_dim3A_242 = vector.broadcast %jit3A_241 : f32 to vector<256x2048xf32>
    %select_n3A_243 = arith.select %eq3A_240, %broadcast_in_dim3A_242, %select_n3A_227 : vector<256x2048xi1>, vector<256x2048xf32>
    %reduce_max3A_244 = arith.constant dense<0xFF800000> : vector<256xf32>
    %reduce_max3A_245 = vector.multi_reduction <maximumf>, %select_n3A_243, %reduce_max3A_244 [1] : vector<256x2048xf32> to vector<256xf32>
    %broadcast_in_dim3A_246 = vector.shape_cast %reduce_max3A_245 : vector<256xf32> to vector<256x1xf32>
    %eq3A_247 = vector.broadcast %broadcast_in_dim3A_246 : vector<256x1xf32> to vector<256x2048xf32>
    %eq3A_248 = arith.cmpf oeq, %select_n3A_243, %eq3A_247 : vector<256x2048xf32>
    %jit3A_249 = arith.constant 2048 : i32
    %broadcast_in_dim3A_250 = vector.broadcast %jit3A_249 : i32 to vector<256x2048xi32>
    %select_n3A_251 = arith.select %eq3A_248, %iota3A, %broadcast_in_dim3A_250 : vector<256x2048xi1>, vector<256x2048xi32>
    %reduce_min3A_252 = arith.constant dense<2147483647> : vector<256xi32>
    %reduce_min3A_253 = vector.multi_reduction <minsi>, %select_n3A_251, %reduce_min3A_252 [1] : vector<256x2048xi32> to vector<256xi32>
    %broadcast_in_dim3A_254 = vector.shape_cast %reduce_min3A_253 : vector<256xi32> to vector<256x1xi32>
    %eq3A_255 = vector.broadcast %broadcast_in_dim3A_254 : vector<256x1xi32> to vector<256x2048xi32>
    %eq3A_256 = arith.cmpi eq, %iota3A, %eq3A_255 : vector<256x2048xi32>
    %jit3A_257 = arith.constant -3.000000e+38 : f32
    %broadcast_in_dim3A_258 = vector.broadcast %jit3A_257 : f32 to vector<256x2048xf32>
    %select_n3A_259 = arith.select %eq3A_256, %broadcast_in_dim3A_258, %select_n3A_243 : vector<256x2048xi1>, vector<256x2048xf32>
    %reduce_max3A_260 = arith.constant dense<0xFF800000> : vector<256xf32>
    %reduce_max3A_261 = vector.multi_reduction <maximumf>, %select_n3A_259, %reduce_max3A_260 [1] : vector<256x2048xf32> to vector<256xf32>
    %broadcast_in_dim3A_262 = vector.shape_cast %reduce_max3A_261 : vector<256xf32> to vector<256x1xf32>
    %eq3A_263 = vector.broadcast %broadcast_in_dim3A_262 : vector<256x1xf32> to vector<256x2048xf32>
    %eq3A_264 = arith.cmpf oeq, %select_n3A_259, %eq3A_263 : vector<256x2048xf32>
    %jit3A_265 = arith.constant 2048 : i32
    %broadcast_in_dim3A_266 = vector.broadcast %jit3A_265 : i32 to vector<256x2048xi32>
    %select_n3A_267 = arith.select %eq3A_264, %iota3A, %broadcast_in_dim3A_266 : vector<256x2048xi1>, vector<256x2048xi32>
    %reduce_min3A_268 = arith.constant dense<2147483647> : vector<256xi32>
    %reduce_min3A_269 = vector.multi_reduction <minsi>, %select_n3A_267, %reduce_min3A_268 [1] : vector<256x2048xi32> to vector<256xi32>
    %broadcast_in_dim3A_270 = vector.shape_cast %reduce_min3A_269 : vector<256xi32> to vector<256x1xi32>
    %eq3A_271 = vector.broadcast %broadcast_in_dim3A_270 : vector<256x1xi32> to vector<256x2048xi32>
    %eq3A_272 = arith.cmpi eq, %iota3A, %eq3A_271 : vector<256x2048xi32>
    %jit3A_273 = arith.constant -3.000000e+38 : f32
    %broadcast_in_dim3A_274 = vector.broadcast %jit3A_273 : f32 to vector<256x2048xf32>
    %select_n3A_275 = arith.select %eq3A_272, %broadcast_in_dim3A_274, %select_n3A_259 : vector<256x2048xi1>, vector<256x2048xf32>
    %reduce_max3A_276 = arith.constant dense<0xFF800000> : vector<256xf32>
    %reduce_max3A_277 = vector.multi_reduction <maximumf>, %select_n3A_275, %reduce_max3A_276 [1] : vector<256x2048xf32> to vector<256xf32>
    %broadcast_in_dim3A_278 = vector.shape_cast %reduce_max3A_277 : vector<256xf32> to vector<256x1xf32>
    %eq3A_279 = vector.broadcast %broadcast_in_dim3A_278 : vector<256x1xf32> to vector<256x2048xf32>
    %eq3A_280 = arith.cmpf oeq, %select_n3A_275, %eq3A_279 : vector<256x2048xf32>
    %jit3A_281 = arith.constant 2048 : i32
    %broadcast_in_dim3A_282 = vector.broadcast %jit3A_281 : i32 to vector<256x2048xi32>
    %select_n3A_283 = arith.select %eq3A_280, %iota3A, %broadcast_in_dim3A_282 : vector<256x2048xi1>, vector<256x2048xi32>
    %reduce_min3A_284 = arith.constant dense<2147483647> : vector<256xi32>
    %reduce_min3A_285 = vector.multi_reduction <minsi>, %select_n3A_283, %reduce_min3A_284 [1] : vector<256x2048xi32> to vector<256xi32>
    %broadcast_in_dim3A_286 = vector.shape_cast %reduce_min3A_285 : vector<256xi32> to vector<256x1xi32>
    %eq3A_287 = vector.broadcast %broadcast_in_dim3A_286 : vector<256x1xi32> to vector<256x2048xi32>
    %eq3A_288 = arith.cmpi eq, %iota3A, %eq3A_287 : vector<256x2048xi32>
    %jit3A_289 = arith.constant -3.000000e+38 : f32
    %broadcast_in_dim3A_290 = vector.broadcast %jit3A_289 : f32 to vector<256x2048xf32>
    %select_n3A_291 = arith.select %eq3A_288, %broadcast_in_dim3A_290, %select_n3A_275 : vector<256x2048xi1>, vector<256x2048xf32>
    %reduce_max3A_292 = arith.constant dense<0xFF800000> : vector<256xf32>
    %reduce_max3A_293 = vector.multi_reduction <maximumf>, %select_n3A_291, %reduce_max3A_292 [1] : vector<256x2048xf32> to vector<256xf32>
    %broadcast_in_dim3A_294 = vector.shape_cast %reduce_max3A_293 : vector<256xf32> to vector<256x1xf32>
    %eq3A_295 = vector.broadcast %broadcast_in_dim3A_294 : vector<256x1xf32> to vector<256x2048xf32>
    %eq3A_296 = arith.cmpf oeq, %select_n3A_291, %eq3A_295 : vector<256x2048xf32>
    %jit3A_297 = arith.constant 2048 : i32
    %broadcast_in_dim3A_298 = vector.broadcast %jit3A_297 : i32 to vector<256x2048xi32>
    %select_n3A_299 = arith.select %eq3A_296, %iota3A, %broadcast_in_dim3A_298 : vector<256x2048xi1>, vector<256x2048xi32>
    %reduce_min3A_300 = arith.constant dense<2147483647> : vector<256xi32>
    %reduce_min3A_301 = vector.multi_reduction <minsi>, %select_n3A_299, %reduce_min3A_300 [1] : vector<256x2048xi32> to vector<256xi32>
    %broadcast_in_dim3A_302 = vector.shape_cast %reduce_min3A_301 : vector<256xi32> to vector<256x1xi32>
    %eq3A_303 = vector.broadcast %broadcast_in_dim3A_302 : vector<256x1xi32> to vector<256x2048xi32>
    %eq3A_304 = arith.cmpi eq, %iota3A, %eq3A_303 : vector<256x2048xi32>
    %jit3A_305 = arith.constant -3.000000e+38 : f32
    %broadcast_in_dim3A_306 = vector.broadcast %jit3A_305 : f32 to vector<256x2048xf32>
    %select_n3A_307 = arith.select %eq3A_304, %broadcast_in_dim3A_306, %select_n3A_291 : vector<256x2048xi1>, vector<256x2048xf32>
    %reduce_max3A_308 = arith.constant dense<0xFF800000> : vector<256xf32>
    %reduce_max3A_309 = vector.multi_reduction <maximumf>, %select_n3A_307, %reduce_max3A_308 [1] : vector<256x2048xf32> to vector<256xf32>
    %broadcast_in_dim3A_310 = vector.shape_cast %reduce_max3A_309 : vector<256xf32> to vector<256x1xf32>
    %eq3A_311 = vector.broadcast %broadcast_in_dim3A_310 : vector<256x1xf32> to vector<256x2048xf32>
    %eq3A_312 = arith.cmpf oeq, %select_n3A_307, %eq3A_311 : vector<256x2048xf32>
    %jit3A_313 = arith.constant 2048 : i32
    %broadcast_in_dim3A_314 = vector.broadcast %jit3A_313 : i32 to vector<256x2048xi32>
    %select_n3A_315 = arith.select %eq3A_312, %iota3A, %broadcast_in_dim3A_314 : vector<256x2048xi1>, vector<256x2048xi32>
    %reduce_min3A_316 = arith.constant dense<2147483647> : vector<256xi32>
    %reduce_min3A_317 = vector.multi_reduction <minsi>, %select_n3A_315, %reduce_min3A_316 [1] : vector<256x2048xi32> to vector<256xi32>
    %broadcast_in_dim3A_318 = vector.shape_cast %reduce_min3A_317 : vector<256xi32> to vector<256x1xi32>
    %eq3A_319 = vector.broadcast %broadcast_in_dim3A_318 : vector<256x1xi32> to vector<256x2048xi32>
    %eq3A_320 = arith.cmpi eq, %iota3A, %eq3A_319 : vector<256x2048xi32>
    %jit3A_321 = arith.constant -3.000000e+38 : f32
    %broadcast_in_dim3A_322 = vector.broadcast %jit3A_321 : f32 to vector<256x2048xf32>
    %select_n3A_323 = arith.select %eq3A_320, %broadcast_in_dim3A_322, %select_n3A_307 : vector<256x2048xi1>, vector<256x2048xf32>
    %reduce_max3A_324 = arith.constant dense<0xFF800000> : vector<256xf32>
    %reduce_max3A_325 = vector.multi_reduction <maximumf>, %select_n3A_323, %reduce_max3A_324 [1] : vector<256x2048xf32> to vector<256xf32>
    %broadcast_in_dim3A_326 = vector.shape_cast %reduce_max3A_325 : vector<256xf32> to vector<256x1xf32>
    %eq3A_327 = vector.broadcast %broadcast_in_dim3A_326 : vector<256x1xf32> to vector<256x2048xf32>
    %eq3A_328 = arith.cmpf oeq, %select_n3A_323, %eq3A_327 : vector<256x2048xf32>
    %jit3A_329 = arith.constant 2048 : i32
    %broadcast_in_dim3A_330 = vector.broadcast %jit3A_329 : i32 to vector<256x2048xi32>
    %select_n3A_331 = arith.select %eq3A_328, %iota3A, %broadcast_in_dim3A_330 : vector<256x2048xi1>, vector<256x2048xi32>
    %reduce_min3A_332 = arith.constant dense<2147483647> : vector<256xi32>
    %reduce_min3A_333 = vector.multi_reduction <minsi>, %select_n3A_331, %reduce_min3A_332 [1] : vector<256x2048xi32> to vector<256xi32>
    %broadcast_in_dim3A_334 = vector.shape_cast %reduce_min3A_333 : vector<256xi32> to vector<256x1xi32>
    %concatenate3A = tpu.concatenate %broadcast_in_dim3A_30, %broadcast_in_dim3A_46, %broadcast_in_dim3A_62, %broadcast_in_dim3A_78, %broadcast_in_dim3A_94, %broadcast_in_dim3A_110, %broadcast_in_dim3A_126, %broadcast_in_dim3A_142, %broadcast_in_dim3A_158, %broadcast_in_dim3A_174, %broadcast_in_dim3A_190, %broadcast_in_dim3A_206, %broadcast_in_dim3A_222, %broadcast_in_dim3A_238, %broadcast_in_dim3A_254, %broadcast_in_dim3A_270, %broadcast_in_dim3A_286, %broadcast_in_dim3A_302, %broadcast_in_dim3A_318, %broadcast_in_dim3A_334 in 1 : vector<256x1xi32>, vector<256x1xi32>, vector<256x1xi32>, vector<256x1xi32>, vector<256x1xi32>, vector<256x1xi32>, vector<256x1xi32>, vector<256x1xi32>, vector<256x1xi32>, vector<256x1xi32>, vector<256x1xi32>, vector<256x1xi32>, vector<256x1xi32>, vector<256x1xi32>, vector<256x1xi32>, vector<256x1xi32>, vector<256x1xi32>, vector<256x1xi32>, vector<256x1xi32>, vector<256x1xi32> -> vector<256x20xi32>
    %mul3A_335 = arith.constant 2048 : i32
    %mul3A_336 = arith.muli %arg0, %mul3A_335 : i32
    %add3A = vector.broadcast %mul3A_336 : i32 to vector<256x20xi32>
    %add3A_337 = arith.addi %concatenate3A, %add3A : vector<256x20xi32>
    %swap3A = arith.constant 0 : index
    %swap3A_338 = arith.constant 0 : index
    %swap3A_339 = arith.constant 0 : index
    %swap3A_340 = vector.load %arg6[%swap3A, %swap3A_338, %swap3A_339] : memref<1x256x20xi32, #tpu.memory_space<vmem>>, vector<1x256x20xi32>
    %swap3A_341 = vector.shape_cast %swap3A_340 : vector<1x256x20xi32> to vector<256x20xi32>
    %swap3A_342 = vector.shape_cast %add3A_337 : vector<256x20xi32> to vector<1x256x20xi32>
    tpu.vector_store %arg6[%swap3A, %swap3A_338, %swap3A_339], %swap3A_342 {strides = array<i32>} : memref<1x256x20xi32, #tpu.memory_space<vmem>>, vector<1x256x20xi32>,
    return
  }
  func.func @transform_0(%arg0: i32, %arg1: i32) -> (i32, i32, i32) {
    %c0_i32 = arith.constant 0 : i32
    %c0_i32_0 = arith.constant 0 : i32
    return %arg0, %arg1, %c0_i32 : i32, i32, i32
  }
  func.func @transform_1(%arg0: i32, %arg1: i32) -> (i32, i32, i32) {
    %c0_i32 = arith.constant 0 : i32
    %c0_i32_0 = arith.constant 0 : i32
    %c0_i32_1 = arith.constant 0 : i32
    return %arg0, %c0_i32, %c0_i32_0 : i32, i32, i32
  }
  func.func @transform_2(%arg0: i32, %arg1: i32) -> (i32, i32, i32) {
    %c0_i32 = arith.constant 0 : i32
    %c0_i32_0 = arith.constant 0 : i32
    return %arg0, %arg1, %c0_i32 : i32, i32, i32
  }
  func.func @transform_3(%arg0: i32, %arg1: i32) -> (i32, i32, i32) {
    %c0_i32 = arith.constant 0 : i32
    %c0_i32_0 = arith.constant 0 : i32
    %c0_i32_1 = arith.constant 0 : i32
    return %arg0, %c0_i32, %c0_i32_0 : i32, i32, i32
  }
  func.func @transform_4(%arg0: i32, %arg1: i32) -> (i32, i32, i32) {
    %c0_i32 = arith.constant 0 : i32
    %c0_i32_0 = arith.constant 0 : i32
    return %arg0, %arg1, %c0_i32 : i32, i32, i32
  }
}

module attributes {stable_mosaic.version = 14 : i64} {
  func.func @_econv_body(%arg0: i32, %arg1: memref<256x128xf32, #tpu.memory_space<vmem>>, %arg2: memref<20x256x128xf32, #tpu.memory_space<vmem>>, %arg3: memref<6x64xf32, #tpu.memory_space<vmem>>, %arg4: memref<256x64xf32, #tpu.memory_space<vmem>>, %arg5: memref<1x64xf32, #tpu.memory_space<vmem>>, %arg6: memref<1x64xf32, #tpu.memory_space<vmem>>, %arg7: memref<8x64xf32, #tpu.memory_space<vmem>>) attributes {dimension_semantics = [#tpu.dimension_semantics<arbitrary>], iteration_bounds = array<i64: 128>, scalar_prefetch = 0 : i64, scratch_operands = 1 : i64, tpu.core_type = #tpu.core_type<tc>, window_params = [{transform_indices = @transform_0, window_bounds = array<i64: 256, 128>}, {transform_indices = @transform_1, window_bounds = array<i64: 20, 256, 128>}, {pipeline_mode = #tpu.pipeline_mode<synchronous>, transform_indices = @transform_2, window_bounds = array<i64: 6, 64>}, {transform_indices = @transform_3, window_bounds = array<i64: 256, 64>}, {pipeline_mode = #tpu.pipeline_mode<synchronous>, transform_indices = @transform_4, window_bounds = array<i64: 1, 64>}, {pipeline_mode = #tpu.pipeline_mode<synchronous>, transform_indices = @transform_5, window_bounds = array<i64: 1, 64>}]} {
    %eq3A = arith.constant 0 : i32
    %eq3A_0 = arith.cmpi eq, %arg0, %eq3A : i32
    %convert_element_type3A = arith.extui %eq3A_0 : i1 to i32
    %cond3A = arith.constant 0 : i32
    %cond3A_1 = arith.cmpi ne, %convert_element_type3A, %cond3A : i32
    scf.if %cond3A_1 {
      %broadcast_in_dim3A_348 = arith.constant 0.000000e+00 : f32
      %broadcast_in_dim3A_349 = vector.broadcast %broadcast_in_dim3A_348 : f32 to vector<8x64xf32>
      %swap3A_350 = arith.constant 0 : index
      %swap3A_351 = arith.constant 0 : index
      %swap3A_352 = vector.load %arg7[%swap3A_350, %swap3A_351] : memref<8x64xf32, #tpu.memory_space<vmem>>, vector<8x64xf32>
      tpu.vector_store %arg7[%swap3A_350, %swap3A_351], %broadcast_in_dim3A_349 {strides = array<i32>} : memref<8x64xf32, #tpu.memory_space<vmem>>, vector<8x64xf32>,
    } else {
    }
    %get3A = arith.constant 0 : index
    %get3A_2 = arith.constant 0 : index
    %get3A_3 = vector.load %arg1[%get3A, %get3A_2] : memref<256x128xf32, #tpu.memory_space<vmem>>, vector<256x128xf32>
    %get3A_4 = arith.constant 0 : index
    %get3A_5 = arith.constant 0 : index
    %get3A_6 = vector.load %arg3[%get3A_4, %get3A_5] : memref<6x64xf32, #tpu.memory_space<vmem>>, vector<6x64xf32>
    %convert_element_type3A_7 = arith.truncf %get3A_6 : vector<6x64xf32> to vector<6x64xbf16>
    %broadcast_in_dim3A = arith.constant -3.000000e+38 : f32
    %broadcast_in_dim3A_8 = vector.broadcast %broadcast_in_dim3A : f32 to vector<256x64xf32>
    %broadcast_in_dim3A_9 = arith.constant 0.000000e+00 : f32
    %broadcast_in_dim3A_10 = vector.broadcast %broadcast_in_dim3A_9 : f32 to vector<256x64xf32>
    %broadcast_in_dim3A_11 = arith.constant 0.000000e+00 : f32
    %broadcast_in_dim3A_12 = vector.broadcast %broadcast_in_dim3A_11 : f32 to vector<256x64xf32>
    %get3A_13 = arith.constant 0 : index
    %get3A_14 = arith.constant 0 : index
    %get3A_15 = arith.constant 0 : index
    %get3A_16 = vector.load %arg2[%get3A_13, %get3A_14, %get3A_15] : memref<20x256x128xf32, #tpu.memory_space<vmem>>, vector<1x256x128xf32>
    %get3A_17 = vector.shape_cast %get3A_16 : vector<1x256x128xf32> to vector<256x128xf32>
    %sub3A = arith.subf %get3A_17, %get3A_3 : vector<256x128xf32>
    %slice3A = vector.extract_strided_slice %sub3A {offsets = [0, 0], sizes = [256, 3], strides = [1, 1]} : vector<256x128xf32> to vector<256x3xf32>
    %slice3A_18 = vector.extract_strided_slice %get3A_3 {offsets = [0, 0], sizes = [256, 3], strides = [1, 1]} : vector<256x128xf32> to vector<256x3xf32>
    %concatenate3A = tpu.concatenate %slice3A, %slice3A_18 in 1 : vector<256x3xf32>, vector<256x3xf32> -> vector<256x6xf32>
    %convert_element_type3A_19 = arith.truncf %concatenate3A : vector<256x6xf32> to vector<256x6xbf16>
    %dot_general3A = arith.constant dense<0.000000e+00> : vector<256x64xf32>
    %dot_general3A_20 = tpu.matmul %convert_element_type3A_19, %convert_element_type3A_7, %dot_general3A {dimension_numbers = #tpu.dot_dimension_numbers<[1], [0], [0], [1], [0, 0, 1, 1], [], []>, transpose_lhs_hint = false} : vector<256x6xbf16>, vector<6x64xbf16>, vector<256x64xf32> -> vector<256x64xf32>
    %max3A = arith.maximumf %broadcast_in_dim3A_8, %dot_general3A_20 : vector<256x64xf32>
    %add3A = arith.addf %broadcast_in_dim3A_10, %dot_general3A_20 : vector<256x64xf32>
    %mul3A = arith.mulf %dot_general3A_20, %dot_general3A_20 : vector<256x64xf32>
    %add3A_21 = arith.addf %broadcast_in_dim3A_12, %mul3A : vector<256x64xf32>
    %get3A_22 = arith.constant 1 : index
    %get3A_23 = arith.constant 0 : index
    %get3A_24 = arith.constant 0 : index
    %get3A_25 = vector.load %arg2[%get3A_22, %get3A_23, %get3A_24] : memref<20x256x128xf32, #tpu.memory_space<vmem>>, vector<1x256x128xf32>
    %get3A_26 = vector.shape_cast %get3A_25 : vector<1x256x128xf32> to vector<256x128xf32>
    %sub3A_27 = arith.subf %get3A_26, %get3A_3 : vector<256x128xf32>
    %slice3A_28 = vector.extract_strided_slice %sub3A_27 {offsets = [0, 0], sizes = [256, 3], strides = [1, 1]} : vector<256x128xf32> to vector<256x3xf32>
    %slice3A_29 = vector.extract_strided_slice %get3A_3 {offsets = [0, 0], sizes = [256, 3], strides = [1, 1]} : vector<256x128xf32> to vector<256x3xf32>
    %concatenate3A_30 = tpu.concatenate %slice3A_28, %slice3A_29 in 1 : vector<256x3xf32>, vector<256x3xf32> -> vector<256x6xf32>
    %convert_element_type3A_31 = arith.truncf %concatenate3A_30 : vector<256x6xf32> to vector<256x6xbf16>
    %dot_general3A_32 = arith.constant dense<0.000000e+00> : vector<256x64xf32>
    %dot_general3A_33 = tpu.matmul %convert_element_type3A_31, %convert_element_type3A_7, %dot_general3A_32 {dimension_numbers = #tpu.dot_dimension_numbers<[1], [0], [0], [1], [0, 0, 1, 1], [], []>, transpose_lhs_hint = false} : vector<256x6xbf16>, vector<6x64xbf16>, vector<256x64xf32> -> vector<256x64xf32>
    %max3A_34 = arith.maximumf %max3A, %dot_general3A_33 : vector<256x64xf32>
    %add3A_35 = arith.addf %add3A, %dot_general3A_33 : vector<256x64xf32>
    %mul3A_36 = arith.mulf %dot_general3A_33, %dot_general3A_33 : vector<256x64xf32>
    %add3A_37 = arith.addf %add3A_21, %mul3A_36 : vector<256x64xf32>
    %get3A_38 = arith.constant 2 : index
    %get3A_39 = arith.constant 0 : index
    %get3A_40 = arith.constant 0 : index
    %get3A_41 = vector.load %arg2[%get3A_38, %get3A_39, %get3A_40] : memref<20x256x128xf32, #tpu.memory_space<vmem>>, vector<1x256x128xf32>
    %get3A_42 = vector.shape_cast %get3A_41 : vector<1x256x128xf32> to vector<256x128xf32>
    %sub3A_43 = arith.subf %get3A_42, %get3A_3 : vector<256x128xf32>
    %slice3A_44 = vector.extract_strided_slice %sub3A_43 {offsets = [0, 0], sizes = [256, 3], strides = [1, 1]} : vector<256x128xf32> to vector<256x3xf32>
    %slice3A_45 = vector.extract_strided_slice %get3A_3 {offsets = [0, 0], sizes = [256, 3], strides = [1, 1]} : vector<256x128xf32> to vector<256x3xf32>
    %concatenate3A_46 = tpu.concatenate %slice3A_44, %slice3A_45 in 1 : vector<256x3xf32>, vector<256x3xf32> -> vector<256x6xf32>
    %convert_element_type3A_47 = arith.truncf %concatenate3A_46 : vector<256x6xf32> to vector<256x6xbf16>
    %dot_general3A_48 = arith.constant dense<0.000000e+00> : vector<256x64xf32>
    %dot_general3A_49 = tpu.matmul %convert_element_type3A_47, %convert_element_type3A_7, %dot_general3A_48 {dimension_numbers = #tpu.dot_dimension_numbers<[1], [0], [0], [1], [0, 0, 1, 1], [], []>, transpose_lhs_hint = false} : vector<256x6xbf16>, vector<6x64xbf16>, vector<256x64xf32> -> vector<256x64xf32>
    %max3A_50 = arith.maximumf %max3A_34, %dot_general3A_49 : vector<256x64xf32>
    %add3A_51 = arith.addf %add3A_35, %dot_general3A_49 : vector<256x64xf32>
    %mul3A_52 = arith.mulf %dot_general3A_49, %dot_general3A_49 : vector<256x64xf32>
    %add3A_53 = arith.addf %add3A_37, %mul3A_52 : vector<256x64xf32>
    %get3A_54 = arith.constant 3 : index
    %get3A_55 = arith.constant 0 : index
    %get3A_56 = arith.constant 0 : index
    %get3A_57 = vector.load %arg2[%get3A_54, %get3A_55, %get3A_56] : memref<20x256x128xf32, #tpu.memory_space<vmem>>, vector<1x256x128xf32>
    %get3A_58 = vector.shape_cast %get3A_57 : vector<1x256x128xf32> to vector<256x128xf32>
    %sub3A_59 = arith.subf %get3A_58, %get3A_3 : vector<256x128xf32>
    %slice3A_60 = vector.extract_strided_slice %sub3A_59 {offsets = [0, 0], sizes = [256, 3], strides = [1, 1]} : vector<256x128xf32> to vector<256x3xf32>
    %slice3A_61 = vector.extract_strided_slice %get3A_3 {offsets = [0, 0], sizes = [256, 3], strides = [1, 1]} : vector<256x128xf32> to vector<256x3xf32>
    %concatenate3A_62 = tpu.concatenate %slice3A_60, %slice3A_61 in 1 : vector<256x3xf32>, vector<256x3xf32> -> vector<256x6xf32>
    %convert_element_type3A_63 = arith.truncf %concatenate3A_62 : vector<256x6xf32> to vector<256x6xbf16>
    %dot_general3A_64 = arith.constant dense<0.000000e+00> : vector<256x64xf32>
    %dot_general3A_65 = tpu.matmul %convert_element_type3A_63, %convert_element_type3A_7, %dot_general3A_64 {dimension_numbers = #tpu.dot_dimension_numbers<[1], [0], [0], [1], [0, 0, 1, 1], [], []>, transpose_lhs_hint = false} : vector<256x6xbf16>, vector<6x64xbf16>, vector<256x64xf32> -> vector<256x64xf32>
    %max3A_66 = arith.maximumf %max3A_50, %dot_general3A_65 : vector<256x64xf32>
    %add3A_67 = arith.addf %add3A_51, %dot_general3A_65 : vector<256x64xf32>
    %mul3A_68 = arith.mulf %dot_general3A_65, %dot_general3A_65 : vector<256x64xf32>
    %add3A_69 = arith.addf %add3A_53, %mul3A_68 : vector<256x64xf32>
    %get3A_70 = arith.constant 4 : index
    %get3A_71 = arith.constant 0 : index
    %get3A_72 = arith.constant 0 : index
    %get3A_73 = vector.load %arg2[%get3A_70, %get3A_71, %get3A_72] : memref<20x256x128xf32, #tpu.memory_space<vmem>>, vector<1x256x128xf32>
    %get3A_74 = vector.shape_cast %get3A_73 : vector<1x256x128xf32> to vector<256x128xf32>
    %sub3A_75 = arith.subf %get3A_74, %get3A_3 : vector<256x128xf32>
    %slice3A_76 = vector.extract_strided_slice %sub3A_75 {offsets = [0, 0], sizes = [256, 3], strides = [1, 1]} : vector<256x128xf32> to vector<256x3xf32>
    %slice3A_77 = vector.extract_strided_slice %get3A_3 {offsets = [0, 0], sizes = [256, 3], strides = [1, 1]} : vector<256x128xf32> to vector<256x3xf32>
    %concatenate3A_78 = tpu.concatenate %slice3A_76, %slice3A_77 in 1 : vector<256x3xf32>, vector<256x3xf32> -> vector<256x6xf32>
    %convert_element_type3A_79 = arith.truncf %concatenate3A_78 : vector<256x6xf32> to vector<256x6xbf16>
    %dot_general3A_80 = arith.constant dense<0.000000e+00> : vector<256x64xf32>
    %dot_general3A_81 = tpu.matmul %convert_element_type3A_79, %convert_element_type3A_7, %dot_general3A_80 {dimension_numbers = #tpu.dot_dimension_numbers<[1], [0], [0], [1], [0, 0, 1, 1], [], []>, transpose_lhs_hint = false} : vector<256x6xbf16>, vector<6x64xbf16>, vector<256x64xf32> -> vector<256x64xf32>
    %max3A_82 = arith.maximumf %max3A_66, %dot_general3A_81 : vector<256x64xf32>
    %add3A_83 = arith.addf %add3A_67, %dot_general3A_81 : vector<256x64xf32>
    %mul3A_84 = arith.mulf %dot_general3A_81, %dot_general3A_81 : vector<256x64xf32>
    %add3A_85 = arith.addf %add3A_69, %mul3A_84 : vector<256x64xf32>
    %get3A_86 = arith.constant 5 : index
    %get3A_87 = arith.constant 0 : index
    %get3A_88 = arith.constant 0 : index
    %get3A_89 = vector.load %arg2[%get3A_86, %get3A_87, %get3A_88] : memref<20x256x128xf32, #tpu.memory_space<vmem>>, vector<1x256x128xf32>
    %get3A_90 = vector.shape_cast %get3A_89 : vector<1x256x128xf32> to vector<256x128xf32>
    %sub3A_91 = arith.subf %get3A_90, %get3A_3 : vector<256x128xf32>
    %slice3A_92 = vector.extract_strided_slice %sub3A_91 {offsets = [0, 0], sizes = [256, 3], strides = [1, 1]} : vector<256x128xf32> to vector<256x3xf32>
    %slice3A_93 = vector.extract_strided_slice %get3A_3 {offsets = [0, 0], sizes = [256, 3], strides = [1, 1]} : vector<256x128xf32> to vector<256x3xf32>
    %concatenate3A_94 = tpu.concatenate %slice3A_92, %slice3A_93 in 1 : vector<256x3xf32>, vector<256x3xf32> -> vector<256x6xf32>
    %convert_element_type3A_95 = arith.truncf %concatenate3A_94 : vector<256x6xf32> to vector<256x6xbf16>
    %dot_general3A_96 = arith.constant dense<0.000000e+00> : vector<256x64xf32>
    %dot_general3A_97 = tpu.matmul %convert_element_type3A_95, %convert_element_type3A_7, %dot_general3A_96 {dimension_numbers = #tpu.dot_dimension_numbers<[1], [0], [0], [1], [0, 0, 1, 1], [], []>, transpose_lhs_hint = false} : vector<256x6xbf16>, vector<6x64xbf16>, vector<256x64xf32> -> vector<256x64xf32>
    %max3A_98 = arith.maximumf %max3A_82, %dot_general3A_97 : vector<256x64xf32>
    %add3A_99 = arith.addf %add3A_83, %dot_general3A_97 : vector<256x64xf32>
    %mul3A_100 = arith.mulf %dot_general3A_97, %dot_general3A_97 : vector<256x64xf32>
    %add3A_101 = arith.addf %add3A_85, %mul3A_100 : vector<256x64xf32>
    %get3A_102 = arith.constant 6 : index
    %get3A_103 = arith.constant 0 : index
    %get3A_104 = arith.constant 0 : index
    %get3A_105 = vector.load %arg2[%get3A_102, %get3A_103, %get3A_104] : memref<20x256x128xf32, #tpu.memory_space<vmem>>, vector<1x256x128xf32>
    %get3A_106 = vector.shape_cast %get3A_105 : vector<1x256x128xf32> to vector<256x128xf32>
    %sub3A_107 = arith.subf %get3A_106, %get3A_3 : vector<256x128xf32>
    %slice3A_108 = vector.extract_strided_slice %sub3A_107 {offsets = [0, 0], sizes = [256, 3], strides = [1, 1]} : vector<256x128xf32> to vector<256x3xf32>
    %slice3A_109 = vector.extract_strided_slice %get3A_3 {offsets = [0, 0], sizes = [256, 3], strides = [1, 1]} : vector<256x128xf32> to vector<256x3xf32>
    %concatenate3A_110 = tpu.concatenate %slice3A_108, %slice3A_109 in 1 : vector<256x3xf32>, vector<256x3xf32> -> vector<256x6xf32>
    %convert_element_type3A_111 = arith.truncf %concatenate3A_110 : vector<256x6xf32> to vector<256x6xbf16>
    %dot_general3A_112 = arith.constant dense<0.000000e+00> : vector<256x64xf32>
    %dot_general3A_113 = tpu.matmul %convert_element_type3A_111, %convert_element_type3A_7, %dot_general3A_112 {dimension_numbers = #tpu.dot_dimension_numbers<[1], [0], [0], [1], [0, 0, 1, 1], [], []>, transpose_lhs_hint = false} : vector<256x6xbf16>, vector<6x64xbf16>, vector<256x64xf32> -> vector<256x64xf32>
    %max3A_114 = arith.maximumf %max3A_98, %dot_general3A_113 : vector<256x64xf32>
    %add3A_115 = arith.addf %add3A_99, %dot_general3A_113 : vector<256x64xf32>
    %mul3A_116 = arith.mulf %dot_general3A_113, %dot_general3A_113 : vector<256x64xf32>
    %add3A_117 = arith.addf %add3A_101, %mul3A_116 : vector<256x64xf32>
    %get3A_118 = arith.constant 7 : index
    %get3A_119 = arith.constant 0 : index
    %get3A_120 = arith.constant 0 : index
    %get3A_121 = vector.load %arg2[%get3A_118, %get3A_119, %get3A_120] : memref<20x256x128xf32, #tpu.memory_space<vmem>>, vector<1x256x128xf32>
    %get3A_122 = vector.shape_cast %get3A_121 : vector<1x256x128xf32> to vector<256x128xf32>
    %sub3A_123 = arith.subf %get3A_122, %get3A_3 : vector<256x128xf32>
    %slice3A_124 = vector.extract_strided_slice %sub3A_123 {offsets = [0, 0], sizes = [256, 3], strides = [1, 1]} : vector<256x128xf32> to vector<256x3xf32>
    %slice3A_125 = vector.extract_strided_slice %get3A_3 {offsets = [0, 0], sizes = [256, 3], strides = [1, 1]} : vector<256x128xf32> to vector<256x3xf32>
    %concatenate3A_126 = tpu.concatenate %slice3A_124, %slice3A_125 in 1 : vector<256x3xf32>, vector<256x3xf32> -> vector<256x6xf32>
    %convert_element_type3A_127 = arith.truncf %concatenate3A_126 : vector<256x6xf32> to vector<256x6xbf16>
    %dot_general3A_128 = arith.constant dense<0.000000e+00> : vector<256x64xf32>
    %dot_general3A_129 = tpu.matmul %convert_element_type3A_127, %convert_element_type3A_7, %dot_general3A_128 {dimension_numbers = #tpu.dot_dimension_numbers<[1], [0], [0], [1], [0, 0, 1, 1], [], []>, transpose_lhs_hint = false} : vector<256x6xbf16>, vector<6x64xbf16>, vector<256x64xf32> -> vector<256x64xf32>
    %max3A_130 = arith.maximumf %max3A_114, %dot_general3A_129 : vector<256x64xf32>
    %add3A_131 = arith.addf %add3A_115, %dot_general3A_129 : vector<256x64xf32>
    %mul3A_132 = arith.mulf %dot_general3A_129, %dot_general3A_129 : vector<256x64xf32>
    %add3A_133 = arith.addf %add3A_117, %mul3A_132 : vector<256x64xf32>
    %get3A_134 = arith.constant 8 : index
    %get3A_135 = arith.constant 0 : index
    %get3A_136 = arith.constant 0 : index
    %get3A_137 = vector.load %arg2[%get3A_134, %get3A_135, %get3A_136] : memref<20x256x128xf32, #tpu.memory_space<vmem>>, vector<1x256x128xf32>
    %get3A_138 = vector.shape_cast %get3A_137 : vector<1x256x128xf32> to vector<256x128xf32>
    %sub3A_139 = arith.subf %get3A_138, %get3A_3 : vector<256x128xf32>
    %slice3A_140 = vector.extract_strided_slice %sub3A_139 {offsets = [0, 0], sizes = [256, 3], strides = [1, 1]} : vector<256x128xf32> to vector<256x3xf32>
    %slice3A_141 = vector.extract_strided_slice %get3A_3 {offsets = [0, 0], sizes = [256, 3], strides = [1, 1]} : vector<256x128xf32> to vector<256x3xf32>
    %concatenate3A_142 = tpu.concatenate %slice3A_140, %slice3A_141 in 1 : vector<256x3xf32>, vector<256x3xf32> -> vector<256x6xf32>
    %convert_element_type3A_143 = arith.truncf %concatenate3A_142 : vector<256x6xf32> to vector<256x6xbf16>
    %dot_general3A_144 = arith.constant dense<0.000000e+00> : vector<256x64xf32>
    %dot_general3A_145 = tpu.matmul %convert_element_type3A_143, %convert_element_type3A_7, %dot_general3A_144 {dimension_numbers = #tpu.dot_dimension_numbers<[1], [0], [0], [1], [0, 0, 1, 1], [], []>, transpose_lhs_hint = false} : vector<256x6xbf16>, vector<6x64xbf16>, vector<256x64xf32> -> vector<256x64xf32>
    %max3A_146 = arith.maximumf %max3A_130, %dot_general3A_145 : vector<256x64xf32>
    %add3A_147 = arith.addf %add3A_131, %dot_general3A_145 : vector<256x64xf32>
    %mul3A_148 = arith.mulf %dot_general3A_145, %dot_general3A_145 : vector<256x64xf32>
    %add3A_149 = arith.addf %add3A_133, %mul3A_148 : vector<256x64xf32>
    %get3A_150 = arith.constant 9 : index
    %get3A_151 = arith.constant 0 : index
    %get3A_152 = arith.constant 0 : index
    %get3A_153 = vector.load %arg2[%get3A_150, %get3A_151, %get3A_152] : memref<20x256x128xf32, #tpu.memory_space<vmem>>, vector<1x256x128xf32>
    %get3A_154 = vector.shape_cast %get3A_153 : vector<1x256x128xf32> to vector<256x128xf32>
    %sub3A_155 = arith.subf %get3A_154, %get3A_3 : vector<256x128xf32>
    %slice3A_156 = vector.extract_strided_slice %sub3A_155 {offsets = [0, 0], sizes = [256, 3], strides = [1, 1]} : vector<256x128xf32> to vector<256x3xf32>
    %slice3A_157 = vector.extract_strided_slice %get3A_3 {offsets = [0, 0], sizes = [256, 3], strides = [1, 1]} : vector<256x128xf32> to vector<256x3xf32>
    %concatenate3A_158 = tpu.concatenate %slice3A_156, %slice3A_157 in 1 : vector<256x3xf32>, vector<256x3xf32> -> vector<256x6xf32>
    %convert_element_type3A_159 = arith.truncf %concatenate3A_158 : vector<256x6xf32> to vector<256x6xbf16>
    %dot_general3A_160 = arith.constant dense<0.000000e+00> : vector<256x64xf32>
    %dot_general3A_161 = tpu.matmul %convert_element_type3A_159, %convert_element_type3A_7, %dot_general3A_160 {dimension_numbers = #tpu.dot_dimension_numbers<[1], [0], [0], [1], [0, 0, 1, 1], [], []>, transpose_lhs_hint = false} : vector<256x6xbf16>, vector<6x64xbf16>, vector<256x64xf32> -> vector<256x64xf32>
    %max3A_162 = arith.maximumf %max3A_146, %dot_general3A_161 : vector<256x64xf32>
    %add3A_163 = arith.addf %add3A_147, %dot_general3A_161 : vector<256x64xf32>
    %mul3A_164 = arith.mulf %dot_general3A_161, %dot_general3A_161 : vector<256x64xf32>
    %add3A_165 = arith.addf %add3A_149, %mul3A_164 : vector<256x64xf32>
    %get3A_166 = arith.constant 10 : index
    %get3A_167 = arith.constant 0 : index
    %get3A_168 = arith.constant 0 : index
    %get3A_169 = vector.load %arg2[%get3A_166, %get3A_167, %get3A_168] : memref<20x256x128xf32, #tpu.memory_space<vmem>>, vector<1x256x128xf32>
    %get3A_170 = vector.shape_cast %get3A_169 : vector<1x256x128xf32> to vector<256x128xf32>
    %sub3A_171 = arith.subf %get3A_170, %get3A_3 : vector<256x128xf32>
    %slice3A_172 = vector.extract_strided_slice %sub3A_171 {offsets = [0, 0], sizes = [256, 3], strides = [1, 1]} : vector<256x128xf32> to vector<256x3xf32>
    %slice3A_173 = vector.extract_strided_slice %get3A_3 {offsets = [0, 0], sizes = [256, 3], strides = [1, 1]} : vector<256x128xf32> to vector<256x3xf32>
    %concatenate3A_174 = tpu.concatenate %slice3A_172, %slice3A_173 in 1 : vector<256x3xf32>, vector<256x3xf32> -> vector<256x6xf32>
    %convert_element_type3A_175 = arith.truncf %concatenate3A_174 : vector<256x6xf32> to vector<256x6xbf16>
    %dot_general3A_176 = arith.constant dense<0.000000e+00> : vector<256x64xf32>
    %dot_general3A_177 = tpu.matmul %convert_element_type3A_175, %convert_element_type3A_7, %dot_general3A_176 {dimension_numbers = #tpu.dot_dimension_numbers<[1], [0], [0], [1], [0, 0, 1, 1], [], []>, transpose_lhs_hint = false} : vector<256x6xbf16>, vector<6x64xbf16>, vector<256x64xf32> -> vector<256x64xf32>
    %max3A_178 = arith.maximumf %max3A_162, %dot_general3A_177 : vector<256x64xf32>
    %add3A_179 = arith.addf %add3A_163, %dot_general3A_177 : vector<256x64xf32>
    %mul3A_180 = arith.mulf %dot_general3A_177, %dot_general3A_177 : vector<256x64xf32>
    %add3A_181 = arith.addf %add3A_165, %mul3A_180 : vector<256x64xf32>
    %get3A_182 = arith.constant 11 : index
    %get3A_183 = arith.constant 0 : index
    %get3A_184 = arith.constant 0 : index
    %get3A_185 = vector.load %arg2[%get3A_182, %get3A_183, %get3A_184] : memref<20x256x128xf32, #tpu.memory_space<vmem>>, vector<1x256x128xf32>
    %get3A_186 = vector.shape_cast %get3A_185 : vector<1x256x128xf32> to vector<256x128xf32>
    %sub3A_187 = arith.subf %get3A_186, %get3A_3 : vector<256x128xf32>
    %slice3A_188 = vector.extract_strided_slice %sub3A_187 {offsets = [0, 0], sizes = [256, 3], strides = [1, 1]} : vector<256x128xf32> to vector<256x3xf32>
    %slice3A_189 = vector.extract_strided_slice %get3A_3 {offsets = [0, 0], sizes = [256, 3], strides = [1, 1]} : vector<256x128xf32> to vector<256x3xf32>
    %concatenate3A_190 = tpu.concatenate %slice3A_188, %slice3A_189 in 1 : vector<256x3xf32>, vector<256x3xf32> -> vector<256x6xf32>
    %convert_element_type3A_191 = arith.truncf %concatenate3A_190 : vector<256x6xf32> to vector<256x6xbf16>
    %dot_general3A_192 = arith.constant dense<0.000000e+00> : vector<256x64xf32>
    %dot_general3A_193 = tpu.matmul %convert_element_type3A_191, %convert_element_type3A_7, %dot_general3A_192 {dimension_numbers = #tpu.dot_dimension_numbers<[1], [0], [0], [1], [0, 0, 1, 1], [], []>, transpose_lhs_hint = false} : vector<256x6xbf16>, vector<6x64xbf16>, vector<256x64xf32> -> vector<256x64xf32>
    %max3A_194 = arith.maximumf %max3A_178, %dot_general3A_193 : vector<256x64xf32>
    %add3A_195 = arith.addf %add3A_179, %dot_general3A_193 : vector<256x64xf32>
    %mul3A_196 = arith.mulf %dot_general3A_193, %dot_general3A_193 : vector<256x64xf32>
    %add3A_197 = arith.addf %add3A_181, %mul3A_196 : vector<256x64xf32>
    %get3A_198 = arith.constant 12 : index
    %get3A_199 = arith.constant 0 : index
    %get3A_200 = arith.constant 0 : index
    %get3A_201 = vector.load %arg2[%get3A_198, %get3A_199, %get3A_200] : memref<20x256x128xf32, #tpu.memory_space<vmem>>, vector<1x256x128xf32>
    %get3A_202 = vector.shape_cast %get3A_201 : vector<1x256x128xf32> to vector<256x128xf32>
    %sub3A_203 = arith.subf %get3A_202, %get3A_3 : vector<256x128xf32>
    %slice3A_204 = vector.extract_strided_slice %sub3A_203 {offsets = [0, 0], sizes = [256, 3], strides = [1, 1]} : vector<256x128xf32> to vector<256x3xf32>
    %slice3A_205 = vector.extract_strided_slice %get3A_3 {offsets = [0, 0], sizes = [256, 3], strides = [1, 1]} : vector<256x128xf32> to vector<256x3xf32>
    %concatenate3A_206 = tpu.concatenate %slice3A_204, %slice3A_205 in 1 : vector<256x3xf32>, vector<256x3xf32> -> vector<256x6xf32>
    %convert_element_type3A_207 = arith.truncf %concatenate3A_206 : vector<256x6xf32> to vector<256x6xbf16>
    %dot_general3A_208 = arith.constant dense<0.000000e+00> : vector<256x64xf32>
    %dot_general3A_209 = tpu.matmul %convert_element_type3A_207, %convert_element_type3A_7, %dot_general3A_208 {dimension_numbers = #tpu.dot_dimension_numbers<[1], [0], [0], [1], [0, 0, 1, 1], [], []>, transpose_lhs_hint = false} : vector<256x6xbf16>, vector<6x64xbf16>, vector<256x64xf32> -> vector<256x64xf32>
    %max3A_210 = arith.maximumf %max3A_194, %dot_general3A_209 : vector<256x64xf32>
    %add3A_211 = arith.addf %add3A_195, %dot_general3A_209 : vector<256x64xf32>
    %mul3A_212 = arith.mulf %dot_general3A_209, %dot_general3A_209 : vector<256x64xf32>
    %add3A_213 = arith.addf %add3A_197, %mul3A_212 : vector<256x64xf32>
    %get3A_214 = arith.constant 13 : index
    %get3A_215 = arith.constant 0 : index
    %get3A_216 = arith.constant 0 : index
    %get3A_217 = vector.load %arg2[%get3A_214, %get3A_215, %get3A_216] : memref<20x256x128xf32, #tpu.memory_space<vmem>>, vector<1x256x128xf32>
    %get3A_218 = vector.shape_cast %get3A_217 : vector<1x256x128xf32> to vector<256x128xf32>
    %sub3A_219 = arith.subf %get3A_218, %get3A_3 : vector<256x128xf32>
    %slice3A_220 = vector.extract_strided_slice %sub3A_219 {offsets = [0, 0], sizes = [256, 3], strides = [1, 1]} : vector<256x128xf32> to vector<256x3xf32>
    %slice3A_221 = vector.extract_strided_slice %get3A_3 {offsets = [0, 0], sizes = [256, 3], strides = [1, 1]} : vector<256x128xf32> to vector<256x3xf32>
    %concatenate3A_222 = tpu.concatenate %slice3A_220, %slice3A_221 in 1 : vector<256x3xf32>, vector<256x3xf32> -> vector<256x6xf32>
    %convert_element_type3A_223 = arith.truncf %concatenate3A_222 : vector<256x6xf32> to vector<256x6xbf16>
    %dot_general3A_224 = arith.constant dense<0.000000e+00> : vector<256x64xf32>
    %dot_general3A_225 = tpu.matmul %convert_element_type3A_223, %convert_element_type3A_7, %dot_general3A_224 {dimension_numbers = #tpu.dot_dimension_numbers<[1], [0], [0], [1], [0, 0, 1, 1], [], []>, transpose_lhs_hint = false} : vector<256x6xbf16>, vector<6x64xbf16>, vector<256x64xf32> -> vector<256x64xf32>
    %max3A_226 = arith.maximumf %max3A_210, %dot_general3A_225 : vector<256x64xf32>
    %add3A_227 = arith.addf %add3A_211, %dot_general3A_225 : vector<256x64xf32>
    %mul3A_228 = arith.mulf %dot_general3A_225, %dot_general3A_225 : vector<256x64xf32>
    %add3A_229 = arith.addf %add3A_213, %mul3A_228 : vector<256x64xf32>
    %get3A_230 = arith.constant 14 : index
    %get3A_231 = arith.constant 0 : index
    %get3A_232 = arith.constant 0 : index
    %get3A_233 = vector.load %arg2[%get3A_230, %get3A_231, %get3A_232] : memref<20x256x128xf32, #tpu.memory_space<vmem>>, vector<1x256x128xf32>
    %get3A_234 = vector.shape_cast %get3A_233 : vector<1x256x128xf32> to vector<256x128xf32>
    %sub3A_235 = arith.subf %get3A_234, %get3A_3 : vector<256x128xf32>
    %slice3A_236 = vector.extract_strided_slice %sub3A_235 {offsets = [0, 0], sizes = [256, 3], strides = [1, 1]} : vector<256x128xf32> to vector<256x3xf32>
    %slice3A_237 = vector.extract_strided_slice %get3A_3 {offsets = [0, 0], sizes = [256, 3], strides = [1, 1]} : vector<256x128xf32> to vector<256x3xf32>
    %concatenate3A_238 = tpu.concatenate %slice3A_236, %slice3A_237 in 1 : vector<256x3xf32>, vector<256x3xf32> -> vector<256x6xf32>
    %convert_element_type3A_239 = arith.truncf %concatenate3A_238 : vector<256x6xf32> to vector<256x6xbf16>
    %dot_general3A_240 = arith.constant dense<0.000000e+00> : vector<256x64xf32>
    %dot_general3A_241 = tpu.matmul %convert_element_type3A_239, %convert_element_type3A_7, %dot_general3A_240 {dimension_numbers = #tpu.dot_dimension_numbers<[1], [0], [0], [1], [0, 0, 1, 1], [], []>, transpose_lhs_hint = false} : vector<256x6xbf16>, vector<6x64xbf16>, vector<256x64xf32> -> vector<256x64xf32>
    %max3A_242 = arith.maximumf %max3A_226, %dot_general3A_241 : vector<256x64xf32>
    %add3A_243 = arith.addf %add3A_227, %dot_general3A_241 : vector<256x64xf32>
    %mul3A_244 = arith.mulf %dot_general3A_241, %dot_general3A_241 : vector<256x64xf32>
    %add3A_245 = arith.addf %add3A_229, %mul3A_244 : vector<256x64xf32>
    %get3A_246 = arith.constant 15 : index
    %get3A_247 = arith.constant 0 : index
    %get3A_248 = arith.constant 0 : index
    %get3A_249 = vector.load %arg2[%get3A_246, %get3A_247, %get3A_248] : memref<20x256x128xf32, #tpu.memory_space<vmem>>, vector<1x256x128xf32>
    %get3A_250 = vector.shape_cast %get3A_249 : vector<1x256x128xf32> to vector<256x128xf32>
    %sub3A_251 = arith.subf %get3A_250, %get3A_3 : vector<256x128xf32>
    %slice3A_252 = vector.extract_strided_slice %sub3A_251 {offsets = [0, 0], sizes = [256, 3], strides = [1, 1]} : vector<256x128xf32> to vector<256x3xf32>
    %slice3A_253 = vector.extract_strided_slice %get3A_3 {offsets = [0, 0], sizes = [256, 3], strides = [1, 1]} : vector<256x128xf32> to vector<256x3xf32>
    %concatenate3A_254 = tpu.concatenate %slice3A_252, %slice3A_253 in 1 : vector<256x3xf32>, vector<256x3xf32> -> vector<256x6xf32>
    %convert_element_type3A_255 = arith.truncf %concatenate3A_254 : vector<256x6xf32> to vector<256x6xbf16>
    %dot_general3A_256 = arith.constant dense<0.000000e+00> : vector<256x64xf32>
    %dot_general3A_257 = tpu.matmul %convert_element_type3A_255, %convert_element_type3A_7, %dot_general3A_256 {dimension_numbers = #tpu.dot_dimension_numbers<[1], [0], [0], [1], [0, 0, 1, 1], [], []>, transpose_lhs_hint = false} : vector<256x6xbf16>, vector<6x64xbf16>, vector<256x64xf32> -> vector<256x64xf32>
    %max3A_258 = arith.maximumf %max3A_242, %dot_general3A_257 : vector<256x64xf32>
    %add3A_259 = arith.addf %add3A_243, %dot_general3A_257 : vector<256x64xf32>
    %mul3A_260 = arith.mulf %dot_general3A_257, %dot_general3A_257 : vector<256x64xf32>
    %add3A_261 = arith.addf %add3A_245, %mul3A_260 : vector<256x64xf32>
    %get3A_262 = arith.constant 16 : index
    %get3A_263 = arith.constant 0 : index
    %get3A_264 = arith.constant 0 : index
    %get3A_265 = vector.load %arg2[%get3A_262, %get3A_263, %get3A_264] : memref<20x256x128xf32, #tpu.memory_space<vmem>>, vector<1x256x128xf32>
    %get3A_266 = vector.shape_cast %get3A_265 : vector<1x256x128xf32> to vector<256x128xf32>
    %sub3A_267 = arith.subf %get3A_266, %get3A_3 : vector<256x128xf32>
    %slice3A_268 = vector.extract_strided_slice %sub3A_267 {offsets = [0, 0], sizes = [256, 3], strides = [1, 1]} : vector<256x128xf32> to vector<256x3xf32>
    %slice3A_269 = vector.extract_strided_slice %get3A_3 {offsets = [0, 0], sizes = [256, 3], strides = [1, 1]} : vector<256x128xf32> to vector<256x3xf32>
    %concatenate3A_270 = tpu.concatenate %slice3A_268, %slice3A_269 in 1 : vector<256x3xf32>, vector<256x3xf32> -> vector<256x6xf32>
    %convert_element_type3A_271 = arith.truncf %concatenate3A_270 : vector<256x6xf32> to vector<256x6xbf16>
    %dot_general3A_272 = arith.constant dense<0.000000e+00> : vector<256x64xf32>
    %dot_general3A_273 = tpu.matmul %convert_element_type3A_271, %convert_element_type3A_7, %dot_general3A_272 {dimension_numbers = #tpu.dot_dimension_numbers<[1], [0], [0], [1], [0, 0, 1, 1], [], []>, transpose_lhs_hint = false} : vector<256x6xbf16>, vector<6x64xbf16>, vector<256x64xf32> -> vector<256x64xf32>
    %max3A_274 = arith.maximumf %max3A_258, %dot_general3A_273 : vector<256x64xf32>
    %add3A_275 = arith.addf %add3A_259, %dot_general3A_273 : vector<256x64xf32>
    %mul3A_276 = arith.mulf %dot_general3A_273, %dot_general3A_273 : vector<256x64xf32>
    %add3A_277 = arith.addf %add3A_261, %mul3A_276 : vector<256x64xf32>
    %get3A_278 = arith.constant 17 : index
    %get3A_279 = arith.constant 0 : index
    %get3A_280 = arith.constant 0 : index
    %get3A_281 = vector.load %arg2[%get3A_278, %get3A_279, %get3A_280] : memref<20x256x128xf32, #tpu.memory_space<vmem>>, vector<1x256x128xf32>
    %get3A_282 = vector.shape_cast %get3A_281 : vector<1x256x128xf32> to vector<256x128xf32>
    %sub3A_283 = arith.subf %get3A_282, %get3A_3 : vector<256x128xf32>
    %slice3A_284 = vector.extract_strided_slice %sub3A_283 {offsets = [0, 0], sizes = [256, 3], strides = [1, 1]} : vector<256x128xf32> to vector<256x3xf32>
    %slice3A_285 = vector.extract_strided_slice %get3A_3 {offsets = [0, 0], sizes = [256, 3], strides = [1, 1]} : vector<256x128xf32> to vector<256x3xf32>
    %concatenate3A_286 = tpu.concatenate %slice3A_284, %slice3A_285 in 1 : vector<256x3xf32>, vector<256x3xf32> -> vector<256x6xf32>
    %convert_element_type3A_287 = arith.truncf %concatenate3A_286 : vector<256x6xf32> to vector<256x6xbf16>
    %dot_general3A_288 = arith.constant dense<0.000000e+00> : vector<256x64xf32>
    %dot_general3A_289 = tpu.matmul %convert_element_type3A_287, %convert_element_type3A_7, %dot_general3A_288 {dimension_numbers = #tpu.dot_dimension_numbers<[1], [0], [0], [1], [0, 0, 1, 1], [], []>, transpose_lhs_hint = false} : vector<256x6xbf16>, vector<6x64xbf16>, vector<256x64xf32> -> vector<256x64xf32>
    %max3A_290 = arith.maximumf %max3A_274, %dot_general3A_289 : vector<256x64xf32>
    %add3A_291 = arith.addf %add3A_275, %dot_general3A_289 : vector<256x64xf32>
    %mul3A_292 = arith.mulf %dot_general3A_289, %dot_general3A_289 : vector<256x64xf32>
    %add3A_293 = arith.addf %add3A_277, %mul3A_292 : vector<256x64xf32>
    %get3A_294 = arith.constant 18 : index
    %get3A_295 = arith.constant 0 : index
    %get3A_296 = arith.constant 0 : index
    %get3A_297 = vector.load %arg2[%get3A_294, %get3A_295, %get3A_296] : memref<20x256x128xf32, #tpu.memory_space<vmem>>, vector<1x256x128xf32>
    %get3A_298 = vector.shape_cast %get3A_297 : vector<1x256x128xf32> to vector<256x128xf32>
    %sub3A_299 = arith.subf %get3A_298, %get3A_3 : vector<256x128xf32>
    %slice3A_300 = vector.extract_strided_slice %sub3A_299 {offsets = [0, 0], sizes = [256, 3], strides = [1, 1]} : vector<256x128xf32> to vector<256x3xf32>
    %slice3A_301 = vector.extract_strided_slice %get3A_3 {offsets = [0, 0], sizes = [256, 3], strides = [1, 1]} : vector<256x128xf32> to vector<256x3xf32>
    %concatenate3A_302 = tpu.concatenate %slice3A_300, %slice3A_301 in 1 : vector<256x3xf32>, vector<256x3xf32> -> vector<256x6xf32>
    %convert_element_type3A_303 = arith.truncf %concatenate3A_302 : vector<256x6xf32> to vector<256x6xbf16>
    %dot_general3A_304 = arith.constant dense<0.000000e+00> : vector<256x64xf32>
    %dot_general3A_305 = tpu.matmul %convert_element_type3A_303, %convert_element_type3A_7, %dot_general3A_304 {dimension_numbers = #tpu.dot_dimension_numbers<[1], [0], [0], [1], [0, 0, 1, 1], [], []>, transpose_lhs_hint = false} : vector<256x6xbf16>, vector<6x64xbf16>, vector<256x64xf32> -> vector<256x64xf32>
    %max3A_306 = arith.maximumf %max3A_290, %dot_general3A_305 : vector<256x64xf32>
    %add3A_307 = arith.addf %add3A_291, %dot_general3A_305 : vector<256x64xf32>
    %mul3A_308 = arith.mulf %dot_general3A_305, %dot_general3A_305 : vector<256x64xf32>
    %add3A_309 = arith.addf %add3A_293, %mul3A_308 : vector<256x64xf32>
    %get3A_310 = arith.constant 19 : index
    %get3A_311 = arith.constant 0 : index
    %get3A_312 = arith.constant 0 : index
    %get3A_313 = vector.load %arg2[%get3A_310, %get3A_311, %get3A_312] : memref<20x256x128xf32, #tpu.memory_space<vmem>>, vector<1x256x128xf32>
    %get3A_314 = vector.shape_cast %get3A_313 : vector<1x256x128xf32> to vector<256x128xf32>
    %sub3A_315 = arith.subf %get3A_314, %get3A_3 : vector<256x128xf32>
    %slice3A_316 = vector.extract_strided_slice %sub3A_315 {offsets = [0, 0], sizes = [256, 3], strides = [1, 1]} : vector<256x128xf32> to vector<256x3xf32>
    %slice3A_317 = vector.extract_strided_slice %get3A_3 {offsets = [0, 0], sizes = [256, 3], strides = [1, 1]} : vector<256x128xf32> to vector<256x3xf32>
    %concatenate3A_318 = tpu.concatenate %slice3A_316, %slice3A_317 in 1 : vector<256x3xf32>, vector<256x3xf32> -> vector<256x6xf32>
    %convert_element_type3A_319 = arith.truncf %concatenate3A_318 : vector<256x6xf32> to vector<256x6xbf16>
    %dot_general3A_320 = arith.constant dense<0.000000e+00> : vector<256x64xf32>
    %dot_general3A_321 = tpu.matmul %convert_element_type3A_319, %convert_element_type3A_7, %dot_general3A_320 {dimension_numbers = #tpu.dot_dimension_numbers<[1], [0], [0], [1], [0, 0, 1, 1], [], []>, transpose_lhs_hint = false} : vector<256x6xbf16>, vector<6x64xbf16>, vector<256x64xf32> -> vector<256x64xf32>
    %max3A_322 = arith.maximumf %max3A_306, %dot_general3A_321 : vector<256x64xf32>
    %add3A_323 = arith.addf %add3A_307, %dot_general3A_321 : vector<256x64xf32>
    %mul3A_324 = arith.mulf %dot_general3A_321, %dot_general3A_321 : vector<256x64xf32>
    %add3A_325 = arith.addf %add3A_309, %mul3A_324 : vector<256x64xf32>
    %swap3A = arith.constant 0 : index
    %swap3A_326 = arith.constant 0 : index
    %swap3A_327 = vector.load %arg4[%swap3A, %swap3A_326] : memref<256x64xf32, #tpu.memory_space<vmem>>, vector<256x64xf32>
    tpu.vector_store %arg4[%swap3A, %swap3A_326], %max3A_322 {strides = array<i32>} : memref<256x64xf32, #tpu.memory_space<vmem>>, vector<256x64xf32>,
    %get3A_328 = arith.constant 0 : index
    %get3A_329 = arith.constant 0 : index
    %get3A_330 = vector.load %arg7[%get3A_328, %get3A_329] : memref<8x64xf32, #tpu.memory_space<vmem>>, vector<8x64xf32>
    %reduce_sum3A = arith.constant dense<0.000000e+00> : vector<64xf32>
    %reduce_sum3A_331 = vector.multi_reduction <add>, %add3A_323, %reduce_sum3A [0] : vector<256x64xf32> to vector<64xf32>
    %broadcast_in_dim3A_332 = vector.shape_cast %reduce_sum3A_331 : vector<64xf32> to vector<1x64xf32>
    %reduce_sum3A_333 = arith.constant dense<0.000000e+00> : vector<64xf32>
    %reduce_sum3A_334 = vector.multi_reduction <add>, %add3A_325, %reduce_sum3A_333 [0] : vector<256x64xf32> to vector<64xf32>
    %broadcast_in_dim3A_335 = vector.shape_cast %reduce_sum3A_334 : vector<64xf32> to vector<1x64xf32>
    %broadcast_in_dim3A_336 = arith.constant 0.000000e+00 : f32
    %broadcast_in_dim3A_337 = vector.broadcast %broadcast_in_dim3A_336 : f32 to vector<6x64xf32>
    %concatenate3A_338 = tpu.concatenate %broadcast_in_dim3A_332, %broadcast_in_dim3A_335, %broadcast_in_dim3A_337 in 0 : vector<1x64xf32>, vector<1x64xf32>, vector<6x64xf32> -> vector<8x64xf32>
    %add3A_339 = arith.addf %get3A_330, %concatenate3A_338 : vector<8x64xf32>
    %swap3A_340 = arith.constant 0 : index
    %swap3A_341 = arith.constant 0 : index
    %swap3A_342 = vector.load %arg7[%swap3A_340, %swap3A_341] : memref<8x64xf32, #tpu.memory_space<vmem>>, vector<8x64xf32>
    tpu.vector_store %arg7[%swap3A_340, %swap3A_341], %add3A_339 {strides = array<i32>} : memref<8x64xf32, #tpu.memory_space<vmem>>, vector<8x64xf32>,
    %eq3A_343 = arith.constant 127 : i32
    %eq3A_344 = arith.cmpi eq, %arg0, %eq3A_343 : i32
    %convert_element_type3A_345 = arith.extui %eq3A_344 : i1 to i32
    %cond3A_346 = arith.constant 0 : i32
    %cond3A_347 = arith.cmpi ne, %convert_element_type3A_345, %cond3A_346 : i32
    scf.if %cond3A_347 {
      %get3A_348 = arith.constant 0 : index
      %get3A_349 = arith.constant 0 : index
      %get3A_350 = vector.load %arg7[%get3A_348, %get3A_349] : memref<8x64xf32, #tpu.memory_space<vmem>>, vector<8x64xf32>
      %slice3A_351 = vector.extract_strided_slice %get3A_350 {offsets = [0, 0], sizes = [1, 64], strides = [1, 1]} : vector<8x64xf32> to vector<1x64xf32>
      %div3A = arith.constant 6.553600e+05 : f32
      %div3A_352 = vector.broadcast %div3A : f32 to vector<1x64xf32>
      %div3A_353 = arith.divf %slice3A_351, %div3A_352 : vector<1x64xf32>
      %slice3A_354 = vector.extract_strided_slice %get3A_350 {offsets = [1, 0], sizes = [1, 64], strides = [1, 1]} : vector<8x64xf32> to vector<1x64xf32>
      %div3A_355 = arith.constant 6.553600e+05 : f32
      %div3A_356 = vector.broadcast %div3A_355 : f32 to vector<1x64xf32>
      %div3A_357 = arith.divf %slice3A_354, %div3A_356 : vector<1x64xf32>
      %mul3A_358 = arith.mulf %div3A_353, %div3A_353 : vector<1x64xf32>
      %sub3A_359 = arith.subf %div3A_357, %mul3A_358 : vector<1x64xf32>
      %swap3A_360 = arith.constant 0 : index
      %swap3A_361 = arith.constant 0 : index
      %swap3A_362 = vector.load %arg5[%swap3A_360, %swap3A_361] : memref<1x64xf32, #tpu.memory_space<vmem>>, vector<1x64xf32>
      tpu.vector_store %arg5[%swap3A_360, %swap3A_361], %div3A_353 {strides = array<i32>} : memref<1x64xf32, #tpu.memory_space<vmem>>, vector<1x64xf32>,
      %add3A_363 = arith.constant 9.99999974E-6 : f32
      %add3A_364 = vector.broadcast %add3A_363 : f32 to vector<1x64xf32>
      %add3A_365 = arith.addf %sub3A_359, %add3A_364 : vector<1x64xf32>
      %sqrt3A = math.sqrt %add3A_365 : vector<1x64xf32>
      %swap3A_366 = arith.constant 0 : index
      %swap3A_367 = arith.constant 0 : index
      %swap3A_368 = vector.load %arg6[%swap3A_366, %swap3A_367] : memref<1x64xf32, #tpu.memory_space<vmem>>, vector<1x64xf32>
      tpu.vector_store %arg6[%swap3A_366, %swap3A_367], %sqrt3A {strides = array<i32>} : memref<1x64xf32, #tpu.memory_space<vmem>>, vector<1x64xf32>,
    } else {
    }
    return
  }
  func.func @transform_0(%arg0: i32) -> (i32, i32) {
    %c0_i32 = arith.constant 0 : i32
    %c0_i32_0 = arith.constant 0 : i32
    return %arg0, %c0_i32 : i32, i32
  }
  func.func @transform_1(%arg0: i32) -> (i32, i32, i32) {
    %c0_i32 = arith.constant 0 : i32
    %c0_i32_0 = arith.constant 0 : i32
    %c0_i32_1 = arith.constant 0 : i32
    return %c0_i32, %arg0, %c0_i32_0 : i32, i32, i32
  }
  func.func @transform_2(%arg0: i32) -> (i32, i32) {
    %c0_i32 = arith.constant 0 : i32
    %c0_i32_0 = arith.constant 0 : i32
    %c0_i32_1 = arith.constant 0 : i32
    return %c0_i32, %c0_i32_0 : i32, i32
  }
  func.func @transform_3(%arg0: i32) -> (i32, i32) {
    %c0_i32 = arith.constant 0 : i32
    %c0_i32_0 = arith.constant 0 : i32
    return %arg0, %c0_i32 : i32, i32
  }
  func.func @transform_4(%arg0: i32) -> (i32, i32) {
    %c0_i32 = arith.constant 0 : i32
    %c0_i32_0 = arith.constant 0 : i32
    %c0_i32_1 = arith.constant 0 : i32
    return %c0_i32, %c0_i32_0 : i32, i32
  }
  func.func @transform_5(%arg0: i32) -> (i32, i32) {
    %c0_i32 = arith.constant 0 : i32
    %c0_i32_0 = arith.constant 0 : i32
    %c0_i32_1 = arith.constant 0 : i32
    return %c0_i32, %c0_i32_0 : i32, i32
  }
}

module attributes {stable_mosaic.version = 14 : i64} {
  func.func @_combine_body(%arg0: i32, %arg1: memref<1024x64xf32, #tpu.memory_space<vmem>>, %arg2: memref<1x64xf32, #tpu.memory_space<vmem>>, %arg3: memref<1x64xf32, #tpu.memory_space<vmem>>, %arg4: memref<1x64xf32, #tpu.memory_space<vmem>>, %arg5: memref<1x64xf32, #tpu.memory_space<vmem>>, %arg6: memref<1024x128xf32, #tpu.memory_space<vmem>>) attributes {dimension_semantics = [#tpu.dimension_semantics<arbitrary>], iteration_bounds = array<i64: 32>, scalar_prefetch = 0 : i64, scratch_operands = 0 : i64, tpu.core_type = #tpu.core_type<tc>, window_params = [{transform_indices = @transform_0, window_bounds = array<i64: 1024, 64>}, {pipeline_mode = #tpu.pipeline_mode<synchronous>, transform_indices = @transform_1, window_bounds = array<i64: 1, 64>}, {pipeline_mode = #tpu.pipeline_mode<synchronous>, transform_indices = @transform_2, window_bounds = array<i64: 1, 64>}, {pipeline_mode = #tpu.pipeline_mode<synchronous>, transform_indices = @transform_3, window_bounds = array<i64: 1, 64>}, {pipeline_mode = #tpu.pipeline_mode<synchronous>, transform_indices = @transform_4, window_bounds = array<i64: 1, 64>}, {transform_indices = @transform_5, window_bounds = array<i64: 1024, 128>}]} {
    %get3A = arith.constant 0 : index
    %get3A_0 = arith.constant 0 : index
    %get3A_1 = vector.load %arg1[%get3A, %get3A_0] : memref<1024x64xf32, #tpu.memory_space<vmem>>, vector<1024x64xf32>
    %get3A_2 = arith.constant 0 : index
    %get3A_3 = arith.constant 0 : index
    %get3A_4 = vector.load %arg2[%get3A_2, %get3A_3] : memref<1x64xf32, #tpu.memory_space<vmem>>, vector<1x64xf32>
    %sub3A = vector.broadcast %get3A_4 : vector<1x64xf32> to vector<1024x64xf32>
    %sub3A_5 = arith.subf %get3A_1, %sub3A : vector<1024x64xf32>
    %get3A_6 = arith.constant 0 : index
    %get3A_7 = arith.constant 0 : index
    %get3A_8 = vector.load %arg3[%get3A_6, %get3A_7] : memref<1x64xf32, #tpu.memory_space<vmem>>, vector<1x64xf32>
    %div3A = vector.broadcast %get3A_8 : vector<1x64xf32> to vector<1024x64xf32>
    %div3A_9 = arith.divf %sub3A_5, %div3A : vector<1024x64xf32>
    %get3A_10 = arith.constant 0 : index
    %get3A_11 = arith.constant 0 : index
    %get3A_12 = vector.load %arg4[%get3A_10, %get3A_11] : memref<1x64xf32, #tpu.memory_space<vmem>>, vector<1x64xf32>
    %mul3A = vector.broadcast %get3A_12 : vector<1x64xf32> to vector<1024x64xf32>
    %mul3A_13 = arith.mulf %div3A_9, %mul3A : vector<1024x64xf32>
    %get3A_14 = arith.constant 0 : index
    %get3A_15 = arith.constant 0 : index
    %get3A_16 = vector.load %arg5[%get3A_14, %get3A_15] : memref<1x64xf32, #tpu.memory_space<vmem>>, vector<1x64xf32>
    %add3A = vector.broadcast %get3A_16 : vector<1x64xf32> to vector<1024x64xf32>
    %add3A_17 = arith.addf %mul3A_13, %add3A : vector<1024x64xf32>
    %ge3A = arith.constant 0.000000e+00 : f32
    %ge3A_18 = vector.broadcast %ge3A : f32 to vector<1024x64xf32>
    %ge3A_19 = arith.cmpf oge, %add3A_17, %ge3A_18 : vector<1024x64xf32>
    %mul3A_20 = arith.constant 2.000000e-01 : f32
    %mul3A_21 = vector.broadcast %mul3A_20 : f32 to vector<1024x64xf32>
    %mul3A_22 = arith.mulf %mul3A_21, %add3A_17 : vector<1024x64xf32>
    %select_n3A = arith.select %ge3A_19, %add3A_17, %mul3A_22 : vector<1024x64xi1>, vector<1024x64xf32>
    %broadcast_in_dim3A = arith.constant 0.000000e+00 : f32
    %broadcast_in_dim3A_23 = vector.broadcast %broadcast_in_dim3A : f32 to vector<1024x64xf32>
    %concatenate3A = tpu.concatenate %select_n3A, %broadcast_in_dim3A_23 in 1 : vector<1024x64xf32>, vector<1024x64xf32> -> vector<1024x128xf32>
    %swap3A = arith.constant 0 : index
    %swap3A_24 = arith.constant 0 : index
    %swap3A_25 = vector.load %arg6[%swap3A, %swap3A_24] : memref<1024x128xf32, #tpu.memory_space<vmem>>, vector<1024x128xf32>
    tpu.vector_store %arg6[%swap3A, %swap3A_24], %concatenate3A {strides = array<i32>} : memref<1024x128xf32, #tpu.memory_space<vmem>>, vector<1024x128xf32>,
    return
  }
  func.func @transform_0(%arg0: i32) -> (i32, i32) {
    %c0_i32 = arith.constant 0 : i32
    %c0_i32_0 = arith.constant 0 : i32
    return %arg0, %c0_i32 : i32, i32
  }
  func.func @transform_1(%arg0: i32) -> (i32, i32) {
    %c0_i32 = arith.constant 0 : i32
    %c0_i32_0 = arith.constant 0 : i32
    %c0_i32_1 = arith.constant 0 : i32
    return %c0_i32, %c0_i32_0 : i32, i32
  }
  func.func @transform_2(%arg0: i32) -> (i32, i32) {
    %c0_i32 = arith.constant 0 : i32
    %c0_i32_0 = arith.constant 0 : i32
    %c0_i32_1 = arith.constant 0 : i32
    return %c0_i32, %c0_i32_0 : i32, i32
  }
  func.func @transform_3(%arg0: i32) -> (i32, i32) {
    %c0_i32 = arith.constant 0 : i32
    %c0_i32_0 = arith.constant 0 : i32
    %c0_i32_1 = arith.constant 0 : i32
    return %c0_i32, %c0_i32_0 : i32, i32
  }
  func.func @transform_4(%arg0: i32) -> (i32, i32) {
    %c0_i32 = arith.constant 0 : i32
    %c0_i32_0 = arith.constant 0 : i32
    %c0_i32_1 = arith.constant 0 : i32
    return %c0_i32, %c0_i32_0 : i32, i32
  }
  func.func @transform_5(%arg0: i32) -> (i32, i32) {
    %c0_i32 = arith.constant 0 : i32
    %c0_i32_0 = arith.constant 0 : i32
    return %arg0, %c0_i32 : i32, i32
  }
}

module attributes {stable_mosaic.version = 14 : i64} {
  func.func @_econv_body(%arg0: i32, %arg1: memref<256x128xf32, #tpu.memory_space<vmem>>, %arg2: memref<20x256x128xf32, #tpu.memory_space<vmem>>, %arg3: memref<128x64xf32, #tpu.memory_space<vmem>>, %arg4: memref<256x64xf32, #tpu.memory_space<vmem>>, %arg5: memref<1x64xf32, #tpu.memory_space<vmem>>, %arg6: memref<1x64xf32, #tpu.memory_space<vmem>>, %arg7: memref<8x64xf32, #tpu.memory_space<vmem>>) attributes {dimension_semantics = [#tpu.dimension_semantics<arbitrary>], iteration_bounds = array<i64: 128>, scalar_prefetch = 0 : i64, scratch_operands = 1 : i64, tpu.core_type = #tpu.core_type<tc>, window_params = [{transform_indices = @transform_0, window_bounds = array<i64: 256, 128>}, {transform_indices = @transform_1, window_bounds = array<i64: 20, 256, 128>}, {pipeline_mode = #tpu.pipeline_mode<synchronous>, transform_indices = @transform_2, window_bounds = array<i64: 128, 64>}, {transform_indices = @transform_3, window_bounds = array<i64: 256, 64>}, {pipeline_mode = #tpu.pipeline_mode<synchronous>, transform_indices = @transform_4, window_bounds = array<i64: 1, 64>}, {pipeline_mode = #tpu.pipeline_mode<synchronous>, transform_indices = @transform_5, window_bounds = array<i64: 1, 64>}]} {
    %eq3A = arith.constant 0 : i32
    %eq3A_0 = arith.cmpi eq, %arg0, %eq3A : i32
    %convert_element_type3A = arith.extui %eq3A_0 : i1 to i32
    %cond3A = arith.constant 0 : i32
    %cond3A_1 = arith.cmpi ne, %convert_element_type3A, %cond3A : i32
    scf.if %cond3A_1 {
      %broadcast_in_dim3A_348 = arith.constant 0.000000e+00 : f32
      %broadcast_in_dim3A_349 = vector.broadcast %broadcast_in_dim3A_348 : f32 to vector<8x64xf32>
      %swap3A_350 = arith.constant 0 : index
      %swap3A_351 = arith.constant 0 : index
      %swap3A_352 = vector.load %arg7[%swap3A_350, %swap3A_351] : memref<8x64xf32, #tpu.memory_space<vmem>>, vector<8x64xf32>
      tpu.vector_store %arg7[%swap3A_350, %swap3A_351], %broadcast_in_dim3A_349 {strides = array<i32>} : memref<8x64xf32, #tpu.memory_space<vmem>>, vector<8x64xf32>,
    } else {
    }
    %get3A = arith.constant 0 : index
    %get3A_2 = arith.constant 0 : index
    %get3A_3 = vector.load %arg1[%get3A, %get3A_2] : memref<256x128xf32, #tpu.memory_space<vmem>>, vector<256x128xf32>
    %get3A_4 = arith.constant 0 : index
    %get3A_5 = arith.constant 0 : index
    %get3A_6 = vector.load %arg3[%get3A_4, %get3A_5] : memref<128x64xf32, #tpu.memory_space<vmem>>, vector<128x64xf32>
    %convert_element_type3A_7 = arith.truncf %get3A_6 : vector<128x64xf32> to vector<128x64xbf16>
    %broadcast_in_dim3A = arith.constant -3.000000e+38 : f32
    %broadcast_in_dim3A_8 = vector.broadcast %broadcast_in_dim3A : f32 to vector<256x64xf32>
    %broadcast_in_dim3A_9 = arith.constant 0.000000e+00 : f32
    %broadcast_in_dim3A_10 = vector.broadcast %broadcast_in_dim3A_9 : f32 to vector<256x64xf32>
    %broadcast_in_dim3A_11 = arith.constant 0.000000e+00 : f32
    %broadcast_in_dim3A_12 = vector.broadcast %broadcast_in_dim3A_11 : f32 to vector<256x64xf32>
    %get3A_13 = arith.constant 0 : index
    %get3A_14 = arith.constant 0 : index
    %get3A_15 = arith.constant 0 : index
    %get3A_16 = vector.load %arg2[%get3A_13, %get3A_14, %get3A_15] : memref<20x256x128xf32, #tpu.memory_space<vmem>>, vector<1x256x128xf32>
    %get3A_17 = vector.shape_cast %get3A_16 : vector<1x256x128xf32> to vector<256x128xf32>
    %sub3A = arith.subf %get3A_17, %get3A_3 : vector<256x128xf32>
    %slice3A = vector.extract_strided_slice %sub3A {offsets = [0, 0], sizes = [256, 64], strides = [1, 1]} : vector<256x128xf32> to vector<256x64xf32>
    %slice3A_18 = vector.extract_strided_slice %get3A_3 {offsets = [0, 0], sizes = [256, 64], strides = [1, 1]} : vector<256x128xf32> to vector<256x64xf32>
    %concatenate3A = tpu.concatenate %slice3A, %slice3A_18 in 1 : vector<256x64xf32>, vector<256x64xf32> -> vector<256x128xf32>
    %convert_element_type3A_19 = arith.truncf %concatenate3A : vector<256x128xf32> to vector<256x128xbf16>
    %dot_general3A = arith.constant dense<0.000000e+00> : vector<256x64xf32>
    %dot_general3A_20 = tpu.matmul %convert_element_type3A_19, %convert_element_type3A_7, %dot_general3A {dimension_numbers = #tpu.dot_dimension_numbers<[1], [0], [0], [1], [0, 0, 1, 1], [], []>, transpose_lhs_hint = false} : vector<256x128xbf16>, vector<128x64xbf16>, vector<256x64xf32> -> vector<256x64xf32>
    %max3A = arith.maximumf %broadcast_in_dim3A_8, %dot_general3A_20 : vector<256x64xf32>
    %add3A = arith.addf %broadcast_in_dim3A_10, %dot_general3A_20 : vector<256x64xf32>
    %mul3A = arith.mulf %dot_general3A_20, %dot_general3A_20 : vector<256x64xf32>
    %add3A_21 = arith.addf %broadcast_in_dim3A_12, %mul3A : vector<256x64xf32>
    %get3A_22 = arith.constant 1 : index
    %get3A_23 = arith.constant 0 : index
    %get3A_24 = arith.constant 0 : index
    %get3A_25 = vector.load %arg2[%get3A_22, %get3A_23, %get3A_24] : memref<20x256x128xf32, #tpu.memory_space<vmem>>, vector<1x256x128xf32>
    %get3A_26 = vector.shape_cast %get3A_25 : vector<1x256x128xf32> to vector<256x128xf32>
    %sub3A_27 = arith.subf %get3A_26, %get3A_3 : vector<256x128xf32>
    %slice3A_28 = vector.extract_strided_slice %sub3A_27 {offsets = [0, 0], sizes = [256, 64], strides = [1, 1]} : vector<256x128xf32> to vector<256x64xf32>
    %slice3A_29 = vector.extract_strided_slice %get3A_3 {offsets = [0, 0], sizes = [256, 64], strides = [1, 1]} : vector<256x128xf32> to vector<256x64xf32>
    %concatenate3A_30 = tpu.concatenate %slice3A_28, %slice3A_29 in 1 : vector<256x64xf32>, vector<256x64xf32> -> vector<256x128xf32>
    %convert_element_type3A_31 = arith.truncf %concatenate3A_30 : vector<256x128xf32> to vector<256x128xbf16>
    %dot_general3A_32 = arith.constant dense<0.000000e+00> : vector<256x64xf32>
    %dot_general3A_33 = tpu.matmul %convert_element_type3A_31, %convert_element_type3A_7, %dot_general3A_32 {dimension_numbers = #tpu.dot_dimension_numbers<[1], [0], [0], [1], [0, 0, 1, 1], [], []>, transpose_lhs_hint = false} : vector<256x128xbf16>, vector<128x64xbf16>, vector<256x64xf32> -> vector<256x64xf32>
    %max3A_34 = arith.maximumf %max3A, %dot_general3A_33 : vector<256x64xf32>
    %add3A_35 = arith.addf %add3A, %dot_general3A_33 : vector<256x64xf32>
    %mul3A_36 = arith.mulf %dot_general3A_33, %dot_general3A_33 : vector<256x64xf32>
    %add3A_37 = arith.addf %add3A_21, %mul3A_36 : vector<256x64xf32>
    %get3A_38 = arith.constant 2 : index
    %get3A_39 = arith.constant 0 : index
    %get3A_40 = arith.constant 0 : index
    %get3A_41 = vector.load %arg2[%get3A_38, %get3A_39, %get3A_40] : memref<20x256x128xf32, #tpu.memory_space<vmem>>, vector<1x256x128xf32>
    %get3A_42 = vector.shape_cast %get3A_41 : vector<1x256x128xf32> to vector<256x128xf32>
    %sub3A_43 = arith.subf %get3A_42, %get3A_3 : vector<256x128xf32>
    %slice3A_44 = vector.extract_strided_slice %sub3A_43 {offsets = [0, 0], sizes = [256, 64], strides = [1, 1]} : vector<256x128xf32> to vector<256x64xf32>
    %slice3A_45 = vector.extract_strided_slice %get3A_3 {offsets = [0, 0], sizes = [256, 64], strides = [1, 1]} : vector<256x128xf32> to vector<256x64xf32>
    %concatenate3A_46 = tpu.concatenate %slice3A_44, %slice3A_45 in 1 : vector<256x64xf32>, vector<256x64xf32> -> vector<256x128xf32>
    %convert_element_type3A_47 = arith.truncf %concatenate3A_46 : vector<256x128xf32> to vector<256x128xbf16>
    %dot_general3A_48 = arith.constant dense<0.000000e+00> : vector<256x64xf32>
    %dot_general3A_49 = tpu.matmul %convert_element_type3A_47, %convert_element_type3A_7, %dot_general3A_48 {dimension_numbers = #tpu.dot_dimension_numbers<[1], [0], [0], [1], [0, 0, 1, 1], [], []>, transpose_lhs_hint = false} : vector<256x128xbf16>, vector<128x64xbf16>, vector<256x64xf32> -> vector<256x64xf32>
    %max3A_50 = arith.maximumf %max3A_34, %dot_general3A_49 : vector<256x64xf32>
    %add3A_51 = arith.addf %add3A_35, %dot_general3A_49 : vector<256x64xf32>
    %mul3A_52 = arith.mulf %dot_general3A_49, %dot_general3A_49 : vector<256x64xf32>
    %add3A_53 = arith.addf %add3A_37, %mul3A_52 : vector<256x64xf32>
    %get3A_54 = arith.constant 3 : index
    %get3A_55 = arith.constant 0 : index
    %get3A_56 = arith.constant 0 : index
    %get3A_57 = vector.load %arg2[%get3A_54, %get3A_55, %get3A_56] : memref<20x256x128xf32, #tpu.memory_space<vmem>>, vector<1x256x128xf32>
    %get3A_58 = vector.shape_cast %get3A_57 : vector<1x256x128xf32> to vector<256x128xf32>
    %sub3A_59 = arith.subf %get3A_58, %get3A_3 : vector<256x128xf32>
    %slice3A_60 = vector.extract_strided_slice %sub3A_59 {offsets = [0, 0], sizes = [256, 64], strides = [1, 1]} : vector<256x128xf32> to vector<256x64xf32>
    %slice3A_61 = vector.extract_strided_slice %get3A_3 {offsets = [0, 0], sizes = [256, 64], strides = [1, 1]} : vector<256x128xf32> to vector<256x64xf32>
    %concatenate3A_62 = tpu.concatenate %slice3A_60, %slice3A_61 in 1 : vector<256x64xf32>, vector<256x64xf32> -> vector<256x128xf32>
    %convert_element_type3A_63 = arith.truncf %concatenate3A_62 : vector<256x128xf32> to vector<256x128xbf16>
    %dot_general3A_64 = arith.constant dense<0.000000e+00> : vector<256x64xf32>
    %dot_general3A_65 = tpu.matmul %convert_element_type3A_63, %convert_element_type3A_7, %dot_general3A_64 {dimension_numbers = #tpu.dot_dimension_numbers<[1], [0], [0], [1], [0, 0, 1, 1], [], []>, transpose_lhs_hint = false} : vector<256x128xbf16>, vector<128x64xbf16>, vector<256x64xf32> -> vector<256x64xf32>
    %max3A_66 = arith.maximumf %max3A_50, %dot_general3A_65 : vector<256x64xf32>
    %add3A_67 = arith.addf %add3A_51, %dot_general3A_65 : vector<256x64xf32>
    %mul3A_68 = arith.mulf %dot_general3A_65, %dot_general3A_65 : vector<256x64xf32>
    %add3A_69 = arith.addf %add3A_53, %mul3A_68 : vector<256x64xf32>
    %get3A_70 = arith.constant 4 : index
    %get3A_71 = arith.constant 0 : index
    %get3A_72 = arith.constant 0 : index
    %get3A_73 = vector.load %arg2[%get3A_70, %get3A_71, %get3A_72] : memref<20x256x128xf32, #tpu.memory_space<vmem>>, vector<1x256x128xf32>
    %get3A_74 = vector.shape_cast %get3A_73 : vector<1x256x128xf32> to vector<256x128xf32>
    %sub3A_75 = arith.subf %get3A_74, %get3A_3 : vector<256x128xf32>
    %slice3A_76 = vector.extract_strided_slice %sub3A_75 {offsets = [0, 0], sizes = [256, 64], strides = [1, 1]} : vector<256x128xf32> to vector<256x64xf32>
    %slice3A_77 = vector.extract_strided_slice %get3A_3 {offsets = [0, 0], sizes = [256, 64], strides = [1, 1]} : vector<256x128xf32> to vector<256x64xf32>
    %concatenate3A_78 = tpu.concatenate %slice3A_76, %slice3A_77 in 1 : vector<256x64xf32>, vector<256x64xf32> -> vector<256x128xf32>
    %convert_element_type3A_79 = arith.truncf %concatenate3A_78 : vector<256x128xf32> to vector<256x128xbf16>
    %dot_general3A_80 = arith.constant dense<0.000000e+00> : vector<256x64xf32>
    %dot_general3A_81 = tpu.matmul %convert_element_type3A_79, %convert_element_type3A_7, %dot_general3A_80 {dimension_numbers = #tpu.dot_dimension_numbers<[1], [0], [0], [1], [0, 0, 1, 1], [], []>, transpose_lhs_hint = false} : vector<256x128xbf16>, vector<128x64xbf16>, vector<256x64xf32> -> vector<256x64xf32>
    %max3A_82 = arith.maximumf %max3A_66, %dot_general3A_81 : vector<256x64xf32>
    %add3A_83 = arith.addf %add3A_67, %dot_general3A_81 : vector<256x64xf32>
    %mul3A_84 = arith.mulf %dot_general3A_81, %dot_general3A_81 : vector<256x64xf32>
    %add3A_85 = arith.addf %add3A_69, %mul3A_84 : vector<256x64xf32>
    %get3A_86 = arith.constant 5 : index
    %get3A_87 = arith.constant 0 : index
    %get3A_88 = arith.constant 0 : index
    %get3A_89 = vector.load %arg2[%get3A_86, %get3A_87, %get3A_88] : memref<20x256x128xf32, #tpu.memory_space<vmem>>, vector<1x256x128xf32>
    %get3A_90 = vector.shape_cast %get3A_89 : vector<1x256x128xf32> to vector<256x128xf32>
    %sub3A_91 = arith.subf %get3A_90, %get3A_3 : vector<256x128xf32>
    %slice3A_92 = vector.extract_strided_slice %sub3A_91 {offsets = [0, 0], sizes = [256, 64], strides = [1, 1]} : vector<256x128xf32> to vector<256x64xf32>
    %slice3A_93 = vector.extract_strided_slice %get3A_3 {offsets = [0, 0], sizes = [256, 64], strides = [1, 1]} : vector<256x128xf32> to vector<256x64xf32>
    %concatenate3A_94 = tpu.concatenate %slice3A_92, %slice3A_93 in 1 : vector<256x64xf32>, vector<256x64xf32> -> vector<256x128xf32>
    %convert_element_type3A_95 = arith.truncf %concatenate3A_94 : vector<256x128xf32> to vector<256x128xbf16>
    %dot_general3A_96 = arith.constant dense<0.000000e+00> : vector<256x64xf32>
    %dot_general3A_97 = tpu.matmul %convert_element_type3A_95, %convert_element_type3A_7, %dot_general3A_96 {dimension_numbers = #tpu.dot_dimension_numbers<[1], [0], [0], [1], [0, 0, 1, 1], [], []>, transpose_lhs_hint = false} : vector<256x128xbf16>, vector<128x64xbf16>, vector<256x64xf32> -> vector<256x64xf32>
    %max3A_98 = arith.maximumf %max3A_82, %dot_general3A_97 : vector<256x64xf32>
    %add3A_99 = arith.addf %add3A_83, %dot_general3A_97 : vector<256x64xf32>
    %mul3A_100 = arith.mulf %dot_general3A_97, %dot_general3A_97 : vector<256x64xf32>
    %add3A_101 = arith.addf %add3A_85, %mul3A_100 : vector<256x64xf32>
    %get3A_102 = arith.constant 6 : index
    %get3A_103 = arith.constant 0 : index
    %get3A_104 = arith.constant 0 : index
    %get3A_105 = vector.load %arg2[%get3A_102, %get3A_103, %get3A_104] : memref<20x256x128xf32, #tpu.memory_space<vmem>>, vector<1x256x128xf32>
    %get3A_106 = vector.shape_cast %get3A_105 : vector<1x256x128xf32> to vector<256x128xf32>
    %sub3A_107 = arith.subf %get3A_106, %get3A_3 : vector<256x128xf32>
    %slice3A_108 = vector.extract_strided_slice %sub3A_107 {offsets = [0, 0], sizes = [256, 64], strides = [1, 1]} : vector<256x128xf32> to vector<256x64xf32>
    %slice3A_109 = vector.extract_strided_slice %get3A_3 {offsets = [0, 0], sizes = [256, 64], strides = [1, 1]} : vector<256x128xf32> to vector<256x64xf32>
    %concatenate3A_110 = tpu.concatenate %slice3A_108, %slice3A_109 in 1 : vector<256x64xf32>, vector<256x64xf32> -> vector<256x128xf32>
    %convert_element_type3A_111 = arith.truncf %concatenate3A_110 : vector<256x128xf32> to vector<256x128xbf16>
    %dot_general3A_112 = arith.constant dense<0.000000e+00> : vector<256x64xf32>
    %dot_general3A_113 = tpu.matmul %convert_element_type3A_111, %convert_element_type3A_7, %dot_general3A_112 {dimension_numbers = #tpu.dot_dimension_numbers<[1], [0], [0], [1], [0, 0, 1, 1], [], []>, transpose_lhs_hint = false} : vector<256x128xbf16>, vector<128x64xbf16>, vector<256x64xf32> -> vector<256x64xf32>
    %max3A_114 = arith.maximumf %max3A_98, %dot_general3A_113 : vector<256x64xf32>
    %add3A_115 = arith.addf %add3A_99, %dot_general3A_113 : vector<256x64xf32>
    %mul3A_116 = arith.mulf %dot_general3A_113, %dot_general3A_113 : vector<256x64xf32>
    %add3A_117 = arith.addf %add3A_101, %mul3A_116 : vector<256x64xf32>
    %get3A_118 = arith.constant 7 : index
    %get3A_119 = arith.constant 0 : index
    %get3A_120 = arith.constant 0 : index
    %get3A_121 = vector.load %arg2[%get3A_118, %get3A_119, %get3A_120] : memref<20x256x128xf32, #tpu.memory_space<vmem>>, vector<1x256x128xf32>
    %get3A_122 = vector.shape_cast %get3A_121 : vector<1x256x128xf32> to vector<256x128xf32>
    %sub3A_123 = arith.subf %get3A_122, %get3A_3 : vector<256x128xf32>
    %slice3A_124 = vector.extract_strided_slice %sub3A_123 {offsets = [0, 0], sizes = [256, 64], strides = [1, 1]} : vector<256x128xf32> to vector<256x64xf32>
    %slice3A_125 = vector.extract_strided_slice %get3A_3 {offsets = [0, 0], sizes = [256, 64], strides = [1, 1]} : vector<256x128xf32> to vector<256x64xf32>
    %concatenate3A_126 = tpu.concatenate %slice3A_124, %slice3A_125 in 1 : vector<256x64xf32>, vector<256x64xf32> -> vector<256x128xf32>
    %convert_element_type3A_127 = arith.truncf %concatenate3A_126 : vector<256x128xf32> to vector<256x128xbf16>
    %dot_general3A_128 = arith.constant dense<0.000000e+00> : vector<256x64xf32>
    %dot_general3A_129 = tpu.matmul %convert_element_type3A_127, %convert_element_type3A_7, %dot_general3A_128 {dimension_numbers = #tpu.dot_dimension_numbers<[1], [0], [0], [1], [0, 0, 1, 1], [], []>, transpose_lhs_hint = false} : vector<256x128xbf16>, vector<128x64xbf16>, vector<256x64xf32> -> vector<256x64xf32>
    %max3A_130 = arith.maximumf %max3A_114, %dot_general3A_129 : vector<256x64xf32>
    %add3A_131 = arith.addf %add3A_115, %dot_general3A_129 : vector<256x64xf32>
    %mul3A_132 = arith.mulf %dot_general3A_129, %dot_general3A_129 : vector<256x64xf32>
    %add3A_133 = arith.addf %add3A_117, %mul3A_132 : vector<256x64xf32>
    %get3A_134 = arith.constant 8 : index
    %get3A_135 = arith.constant 0 : index
    %get3A_136 = arith.constant 0 : index
    %get3A_137 = vector.load %arg2[%get3A_134, %get3A_135, %get3A_136] : memref<20x256x128xf32, #tpu.memory_space<vmem>>, vector<1x256x128xf32>
    %get3A_138 = vector.shape_cast %get3A_137 : vector<1x256x128xf32> to vector<256x128xf32>
    %sub3A_139 = arith.subf %get3A_138, %get3A_3 : vector<256x128xf32>
    %slice3A_140 = vector.extract_strided_slice %sub3A_139 {offsets = [0, 0], sizes = [256, 64], strides = [1, 1]} : vector<256x128xf32> to vector<256x64xf32>
    %slice3A_141 = vector.extract_strided_slice %get3A_3 {offsets = [0, 0], sizes = [256, 64], strides = [1, 1]} : vector<256x128xf32> to vector<256x64xf32>
    %concatenate3A_142 = tpu.concatenate %slice3A_140, %slice3A_141 in 1 : vector<256x64xf32>, vector<256x64xf32> -> vector<256x128xf32>
    %convert_element_type3A_143 = arith.truncf %concatenate3A_142 : vector<256x128xf32> to vector<256x128xbf16>
    %dot_general3A_144 = arith.constant dense<0.000000e+00> : vector<256x64xf32>
    %dot_general3A_145 = tpu.matmul %convert_element_type3A_143, %convert_element_type3A_7, %dot_general3A_144 {dimension_numbers = #tpu.dot_dimension_numbers<[1], [0], [0], [1], [0, 0, 1, 1], [], []>, transpose_lhs_hint = false} : vector<256x128xbf16>, vector<128x64xbf16>, vector<256x64xf32> -> vector<256x64xf32>
    %max3A_146 = arith.maximumf %max3A_130, %dot_general3A_145 : vector<256x64xf32>
    %add3A_147 = arith.addf %add3A_131, %dot_general3A_145 : vector<256x64xf32>
    %mul3A_148 = arith.mulf %dot_general3A_145, %dot_general3A_145 : vector<256x64xf32>
    %add3A_149 = arith.addf %add3A_133, %mul3A_148 : vector<256x64xf32>
    %get3A_150 = arith.constant 9 : index
    %get3A_151 = arith.constant 0 : index
    %get3A_152 = arith.constant 0 : index
    %get3A_153 = vector.load %arg2[%get3A_150, %get3A_151, %get3A_152] : memref<20x256x128xf32, #tpu.memory_space<vmem>>, vector<1x256x128xf32>
    %get3A_154 = vector.shape_cast %get3A_153 : vector<1x256x128xf32> to vector<256x128xf32>
    %sub3A_155 = arith.subf %get3A_154, %get3A_3 : vector<256x128xf32>
    %slice3A_156 = vector.extract_strided_slice %sub3A_155 {offsets = [0, 0], sizes = [256, 64], strides = [1, 1]} : vector<256x128xf32> to vector<256x64xf32>
    %slice3A_157 = vector.extract_strided_slice %get3A_3 {offsets = [0, 0], sizes = [256, 64], strides = [1, 1]} : vector<256x128xf32> to vector<256x64xf32>
    %concatenate3A_158 = tpu.concatenate %slice3A_156, %slice3A_157 in 1 : vector<256x64xf32>, vector<256x64xf32> -> vector<256x128xf32>
    %convert_element_type3A_159 = arith.truncf %concatenate3A_158 : vector<256x128xf32> to vector<256x128xbf16>
    %dot_general3A_160 = arith.constant dense<0.000000e+00> : vector<256x64xf32>
    %dot_general3A_161 = tpu.matmul %convert_element_type3A_159, %convert_element_type3A_7, %dot_general3A_160 {dimension_numbers = #tpu.dot_dimension_numbers<[1], [0], [0], [1], [0, 0, 1, 1], [], []>, transpose_lhs_hint = false} : vector<256x128xbf16>, vector<128x64xbf16>, vector<256x64xf32> -> vector<256x64xf32>
    %max3A_162 = arith.maximumf %max3A_146, %dot_general3A_161 : vector<256x64xf32>
    %add3A_163 = arith.addf %add3A_147, %dot_general3A_161 : vector<256x64xf32>
    %mul3A_164 = arith.mulf %dot_general3A_161, %dot_general3A_161 : vector<256x64xf32>
    %add3A_165 = arith.addf %add3A_149, %mul3A_164 : vector<256x64xf32>
    %get3A_166 = arith.constant 10 : index
    %get3A_167 = arith.constant 0 : index
    %get3A_168 = arith.constant 0 : index
    %get3A_169 = vector.load %arg2[%get3A_166, %get3A_167, %get3A_168] : memref<20x256x128xf32, #tpu.memory_space<vmem>>, vector<1x256x128xf32>
    %get3A_170 = vector.shape_cast %get3A_169 : vector<1x256x128xf32> to vector<256x128xf32>
    %sub3A_171 = arith.subf %get3A_170, %get3A_3 : vector<256x128xf32>
    %slice3A_172 = vector.extract_strided_slice %sub3A_171 {offsets = [0, 0], sizes = [256, 64], strides = [1, 1]} : vector<256x128xf32> to vector<256x64xf32>
    %slice3A_173 = vector.extract_strided_slice %get3A_3 {offsets = [0, 0], sizes = [256, 64], strides = [1, 1]} : vector<256x128xf32> to vector<256x64xf32>
    %concatenate3A_174 = tpu.concatenate %slice3A_172, %slice3A_173 in 1 : vector<256x64xf32>, vector<256x64xf32> -> vector<256x128xf32>
    %convert_element_type3A_175 = arith.truncf %concatenate3A_174 : vector<256x128xf32> to vector<256x128xbf16>
    %dot_general3A_176 = arith.constant dense<0.000000e+00> : vector<256x64xf32>
    %dot_general3A_177 = tpu.matmul %convert_element_type3A_175, %convert_element_type3A_7, %dot_general3A_176 {dimension_numbers = #tpu.dot_dimension_numbers<[1], [0], [0], [1], [0, 0, 1, 1], [], []>, transpose_lhs_hint = false} : vector<256x128xbf16>, vector<128x64xbf16>, vector<256x64xf32> -> vector<256x64xf32>
    %max3A_178 = arith.maximumf %max3A_162, %dot_general3A_177 : vector<256x64xf32>
    %add3A_179 = arith.addf %add3A_163, %dot_general3A_177 : vector<256x64xf32>
    %mul3A_180 = arith.mulf %dot_general3A_177, %dot_general3A_177 : vector<256x64xf32>
    %add3A_181 = arith.addf %add3A_165, %mul3A_180 : vector<256x64xf32>
    %get3A_182 = arith.constant 11 : index
    %get3A_183 = arith.constant 0 : index
    %get3A_184 = arith.constant 0 : index
    %get3A_185 = vector.load %arg2[%get3A_182, %get3A_183, %get3A_184] : memref<20x256x128xf32, #tpu.memory_space<vmem>>, vector<1x256x128xf32>
    %get3A_186 = vector.shape_cast %get3A_185 : vector<1x256x128xf32> to vector<256x128xf32>
    %sub3A_187 = arith.subf %get3A_186, %get3A_3 : vector<256x128xf32>
    %slice3A_188 = vector.extract_strided_slice %sub3A_187 {offsets = [0, 0], sizes = [256, 64], strides = [1, 1]} : vector<256x128xf32> to vector<256x64xf32>
    %slice3A_189 = vector.extract_strided_slice %get3A_3 {offsets = [0, 0], sizes = [256, 64], strides = [1, 1]} : vector<256x128xf32> to vector<256x64xf32>
    %concatenate3A_190 = tpu.concatenate %slice3A_188, %slice3A_189 in 1 : vector<256x64xf32>, vector<256x64xf32> -> vector<256x128xf32>
    %convert_element_type3A_191 = arith.truncf %concatenate3A_190 : vector<256x128xf32> to vector<256x128xbf16>
    %dot_general3A_192 = arith.constant dense<0.000000e+00> : vector<256x64xf32>
    %dot_general3A_193 = tpu.matmul %convert_element_type3A_191, %convert_element_type3A_7, %dot_general3A_192 {dimension_numbers = #tpu.dot_dimension_numbers<[1], [0], [0], [1], [0, 0, 1, 1], [], []>, transpose_lhs_hint = false} : vector<256x128xbf16>, vector<128x64xbf16>, vector<256x64xf32> -> vector<256x64xf32>
    %max3A_194 = arith.maximumf %max3A_178, %dot_general3A_193 : vector<256x64xf32>
    %add3A_195 = arith.addf %add3A_179, %dot_general3A_193 : vector<256x64xf32>
    %mul3A_196 = arith.mulf %dot_general3A_193, %dot_general3A_193 : vector<256x64xf32>
    %add3A_197 = arith.addf %add3A_181, %mul3A_196 : vector<256x64xf32>
    %get3A_198 = arith.constant 12 : index
    %get3A_199 = arith.constant 0 : index
    %get3A_200 = arith.constant 0 : index
    %get3A_201 = vector.load %arg2[%get3A_198, %get3A_199, %get3A_200] : memref<20x256x128xf32, #tpu.memory_space<vmem>>, vector<1x256x128xf32>
    %get3A_202 = vector.shape_cast %get3A_201 : vector<1x256x128xf32> to vector<256x128xf32>
    %sub3A_203 = arith.subf %get3A_202, %get3A_3 : vector<256x128xf32>
    %slice3A_204 = vector.extract_strided_slice %sub3A_203 {offsets = [0, 0], sizes = [256, 64], strides = [1, 1]} : vector<256x128xf32> to vector<256x64xf32>
    %slice3A_205 = vector.extract_strided_slice %get3A_3 {offsets = [0, 0], sizes = [256, 64], strides = [1, 1]} : vector<256x128xf32> to vector<256x64xf32>
    %concatenate3A_206 = tpu.concatenate %slice3A_204, %slice3A_205 in 1 : vector<256x64xf32>, vector<256x64xf32> -> vector<256x128xf32>
    %convert_element_type3A_207 = arith.truncf %concatenate3A_206 : vector<256x128xf32> to vector<256x128xbf16>
    %dot_general3A_208 = arith.constant dense<0.000000e+00> : vector<256x64xf32>
    %dot_general3A_209 = tpu.matmul %convert_element_type3A_207, %convert_element_type3A_7, %dot_general3A_208 {dimension_numbers = #tpu.dot_dimension_numbers<[1], [0], [0], [1], [0, 0, 1, 1], [], []>, transpose_lhs_hint = false} : vector<256x128xbf16>, vector<128x64xbf16>, vector<256x64xf32> -> vector<256x64xf32>
    %max3A_210 = arith.maximumf %max3A_194, %dot_general3A_209 : vector<256x64xf32>
    %add3A_211 = arith.addf %add3A_195, %dot_general3A_209 : vector<256x64xf32>
    %mul3A_212 = arith.mulf %dot_general3A_209, %dot_general3A_209 : vector<256x64xf32>
    %add3A_213 = arith.addf %add3A_197, %mul3A_212 : vector<256x64xf32>
    %get3A_214 = arith.constant 13 : index
    %get3A_215 = arith.constant 0 : index
    %get3A_216 = arith.constant 0 : index
    %get3A_217 = vector.load %arg2[%get3A_214, %get3A_215, %get3A_216] : memref<20x256x128xf32, #tpu.memory_space<vmem>>, vector<1x256x128xf32>
    %get3A_218 = vector.shape_cast %get3A_217 : vector<1x256x128xf32> to vector<256x128xf32>
    %sub3A_219 = arith.subf %get3A_218, %get3A_3 : vector<256x128xf32>
    %slice3A_220 = vector.extract_strided_slice %sub3A_219 {offsets = [0, 0], sizes = [256, 64], strides = [1, 1]} : vector<256x128xf32> to vector<256x64xf32>
    %slice3A_221 = vector.extract_strided_slice %get3A_3 {offsets = [0, 0], sizes = [256, 64], strides = [1, 1]} : vector<256x128xf32> to vector<256x64xf32>
    %concatenate3A_222 = tpu.concatenate %slice3A_220, %slice3A_221 in 1 : vector<256x64xf32>, vector<256x64xf32> -> vector<256x128xf32>
    %convert_element_type3A_223 = arith.truncf %concatenate3A_222 : vector<256x128xf32> to vector<256x128xbf16>
    %dot_general3A_224 = arith.constant dense<0.000000e+00> : vector<256x64xf32>
    %dot_general3A_225 = tpu.matmul %convert_element_type3A_223, %convert_element_type3A_7, %dot_general3A_224 {dimension_numbers = #tpu.dot_dimension_numbers<[1], [0], [0], [1], [0, 0, 1, 1], [], []>, transpose_lhs_hint = false} : vector<256x128xbf16>, vector<128x64xbf16>, vector<256x64xf32> -> vector<256x64xf32>
    %max3A_226 = arith.maximumf %max3A_210, %dot_general3A_225 : vector<256x64xf32>
    %add3A_227 = arith.addf %add3A_211, %dot_general3A_225 : vector<256x64xf32>
    %mul3A_228 = arith.mulf %dot_general3A_225, %dot_general3A_225 : vector<256x64xf32>
    %add3A_229 = arith.addf %add3A_213, %mul3A_228 : vector<256x64xf32>
    %get3A_230 = arith.constant 14 : index
    %get3A_231 = arith.constant 0 : index
    %get3A_232 = arith.constant 0 : index
    %get3A_233 = vector.load %arg2[%get3A_230, %get3A_231, %get3A_232] : memref<20x256x128xf32, #tpu.memory_space<vmem>>, vector<1x256x128xf32>
    %get3A_234 = vector.shape_cast %get3A_233 : vector<1x256x128xf32> to vector<256x128xf32>
    %sub3A_235 = arith.subf %get3A_234, %get3A_3 : vector<256x128xf32>
    %slice3A_236 = vector.extract_strided_slice %sub3A_235 {offsets = [0, 0], sizes = [256, 64], strides = [1, 1]} : vector<256x128xf32> to vector<256x64xf32>
    %slice3A_237 = vector.extract_strided_slice %get3A_3 {offsets = [0, 0], sizes = [256, 64], strides = [1, 1]} : vector<256x128xf32> to vector<256x64xf32>
    %concatenate3A_238 = tpu.concatenate %slice3A_236, %slice3A_237 in 1 : vector<256x64xf32>, vector<256x64xf32> -> vector<256x128xf32>
    %convert_element_type3A_239 = arith.truncf %concatenate3A_238 : vector<256x128xf32> to vector<256x128xbf16>
    %dot_general3A_240 = arith.constant dense<0.000000e+00> : vector<256x64xf32>
    %dot_general3A_241 = tpu.matmul %convert_element_type3A_239, %convert_element_type3A_7, %dot_general3A_240 {dimension_numbers = #tpu.dot_dimension_numbers<[1], [0], [0], [1], [0, 0, 1, 1], [], []>, transpose_lhs_hint = false} : vector<256x128xbf16>, vector<128x64xbf16>, vector<256x64xf32> -> vector<256x64xf32>
    %max3A_242 = arith.maximumf %max3A_226, %dot_general3A_241 : vector<256x64xf32>
    %add3A_243 = arith.addf %add3A_227, %dot_general3A_241 : vector<256x64xf32>
    %mul3A_244 = arith.mulf %dot_general3A_241, %dot_general3A_241 : vector<256x64xf32>
    %add3A_245 = arith.addf %add3A_229, %mul3A_244 : vector<256x64xf32>
    %get3A_246 = arith.constant 15 : index
    %get3A_247 = arith.constant 0 : index
    %get3A_248 = arith.constant 0 : index
    %get3A_249 = vector.load %arg2[%get3A_246, %get3A_247, %get3A_248] : memref<20x256x128xf32, #tpu.memory_space<vmem>>, vector<1x256x128xf32>
    %get3A_250 = vector.shape_cast %get3A_249 : vector<1x256x128xf32> to vector<256x128xf32>
    %sub3A_251 = arith.subf %get3A_250, %get3A_3 : vector<256x128xf32>
    %slice3A_252 = vector.extract_strided_slice %sub3A_251 {offsets = [0, 0], sizes = [256, 64], strides = [1, 1]} : vector<256x128xf32> to vector<256x64xf32>
    %slice3A_253 = vector.extract_strided_slice %get3A_3 {offsets = [0, 0], sizes = [256, 64], strides = [1, 1]} : vector<256x128xf32> to vector<256x64xf32>
    %concatenate3A_254 = tpu.concatenate %slice3A_252, %slice3A_253 in 1 : vector<256x64xf32>, vector<256x64xf32> -> vector<256x128xf32>
    %convert_element_type3A_255 = arith.truncf %concatenate3A_254 : vector<256x128xf32> to vector<256x128xbf16>
    %dot_general3A_256 = arith.constant dense<0.000000e+00> : vector<256x64xf32>
    %dot_general3A_257 = tpu.matmul %convert_element_type3A_255, %convert_element_type3A_7, %dot_general3A_256 {dimension_numbers = #tpu.dot_dimension_numbers<[1], [0], [0], [1], [0, 0, 1, 1], [], []>, transpose_lhs_hint = false} : vector<256x128xbf16>, vector<128x64xbf16>, vector<256x64xf32> -> vector<256x64xf32>
    %max3A_258 = arith.maximumf %max3A_242, %dot_general3A_257 : vector<256x64xf32>
    %add3A_259 = arith.addf %add3A_243, %dot_general3A_257 : vector<256x64xf32>
    %mul3A_260 = arith.mulf %dot_general3A_257, %dot_general3A_257 : vector<256x64xf32>
    %add3A_261 = arith.addf %add3A_245, %mul3A_260 : vector<256x64xf32>
    %get3A_262 = arith.constant 16 : index
    %get3A_263 = arith.constant 0 : index
    %get3A_264 = arith.constant 0 : index
    %get3A_265 = vector.load %arg2[%get3A_262, %get3A_263, %get3A_264] : memref<20x256x128xf32, #tpu.memory_space<vmem>>, vector<1x256x128xf32>
    %get3A_266 = vector.shape_cast %get3A_265 : vector<1x256x128xf32> to vector<256x128xf32>
    %sub3A_267 = arith.subf %get3A_266, %get3A_3 : vector<256x128xf32>
    %slice3A_268 = vector.extract_strided_slice %sub3A_267 {offsets = [0, 0], sizes = [256, 64], strides = [1, 1]} : vector<256x128xf32> to vector<256x64xf32>
    %slice3A_269 = vector.extract_strided_slice %get3A_3 {offsets = [0, 0], sizes = [256, 64], strides = [1, 1]} : vector<256x128xf32> to vector<256x64xf32>
    %concatenate3A_270 = tpu.concatenate %slice3A_268, %slice3A_269 in 1 : vector<256x64xf32>, vector<256x64xf32> -> vector<256x128xf32>
    %convert_element_type3A_271 = arith.truncf %concatenate3A_270 : vector<256x128xf32> to vector<256x128xbf16>
    %dot_general3A_272 = arith.constant dense<0.000000e+00> : vector<256x64xf32>
    %dot_general3A_273 = tpu.matmul %convert_element_type3A_271, %convert_element_type3A_7, %dot_general3A_272 {dimension_numbers = #tpu.dot_dimension_numbers<[1], [0], [0], [1], [0, 0, 1, 1], [], []>, transpose_lhs_hint = false} : vector<256x128xbf16>, vector<128x64xbf16>, vector<256x64xf32> -> vector<256x64xf32>
    %max3A_274 = arith.maximumf %max3A_258, %dot_general3A_273 : vector<256x64xf32>
    %add3A_275 = arith.addf %add3A_259, %dot_general3A_273 : vector<256x64xf32>
    %mul3A_276 = arith.mulf %dot_general3A_273, %dot_general3A_273 : vector<256x64xf32>
    %add3A_277 = arith.addf %add3A_261, %mul3A_276 : vector<256x64xf32>
    %get3A_278 = arith.constant 17 : index
    %get3A_279 = arith.constant 0 : index
    %get3A_280 = arith.constant 0 : index
    %get3A_281 = vector.load %arg2[%get3A_278, %get3A_279, %get3A_280] : memref<20x256x128xf32, #tpu.memory_space<vmem>>, vector<1x256x128xf32>
    %get3A_282 = vector.shape_cast %get3A_281 : vector<1x256x128xf32> to vector<256x128xf32>
    %sub3A_283 = arith.subf %get3A_282, %get3A_3 : vector<256x128xf32>
    %slice3A_284 = vector.extract_strided_slice %sub3A_283 {offsets = [0, 0], sizes = [256, 64], strides = [1, 1]} : vector<256x128xf32> to vector<256x64xf32>
    %slice3A_285 = vector.extract_strided_slice %get3A_3 {offsets = [0, 0], sizes = [256, 64], strides = [1, 1]} : vector<256x128xf32> to vector<256x64xf32>
    %concatenate3A_286 = tpu.concatenate %slice3A_284, %slice3A_285 in 1 : vector<256x64xf32>, vector<256x64xf32> -> vector<256x128xf32>
    %convert_element_type3A_287 = arith.truncf %concatenate3A_286 : vector<256x128xf32> to vector<256x128xbf16>
    %dot_general3A_288 = arith.constant dense<0.000000e+00> : vector<256x64xf32>
    %dot_general3A_289 = tpu.matmul %convert_element_type3A_287, %convert_element_type3A_7, %dot_general3A_288 {dimension_numbers = #tpu.dot_dimension_numbers<[1], [0], [0], [1], [0, 0, 1, 1], [], []>, transpose_lhs_hint = false} : vector<256x128xbf16>, vector<128x64xbf16>, vector<256x64xf32> -> vector<256x64xf32>
    %max3A_290 = arith.maximumf %max3A_274, %dot_general3A_289 : vector<256x64xf32>
    %add3A_291 = arith.addf %add3A_275, %dot_general3A_289 : vector<256x64xf32>
    %mul3A_292 = arith.mulf %dot_general3A_289, %dot_general3A_289 : vector<256x64xf32>
    %add3A_293 = arith.addf %add3A_277, %mul3A_292 : vector<256x64xf32>
    %get3A_294 = arith.constant 18 : index
    %get3A_295 = arith.constant 0 : index
    %get3A_296 = arith.constant 0 : index
    %get3A_297 = vector.load %arg2[%get3A_294, %get3A_295, %get3A_296] : memref<20x256x128xf32, #tpu.memory_space<vmem>>, vector<1x256x128xf32>
    %get3A_298 = vector.shape_cast %get3A_297 : vector<1x256x128xf32> to vector<256x128xf32>
    %sub3A_299 = arith.subf %get3A_298, %get3A_3 : vector<256x128xf32>
    %slice3A_300 = vector.extract_strided_slice %sub3A_299 {offsets = [0, 0], sizes = [256, 64], strides = [1, 1]} : vector<256x128xf32> to vector<256x64xf32>
    %slice3A_301 = vector.extract_strided_slice %get3A_3 {offsets = [0, 0], sizes = [256, 64], strides = [1, 1]} : vector<256x128xf32> to vector<256x64xf32>
    %concatenate3A_302 = tpu.concatenate %slice3A_300, %slice3A_301 in 1 : vector<256x64xf32>, vector<256x64xf32> -> vector<256x128xf32>
    %convert_element_type3A_303 = arith.truncf %concatenate3A_302 : vector<256x128xf32> to vector<256x128xbf16>
    %dot_general3A_304 = arith.constant dense<0.000000e+00> : vector<256x64xf32>
    %dot_general3A_305 = tpu.matmul %convert_element_type3A_303, %convert_element_type3A_7, %dot_general3A_304 {dimension_numbers = #tpu.dot_dimension_numbers<[1], [0], [0], [1], [0, 0, 1, 1], [], []>, transpose_lhs_hint = false} : vector<256x128xbf16>, vector<128x64xbf16>, vector<256x64xf32> -> vector<256x64xf32>
    %max3A_306 = arith.maximumf %max3A_290, %dot_general3A_305 : vector<256x64xf32>
    %add3A_307 = arith.addf %add3A_291, %dot_general3A_305 : vector<256x64xf32>
    %mul3A_308 = arith.mulf %dot_general3A_305, %dot_general3A_305 : vector<256x64xf32>
    %add3A_309 = arith.addf %add3A_293, %mul3A_308 : vector<256x64xf32>
    %get3A_310 = arith.constant 19 : index
    %get3A_311 = arith.constant 0 : index
    %get3A_312 = arith.constant 0 : index
    %get3A_313 = vector.load %arg2[%get3A_310, %get3A_311, %get3A_312] : memref<20x256x128xf32, #tpu.memory_space<vmem>>, vector<1x256x128xf32>
    %get3A_314 = vector.shape_cast %get3A_313 : vector<1x256x128xf32> to vector<256x128xf32>
    %sub3A_315 = arith.subf %get3A_314, %get3A_3 : vector<256x128xf32>
    %slice3A_316 = vector.extract_strided_slice %sub3A_315 {offsets = [0, 0], sizes = [256, 64], strides = [1, 1]} : vector<256x128xf32> to vector<256x64xf32>
    %slice3A_317 = vector.extract_strided_slice %get3A_3 {offsets = [0, 0], sizes = [256, 64], strides = [1, 1]} : vector<256x128xf32> to vector<256x64xf32>
    %concatenate3A_318 = tpu.concatenate %slice3A_316, %slice3A_317 in 1 : vector<256x64xf32>, vector<256x64xf32> -> vector<256x128xf32>
    %convert_element_type3A_319 = arith.truncf %concatenate3A_318 : vector<256x128xf32> to vector<256x128xbf16>
    %dot_general3A_320 = arith.constant dense<0.000000e+00> : vector<256x64xf32>
    %dot_general3A_321 = tpu.matmul %convert_element_type3A_319, %convert_element_type3A_7, %dot_general3A_320 {dimension_numbers = #tpu.dot_dimension_numbers<[1], [0], [0], [1], [0, 0, 1, 1], [], []>, transpose_lhs_hint = false} : vector<256x128xbf16>, vector<128x64xbf16>, vector<256x64xf32> -> vector<256x64xf32>
    %max3A_322 = arith.maximumf %max3A_306, %dot_general3A_321 : vector<256x64xf32>
    %add3A_323 = arith.addf %add3A_307, %dot_general3A_321 : vector<256x64xf32>
    %mul3A_324 = arith.mulf %dot_general3A_321, %dot_general3A_321 : vector<256x64xf32>
    %add3A_325 = arith.addf %add3A_309, %mul3A_324 : vector<256x64xf32>
    %swap3A = arith.constant 0 : index
    %swap3A_326 = arith.constant 0 : index
    %swap3A_327 = vector.load %arg4[%swap3A, %swap3A_326] : memref<256x64xf32, #tpu.memory_space<vmem>>, vector<256x64xf32>
    tpu.vector_store %arg4[%swap3A, %swap3A_326], %max3A_322 {strides = array<i32>} : memref<256x64xf32, #tpu.memory_space<vmem>>, vector<256x64xf32>,
    %get3A_328 = arith.constant 0 : index
    %get3A_329 = arith.constant 0 : index
    %get3A_330 = vector.load %arg7[%get3A_328, %get3A_329] : memref<8x64xf32, #tpu.memory_space<vmem>>, vector<8x64xf32>
    %reduce_sum3A = arith.constant dense<0.000000e+00> : vector<64xf32>
    %reduce_sum3A_331 = vector.multi_reduction <add>, %add3A_323, %reduce_sum3A [0] : vector<256x64xf32> to vector<64xf32>
    %broadcast_in_dim3A_332 = vector.shape_cast %reduce_sum3A_331 : vector<64xf32> to vector<1x64xf32>
    %reduce_sum3A_333 = arith.constant dense<0.000000e+00> : vector<64xf32>
    %reduce_sum3A_334 = vector.multi_reduction <add>, %add3A_325, %reduce_sum3A_333 [0] : vector<256x64xf32> to vector<64xf32>
    %broadcast_in_dim3A_335 = vector.shape_cast %reduce_sum3A_334 : vector<64xf32> to vector<1x64xf32>
    %broadcast_in_dim3A_336 = arith.constant 0.000000e+00 : f32
    %broadcast_in_dim3A_337 = vector.broadcast %broadcast_in_dim3A_336 : f32 to vector<6x64xf32>
    %concatenate3A_338 = tpu.concatenate %broadcast_in_dim3A_332, %broadcast_in_dim3A_335, %broadcast_in_dim3A_337 in 0 : vector<1x64xf32>, vector<1x64xf32>, vector<6x64xf32> -> vector<8x64xf32>
    %add3A_339 = arith.addf %get3A_330, %concatenate3A_338 : vector<8x64xf32>
    %swap3A_340 = arith.constant 0 : index
    %swap3A_341 = arith.constant 0 : index
    %swap3A_342 = vector.load %arg7[%swap3A_340, %swap3A_341] : memref<8x64xf32, #tpu.memory_space<vmem>>, vector<8x64xf32>
    tpu.vector_store %arg7[%swap3A_340, %swap3A_341], %add3A_339 {strides = array<i32>} : memref<8x64xf32, #tpu.memory_space<vmem>>, vector<8x64xf32>,
    %eq3A_343 = arith.constant 127 : i32
    %eq3A_344 = arith.cmpi eq, %arg0, %eq3A_343 : i32
    %convert_element_type3A_345 = arith.extui %eq3A_344 : i1 to i32
    %cond3A_346 = arith.constant 0 : i32
    %cond3A_347 = arith.cmpi ne, %convert_element_type3A_345, %cond3A_346 : i32
    scf.if %cond3A_347 {
      %get3A_348 = arith.constant 0 : index
      %get3A_349 = arith.constant 0 : index
      %get3A_350 = vector.load %arg7[%get3A_348, %get3A_349] : memref<8x64xf32, #tpu.memory_space<vmem>>, vector<8x64xf32>
      %slice3A_351 = vector.extract_strided_slice %get3A_350 {offsets = [0, 0], sizes = [1, 64], strides = [1, 1]} : vector<8x64xf32> to vector<1x64xf32>
      %div3A = arith.constant 6.553600e+05 : f32
      %div3A_352 = vector.broadcast %div3A : f32 to vector<1x64xf32>
      %div3A_353 = arith.divf %slice3A_351, %div3A_352 : vector<1x64xf32>
      %slice3A_354 = vector.extract_strided_slice %get3A_350 {offsets = [1, 0], sizes = [1, 64], strides = [1, 1]} : vector<8x64xf32> to vector<1x64xf32>
      %div3A_355 = arith.constant 6.553600e+05 : f32
      %div3A_356 = vector.broadcast %div3A_355 : f32 to vector<1x64xf32>
      %div3A_357 = arith.divf %slice3A_354, %div3A_356 : vector<1x64xf32>
      %mul3A_358 = arith.mulf %div3A_353, %div3A_353 : vector<1x64xf32>
      %sub3A_359 = arith.subf %div3A_357, %mul3A_358 : vector<1x64xf32>
      %swap3A_360 = arith.constant 0 : index
      %swap3A_361 = arith.constant 0 : index
      %swap3A_362 = vector.load %arg5[%swap3A_360, %swap3A_361] : memref<1x64xf32, #tpu.memory_space<vmem>>, vector<1x64xf32>
      tpu.vector_store %arg5[%swap3A_360, %swap3A_361], %div3A_353 {strides = array<i32>} : memref<1x64xf32, #tpu.memory_space<vmem>>, vector<1x64xf32>,
      %add3A_363 = arith.constant 9.99999974E-6 : f32
      %add3A_364 = vector.broadcast %add3A_363 : f32 to vector<1x64xf32>
      %add3A_365 = arith.addf %sub3A_359, %add3A_364 : vector<1x64xf32>
      %sqrt3A = math.sqrt %add3A_365 : vector<1x64xf32>
      %swap3A_366 = arith.constant 0 : index
      %swap3A_367 = arith.constant 0 : index
      %swap3A_368 = vector.load %arg6[%swap3A_366, %swap3A_367] : memref<1x64xf32, #tpu.memory_space<vmem>>, vector<1x64xf32>
      tpu.vector_store %arg6[%swap3A_366, %swap3A_367], %sqrt3A {strides = array<i32>} : memref<1x64xf32, #tpu.memory_space<vmem>>, vector<1x64xf32>,
    } else {
    }
    return
  }
  func.func @transform_0(%arg0: i32) -> (i32, i32) {
    %c0_i32 = arith.constant 0 : i32
    %c0_i32_0 = arith.constant 0 : i32
    return %arg0, %c0_i32 : i32, i32
  }
  func.func @transform_1(%arg0: i32) -> (i32, i32, i32) {
    %c0_i32 = arith.constant 0 : i32
    %c0_i32_0 = arith.constant 0 : i32
    %c0_i32_1 = arith.constant 0 : i32
    return %c0_i32, %arg0, %c0_i32_0 : i32, i32, i32
  }
  func.func @transform_2(%arg0: i32) -> (i32, i32) {
    %c0_i32 = arith.constant 0 : i32
    %c0_i32_0 = arith.constant 0 : i32
    %c0_i32_1 = arith.constant 0 : i32
    return %c0_i32, %c0_i32_0 : i32, i32
  }
  func.func @transform_3(%arg0: i32) -> (i32, i32) {
    %c0_i32 = arith.constant 0 : i32
    %c0_i32_0 = arith.constant 0 : i32
    return %arg0, %c0_i32 : i32, i32
  }
  func.func @transform_4(%arg0: i32) -> (i32, i32) {
    %c0_i32 = arith.constant 0 : i32
    %c0_i32_0 = arith.constant 0 : i32
    %c0_i32_1 = arith.constant 0 : i32
    return %c0_i32, %c0_i32_0 : i32, i32
  }
  func.func @transform_5(%arg0: i32) -> (i32, i32) {
    %c0_i32 = arith.constant 0 : i32
    %c0_i32_0 = arith.constant 0 : i32
    %c0_i32_1 = arith.constant 0 : i32
    return %c0_i32, %c0_i32_0 : i32, i32
  }
}

module attributes {stable_mosaic.version = 14 : i64} {
  func.func @_econv_body(%arg0: i32, %arg1: memref<256x128xf32, #tpu.memory_space<vmem>>, %arg2: memref<20x256x128xf32, #tpu.memory_space<vmem>>, %arg3: memref<128x128xf32, #tpu.memory_space<vmem>>, %arg4: memref<256x128xf32, #tpu.memory_space<vmem>>, %arg5: memref<1x128xf32, #tpu.memory_space<vmem>>, %arg6: memref<1x128xf32, #tpu.memory_space<vmem>>, %arg7: memref<8x128xf32, #tpu.memory_space<vmem>>) attributes {dimension_semantics = [#tpu.dimension_semantics<arbitrary>], iteration_bounds = array<i64: 128>, scalar_prefetch = 0 : i64, scratch_operands = 1 : i64, tpu.core_type = #tpu.core_type<tc>, window_params = [{transform_indices = @transform_0, window_bounds = array<i64: 256, 128>}, {transform_indices = @transform_1, window_bounds = array<i64: 20, 256, 128>}, {pipeline_mode = #tpu.pipeline_mode<synchronous>, transform_indices = @transform_2, window_bounds = array<i64: 128, 128>}, {transform_indices = @transform_3, window_bounds = array<i64: 256, 128>}, {pipeline_mode = #tpu.pipeline_mode<synchronous>, transform_indices = @transform_4, window_bounds = array<i64: 1, 128>}, {pipeline_mode = #tpu.pipeline_mode<synchronous>, transform_indices = @transform_5, window_bounds = array<i64: 1, 128>}]} {
    %eq3A = arith.constant 0 : i32
    %eq3A_0 = arith.cmpi eq, %arg0, %eq3A : i32
    %convert_element_type3A = arith.extui %eq3A_0 : i1 to i32
    %cond3A = arith.constant 0 : i32
    %cond3A_1 = arith.cmpi ne, %convert_element_type3A, %cond3A : i32
    scf.if %cond3A_1 {
      %broadcast_in_dim3A_348 = arith.constant 0.000000e+00 : f32
      %broadcast_in_dim3A_349 = vector.broadcast %broadcast_in_dim3A_348 : f32 to vector<8x128xf32>
      %swap3A_350 = arith.constant 0 : index
      %swap3A_351 = arith.constant 0 : index
      %swap3A_352 = vector.load %arg7[%swap3A_350, %swap3A_351] : memref<8x128xf32, #tpu.memory_space<vmem>>, vector<8x128xf32>
      tpu.vector_store %arg7[%swap3A_350, %swap3A_351], %broadcast_in_dim3A_349 {strides = array<i32>} : memref<8x128xf32, #tpu.memory_space<vmem>>, vector<8x128xf32>,
    } else {
    }
    %get3A = arith.constant 0 : index
    %get3A_2 = arith.constant 0 : index
    %get3A_3 = vector.load %arg1[%get3A, %get3A_2] : memref<256x128xf32, #tpu.memory_space<vmem>>, vector<256x128xf32>
    %get3A_4 = arith.constant 0 : index
    %get3A_5 = arith.constant 0 : index
    %get3A_6 = vector.load %arg3[%get3A_4, %get3A_5] : memref<128x128xf32, #tpu.memory_space<vmem>>, vector<128x128xf32>
    %convert_element_type3A_7 = arith.truncf %get3A_6 : vector<128x128xf32> to vector<128x128xbf16>
    %broadcast_in_dim3A = arith.constant -3.000000e+38 : f32
    %broadcast_in_dim3A_8 = vector.broadcast %broadcast_in_dim3A : f32 to vector<256x128xf32>
    %broadcast_in_dim3A_9 = arith.constant 0.000000e+00 : f32
    %broadcast_in_dim3A_10 = vector.broadcast %broadcast_in_dim3A_9 : f32 to vector<256x128xf32>
    %broadcast_in_dim3A_11 = arith.constant 0.000000e+00 : f32
    %broadcast_in_dim3A_12 = vector.broadcast %broadcast_in_dim3A_11 : f32 to vector<256x128xf32>
    %get3A_13 = arith.constant 0 : index
    %get3A_14 = arith.constant 0 : index
    %get3A_15 = arith.constant 0 : index
    %get3A_16 = vector.load %arg2[%get3A_13, %get3A_14, %get3A_15] : memref<20x256x128xf32, #tpu.memory_space<vmem>>, vector<1x256x128xf32>
    %get3A_17 = vector.shape_cast %get3A_16 : vector<1x256x128xf32> to vector<256x128xf32>
    %sub3A = arith.subf %get3A_17, %get3A_3 : vector<256x128xf32>
    %slice3A = vector.extract_strided_slice %sub3A {offsets = [0, 0], sizes = [256, 64], strides = [1, 1]} : vector<256x128xf32> to vector<256x64xf32>
    %slice3A_18 = vector.extract_strided_slice %get3A_3 {offsets = [0, 0], sizes = [256, 64], strides = [1, 1]} : vector<256x128xf32> to vector<256x64xf32>
    %concatenate3A = tpu.concatenate %slice3A, %slice3A_18 in 1 : vector<256x64xf32>, vector<256x64xf32> -> vector<256x128xf32>
    %convert_element_type3A_19 = arith.truncf %concatenate3A : vector<256x128xf32> to vector<256x128xbf16>
    %dot_general3A = arith.constant dense<0.000000e+00> : vector<256x128xf32>
    %dot_general3A_20 = tpu.matmul %convert_element_type3A_19, %convert_element_type3A_7, %dot_general3A {dimension_numbers = #tpu.dot_dimension_numbers<[1], [0], [0], [1], [0, 0, 1, 1], [], []>, transpose_lhs_hint = false} : vector<256x128xbf16>, vector<128x128xbf16>, vector<256x128xf32> -> vector<256x128xf32>
    %max3A = arith.maximumf %broadcast_in_dim3A_8, %dot_general3A_20 : vector<256x128xf32>
    %add3A = arith.addf %broadcast_in_dim3A_10, %dot_general3A_20 : vector<256x128xf32>
    %mul3A = arith.mulf %dot_general3A_20, %dot_general3A_20 : vector<256x128xf32>
    %add3A_21 = arith.addf %broadcast_in_dim3A_12, %mul3A : vector<256x128xf32>
    %get3A_22 = arith.constant 1 : index
    %get3A_23 = arith.constant 0 : index
    %get3A_24 = arith.constant 0 : index
    %get3A_25 = vector.load %arg2[%get3A_22, %get3A_23, %get3A_24] : memref<20x256x128xf32, #tpu.memory_space<vmem>>, vector<1x256x128xf32>
    %get3A_26 = vector.shape_cast %get3A_25 : vector<1x256x128xf32> to vector<256x128xf32>
    %sub3A_27 = arith.subf %get3A_26, %get3A_3 : vector<256x128xf32>
    %slice3A_28 = vector.extract_strided_slice %sub3A_27 {offsets = [0, 0], sizes = [256, 64], strides = [1, 1]} : vector<256x128xf32> to vector<256x64xf32>
    %slice3A_29 = vector.extract_strided_slice %get3A_3 {offsets = [0, 0], sizes = [256, 64], strides = [1, 1]} : vector<256x128xf32> to vector<256x64xf32>
    %concatenate3A_30 = tpu.concatenate %slice3A_28, %slice3A_29 in 1 : vector<256x64xf32>, vector<256x64xf32> -> vector<256x128xf32>
    %convert_element_type3A_31 = arith.truncf %concatenate3A_30 : vector<256x128xf32> to vector<256x128xbf16>
    %dot_general3A_32 = arith.constant dense<0.000000e+00> : vector<256x128xf32>
    %dot_general3A_33 = tpu.matmul %convert_element_type3A_31, %convert_element_type3A_7, %dot_general3A_32 {dimension_numbers = #tpu.dot_dimension_numbers<[1], [0], [0], [1], [0, 0, 1, 1], [], []>, transpose_lhs_hint = false} : vector<256x128xbf16>, vector<128x128xbf16>, vector<256x128xf32> -> vector<256x128xf32>
    %max3A_34 = arith.maximumf %max3A, %dot_general3A_33 : vector<256x128xf32>
    %add3A_35 = arith.addf %add3A, %dot_general3A_33 : vector<256x128xf32>
    %mul3A_36 = arith.mulf %dot_general3A_33, %dot_general3A_33 : vector<256x128xf32>
    %add3A_37 = arith.addf %add3A_21, %mul3A_36 : vector<256x128xf32>
    %get3A_38 = arith.constant 2 : index
    %get3A_39 = arith.constant 0 : index
    %get3A_40 = arith.constant 0 : index
    %get3A_41 = vector.load %arg2[%get3A_38, %get3A_39, %get3A_40] : memref<20x256x128xf32, #tpu.memory_space<vmem>>, vector<1x256x128xf32>
    %get3A_42 = vector.shape_cast %get3A_41 : vector<1x256x128xf32> to vector<256x128xf32>
    %sub3A_43 = arith.subf %get3A_42, %get3A_3 : vector<256x128xf32>
    %slice3A_44 = vector.extract_strided_slice %sub3A_43 {offsets = [0, 0], sizes = [256, 64], strides = [1, 1]} : vector<256x128xf32> to vector<256x64xf32>
    %slice3A_45 = vector.extract_strided_slice %get3A_3 {offsets = [0, 0], sizes = [256, 64], strides = [1, 1]} : vector<256x128xf32> to vector<256x64xf32>
    %concatenate3A_46 = tpu.concatenate %slice3A_44, %slice3A_45 in 1 : vector<256x64xf32>, vector<256x64xf32> -> vector<256x128xf32>
    %convert_element_type3A_47 = arith.truncf %concatenate3A_46 : vector<256x128xf32> to vector<256x128xbf16>
    %dot_general3A_48 = arith.constant dense<0.000000e+00> : vector<256x128xf32>
    %dot_general3A_49 = tpu.matmul %convert_element_type3A_47, %convert_element_type3A_7, %dot_general3A_48 {dimension_numbers = #tpu.dot_dimension_numbers<[1], [0], [0], [1], [0, 0, 1, 1], [], []>, transpose_lhs_hint = false} : vector<256x128xbf16>, vector<128x128xbf16>, vector<256x128xf32> -> vector<256x128xf32>
    %max3A_50 = arith.maximumf %max3A_34, %dot_general3A_49 : vector<256x128xf32>
    %add3A_51 = arith.addf %add3A_35, %dot_general3A_49 : vector<256x128xf32>
    %mul3A_52 = arith.mulf %dot_general3A_49, %dot_general3A_49 : vector<256x128xf32>
    %add3A_53 = arith.addf %add3A_37, %mul3A_52 : vector<256x128xf32>
    %get3A_54 = arith.constant 3 : index
    %get3A_55 = arith.constant 0 : index
    %get3A_56 = arith.constant 0 : index
    %get3A_57 = vector.load %arg2[%get3A_54, %get3A_55, %get3A_56] : memref<20x256x128xf32, #tpu.memory_space<vmem>>, vector<1x256x128xf32>
    %get3A_58 = vector.shape_cast %get3A_57 : vector<1x256x128xf32> to vector<256x128xf32>
    %sub3A_59 = arith.subf %get3A_58, %get3A_3 : vector<256x128xf32>
    %slice3A_60 = vector.extract_strided_slice %sub3A_59 {offsets = [0, 0], sizes = [256, 64], strides = [1, 1]} : vector<256x128xf32> to vector<256x64xf32>
    %slice3A_61 = vector.extract_strided_slice %get3A_3 {offsets = [0, 0], sizes = [256, 64], strides = [1, 1]} : vector<256x128xf32> to vector<256x64xf32>
    %concatenate3A_62 = tpu.concatenate %slice3A_60, %slice3A_61 in 1 : vector<256x64xf32>, vector<256x64xf32> -> vector<256x128xf32>
    %convert_element_type3A_63 = arith.truncf %concatenate3A_62 : vector<256x128xf32> to vector<256x128xbf16>
    %dot_general3A_64 = arith.constant dense<0.000000e+00> : vector<256x128xf32>
    %dot_general3A_65 = tpu.matmul %convert_element_type3A_63, %convert_element_type3A_7, %dot_general3A_64 {dimension_numbers = #tpu.dot_dimension_numbers<[1], [0], [0], [1], [0, 0, 1, 1], [], []>, transpose_lhs_hint = false} : vector<256x128xbf16>, vector<128x128xbf16>, vector<256x128xf32> -> vector<256x128xf32>
    %max3A_66 = arith.maximumf %max3A_50, %dot_general3A_65 : vector<256x128xf32>
    %add3A_67 = arith.addf %add3A_51, %dot_general3A_65 : vector<256x128xf32>
    %mul3A_68 = arith.mulf %dot_general3A_65, %dot_general3A_65 : vector<256x128xf32>
    %add3A_69 = arith.addf %add3A_53, %mul3A_68 : vector<256x128xf32>
    %get3A_70 = arith.constant 4 : index
    %get3A_71 = arith.constant 0 : index
    %get3A_72 = arith.constant 0 : index
    %get3A_73 = vector.load %arg2[%get3A_70, %get3A_71, %get3A_72] : memref<20x256x128xf32, #tpu.memory_space<vmem>>, vector<1x256x128xf32>
    %get3A_74 = vector.shape_cast %get3A_73 : vector<1x256x128xf32> to vector<256x128xf32>
    %sub3A_75 = arith.subf %get3A_74, %get3A_3 : vector<256x128xf32>
    %slice3A_76 = vector.extract_strided_slice %sub3A_75 {offsets = [0, 0], sizes = [256, 64], strides = [1, 1]} : vector<256x128xf32> to vector<256x64xf32>
    %slice3A_77 = vector.extract_strided_slice %get3A_3 {offsets = [0, 0], sizes = [256, 64], strides = [1, 1]} : vector<256x128xf32> to vector<256x64xf32>
    %concatenate3A_78 = tpu.concatenate %slice3A_76, %slice3A_77 in 1 : vector<256x64xf32>, vector<256x64xf32> -> vector<256x128xf32>
    %convert_element_type3A_79 = arith.truncf %concatenate3A_78 : vector<256x128xf32> to vector<256x128xbf16>
    %dot_general3A_80 = arith.constant dense<0.000000e+00> : vector<256x128xf32>
    %dot_general3A_81 = tpu.matmul %convert_element_type3A_79, %convert_element_type3A_7, %dot_general3A_80 {dimension_numbers = #tpu.dot_dimension_numbers<[1], [0], [0], [1], [0, 0, 1, 1], [], []>, transpose_lhs_hint = false} : vector<256x128xbf16>, vector<128x128xbf16>, vector<256x128xf32> -> vector<256x128xf32>
    %max3A_82 = arith.maximumf %max3A_66, %dot_general3A_81 : vector<256x128xf32>
    %add3A_83 = arith.addf %add3A_67, %dot_general3A_81 : vector<256x128xf32>
    %mul3A_84 = arith.mulf %dot_general3A_81, %dot_general3A_81 : vector<256x128xf32>
    %add3A_85 = arith.addf %add3A_69, %mul3A_84 : vector<256x128xf32>
    %get3A_86 = arith.constant 5 : index
    %get3A_87 = arith.constant 0 : index
    %get3A_88 = arith.constant 0 : index
    %get3A_89 = vector.load %arg2[%get3A_86, %get3A_87, %get3A_88] : memref<20x256x128xf32, #tpu.memory_space<vmem>>, vector<1x256x128xf32>
    %get3A_90 = vector.shape_cast %get3A_89 : vector<1x256x128xf32> to vector<256x128xf32>
    %sub3A_91 = arith.subf %get3A_90, %get3A_3 : vector<256x128xf32>
    %slice3A_92 = vector.extract_strided_slice %sub3A_91 {offsets = [0, 0], sizes = [256, 64], strides = [1, 1]} : vector<256x128xf32> to vector<256x64xf32>
    %slice3A_93 = vector.extract_strided_slice %get3A_3 {offsets = [0, 0], sizes = [256, 64], strides = [1, 1]} : vector<256x128xf32> to vector<256x64xf32>
    %concatenate3A_94 = tpu.concatenate %slice3A_92, %slice3A_93 in 1 : vector<256x64xf32>, vector<256x64xf32> -> vector<256x128xf32>
    %convert_element_type3A_95 = arith.truncf %concatenate3A_94 : vector<256x128xf32> to vector<256x128xbf16>
    %dot_general3A_96 = arith.constant dense<0.000000e+00> : vector<256x128xf32>
    %dot_general3A_97 = tpu.matmul %convert_element_type3A_95, %convert_element_type3A_7, %dot_general3A_96 {dimension_numbers = #tpu.dot_dimension_numbers<[1], [0], [0], [1], [0, 0, 1, 1], [], []>, transpose_lhs_hint = false} : vector<256x128xbf16>, vector<128x128xbf16>, vector<256x128xf32> -> vector<256x128xf32>
    %max3A_98 = arith.maximumf %max3A_82, %dot_general3A_97 : vector<256x128xf32>
    %add3A_99 = arith.addf %add3A_83, %dot_general3A_97 : vector<256x128xf32>
    %mul3A_100 = arith.mulf %dot_general3A_97, %dot_general3A_97 : vector<256x128xf32>
    %add3A_101 = arith.addf %add3A_85, %mul3A_100 : vector<256x128xf32>
    %get3A_102 = arith.constant 6 : index
    %get3A_103 = arith.constant 0 : index
    %get3A_104 = arith.constant 0 : index
    %get3A_105 = vector.load %arg2[%get3A_102, %get3A_103, %get3A_104] : memref<20x256x128xf32, #tpu.memory_space<vmem>>, vector<1x256x128xf32>
    %get3A_106 = vector.shape_cast %get3A_105 : vector<1x256x128xf32> to vector<256x128xf32>
    %sub3A_107 = arith.subf %get3A_106, %get3A_3 : vector<256x128xf32>
    %slice3A_108 = vector.extract_strided_slice %sub3A_107 {offsets = [0, 0], sizes = [256, 64], strides = [1, 1]} : vector<256x128xf32> to vector<256x64xf32>
    %slice3A_109 = vector.extract_strided_slice %get3A_3 {offsets = [0, 0], sizes = [256, 64], strides = [1, 1]} : vector<256x128xf32> to vector<256x64xf32>
    %concatenate3A_110 = tpu.concatenate %slice3A_108, %slice3A_109 in 1 : vector<256x64xf32>, vector<256x64xf32> -> vector<256x128xf32>
    %convert_element_type3A_111 = arith.truncf %concatenate3A_110 : vector<256x128xf32> to vector<256x128xbf16>
    %dot_general3A_112 = arith.constant dense<0.000000e+00> : vector<256x128xf32>
    %dot_general3A_113 = tpu.matmul %convert_element_type3A_111, %convert_element_type3A_7, %dot_general3A_112 {dimension_numbers = #tpu.dot_dimension_numbers<[1], [0], [0], [1], [0, 0, 1, 1], [], []>, transpose_lhs_hint = false} : vector<256x128xbf16>, vector<128x128xbf16>, vector<256x128xf32> -> vector<256x128xf32>
    %max3A_114 = arith.maximumf %max3A_98, %dot_general3A_113 : vector<256x128xf32>
    %add3A_115 = arith.addf %add3A_99, %dot_general3A_113 : vector<256x128xf32>
    %mul3A_116 = arith.mulf %dot_general3A_113, %dot_general3A_113 : vector<256x128xf32>
    %add3A_117 = arith.addf %add3A_101, %mul3A_116 : vector<256x128xf32>
    %get3A_118 = arith.constant 7 : index
    %get3A_119 = arith.constant 0 : index
    %get3A_120 = arith.constant 0 : index
    %get3A_121 = vector.load %arg2[%get3A_118, %get3A_119, %get3A_120] : memref<20x256x128xf32, #tpu.memory_space<vmem>>, vector<1x256x128xf32>
    %get3A_122 = vector.shape_cast %get3A_121 : vector<1x256x128xf32> to vector<256x128xf32>
    %sub3A_123 = arith.subf %get3A_122, %get3A_3 : vector<256x128xf32>
    %slice3A_124 = vector.extract_strided_slice %sub3A_123 {offsets = [0, 0], sizes = [256, 64], strides = [1, 1]} : vector<256x128xf32> to vector<256x64xf32>
    %slice3A_125 = vector.extract_strided_slice %get3A_3 {offsets = [0, 0], sizes = [256, 64], strides = [1, 1]} : vector<256x128xf32> to vector<256x64xf32>
    %concatenate3A_126 = tpu.concatenate %slice3A_124, %slice3A_125 in 1 : vector<256x64xf32>, vector<256x64xf32> -> vector<256x128xf32>
    %convert_element_type3A_127 = arith.truncf %concatenate3A_126 : vector<256x128xf32> to vector<256x128xbf16>
    %dot_general3A_128 = arith.constant dense<0.000000e+00> : vector<256x128xf32>
    %dot_general3A_129 = tpu.matmul %convert_element_type3A_127, %convert_element_type3A_7, %dot_general3A_128 {dimension_numbers = #tpu.dot_dimension_numbers<[1], [0], [0], [1], [0, 0, 1, 1], [], []>, transpose_lhs_hint = false} : vector<256x128xbf16>, vector<128x128xbf16>, vector<256x128xf32> -> vector<256x128xf32>
    %max3A_130 = arith.maximumf %max3A_114, %dot_general3A_129 : vector<256x128xf32>
    %add3A_131 = arith.addf %add3A_115, %dot_general3A_129 : vector<256x128xf32>
    %mul3A_132 = arith.mulf %dot_general3A_129, %dot_general3A_129 : vector<256x128xf32>
    %add3A_133 = arith.addf %add3A_117, %mul3A_132 : vector<256x128xf32>
    %get3A_134 = arith.constant 8 : index
    %get3A_135 = arith.constant 0 : index
    %get3A_136 = arith.constant 0 : index
    %get3A_137 = vector.load %arg2[%get3A_134, %get3A_135, %get3A_136] : memref<20x256x128xf32, #tpu.memory_space<vmem>>, vector<1x256x128xf32>
    %get3A_138 = vector.shape_cast %get3A_137 : vector<1x256x128xf32> to vector<256x128xf32>
    %sub3A_139 = arith.subf %get3A_138, %get3A_3 : vector<256x128xf32>
    %slice3A_140 = vector.extract_strided_slice %sub3A_139 {offsets = [0, 0], sizes = [256, 64], strides = [1, 1]} : vector<256x128xf32> to vector<256x64xf32>
    %slice3A_141 = vector.extract_strided_slice %get3A_3 {offsets = [0, 0], sizes = [256, 64], strides = [1, 1]} : vector<256x128xf32> to vector<256x64xf32>
    %concatenate3A_142 = tpu.concatenate %slice3A_140, %slice3A_141 in 1 : vector<256x64xf32>, vector<256x64xf32> -> vector<256x128xf32>
    %convert_element_type3A_143 = arith.truncf %concatenate3A_142 : vector<256x128xf32> to vector<256x128xbf16>
    %dot_general3A_144 = arith.constant dense<0.000000e+00> : vector<256x128xf32>
    %dot_general3A_145 = tpu.matmul %convert_element_type3A_143, %convert_element_type3A_7, %dot_general3A_144 {dimension_numbers = #tpu.dot_dimension_numbers<[1], [0], [0], [1], [0, 0, 1, 1], [], []>, transpose_lhs_hint = false} : vector<256x128xbf16>, vector<128x128xbf16>, vector<256x128xf32> -> vector<256x128xf32>
    %max3A_146 = arith.maximumf %max3A_130, %dot_general3A_145 : vector<256x128xf32>
    %add3A_147 = arith.addf %add3A_131, %dot_general3A_145 : vector<256x128xf32>
    %mul3A_148 = arith.mulf %dot_general3A_145, %dot_general3A_145 : vector<256x128xf32>
    %add3A_149 = arith.addf %add3A_133, %mul3A_148 : vector<256x128xf32>
    %get3A_150 = arith.constant 9 : index
    %get3A_151 = arith.constant 0 : index
    %get3A_152 = arith.constant 0 : index
    %get3A_153 = vector.load %arg2[%get3A_150, %get3A_151, %get3A_152] : memref<20x256x128xf32, #tpu.memory_space<vmem>>, vector<1x256x128xf32>
    %get3A_154 = vector.shape_cast %get3A_153 : vector<1x256x128xf32> to vector<256x128xf32>
    %sub3A_155 = arith.subf %get3A_154, %get3A_3 : vector<256x128xf32>
    %slice3A_156 = vector.extract_strided_slice %sub3A_155 {offsets = [0, 0], sizes = [256, 64], strides = [1, 1]} : vector<256x128xf32> to vector<256x64xf32>
    %slice3A_157 = vector.extract_strided_slice %get3A_3 {offsets = [0, 0], sizes = [256, 64], strides = [1, 1]} : vector<256x128xf32> to vector<256x64xf32>
    %concatenate3A_158 = tpu.concatenate %slice3A_156, %slice3A_157 in 1 : vector<256x64xf32>, vector<256x64xf32> -> vector<256x128xf32>
    %convert_element_type3A_159 = arith.truncf %concatenate3A_158 : vector<256x128xf32> to vector<256x128xbf16>
    %dot_general3A_160 = arith.constant dense<0.000000e+00> : vector<256x128xf32>
    %dot_general3A_161 = tpu.matmul %convert_element_type3A_159, %convert_element_type3A_7, %dot_general3A_160 {dimension_numbers = #tpu.dot_dimension_numbers<[1], [0], [0], [1], [0, 0, 1, 1], [], []>, transpose_lhs_hint = false} : vector<256x128xbf16>, vector<128x128xbf16>, vector<256x128xf32> -> vector<256x128xf32>
    %max3A_162 = arith.maximumf %max3A_146, %dot_general3A_161 : vector<256x128xf32>
    %add3A_163 = arith.addf %add3A_147, %dot_general3A_161 : vector<256x128xf32>
    %mul3A_164 = arith.mulf %dot_general3A_161, %dot_general3A_161 : vector<256x128xf32>
    %add3A_165 = arith.addf %add3A_149, %mul3A_164 : vector<256x128xf32>
    %get3A_166 = arith.constant 10 : index
    %get3A_167 = arith.constant 0 : index
    %get3A_168 = arith.constant 0 : index
    %get3A_169 = vector.load %arg2[%get3A_166, %get3A_167, %get3A_168] : memref<20x256x128xf32, #tpu.memory_space<vmem>>, vector<1x256x128xf32>
    %get3A_170 = vector.shape_cast %get3A_169 : vector<1x256x128xf32> to vector<256x128xf32>
    %sub3A_171 = arith.subf %get3A_170, %get3A_3 : vector<256x128xf32>
    %slice3A_172 = vector.extract_strided_slice %sub3A_171 {offsets = [0, 0], sizes = [256, 64], strides = [1, 1]} : vector<256x128xf32> to vector<256x64xf32>
    %slice3A_173 = vector.extract_strided_slice %get3A_3 {offsets = [0, 0], sizes = [256, 64], strides = [1, 1]} : vector<256x128xf32> to vector<256x64xf32>
    %concatenate3A_174 = tpu.concatenate %slice3A_172, %slice3A_173 in 1 : vector<256x64xf32>, vector<256x64xf32> -> vector<256x128xf32>
    %convert_element_type3A_175 = arith.truncf %concatenate3A_174 : vector<256x128xf32> to vector<256x128xbf16>
    %dot_general3A_176 = arith.constant dense<0.000000e+00> : vector<256x128xf32>
    %dot_general3A_177 = tpu.matmul %convert_element_type3A_175, %convert_element_type3A_7, %dot_general3A_176 {dimension_numbers = #tpu.dot_dimension_numbers<[1], [0], [0], [1], [0, 0, 1, 1], [], []>, transpose_lhs_hint = false} : vector<256x128xbf16>, vector<128x128xbf16>, vector<256x128xf32> -> vector<256x128xf32>
    %max3A_178 = arith.maximumf %max3A_162, %dot_general3A_177 : vector<256x128xf32>
    %add3A_179 = arith.addf %add3A_163, %dot_general3A_177 : vector<256x128xf32>
    %mul3A_180 = arith.mulf %dot_general3A_177, %dot_general3A_177 : vector<256x128xf32>
    %add3A_181 = arith.addf %add3A_165, %mul3A_180 : vector<256x128xf32>
    %get3A_182 = arith.constant 11 : index
    %get3A_183 = arith.constant 0 : index
    %get3A_184 = arith.constant 0 : index
    %get3A_185 = vector.load %arg2[%get3A_182, %get3A_183, %get3A_184] : memref<20x256x128xf32, #tpu.memory_space<vmem>>, vector<1x256x128xf32>
    %get3A_186 = vector.shape_cast %get3A_185 : vector<1x256x128xf32> to vector<256x128xf32>
    %sub3A_187 = arith.subf %get3A_186, %get3A_3 : vector<256x128xf32>
    %slice3A_188 = vector.extract_strided_slice %sub3A_187 {offsets = [0, 0], sizes = [256, 64], strides = [1, 1]} : vector<256x128xf32> to vector<256x64xf32>
    %slice3A_189 = vector.extract_strided_slice %get3A_3 {offsets = [0, 0], sizes = [256, 64], strides = [1, 1]} : vector<256x128xf32> to vector<256x64xf32>
    %concatenate3A_190 = tpu.concatenate %slice3A_188, %slice3A_189 in 1 : vector<256x64xf32>, vector<256x64xf32> -> vector<256x128xf32>
    %convert_element_type3A_191 = arith.truncf %concatenate3A_190 : vector<256x128xf32> to vector<256x128xbf16>
    %dot_general3A_192 = arith.constant dense<0.000000e+00> : vector<256x128xf32>
    %dot_general3A_193 = tpu.matmul %convert_element_type3A_191, %convert_element_type3A_7, %dot_general3A_192 {dimension_numbers = #tpu.dot_dimension_numbers<[1], [0], [0], [1], [0, 0, 1, 1], [], []>, transpose_lhs_hint = false} : vector<256x128xbf16>, vector<128x128xbf16>, vector<256x128xf32> -> vector<256x128xf32>
    %max3A_194 = arith.maximumf %max3A_178, %dot_general3A_193 : vector<256x128xf32>
    %add3A_195 = arith.addf %add3A_179, %dot_general3A_193 : vector<256x128xf32>
    %mul3A_196 = arith.mulf %dot_general3A_193, %dot_general3A_193 : vector<256x128xf32>
    %add3A_197 = arith.addf %add3A_181, %mul3A_196 : vector<256x128xf32>
    %get3A_198 = arith.constant 12 : index
    %get3A_199 = arith.constant 0 : index
    %get3A_200 = arith.constant 0 : index
    %get3A_201 = vector.load %arg2[%get3A_198, %get3A_199, %get3A_200] : memref<20x256x128xf32, #tpu.memory_space<vmem>>, vector<1x256x128xf32>
    %get3A_202 = vector.shape_cast %get3A_201 : vector<1x256x128xf32> to vector<256x128xf32>
    %sub3A_203 = arith.subf %get3A_202, %get3A_3 : vector<256x128xf32>
    %slice3A_204 = vector.extract_strided_slice %sub3A_203 {offsets = [0, 0], sizes = [256, 64], strides = [1, 1]} : vector<256x128xf32> to vector<256x64xf32>
    %slice3A_205 = vector.extract_strided_slice %get3A_3 {offsets = [0, 0], sizes = [256, 64], strides = [1, 1]} : vector<256x128xf32> to vector<256x64xf32>
    %concatenate3A_206 = tpu.concatenate %slice3A_204, %slice3A_205 in 1 : vector<256x64xf32>, vector<256x64xf32> -> vector<256x128xf32>
    %convert_element_type3A_207 = arith.truncf %concatenate3A_206 : vector<256x128xf32> to vector<256x128xbf16>
    %dot_general3A_208 = arith.constant dense<0.000000e+00> : vector<256x128xf32>
    %dot_general3A_209 = tpu.matmul %convert_element_type3A_207, %convert_element_type3A_7, %dot_general3A_208 {dimension_numbers = #tpu.dot_dimension_numbers<[1], [0], [0], [1], [0, 0, 1, 1], [], []>, transpose_lhs_hint = false} : vector<256x128xbf16>, vector<128x128xbf16>, vector<256x128xf32> -> vector<256x128xf32>
    %max3A_210 = arith.maximumf %max3A_194, %dot_general3A_209 : vector<256x128xf32>
    %add3A_211 = arith.addf %add3A_195, %dot_general3A_209 : vector<256x128xf32>
    %mul3A_212 = arith.mulf %dot_general3A_209, %dot_general3A_209 : vector<256x128xf32>
    %add3A_213 = arith.addf %add3A_197, %mul3A_212 : vector<256x128xf32>
    %get3A_214 = arith.constant 13 : index
    %get3A_215 = arith.constant 0 : index
    %get3A_216 = arith.constant 0 : index
    %get3A_217 = vector.load %arg2[%get3A_214, %get3A_215, %get3A_216] : memref<20x256x128xf32, #tpu.memory_space<vmem>>, vector<1x256x128xf32>
    %get3A_218 = vector.shape_cast %get3A_217 : vector<1x256x128xf32> to vector<256x128xf32>
    %sub3A_219 = arith.subf %get3A_218, %get3A_3 : vector<256x128xf32>
    %slice3A_220 = vector.extract_strided_slice %sub3A_219 {offsets = [0, 0], sizes = [256, 64], strides = [1, 1]} : vector<256x128xf32> to vector<256x64xf32>
    %slice3A_221 = vector.extract_strided_slice %get3A_3 {offsets = [0, 0], sizes = [256, 64], strides = [1, 1]} : vector<256x128xf32> to vector<256x64xf32>
    %concatenate3A_222 = tpu.concatenate %slice3A_220, %slice3A_221 in 1 : vector<256x64xf32>, vector<256x64xf32> -> vector<256x128xf32>
    %convert_element_type3A_223 = arith.truncf %concatenate3A_222 : vector<256x128xf32> to vector<256x128xbf16>
    %dot_general3A_224 = arith.constant dense<0.000000e+00> : vector<256x128xf32>
    %dot_general3A_225 = tpu.matmul %convert_element_type3A_223, %convert_element_type3A_7, %dot_general3A_224 {dimension_numbers = #tpu.dot_dimension_numbers<[1], [0], [0], [1], [0, 0, 1, 1], [], []>, transpose_lhs_hint = false} : vector<256x128xbf16>, vector<128x128xbf16>, vector<256x128xf32> -> vector<256x128xf32>
    %max3A_226 = arith.maximumf %max3A_210, %dot_general3A_225 : vector<256x128xf32>
    %add3A_227 = arith.addf %add3A_211, %dot_general3A_225 : vector<256x128xf32>
    %mul3A_228 = arith.mulf %dot_general3A_225, %dot_general3A_225 : vector<256x128xf32>
    %add3A_229 = arith.addf %add3A_213, %mul3A_228 : vector<256x128xf32>
    %get3A_230 = arith.constant 14 : index
    %get3A_231 = arith.constant 0 : index
    %get3A_232 = arith.constant 0 : index
    %get3A_233 = vector.load %arg2[%get3A_230, %get3A_231, %get3A_232] : memref<20x256x128xf32, #tpu.memory_space<vmem>>, vector<1x256x128xf32>
    %get3A_234 = vector.shape_cast %get3A_233 : vector<1x256x128xf32> to vector<256x128xf32>
    %sub3A_235 = arith.subf %get3A_234, %get3A_3 : vector<256x128xf32>
    %slice3A_236 = vector.extract_strided_slice %sub3A_235 {offsets = [0, 0], sizes = [256, 64], strides = [1, 1]} : vector<256x128xf32> to vector<256x64xf32>
    %slice3A_237 = vector.extract_strided_slice %get3A_3 {offsets = [0, 0], sizes = [256, 64], strides = [1, 1]} : vector<256x128xf32> to vector<256x64xf32>
    %concatenate3A_238 = tpu.concatenate %slice3A_236, %slice3A_237 in 1 : vector<256x64xf32>, vector<256x64xf32> -> vector<256x128xf32>
    %convert_element_type3A_239 = arith.truncf %concatenate3A_238 : vector<256x128xf32> to vector<256x128xbf16>
    %dot_general3A_240 = arith.constant dense<0.000000e+00> : vector<256x128xf32>
    %dot_general3A_241 = tpu.matmul %convert_element_type3A_239, %convert_element_type3A_7, %dot_general3A_240 {dimension_numbers = #tpu.dot_dimension_numbers<[1], [0], [0], [1], [0, 0, 1, 1], [], []>, transpose_lhs_hint = false} : vector<256x128xbf16>, vector<128x128xbf16>, vector<256x128xf32> -> vector<256x128xf32>
    %max3A_242 = arith.maximumf %max3A_226, %dot_general3A_241 : vector<256x128xf32>
    %add3A_243 = arith.addf %add3A_227, %dot_general3A_241 : vector<256x128xf32>
    %mul3A_244 = arith.mulf %dot_general3A_241, %dot_general3A_241 : vector<256x128xf32>
    %add3A_245 = arith.addf %add3A_229, %mul3A_244 : vector<256x128xf32>
    %get3A_246 = arith.constant 15 : index
    %get3A_247 = arith.constant 0 : index
    %get3A_248 = arith.constant 0 : index
    %get3A_249 = vector.load %arg2[%get3A_246, %get3A_247, %get3A_248] : memref<20x256x128xf32, #tpu.memory_space<vmem>>, vector<1x256x128xf32>
    %get3A_250 = vector.shape_cast %get3A_249 : vector<1x256x128xf32> to vector<256x128xf32>
    %sub3A_251 = arith.subf %get3A_250, %get3A_3 : vector<256x128xf32>
    %slice3A_252 = vector.extract_strided_slice %sub3A_251 {offsets = [0, 0], sizes = [256, 64], strides = [1, 1]} : vector<256x128xf32> to vector<256x64xf32>
    %slice3A_253 = vector.extract_strided_slice %get3A_3 {offsets = [0, 0], sizes = [256, 64], strides = [1, 1]} : vector<256x128xf32> to vector<256x64xf32>
    %concatenate3A_254 = tpu.concatenate %slice3A_252, %slice3A_253 in 1 : vector<256x64xf32>, vector<256x64xf32> -> vector<256x128xf32>
    %convert_element_type3A_255 = arith.truncf %concatenate3A_254 : vector<256x128xf32> to vector<256x128xbf16>
    %dot_general3A_256 = arith.constant dense<0.000000e+00> : vector<256x128xf32>
    %dot_general3A_257 = tpu.matmul %convert_element_type3A_255, %convert_element_type3A_7, %dot_general3A_256 {dimension_numbers = #tpu.dot_dimension_numbers<[1], [0], [0], [1], [0, 0, 1, 1], [], []>, transpose_lhs_hint = false} : vector<256x128xbf16>, vector<128x128xbf16>, vector<256x128xf32> -> vector<256x128xf32>
    %max3A_258 = arith.maximumf %max3A_242, %dot_general3A_257 : vector<256x128xf32>
    %add3A_259 = arith.addf %add3A_243, %dot_general3A_257 : vector<256x128xf32>
    %mul3A_260 = arith.mulf %dot_general3A_257, %dot_general3A_257 : vector<256x128xf32>
    %add3A_261 = arith.addf %add3A_245, %mul3A_260 : vector<256x128xf32>
    %get3A_262 = arith.constant 16 : index
    %get3A_263 = arith.constant 0 : index
    %get3A_264 = arith.constant 0 : index
    %get3A_265 = vector.load %arg2[%get3A_262, %get3A_263, %get3A_264] : memref<20x256x128xf32, #tpu.memory_space<vmem>>, vector<1x256x128xf32>
    %get3A_266 = vector.shape_cast %get3A_265 : vector<1x256x128xf32> to vector<256x128xf32>
    %sub3A_267 = arith.subf %get3A_266, %get3A_3 : vector<256x128xf32>
    %slice3A_268 = vector.extract_strided_slice %sub3A_267 {offsets = [0, 0], sizes = [256, 64], strides = [1, 1]} : vector<256x128xf32> to vector<256x64xf32>
    %slice3A_269 = vector.extract_strided_slice %get3A_3 {offsets = [0, 0], sizes = [256, 64], strides = [1, 1]} : vector<256x128xf32> to vector<256x64xf32>
    %concatenate3A_270 = tpu.concatenate %slice3A_268, %slice3A_269 in 1 : vector<256x64xf32>, vector<256x64xf32> -> vector<256x128xf32>
    %convert_element_type3A_271 = arith.truncf %concatenate3A_270 : vector<256x128xf32> to vector<256x128xbf16>
    %dot_general3A_272 = arith.constant dense<0.000000e+00> : vector<256x128xf32>
    %dot_general3A_273 = tpu.matmul %convert_element_type3A_271, %convert_element_type3A_7, %dot_general3A_272 {dimension_numbers = #tpu.dot_dimension_numbers<[1], [0], [0], [1], [0, 0, 1, 1], [], []>, transpose_lhs_hint = false} : vector<256x128xbf16>, vector<128x128xbf16>, vector<256x128xf32> -> vector<256x128xf32>
    %max3A_274 = arith.maximumf %max3A_258, %dot_general3A_273 : vector<256x128xf32>
    %add3A_275 = arith.addf %add3A_259, %dot_general3A_273 : vector<256x128xf32>
    %mul3A_276 = arith.mulf %dot_general3A_273, %dot_general3A_273 : vector<256x128xf32>
    %add3A_277 = arith.addf %add3A_261, %mul3A_276 : vector<256x128xf32>
    %get3A_278 = arith.constant 17 : index
    %get3A_279 = arith.constant 0 : index
    %get3A_280 = arith.constant 0 : index
    %get3A_281 = vector.load %arg2[%get3A_278, %get3A_279, %get3A_280] : memref<20x256x128xf32, #tpu.memory_space<vmem>>, vector<1x256x128xf32>
    %get3A_282 = vector.shape_cast %get3A_281 : vector<1x256x128xf32> to vector<256x128xf32>
    %sub3A_283 = arith.subf %get3A_282, %get3A_3 : vector<256x128xf32>
    %slice3A_284 = vector.extract_strided_slice %sub3A_283 {offsets = [0, 0], sizes = [256, 64], strides = [1, 1]} : vector<256x128xf32> to vector<256x64xf32>
    %slice3A_285 = vector.extract_strided_slice %get3A_3 {offsets = [0, 0], sizes = [256, 64], strides = [1, 1]} : vector<256x128xf32> to vector<256x64xf32>
    %concatenate3A_286 = tpu.concatenate %slice3A_284, %slice3A_285 in 1 : vector<256x64xf32>, vector<256x64xf32> -> vector<256x128xf32>
    %convert_element_type3A_287 = arith.truncf %concatenate3A_286 : vector<256x128xf32> to vector<256x128xbf16>
    %dot_general3A_288 = arith.constant dense<0.000000e+00> : vector<256x128xf32>
    %dot_general3A_289 = tpu.matmul %convert_element_type3A_287, %convert_element_type3A_7, %dot_general3A_288 {dimension_numbers = #tpu.dot_dimension_numbers<[1], [0], [0], [1], [0, 0, 1, 1], [], []>, transpose_lhs_hint = false} : vector<256x128xbf16>, vector<128x128xbf16>, vector<256x128xf32> -> vector<256x128xf32>
    %max3A_290 = arith.maximumf %max3A_274, %dot_general3A_289 : vector<256x128xf32>
    %add3A_291 = arith.addf %add3A_275, %dot_general3A_289 : vector<256x128xf32>
    %mul3A_292 = arith.mulf %dot_general3A_289, %dot_general3A_289 : vector<256x128xf32>
    %add3A_293 = arith.addf %add3A_277, %mul3A_292 : vector<256x128xf32>
    %get3A_294 = arith.constant 18 : index
    %get3A_295 = arith.constant 0 : index
    %get3A_296 = arith.constant 0 : index
    %get3A_297 = vector.load %arg2[%get3A_294, %get3A_295, %get3A_296] : memref<20x256x128xf32, #tpu.memory_space<vmem>>, vector<1x256x128xf32>
    %get3A_298 = vector.shape_cast %get3A_297 : vector<1x256x128xf32> to vector<256x128xf32>
    %sub3A_299 = arith.subf %get3A_298, %get3A_3 : vector<256x128xf32>
    %slice3A_300 = vector.extract_strided_slice %sub3A_299 {offsets = [0, 0], sizes = [256, 64], strides = [1, 1]} : vector<256x128xf32> to vector<256x64xf32>
    %slice3A_301 = vector.extract_strided_slice %get3A_3 {offsets = [0, 0], sizes = [256, 64], strides = [1, 1]} : vector<256x128xf32> to vector<256x64xf32>
    %concatenate3A_302 = tpu.concatenate %slice3A_300, %slice3A_301 in 1 : vector<256x64xf32>, vector<256x64xf32> -> vector<256x128xf32>
    %convert_element_type3A_303 = arith.truncf %concatenate3A_302 : vector<256x128xf32> to vector<256x128xbf16>
    %dot_general3A_304 = arith.constant dense<0.000000e+00> : vector<256x128xf32>
    %dot_general3A_305 = tpu.matmul %convert_element_type3A_303, %convert_element_type3A_7, %dot_general3A_304 {dimension_numbers = #tpu.dot_dimension_numbers<[1], [0], [0], [1], [0, 0, 1, 1], [], []>, transpose_lhs_hint = false} : vector<256x128xbf16>, vector<128x128xbf16>, vector<256x128xf32> -> vector<256x128xf32>
    %max3A_306 = arith.maximumf %max3A_290, %dot_general3A_305 : vector<256x128xf32>
    %add3A_307 = arith.addf %add3A_291, %dot_general3A_305 : vector<256x128xf32>
    %mul3A_308 = arith.mulf %dot_general3A_305, %dot_general3A_305 : vector<256x128xf32>
    %add3A_309 = arith.addf %add3A_293, %mul3A_308 : vector<256x128xf32>
    %get3A_310 = arith.constant 19 : index
    %get3A_311 = arith.constant 0 : index
    %get3A_312 = arith.constant 0 : index
    %get3A_313 = vector.load %arg2[%get3A_310, %get3A_311, %get3A_312] : memref<20x256x128xf32, #tpu.memory_space<vmem>>, vector<1x256x128xf32>
    %get3A_314 = vector.shape_cast %get3A_313 : vector<1x256x128xf32> to vector<256x128xf32>
    %sub3A_315 = arith.subf %get3A_314, %get3A_3 : vector<256x128xf32>
    %slice3A_316 = vector.extract_strided_slice %sub3A_315 {offsets = [0, 0], sizes = [256, 64], strides = [1, 1]} : vector<256x128xf32> to vector<256x64xf32>
    %slice3A_317 = vector.extract_strided_slice %get3A_3 {offsets = [0, 0], sizes = [256, 64], strides = [1, 1]} : vector<256x128xf32> to vector<256x64xf32>
    %concatenate3A_318 = tpu.concatenate %slice3A_316, %slice3A_317 in 1 : vector<256x64xf32>, vector<256x64xf32> -> vector<256x128xf32>
    %convert_element_type3A_319 = arith.truncf %concatenate3A_318 : vector<256x128xf32> to vector<256x128xbf16>
    %dot_general3A_320 = arith.constant dense<0.000000e+00> : vector<256x128xf32>
    %dot_general3A_321 = tpu.matmul %convert_element_type3A_319, %convert_element_type3A_7, %dot_general3A_320 {dimension_numbers = #tpu.dot_dimension_numbers<[1], [0], [0], [1], [0, 0, 1, 1], [], []>, transpose_lhs_hint = false} : vector<256x128xbf16>, vector<128x128xbf16>, vector<256x128xf32> -> vector<256x128xf32>
    %max3A_322 = arith.maximumf %max3A_306, %dot_general3A_321 : vector<256x128xf32>
    %add3A_323 = arith.addf %add3A_307, %dot_general3A_321 : vector<256x128xf32>
    %mul3A_324 = arith.mulf %dot_general3A_321, %dot_general3A_321 : vector<256x128xf32>
    %add3A_325 = arith.addf %add3A_309, %mul3A_324 : vector<256x128xf32>
    %swap3A = arith.constant 0 : index
    %swap3A_326 = arith.constant 0 : index
    %swap3A_327 = vector.load %arg4[%swap3A, %swap3A_326] : memref<256x128xf32, #tpu.memory_space<vmem>>, vector<256x128xf32>
    tpu.vector_store %arg4[%swap3A, %swap3A_326], %max3A_322 {strides = array<i32>} : memref<256x128xf32, #tpu.memory_space<vmem>>, vector<256x128xf32>,
    %get3A_328 = arith.constant 0 : index
    %get3A_329 = arith.constant 0 : index
    %get3A_330 = vector.load %arg7[%get3A_328, %get3A_329] : memref<8x128xf32, #tpu.memory_space<vmem>>, vector<8x128xf32>
    %reduce_sum3A = arith.constant dense<0.000000e+00> : vector<128xf32>
    %reduce_sum3A_331 = vector.multi_reduction <add>, %add3A_323, %reduce_sum3A [0] : vector<256x128xf32> to vector<128xf32>
    %broadcast_in_dim3A_332 = vector.shape_cast %reduce_sum3A_331 : vector<128xf32> to vector<1x128xf32>
    %reduce_sum3A_333 = arith.constant dense<0.000000e+00> : vector<128xf32>
    %reduce_sum3A_334 = vector.multi_reduction <add>, %add3A_325, %reduce_sum3A_333 [0] : vector<256x128xf32> to vector<128xf32>
    %broadcast_in_dim3A_335 = vector.shape_cast %reduce_sum3A_334 : vector<128xf32> to vector<1x128xf32>
    %broadcast_in_dim3A_336 = arith.constant 0.000000e+00 : f32
    %broadcast_in_dim3A_337 = vector.broadcast %broadcast_in_dim3A_336 : f32 to vector<6x128xf32>
    %concatenate3A_338 = tpu.concatenate %broadcast_in_dim3A_332, %broadcast_in_dim3A_335, %broadcast_in_dim3A_337 in 0 : vector<1x128xf32>, vector<1x128xf32>, vector<6x128xf32> -> vector<8x128xf32>
    %add3A_339 = arith.addf %get3A_330, %concatenate3A_338 : vector<8x128xf32>
    %swap3A_340 = arith.constant 0 : index
    %swap3A_341 = arith.constant 0 : index
    %swap3A_342 = vector.load %arg7[%swap3A_340, %swap3A_341] : memref<8x128xf32, #tpu.memory_space<vmem>>, vector<8x128xf32>
    tpu.vector_store %arg7[%swap3A_340, %swap3A_341], %add3A_339 {strides = array<i32>} : memref<8x128xf32, #tpu.memory_space<vmem>>, vector<8x128xf32>,
    %eq3A_343 = arith.constant 127 : i32
    %eq3A_344 = arith.cmpi eq, %arg0, %eq3A_343 : i32
    %convert_element_type3A_345 = arith.extui %eq3A_344 : i1 to i32
    %cond3A_346 = arith.constant 0 : i32
    %cond3A_347 = arith.cmpi ne, %convert_element_type3A_345, %cond3A_346 : i32
    scf.if %cond3A_347 {
      %get3A_348 = arith.constant 0 : index
      %get3A_349 = arith.constant 0 : index
      %get3A_350 = vector.load %arg7[%get3A_348, %get3A_349] : memref<8x128xf32, #tpu.memory_space<vmem>>, vector<8x128xf32>
      %slice3A_351 = vector.extract_strided_slice %get3A_350 {offsets = [0, 0], sizes = [1, 128], strides = [1, 1]} : vector<8x128xf32> to vector<1x128xf32>
      %div3A = arith.constant 6.553600e+05 : f32
      %div3A_352 = vector.broadcast %div3A : f32 to vector<1x128xf32>
      %div3A_353 = arith.divf %slice3A_351, %div3A_352 : vector<1x128xf32>
      %slice3A_354 = vector.extract_strided_slice %get3A_350 {offsets = [1, 0], sizes = [1, 128], strides = [1, 1]} : vector<8x128xf32> to vector<1x128xf32>
      %div3A_355 = arith.constant 6.553600e+05 : f32
      %div3A_356 = vector.broadcast %div3A_355 : f32 to vector<1x128xf32>
      %div3A_357 = arith.divf %slice3A_354, %div3A_356 : vector<1x128xf32>
      %mul3A_358 = arith.mulf %div3A_353, %div3A_353 : vector<1x128xf32>
      %sub3A_359 = arith.subf %div3A_357, %mul3A_358 : vector<1x128xf32>
      %swap3A_360 = arith.constant 0 : index
      %swap3A_361 = arith.constant 0 : index
      %swap3A_362 = vector.load %arg5[%swap3A_360, %swap3A_361] : memref<1x128xf32, #tpu.memory_space<vmem>>, vector<1x128xf32>
      tpu.vector_store %arg5[%swap3A_360, %swap3A_361], %div3A_353 {strides = array<i32>} : memref<1x128xf32, #tpu.memory_space<vmem>>, vector<1x128xf32>,
      %add3A_363 = arith.constant 9.99999974E-6 : f32
      %add3A_364 = vector.broadcast %add3A_363 : f32 to vector<1x128xf32>
      %add3A_365 = arith.addf %sub3A_359, %add3A_364 : vector<1x128xf32>
      %sqrt3A = math.sqrt %add3A_365 : vector<1x128xf32>
      %swap3A_366 = arith.constant 0 : index
      %swap3A_367 = arith.constant 0 : index
      %swap3A_368 = vector.load %arg6[%swap3A_366, %swap3A_367] : memref<1x128xf32, #tpu.memory_space<vmem>>, vector<1x128xf32>
      tpu.vector_store %arg6[%swap3A_366, %swap3A_367], %sqrt3A {strides = array<i32>} : memref<1x128xf32, #tpu.memory_space<vmem>>, vector<1x128xf32>,
    } else {
    }
    return
  }
  func.func @transform_0(%arg0: i32) -> (i32, i32) {
    %c0_i32 = arith.constant 0 : i32
    %c0_i32_0 = arith.constant 0 : i32
    return %arg0, %c0_i32 : i32, i32
  }
  func.func @transform_1(%arg0: i32) -> (i32, i32, i32) {
    %c0_i32 = arith.constant 0 : i32
    %c0_i32_0 = arith.constant 0 : i32
    %c0_i32_1 = arith.constant 0 : i32
    return %c0_i32, %arg0, %c0_i32_0 : i32, i32, i32
  }
  func.func @transform_2(%arg0: i32) -> (i32, i32) {
    %c0_i32 = arith.constant 0 : i32
    %c0_i32_0 = arith.constant 0 : i32
    %c0_i32_1 = arith.constant 0 : i32
    return %c0_i32, %c0_i32_0 : i32, i32
  }
  func.func @transform_3(%arg0: i32) -> (i32, i32) {
    %c0_i32 = arith.constant 0 : i32
    %c0_i32_0 = arith.constant 0 : i32
    return %arg0, %c0_i32 : i32, i32
  }
  func.func @transform_4(%arg0: i32) -> (i32, i32) {
    %c0_i32 = arith.constant 0 : i32
    %c0_i32_0 = arith.constant 0 : i32
    %c0_i32_1 = arith.constant 0 : i32
    return %c0_i32, %c0_i32_0 : i32, i32
  }
  func.func @transform_5(%arg0: i32) -> (i32, i32) {
    %c0_i32 = arith.constant 0 : i32
    %c0_i32_0 = arith.constant 0 : i32
    %c0_i32_1 = arith.constant 0 : i32
    return %c0_i32, %c0_i32_0 : i32, i32
  }
}

module attributes {stable_mosaic.version = 14 : i64} {
  func.func @_combine_body(%arg0: i32, %arg1: memref<1024x128xf32, #tpu.memory_space<vmem>>, %arg2: memref<1x128xf32, #tpu.memory_space<vmem>>, %arg3: memref<1x128xf32, #tpu.memory_space<vmem>>, %arg4: memref<1x128xf32, #tpu.memory_space<vmem>>, %arg5: memref<1x128xf32, #tpu.memory_space<vmem>>, %arg6: memref<1024x128xf32, #tpu.memory_space<vmem>>) attributes {dimension_semantics = [#tpu.dimension_semantics<arbitrary>], iteration_bounds = array<i64: 32>, scalar_prefetch = 0 : i64, scratch_operands = 0 : i64, tpu.core_type = #tpu.core_type<tc>, window_params = [{transform_indices = @transform_0, window_bounds = array<i64: 1024, 128>}, {pipeline_mode = #tpu.pipeline_mode<synchronous>, transform_indices = @transform_1, window_bounds = array<i64: 1, 128>}, {pipeline_mode = #tpu.pipeline_mode<synchronous>, transform_indices = @transform_2, window_bounds = array<i64: 1, 128>}, {pipeline_mode = #tpu.pipeline_mode<synchronous>, transform_indices = @transform_3, window_bounds = array<i64: 1, 128>}, {pipeline_mode = #tpu.pipeline_mode<synchronous>, transform_indices = @transform_4, window_bounds = array<i64: 1, 128>}, {transform_indices = @transform_5, window_bounds = array<i64: 1024, 128>}]} {
    %get3A = arith.constant 0 : index
    %get3A_0 = arith.constant 0 : index
    %get3A_1 = vector.load %arg1[%get3A, %get3A_0] : memref<1024x128xf32, #tpu.memory_space<vmem>>, vector<1024x128xf32>
    %get3A_2 = arith.constant 0 : index
    %get3A_3 = arith.constant 0 : index
    %get3A_4 = vector.load %arg2[%get3A_2, %get3A_3] : memref<1x128xf32, #tpu.memory_space<vmem>>, vector<1x128xf32>
    %sub3A = vector.broadcast %get3A_4 : vector<1x128xf32> to vector<1024x128xf32>
    %sub3A_5 = arith.subf %get3A_1, %sub3A : vector<1024x128xf32>
    %get3A_6 = arith.constant 0 : index
    %get3A_7 = arith.constant 0 : index
    %get3A_8 = vector.load %arg3[%get3A_6, %get3A_7] : memref<1x128xf32, #tpu.memory_space<vmem>>, vector<1x128xf32>
    %div3A = vector.broadcast %get3A_8 : vector<1x128xf32> to vector<1024x128xf32>
    %div3A_9 = arith.divf %sub3A_5, %div3A : vector<1024x128xf32>
    %get3A_10 = arith.constant 0 : index
    %get3A_11 = arith.constant 0 : index
    %get3A_12 = vector.load %arg4[%get3A_10, %get3A_11] : memref<1x128xf32, #tpu.memory_space<vmem>>, vector<1x128xf32>
    %mul3A = vector.broadcast %get3A_12 : vector<1x128xf32> to vector<1024x128xf32>
    %mul3A_13 = arith.mulf %div3A_9, %mul3A : vector<1024x128xf32>
    %get3A_14 = arith.constant 0 : index
    %get3A_15 = arith.constant 0 : index
    %get3A_16 = vector.load %arg5[%get3A_14, %get3A_15] : memref<1x128xf32, #tpu.memory_space<vmem>>, vector<1x128xf32>
    %add3A = vector.broadcast %get3A_16 : vector<1x128xf32> to vector<1024x128xf32>
    %add3A_17 = arith.addf %mul3A_13, %add3A : vector<1024x128xf32>
    %ge3A = arith.constant 0.000000e+00 : f32
    %ge3A_18 = vector.broadcast %ge3A : f32 to vector<1024x128xf32>
    %ge3A_19 = arith.cmpf oge, %add3A_17, %ge3A_18 : vector<1024x128xf32>
    %mul3A_20 = arith.constant 2.000000e-01 : f32
    %mul3A_21 = vector.broadcast %mul3A_20 : f32 to vector<1024x128xf32>
    %mul3A_22 = arith.mulf %mul3A_21, %add3A_17 : vector<1024x128xf32>
    %select_n3A = arith.select %ge3A_19, %add3A_17, %mul3A_22 : vector<1024x128xi1>, vector<1024x128xf32>
    %swap3A = arith.constant 0 : index
    %swap3A_23 = arith.constant 0 : index
    %swap3A_24 = vector.load %arg6[%swap3A, %swap3A_23] : memref<1024x128xf32, #tpu.memory_space<vmem>>, vector<1024x128xf32>
    tpu.vector_store %arg6[%swap3A, %swap3A_23], %select_n3A {strides = array<i32>} : memref<1024x128xf32, #tpu.memory_space<vmem>>, vector<1024x128xf32>,
    return
  }
  func.func @transform_0(%arg0: i32) -> (i32, i32) {
    %c0_i32 = arith.constant 0 : i32
    %c0_i32_0 = arith.constant 0 : i32
    return %arg0, %c0_i32 : i32, i32
  }
  func.func @transform_1(%arg0: i32) -> (i32, i32) {
    %c0_i32 = arith.constant 0 : i32
    %c0_i32_0 = arith.constant 0 : i32
    %c0_i32_1 = arith.constant 0 : i32
    return %c0_i32, %c0_i32_0 : i32, i32
  }
  func.func @transform_2(%arg0: i32) -> (i32, i32) {
    %c0_i32 = arith.constant 0 : i32
    %c0_i32_0 = arith.constant 0 : i32
    %c0_i32_1 = arith.constant 0 : i32
    return %c0_i32, %c0_i32_0 : i32, i32
  }
  func.func @transform_3(%arg0: i32) -> (i32, i32) {
    %c0_i32 = arith.constant 0 : i32
    %c0_i32_0 = arith.constant 0 : i32
    %c0_i32_1 = arith.constant 0 : i32
    return %c0_i32, %c0_i32_0 : i32, i32
  }
  func.func @transform_4(%arg0: i32) -> (i32, i32) {
    %c0_i32 = arith.constant 0 : i32
    %c0_i32_0 = arith.constant 0 : i32
    %c0_i32_1 = arith.constant 0 : i32
    return %c0_i32, %c0_i32_0 : i32, i32
  }
  func.func @transform_5(%arg0: i32) -> (i32, i32) {
    %c0_i32 = arith.constant 0 : i32
    %c0_i32_0 = arith.constant 0 : i32
    return %arg0, %c0_i32 : i32, i32
  }
}

module attributes {stable_mosaic.version = 14 : i64} {
  func.func @_econv_body(%arg0: i32, %arg1: memref<256x128xf32, #tpu.memory_space<vmem>>, %arg2: memref<20x256x128xf32, #tpu.memory_space<vmem>>, %arg3: memref<256x256xf32, #tpu.memory_space<vmem>>, %arg4: memref<256x256xf32, #tpu.memory_space<vmem>>, %arg5: memref<1x256xf32, #tpu.memory_space<vmem>>, %arg6: memref<1x256xf32, #tpu.memory_space<vmem>>, %arg7: memref<8x256xf32, #tpu.memory_space<vmem>>) attributes {dimension_semantics = [#tpu.dimension_semantics<arbitrary>], iteration_bounds = array<i64: 128>, scalar_prefetch = 0 : i64, scratch_operands = 1 : i64, tpu.core_type = #tpu.core_type<tc>, window_params = [{transform_indices = @transform_0, window_bounds = array<i64: 256, 128>}, {transform_indices = @transform_1, window_bounds = array<i64: 20, 256, 128>}, {pipeline_mode = #tpu.pipeline_mode<synchronous>, transform_indices = @transform_2, window_bounds = array<i64: 256, 256>}, {transform_indices = @transform_3, window_bounds = array<i64: 256, 256>}, {pipeline_mode = #tpu.pipeline_mode<synchronous>, transform_indices = @transform_4, window_bounds = array<i64: 1, 256>}, {pipeline_mode = #tpu.pipeline_mode<synchronous>, transform_indices = @transform_5, window_bounds = array<i64: 1, 256>}]} {
    %eq3A = arith.constant 0 : i32
    %eq3A_0 = arith.cmpi eq, %arg0, %eq3A : i32
    %convert_element_type3A = arith.extui %eq3A_0 : i1 to i32
    %cond3A = arith.constant 0 : i32
    %cond3A_1 = arith.cmpi ne, %convert_element_type3A, %cond3A : i32
    scf.if %cond3A_1 {
      %broadcast_in_dim3A_309 = arith.constant 0.000000e+00 : f32
      %broadcast_in_dim3A_310 = vector.broadcast %broadcast_in_dim3A_309 : f32 to vector<8x256xf32>
      %swap3A_311 = arith.constant 0 : index
      %swap3A_312 = arith.constant 0 : index
      %swap3A_313 = vector.load %arg7[%swap3A_311, %swap3A_312] : memref<8x256xf32, #tpu.memory_space<vmem>>, vector<8x256xf32>
      tpu.vector_store %arg7[%swap3A_311, %swap3A_312], %broadcast_in_dim3A_310 {strides = array<i32>} : memref<8x256xf32, #tpu.memory_space<vmem>>, vector<8x256xf32>,
    } else {
    }
    %get3A = arith.constant 0 : index
    %get3A_2 = arith.constant 0 : index
    %get3A_3 = vector.load %arg1[%get3A, %get3A_2] : memref<256x128xf32, #tpu.memory_space<vmem>>, vector<256x128xf32>
    %get3A_4 = arith.constant 0 : index
    %get3A_5 = arith.constant 0 : index
    %get3A_6 = vector.load %arg3[%get3A_4, %get3A_5] : memref<256x256xf32, #tpu.memory_space<vmem>>, vector<256x256xf32>
    %convert_element_type3A_7 = arith.truncf %get3A_6 : vector<256x256xf32> to vector<256x256xbf16>
    %broadcast_in_dim3A = arith.constant -3.000000e+38 : f32
    %broadcast_in_dim3A_8 = vector.broadcast %broadcast_in_dim3A : f32 to vector<256x256xf32>
    %broadcast_in_dim3A_9 = arith.constant 0.000000e+00 : f32
    %broadcast_in_dim3A_10 = vector.broadcast %broadcast_in_dim3A_9 : f32 to vector<256x256xf32>
    %broadcast_in_dim3A_11 = arith.constant 0.000000e+00 : f32
    %broadcast_in_dim3A_12 = vector.broadcast %broadcast_in_dim3A_11 : f32 to vector<256x256xf32>
    %get3A_13 = arith.constant 0 : index
    %get3A_14 = arith.constant 0 : index
    %get3A_15 = arith.constant 0 : index
    %get3A_16 = vector.load %arg2[%get3A_13, %get3A_14, %get3A_15] : memref<20x256x128xf32, #tpu.memory_space<vmem>>, vector<1x256x128xf32>
    %get3A_17 = vector.shape_cast %get3A_16 : vector<1x256x128xf32> to vector<256x128xf32>
    %sub3A = arith.subf %get3A_17, %get3A_3 : vector<256x128xf32>
    %concatenate3A = tpu.concatenate %sub3A, %get3A_3 in 1 : vector<256x128xf32>, vector<256x128xf32> -> vector<256x256xf32>
    %convert_element_type3A_18 = arith.truncf %concatenate3A : vector<256x256xf32> to vector<256x256xbf16>
    %dot_general3A = arith.constant dense<0.000000e+00> : vector<256x256xf32>
    %dot_general3A_19 = tpu.matmul %convert_element_type3A_18, %convert_element_type3A_7, %dot_general3A {dimension_numbers = #tpu.dot_dimension_numbers<[1], [0], [0], [1], [0, 0, 1, 1], [], []>, transpose_lhs_hint = false} : vector<256x256xbf16>, vector<256x256xbf16>, vector<256x256xf32> -> vector<256x256xf32>
    %max3A = arith.maximumf %broadcast_in_dim3A_8, %dot_general3A_19 : vector<256x256xf32>
    %add3A = arith.addf %broadcast_in_dim3A_10, %dot_general3A_19 : vector<256x256xf32>
    %mul3A = arith.mulf %dot_general3A_19, %dot_general3A_19 : vector<256x256xf32>
    %add3A_20 = arith.addf %broadcast_in_dim3A_12, %mul3A : vector<256x256xf32>
    %get3A_21 = arith.constant 1 : index
    %get3A_22 = arith.constant 0 : index
    %get3A_23 = arith.constant 0 : index
    %get3A_24 = vector.load %arg2[%get3A_21, %get3A_22, %get3A_23] : memref<20x256x128xf32, #tpu.memory_space<vmem>>, vector<1x256x128xf32>
    %get3A_25 = vector.shape_cast %get3A_24 : vector<1x256x128xf32> to vector<256x128xf32>
    %sub3A_26 = arith.subf %get3A_25, %get3A_3 : vector<256x128xf32>
    %concatenate3A_27 = tpu.concatenate %sub3A_26, %get3A_3 in 1 : vector<256x128xf32>, vector<256x128xf32> -> vector<256x256xf32>
    %convert_element_type3A_28 = arith.truncf %concatenate3A_27 : vector<256x256xf32> to vector<256x256xbf16>
    %dot_general3A_29 = arith.constant dense<0.000000e+00> : vector<256x256xf32>
    %dot_general3A_30 = tpu.matmul %convert_element_type3A_28, %convert_element_type3A_7, %dot_general3A_29 {dimension_numbers = #tpu.dot_dimension_numbers<[1], [0], [0], [1], [0, 0, 1, 1], [], []>, transpose_lhs_hint = false} : vector<256x256xbf16>, vector<256x256xbf16>, vector<256x256xf32> -> vector<256x256xf32>
    %max3A_31 = arith.maximumf %max3A, %dot_general3A_30 : vector<256x256xf32>
    %add3A_32 = arith.addf %add3A, %dot_general3A_30 : vector<256x256xf32>
    %mul3A_33 = arith.mulf %dot_general3A_30, %dot_general3A_30 : vector<256x256xf32>
    %add3A_34 = arith.addf %add3A_20, %mul3A_33 : vector<256x256xf32>
    %get3A_35 = arith.constant 2 : index
    %get3A_36 = arith.constant 0 : index
    %get3A_37 = arith.constant 0 : index
    %get3A_38 = vector.load %arg2[%get3A_35, %get3A_36, %get3A_37] : memref<20x256x128xf32, #tpu.memory_space<vmem>>, vector<1x256x128xf32>
    %get3A_39 = vector.shape_cast %get3A_38 : vector<1x256x128xf32> to vector<256x128xf32>
    %sub3A_40 = arith.subf %get3A_39, %get3A_3 : vector<256x128xf32>
    %concatenate3A_41 = tpu.concatenate %sub3A_40, %get3A_3 in 1 : vector<256x128xf32>, vector<256x128xf32> -> vector<256x256xf32>
    %convert_element_type3A_42 = arith.truncf %concatenate3A_41 : vector<256x256xf32> to vector<256x256xbf16>
    %dot_general3A_43 = arith.constant dense<0.000000e+00> : vector<256x256xf32>
    %dot_general3A_44 = tpu.matmul %convert_element_type3A_42, %convert_element_type3A_7, %dot_general3A_43 {dimension_numbers = #tpu.dot_dimension_numbers<[1], [0], [0], [1], [0, 0, 1, 1], [], []>, transpose_lhs_hint = false} : vector<256x256xbf16>, vector<256x256xbf16>, vector<256x256xf32> -> vector<256x256xf32>
    %max3A_45 = arith.maximumf %max3A_31, %dot_general3A_44 : vector<256x256xf32>
    %add3A_46 = arith.addf %add3A_32, %dot_general3A_44 : vector<256x256xf32>
    %mul3A_47 = arith.mulf %dot_general3A_44, %dot_general3A_44 : vector<256x256xf32>
    %add3A_48 = arith.addf %add3A_34, %mul3A_47 : vector<256x256xf32>
    %get3A_49 = arith.constant 3 : index
    %get3A_50 = arith.constant 0 : index
    %get3A_51 = arith.constant 0 : index
    %get3A_52 = vector.load %arg2[%get3A_49, %get3A_50, %get3A_51] : memref<20x256x128xf32, #tpu.memory_space<vmem>>, vector<1x256x128xf32>
    %get3A_53 = vector.shape_cast %get3A_52 : vector<1x256x128xf32> to vector<256x128xf32>
    %sub3A_54 = arith.subf %get3A_53, %get3A_3 : vector<256x128xf32>
    %concatenate3A_55 = tpu.concatenate %sub3A_54, %get3A_3 in 1 : vector<256x128xf32>, vector<256x128xf32> -> vector<256x256xf32>
    %convert_element_type3A_56 = arith.truncf %concatenate3A_55 : vector<256x256xf32> to vector<256x256xbf16>
    %dot_general3A_57 = arith.constant dense<0.000000e+00> : vector<256x256xf32>
    %dot_general3A_58 = tpu.matmul %convert_element_type3A_56, %convert_element_type3A_7, %dot_general3A_57 {dimension_numbers = #tpu.dot_dimension_numbers<[1], [0], [0], [1], [0, 0, 1, 1], [], []>, transpose_lhs_hint = false} : vector<256x256xbf16>, vector<256x256xbf16>, vector<256x256xf32> -> vector<256x256xf32>
    %max3A_59 = arith.maximumf %max3A_45, %dot_general3A_58 : vector<256x256xf32>
    %add3A_60 = arith.addf %add3A_46, %dot_general3A_58 : vector<256x256xf32>
    %mul3A_61 = arith.mulf %dot_general3A_58, %dot_general3A_58 : vector<256x256xf32>
    %add3A_62 = arith.addf %add3A_48, %mul3A_61 : vector<256x256xf32>
    %get3A_63 = arith.constant 4 : index
    %get3A_64 = arith.constant 0 : index
    %get3A_65 = arith.constant 0 : index
    %get3A_66 = vector.load %arg2[%get3A_63, %get3A_64, %get3A_65] : memref<20x256x128xf32, #tpu.memory_space<vmem>>, vector<1x256x128xf32>
    %get3A_67 = vector.shape_cast %get3A_66 : vector<1x256x128xf32> to vector<256x128xf32>
    %sub3A_68 = arith.subf %get3A_67, %get3A_3 : vector<256x128xf32>
    %concatenate3A_69 = tpu.concatenate %sub3A_68, %get3A_3 in 1 : vector<256x128xf32>, vector<256x128xf32> -> vector<256x256xf32>
    %convert_element_type3A_70 = arith.truncf %concatenate3A_69 : vector<256x256xf32> to vector<256x256xbf16>
    %dot_general3A_71 = arith.constant dense<0.000000e+00> : vector<256x256xf32>
    %dot_general3A_72 = tpu.matmul %convert_element_type3A_70, %convert_element_type3A_7, %dot_general3A_71 {dimension_numbers = #tpu.dot_dimension_numbers<[1], [0], [0], [1], [0, 0, 1, 1], [], []>, transpose_lhs_hint = false} : vector<256x256xbf16>, vector<256x256xbf16>, vector<256x256xf32> -> vector<256x256xf32>
    %max3A_73 = arith.maximumf %max3A_59, %dot_general3A_72 : vector<256x256xf32>
    %add3A_74 = arith.addf %add3A_60, %dot_general3A_72 : vector<256x256xf32>
    %mul3A_75 = arith.mulf %dot_general3A_72, %dot_general3A_72 : vector<256x256xf32>
    %add3A_76 = arith.addf %add3A_62, %mul3A_75 : vector<256x256xf32>
    %get3A_77 = arith.constant 5 : index
    %get3A_78 = arith.constant 0 : index
    %get3A_79 = arith.constant 0 : index
    %get3A_80 = vector.load %arg2[%get3A_77, %get3A_78, %get3A_79] : memref<20x256x128xf32, #tpu.memory_space<vmem>>, vector<1x256x128xf32>
    %get3A_81 = vector.shape_cast %get3A_80 : vector<1x256x128xf32> to vector<256x128xf32>
    %sub3A_82 = arith.subf %get3A_81, %get3A_3 : vector<256x128xf32>
    %concatenate3A_83 = tpu.concatenate %sub3A_82, %get3A_3 in 1 : vector<256x128xf32>, vector<256x128xf32> -> vector<256x256xf32>
    %convert_element_type3A_84 = arith.truncf %concatenate3A_83 : vector<256x256xf32> to vector<256x256xbf16>
    %dot_general3A_85 = arith.constant dense<0.000000e+00> : vector<256x256xf32>
    %dot_general3A_86 = tpu.matmul %convert_element_type3A_84, %convert_element_type3A_7, %dot_general3A_85 {dimension_numbers = #tpu.dot_dimension_numbers<[1], [0], [0], [1], [0, 0, 1, 1], [], []>, transpose_lhs_hint = false} : vector<256x256xbf16>, vector<256x256xbf16>, vector<256x256xf32> -> vector<256x256xf32>
    %max3A_87 = arith.maximumf %max3A_73, %dot_general3A_86 : vector<256x256xf32>
    %add3A_88 = arith.addf %add3A_74, %dot_general3A_86 : vector<256x256xf32>
    %mul3A_89 = arith.mulf %dot_general3A_86, %dot_general3A_86 : vector<256x256xf32>
    %add3A_90 = arith.addf %add3A_76, %mul3A_89 : vector<256x256xf32>
    %get3A_91 = arith.constant 6 : index
    %get3A_92 = arith.constant 0 : index
    %get3A_93 = arith.constant 0 : index
    %get3A_94 = vector.load %arg2[%get3A_91, %get3A_92, %get3A_93] : memref<20x256x128xf32, #tpu.memory_space<vmem>>, vector<1x256x128xf32>
    %get3A_95 = vector.shape_cast %get3A_94 : vector<1x256x128xf32> to vector<256x128xf32>
    %sub3A_96 = arith.subf %get3A_95, %get3A_3 : vector<256x128xf32>
    %concatenate3A_97 = tpu.concatenate %sub3A_96, %get3A_3 in 1 : vector<256x128xf32>, vector<256x128xf32> -> vector<256x256xf32>
    %convert_element_type3A_98 = arith.truncf %concatenate3A_97 : vector<256x256xf32> to vector<256x256xbf16>
    %dot_general3A_99 = arith.constant dense<0.000000e+00> : vector<256x256xf32>
    %dot_general3A_100 = tpu.matmul %convert_element_type3A_98, %convert_element_type3A_7, %dot_general3A_99 {dimension_numbers = #tpu.dot_dimension_numbers<[1], [0], [0], [1], [0, 0, 1, 1], [], []>, transpose_lhs_hint = false} : vector<256x256xbf16>, vector<256x256xbf16>, vector<256x256xf32> -> vector<256x256xf32>
    %max3A_101 = arith.maximumf %max3A_87, %dot_general3A_100 : vector<256x256xf32>
    %add3A_102 = arith.addf %add3A_88, %dot_general3A_100 : vector<256x256xf32>
    %mul3A_103 = arith.mulf %dot_general3A_100, %dot_general3A_100 : vector<256x256xf32>
    %add3A_104 = arith.addf %add3A_90, %mul3A_103 : vector<256x256xf32>
    %get3A_105 = arith.constant 7 : index
    %get3A_106 = arith.constant 0 : index
    %get3A_107 = arith.constant 0 : index
    %get3A_108 = vector.load %arg2[%get3A_105, %get3A_106, %get3A_107] : memref<20x256x128xf32, #tpu.memory_space<vmem>>, vector<1x256x128xf32>
    %get3A_109 = vector.shape_cast %get3A_108 : vector<1x256x128xf32> to vector<256x128xf32>
    %sub3A_110 = arith.subf %get3A_109, %get3A_3 : vector<256x128xf32>
    %concatenate3A_111 = tpu.concatenate %sub3A_110, %get3A_3 in 1 : vector<256x128xf32>, vector<256x128xf32> -> vector<256x256xf32>
    %convert_element_type3A_112 = arith.truncf %concatenate3A_111 : vector<256x256xf32> to vector<256x256xbf16>
    %dot_general3A_113 = arith.constant dense<0.000000e+00> : vector<256x256xf32>
    %dot_general3A_114 = tpu.matmul %convert_element_type3A_112, %convert_element_type3A_7, %dot_general3A_113 {dimension_numbers = #tpu.dot_dimension_numbers<[1], [0], [0], [1], [0, 0, 1, 1], [], []>, transpose_lhs_hint = false} : vector<256x256xbf16>, vector<256x256xbf16>, vector<256x256xf32> -> vector<256x256xf32>
    %max3A_115 = arith.maximumf %max3A_101, %dot_general3A_114 : vector<256x256xf32>
    %add3A_116 = arith.addf %add3A_102, %dot_general3A_114 : vector<256x256xf32>
    %mul3A_117 = arith.mulf %dot_general3A_114, %dot_general3A_114 : vector<256x256xf32>
    %add3A_118 = arith.addf %add3A_104, %mul3A_117 : vector<256x256xf32>
    %get3A_119 = arith.constant 8 : index
    %get3A_120 = arith.constant 0 : index
    %get3A_121 = arith.constant 0 : index
    %get3A_122 = vector.load %arg2[%get3A_119, %get3A_120, %get3A_121] : memref<20x256x128xf32, #tpu.memory_space<vmem>>, vector<1x256x128xf32>
    %get3A_123 = vector.shape_cast %get3A_122 : vector<1x256x128xf32> to vector<256x128xf32>
    %sub3A_124 = arith.subf %get3A_123, %get3A_3 : vector<256x128xf32>
    %concatenate3A_125 = tpu.concatenate %sub3A_124, %get3A_3 in 1 : vector<256x128xf32>, vector<256x128xf32> -> vector<256x256xf32>
    %convert_element_type3A_126 = arith.truncf %concatenate3A_125 : vector<256x256xf32> to vector<256x256xbf16>
    %dot_general3A_127 = arith.constant dense<0.000000e+00> : vector<256x256xf32>
    %dot_general3A_128 = tpu.matmul %convert_element_type3A_126, %convert_element_type3A_7, %dot_general3A_127 {dimension_numbers = #tpu.dot_dimension_numbers<[1], [0], [0], [1], [0, 0, 1, 1], [], []>, transpose_lhs_hint = false} : vector<256x256xbf16>, vector<256x256xbf16>, vector<256x256xf32> -> vector<256x256xf32>
    %max3A_129 = arith.maximumf %max3A_115, %dot_general3A_128 : vector<256x256xf32>
    %add3A_130 = arith.addf %add3A_116, %dot_general3A_128 : vector<256x256xf32>
    %mul3A_131 = arith.mulf %dot_general3A_128, %dot_general3A_128 : vector<256x256xf32>
    %add3A_132 = arith.addf %add3A_118, %mul3A_131 : vector<256x256xf32>
    %get3A_133 = arith.constant 9 : index
    %get3A_134 = arith.constant 0 : index
    %get3A_135 = arith.constant 0 : index
    %get3A_136 = vector.load %arg2[%get3A_133, %get3A_134, %get3A_135] : memref<20x256x128xf32, #tpu.memory_space<vmem>>, vector<1x256x128xf32>
    %get3A_137 = vector.shape_cast %get3A_136 : vector<1x256x128xf32> to vector<256x128xf32>
    %sub3A_138 = arith.subf %get3A_137, %get3A_3 : vector<256x128xf32>
    %concatenate3A_139 = tpu.concatenate %sub3A_138, %get3A_3 in 1 : vector<256x128xf32>, vector<256x128xf32> -> vector<256x256xf32>
    %convert_element_type3A_140 = arith.truncf %concatenate3A_139 : vector<256x256xf32> to vector<256x256xbf16>
    %dot_general3A_141 = arith.constant dense<0.000000e+00> : vector<256x256xf32>
    %dot_general3A_142 = tpu.matmul %convert_element_type3A_140, %convert_element_type3A_7, %dot_general3A_141 {dimension_numbers = #tpu.dot_dimension_numbers<[1], [0], [0], [1], [0, 0, 1, 1], [], []>, transpose_lhs_hint = false} : vector<256x256xbf16>, vector<256x256xbf16>, vector<256x256xf32> -> vector<256x256xf32>
    %max3A_143 = arith.maximumf %max3A_129, %dot_general3A_142 : vector<256x256xf32>
    %add3A_144 = arith.addf %add3A_130, %dot_general3A_142 : vector<256x256xf32>
    %mul3A_145 = arith.mulf %dot_general3A_142, %dot_general3A_142 : vector<256x256xf32>
    %add3A_146 = arith.addf %add3A_132, %mul3A_145 : vector<256x256xf32>
    %get3A_147 = arith.constant 10 : index
    %get3A_148 = arith.constant 0 : index
    %get3A_149 = arith.constant 0 : index
    %get3A_150 = vector.load %arg2[%get3A_147, %get3A_148, %get3A_149] : memref<20x256x128xf32, #tpu.memory_space<vmem>>, vector<1x256x128xf32>
    %get3A_151 = vector.shape_cast %get3A_150 : vector<1x256x128xf32> to vector<256x128xf32>
    %sub3A_152 = arith.subf %get3A_151, %get3A_3 : vector<256x128xf32>
    %concatenate3A_153 = tpu.concatenate %sub3A_152, %get3A_3 in 1 : vector<256x128xf32>, vector<256x128xf32> -> vector<256x256xf32>
    %convert_element_type3A_154 = arith.truncf %concatenate3A_153 : vector<256x256xf32> to vector<256x256xbf16>
    %dot_general3A_155 = arith.constant dense<0.000000e+00> : vector<256x256xf32>
    %dot_general3A_156 = tpu.matmul %convert_element_type3A_154, %convert_element_type3A_7, %dot_general3A_155 {dimension_numbers = #tpu.dot_dimension_numbers<[1], [0], [0], [1], [0, 0, 1, 1], [], []>, transpose_lhs_hint = false} : vector<256x256xbf16>, vector<256x256xbf16>, vector<256x256xf32> -> vector<256x256xf32>
    %max3A_157 = arith.maximumf %max3A_143, %dot_general3A_156 : vector<256x256xf32>
    %add3A_158 = arith.addf %add3A_144, %dot_general3A_156 : vector<256x256xf32>
    %mul3A_159 = arith.mulf %dot_general3A_156, %dot_general3A_156 : vector<256x256xf32>
    %add3A_160 = arith.addf %add3A_146, %mul3A_159 : vector<256x256xf32>
    %get3A_161 = arith.constant 11 : index
    %get3A_162 = arith.constant 0 : index
    %get3A_163 = arith.constant 0 : index
    %get3A_164 = vector.load %arg2[%get3A_161, %get3A_162, %get3A_163] : memref<20x256x128xf32, #tpu.memory_space<vmem>>, vector<1x256x128xf32>
    %get3A_165 = vector.shape_cast %get3A_164 : vector<1x256x128xf32> to vector<256x128xf32>
    %sub3A_166 = arith.subf %get3A_165, %get3A_3 : vector<256x128xf32>
    %concatenate3A_167 = tpu.concatenate %sub3A_166, %get3A_3 in 1 : vector<256x128xf32>, vector<256x128xf32> -> vector<256x256xf32>
    %convert_element_type3A_168 = arith.truncf %concatenate3A_167 : vector<256x256xf32> to vector<256x256xbf16>
    %dot_general3A_169 = arith.constant dense<0.000000e+00> : vector<256x256xf32>
    %dot_general3A_170 = tpu.matmul %convert_element_type3A_168, %convert_element_type3A_7, %dot_general3A_169 {dimension_numbers = #tpu.dot_dimension_numbers<[1], [0], [0], [1], [0, 0, 1, 1], [], []>, transpose_lhs_hint = false} : vector<256x256xbf16>, vector<256x256xbf16>, vector<256x256xf32> -> vector<256x256xf32>
    %max3A_171 = arith.maximumf %max3A_157, %dot_general3A_170 : vector<256x256xf32>
    %add3A_172 = arith.addf %add3A_158, %dot_general3A_170 : vector<256x256xf32>
    %mul3A_173 = arith.mulf %dot_general3A_170, %dot_general3A_170 : vector<256x256xf32>
    %add3A_174 = arith.addf %add3A_160, %mul3A_173 : vector<256x256xf32>
    %get3A_175 = arith.constant 12 : index
    %get3A_176 = arith.constant 0 : index
    %get3A_177 = arith.constant 0 : index
    %get3A_178 = vector.load %arg2[%get3A_175, %get3A_176, %get3A_177] : memref<20x256x128xf32, #tpu.memory_space<vmem>>, vector<1x256x128xf32>
    %get3A_179 = vector.shape_cast %get3A_178 : vector<1x256x128xf32> to vector<256x128xf32>
    %sub3A_180 = arith.subf %get3A_179, %get3A_3 : vector<256x128xf32>
    %concatenate3A_181 = tpu.concatenate %sub3A_180, %get3A_3 in 1 : vector<256x128xf32>, vector<256x128xf32> -> vector<256x256xf32>
    %convert_element_type3A_182 = arith.truncf %concatenate3A_181 : vector<256x256xf32> to vector<256x256xbf16>
    %dot_general3A_183 = arith.constant dense<0.000000e+00> : vector<256x256xf32>
    %dot_general3A_184 = tpu.matmul %convert_element_type3A_182, %convert_element_type3A_7, %dot_general3A_183 {dimension_numbers = #tpu.dot_dimension_numbers<[1], [0], [0], [1], [0, 0, 1, 1], [], []>, transpose_lhs_hint = false} : vector<256x256xbf16>, vector<256x256xbf16>, vector<256x256xf32> -> vector<256x256xf32>
    %max3A_185 = arith.maximumf %max3A_171, %dot_general3A_184 : vector<256x256xf32>
    %add3A_186 = arith.addf %add3A_172, %dot_general3A_184 : vector<256x256xf32>
    %mul3A_187 = arith.mulf %dot_general3A_184, %dot_general3A_184 : vector<256x256xf32>
    %add3A_188 = arith.addf %add3A_174, %mul3A_187 : vector<256x256xf32>
    %get3A_189 = arith.constant 13 : index
    %get3A_190 = arith.constant 0 : index
    %get3A_191 = arith.constant 0 : index
    %get3A_192 = vector.load %arg2[%get3A_189, %get3A_190, %get3A_191] : memref<20x256x128xf32, #tpu.memory_space<vmem>>, vector<1x256x128xf32>
    %get3A_193 = vector.shape_cast %get3A_192 : vector<1x256x128xf32> to vector<256x128xf32>
    %sub3A_194 = arith.subf %get3A_193, %get3A_3 : vector<256x128xf32>
    %concatenate3A_195 = tpu.concatenate %sub3A_194, %get3A_3 in 1 : vector<256x128xf32>, vector<256x128xf32> -> vector<256x256xf32>
    %convert_element_type3A_196 = arith.truncf %concatenate3A_195 : vector<256x256xf32> to vector<256x256xbf16>
    %dot_general3A_197 = arith.constant dense<0.000000e+00> : vector<256x256xf32>
    %dot_general3A_198 = tpu.matmul %convert_element_type3A_196, %convert_element_type3A_7, %dot_general3A_197 {dimension_numbers = #tpu.dot_dimension_numbers<[1], [0], [0], [1], [0, 0, 1, 1], [], []>, transpose_lhs_hint = false} : vector<256x256xbf16>, vector<256x256xbf16>, vector<256x256xf32> -> vector<256x256xf32>
    %max3A_199 = arith.maximumf %max3A_185, %dot_general3A_198 : vector<256x256xf32>
    %add3A_200 = arith.addf %add3A_186, %dot_general3A_198 : vector<256x256xf32>
    %mul3A_201 = arith.mulf %dot_general3A_198, %dot_general3A_198 : vector<256x256xf32>
    %add3A_202 = arith.addf %add3A_188, %mul3A_201 : vector<256x256xf32>
    %get3A_203 = arith.constant 14 : index
    %get3A_204 = arith.constant 0 : index
    %get3A_205 = arith.constant 0 : index
    %get3A_206 = vector.load %arg2[%get3A_203, %get3A_204, %get3A_205] : memref<20x256x128xf32, #tpu.memory_space<vmem>>, vector<1x256x128xf32>
    %get3A_207 = vector.shape_cast %get3A_206 : vector<1x256x128xf32> to vector<256x128xf32>
    %sub3A_208 = arith.subf %get3A_207, %get3A_3 : vector<256x128xf32>
    %concatenate3A_209 = tpu.concatenate %sub3A_208, %get3A_3 in 1 : vector<256x128xf32>, vector<256x128xf32> -> vector<256x256xf32>
    %convert_element_type3A_210 = arith.truncf %concatenate3A_209 : vector<256x256xf32> to vector<256x256xbf16>
    %dot_general3A_211 = arith.constant dense<0.000000e+00> : vector<256x256xf32>
    %dot_general3A_212 = tpu.matmul %convert_element_type3A_210, %convert_element_type3A_7, %dot_general3A_211 {dimension_numbers = #tpu.dot_dimension_numbers<[1], [0], [0], [1], [0, 0, 1, 1], [], []>, transpose_lhs_hint = false} : vector<256x256xbf16>, vector<256x256xbf16>, vector<256x256xf32> -> vector<256x256xf32>
    %max3A_213 = arith.maximumf %max3A_199, %dot_general3A_212 : vector<256x256xf32>
    %add3A_214 = arith.addf %add3A_200, %dot_general3A_212 : vector<256x256xf32>
    %mul3A_215 = arith.mulf %dot_general3A_212, %dot_general3A_212 : vector<256x256xf32>
    %add3A_216 = arith.addf %add3A_202, %mul3A_215 : vector<256x256xf32>
    %get3A_217 = arith.constant 15 : index
    %get3A_218 = arith.constant 0 : index
    %get3A_219 = arith.constant 0 : index
    %get3A_220 = vector.load %arg2[%get3A_217, %get3A_218, %get3A_219] : memref<20x256x128xf32, #tpu.memory_space<vmem>>, vector<1x256x128xf32>
    %get3A_221 = vector.shape_cast %get3A_220 : vector<1x256x128xf32> to vector<256x128xf32>
    %sub3A_222 = arith.subf %get3A_221, %get3A_3 : vector<256x128xf32>
    %concatenate3A_223 = tpu.concatenate %sub3A_222, %get3A_3 in 1 : vector<256x128xf32>, vector<256x128xf32> -> vector<256x256xf32>
    %convert_element_type3A_224 = arith.truncf %concatenate3A_223 : vector<256x256xf32> to vector<256x256xbf16>
    %dot_general3A_225 = arith.constant dense<0.000000e+00> : vector<256x256xf32>
    %dot_general3A_226 = tpu.matmul %convert_element_type3A_224, %convert_element_type3A_7, %dot_general3A_225 {dimension_numbers = #tpu.dot_dimension_numbers<[1], [0], [0], [1], [0, 0, 1, 1], [], []>, transpose_lhs_hint = false} : vector<256x256xbf16>, vector<256x256xbf16>, vector<256x256xf32> -> vector<256x256xf32>
    %max3A_227 = arith.maximumf %max3A_213, %dot_general3A_226 : vector<256x256xf32>
    %add3A_228 = arith.addf %add3A_214, %dot_general3A_226 : vector<256x256xf32>
    %mul3A_229 = arith.mulf %dot_general3A_226, %dot_general3A_226 : vector<256x256xf32>
    %add3A_230 = arith.addf %add3A_216, %mul3A_229 : vector<256x256xf32>
    %get3A_231 = arith.constant 16 : index
    %get3A_232 = arith.constant 0 : index
    %get3A_233 = arith.constant 0 : index
    %get3A_234 = vector.load %arg2[%get3A_231, %get3A_232, %get3A_233] : memref<20x256x128xf32, #tpu.memory_space<vmem>>, vector<1x256x128xf32>
    %get3A_235 = vector.shape_cast %get3A_234 : vector<1x256x128xf32> to vector<256x128xf32>
    %sub3A_236 = arith.subf %get3A_235, %get3A_3 : vector<256x128xf32>
    %concatenate3A_237 = tpu.concatenate %sub3A_236, %get3A_3 in 1 : vector<256x128xf32>, vector<256x128xf32> -> vector<256x256xf32>
    %convert_element_type3A_238 = arith.truncf %concatenate3A_237 : vector<256x256xf32> to vector<256x256xbf16>
    %dot_general3A_239 = arith.constant dense<0.000000e+00> : vector<256x256xf32>
    %dot_general3A_240 = tpu.matmul %convert_element_type3A_238, %convert_element_type3A_7, %dot_general3A_239 {dimension_numbers = #tpu.dot_dimension_numbers<[1], [0], [0], [1], [0, 0, 1, 1], [], []>, transpose_lhs_hint = false} : vector<256x256xbf16>, vector<256x256xbf16>, vector<256x256xf32> -> vector<256x256xf32>
    %max3A_241 = arith.maximumf %max3A_227, %dot_general3A_240 : vector<256x256xf32>
    %add3A_242 = arith.addf %add3A_228, %dot_general3A_240 : vector<256x256xf32>
    %mul3A_243 = arith.mulf %dot_general3A_240, %dot_general3A_240 : vector<256x256xf32>
    %add3A_244 = arith.addf %add3A_230, %mul3A_243 : vector<256x256xf32>
    %get3A_245 = arith.constant 17 : index
    %get3A_246 = arith.constant 0 : index
    %get3A_247 = arith.constant 0 : index
    %get3A_248 = vector.load %arg2[%get3A_245, %get3A_246, %get3A_247] : memref<20x256x128xf32, #tpu.memory_space<vmem>>, vector<1x256x128xf32>
    %get3A_249 = vector.shape_cast %get3A_248 : vector<1x256x128xf32> to vector<256x128xf32>
    %sub3A_250 = arith.subf %get3A_249, %get3A_3 : vector<256x128xf32>
    %concatenate3A_251 = tpu.concatenate %sub3A_250, %get3A_3 in 1 : vector<256x128xf32>, vector<256x128xf32> -> vector<256x256xf32>
    %convert_element_type3A_252 = arith.truncf %concatenate3A_251 : vector<256x256xf32> to vector<256x256xbf16>
    %dot_general3A_253 = arith.constant dense<0.000000e+00> : vector<256x256xf32>
    %dot_general3A_254 = tpu.matmul %convert_element_type3A_252, %convert_element_type3A_7, %dot_general3A_253 {dimension_numbers = #tpu.dot_dimension_numbers<[1], [0], [0], [1], [0, 0, 1, 1], [], []>, transpose_lhs_hint = false} : vector<256x256xbf16>, vector<256x256xbf16>, vector<256x256xf32> -> vector<256x256xf32>
    %max3A_255 = arith.maximumf %max3A_241, %dot_general3A_254 : vector<256x256xf32>
    %add3A_256 = arith.addf %add3A_242, %dot_general3A_254 : vector<256x256xf32>
    %mul3A_257 = arith.mulf %dot_general3A_254, %dot_general3A_254 : vector<256x256xf32>
    %add3A_258 = arith.addf %add3A_244, %mul3A_257 : vector<256x256xf32>
    %get3A_259 = arith.constant 18 : index
    %get3A_260 = arith.constant 0 : index
    %get3A_261 = arith.constant 0 : index
    %get3A_262 = vector.load %arg2[%get3A_259, %get3A_260, %get3A_261] : memref<20x256x128xf32, #tpu.memory_space<vmem>>, vector<1x256x128xf32>
    %get3A_263 = vector.shape_cast %get3A_262 : vector<1x256x128xf32> to vector<256x128xf32>
    %sub3A_264 = arith.subf %get3A_263, %get3A_3 : vector<256x128xf32>
    %concatenate3A_265 = tpu.concatenate %sub3A_264, %get3A_3 in 1 : vector<256x128xf32>, vector<256x128xf32> -> vector<256x256xf32>
    %convert_element_type3A_266 = arith.truncf %concatenate3A_265 : vector<256x256xf32> to vector<256x256xbf16>
    %dot_general3A_267 = arith.constant dense<0.000000e+00> : vector<256x256xf32>
    %dot_general3A_268 = tpu.matmul %convert_element_type3A_266, %convert_element_type3A_7, %dot_general3A_267 {dimension_numbers = #tpu.dot_dimension_numbers<[1], [0], [0], [1], [0, 0, 1, 1], [], []>, transpose_lhs_hint = false} : vector<256x256xbf16>, vector<256x256xbf16>, vector<256x256xf32> -> vector<256x256xf32>
    %max3A_269 = arith.maximumf %max3A_255, %dot_general3A_268 : vector<256x256xf32>
    %add3A_270 = arith.addf %add3A_256, %dot_general3A_268 : vector<256x256xf32>
    %mul3A_271 = arith.mulf %dot_general3A_268, %dot_general3A_268 : vector<256x256xf32>
    %add3A_272 = arith.addf %add3A_258, %mul3A_271 : vector<256x256xf32>
    %get3A_273 = arith.constant 19 : index
    %get3A_274 = arith.constant 0 : index
    %get3A_275 = arith.constant 0 : index
    %get3A_276 = vector.load %arg2[%get3A_273, %get3A_274, %get3A_275] : memref<20x256x128xf32, #tpu.memory_space<vmem>>, vector<1x256x128xf32>
    %get3A_277 = vector.shape_cast %get3A_276 : vector<1x256x128xf32> to vector<256x128xf32>
    %sub3A_278 = arith.subf %get3A_277, %get3A_3 : vector<256x128xf32>
    %concatenate3A_279 = tpu.concatenate %sub3A_278, %get3A_3 in 1 : vector<256x128xf32>, vector<256x128xf32> -> vector<256x256xf32>
    %convert_element_type3A_280 = arith.truncf %concatenate3A_279 : vector<256x256xf32> to vector<256x256xbf16>
    %dot_general3A_281 = arith.constant dense<0.000000e+00> : vector<256x256xf32>
    %dot_general3A_282 = tpu.matmul %convert_element_type3A_280, %convert_element_type3A_7, %dot_general3A_281 {dimension_numbers = #tpu.dot_dimension_numbers<[1], [0], [0], [1], [0, 0, 1, 1], [], []>, transpose_lhs_hint = false} : vector<256x256xbf16>, vector<256x256xbf16>, vector<256x256xf32> -> vector<256x256xf32>
    %max3A_283 = arith.maximumf %max3A_269, %dot_general3A_282 : vector<256x256xf32>
    %add3A_284 = arith.addf %add3A_270, %dot_general3A_282 : vector<256x256xf32>
    %mul3A_285 = arith.mulf %dot_general3A_282, %dot_general3A_282 : vector<256x256xf32>
    %add3A_286 = arith.addf %add3A_272, %mul3A_285 : vector<256x256xf32>
    %swap3A = arith.constant 0 : index
    %swap3A_287 = arith.constant 0 : index
    %swap3A_288 = vector.load %arg4[%swap3A, %swap3A_287] : memref<256x256xf32, #tpu.memory_space<vmem>>, vector<256x256xf32>
    tpu.vector_store %arg4[%swap3A, %swap3A_287], %max3A_283 {strides = array<i32>} : memref<256x256xf32, #tpu.memory_space<vmem>>, vector<256x256xf32>,
    %get3A_289 = arith.constant 0 : index
    %get3A_290 = arith.constant 0 : index
    %get3A_291 = vector.load %arg7[%get3A_289, %get3A_290] : memref<8x256xf32, #tpu.memory_space<vmem>>, vector<8x256xf32>
    %reduce_sum3A = arith.constant dense<0.000000e+00> : vector<256xf32>
    %reduce_sum3A_292 = vector.multi_reduction <add>, %add3A_284, %reduce_sum3A [0] : vector<256x256xf32> to vector<256xf32>
    %broadcast_in_dim3A_293 = vector.shape_cast %reduce_sum3A_292 : vector<256xf32> to vector<1x256xf32>
    %reduce_sum3A_294 = arith.constant dense<0.000000e+00> : vector<256xf32>
    %reduce_sum3A_295 = vector.multi_reduction <add>, %add3A_286, %reduce_sum3A_294 [0] : vector<256x256xf32> to vector<256xf32>
    %broadcast_in_dim3A_296 = vector.shape_cast %reduce_sum3A_295 : vector<256xf32> to vector<1x256xf32>
    %broadcast_in_dim3A_297 = arith.constant 0.000000e+00 : f32
    %broadcast_in_dim3A_298 = vector.broadcast %broadcast_in_dim3A_297 : f32 to vector<6x256xf32>
    %concatenate3A_299 = tpu.concatenate %broadcast_in_dim3A_293, %broadcast_in_dim3A_296, %broadcast_in_dim3A_298 in 0 : vector<1x256xf32>, vector<1x256xf32>, vector<6x256xf32> -> vector<8x256xf32>
    %add3A_300 = arith.addf %get3A_291, %concatenate3A_299 : vector<8x256xf32>
    %swap3A_301 = arith.constant 0 : index
    %swap3A_302 = arith.constant 0 : index
    %swap3A_303 = vector.load %arg7[%swap3A_301, %swap3A_302] : memref<8x256xf32, #tpu.memory_space<vmem>>, vector<8x256xf32>
    tpu.vector_store %arg7[%swap3A_301, %swap3A_302], %add3A_300 {strides = array<i32>} : memref<8x256xf32, #tpu.memory_space<vmem>>, vector<8x256xf32>,
    %eq3A_304 = arith.constant 127 : i32
    %eq3A_305 = arith.cmpi eq, %arg0, %eq3A_304 : i32
    %convert_element_type3A_306 = arith.extui %eq3A_305 : i1 to i32
    %cond3A_307 = arith.constant 0 : i32
    %cond3A_308 = arith.cmpi ne, %convert_element_type3A_306, %cond3A_307 : i32
    scf.if %cond3A_308 {
      %get3A_309 = arith.constant 0 : index
      %get3A_310 = arith.constant 0 : index
      %get3A_311 = vector.load %arg7[%get3A_309, %get3A_310] : memref<8x256xf32, #tpu.memory_space<vmem>>, vector<8x256xf32>
      %slice3A = vector.extract_strided_slice %get3A_311 {offsets = [0, 0], sizes = [1, 256], strides = [1, 1]} : vector<8x256xf32> to vector<1x256xf32>
      %div3A = arith.constant 6.553600e+05 : f32
      %div3A_312 = vector.broadcast %div3A : f32 to vector<1x256xf32>
      %div3A_313 = arith.divf %slice3A, %div3A_312 : vector<1x256xf32>
      %slice3A_314 = vector.extract_strided_slice %get3A_311 {offsets = [1, 0], sizes = [1, 256], strides = [1, 1]} : vector<8x256xf32> to vector<1x256xf32>
      %div3A_315 = arith.constant 6.553600e+05 : f32
      %div3A_316 = vector.broadcast %div3A_315 : f32 to vector<1x256xf32>
      %div3A_317 = arith.divf %slice3A_314, %div3A_316 : vector<1x256xf32>
      %mul3A_318 = arith.mulf %div3A_313, %div3A_313 : vector<1x256xf32>
      %sub3A_319 = arith.subf %div3A_317, %mul3A_318 : vector<1x256xf32>
      %swap3A_320 = arith.constant 0 : index
      %swap3A_321 = arith.constant 0 : index
      %swap3A_322 = vector.load %arg5[%swap3A_320, %swap3A_321] : memref<1x256xf32, #tpu.memory_space<vmem>>, vector<1x256xf32>
      tpu.vector_store %arg5[%swap3A_320, %swap3A_321], %div3A_313 {strides = array<i32>} : memref<1x256xf32, #tpu.memory_space<vmem>>, vector<1x256xf32>,
      %add3A_323 = arith.constant 9.99999974E-6 : f32
      %add3A_324 = vector.broadcast %add3A_323 : f32 to vector<1x256xf32>
      %add3A_325 = arith.addf %sub3A_319, %add3A_324 : vector<1x256xf32>
      %sqrt3A = math.sqrt %add3A_325 : vector<1x256xf32>
      %swap3A_326 = arith.constant 0 : index
      %swap3A_327 = arith.constant 0 : index
      %swap3A_328 = vector.load %arg6[%swap3A_326, %swap3A_327] : memref<1x256xf32, #tpu.memory_space<vmem>>, vector<1x256xf32>
      tpu.vector_store %arg6[%swap3A_326, %swap3A_327], %sqrt3A {strides = array<i32>} : memref<1x256xf32, #tpu.memory_space<vmem>>, vector<1x256xf32>,
    } else {
    }
    return
  }
  func.func @transform_0(%arg0: i32) -> (i32, i32) {
    %c0_i32 = arith.constant 0 : i32
    %c0_i32_0 = arith.constant 0 : i32
    return %arg0, %c0_i32 : i32, i32
  }
  func.func @transform_1(%arg0: i32) -> (i32, i32, i32) {
    %c0_i32 = arith.constant 0 : i32
    %c0_i32_0 = arith.constant 0 : i32
    %c0_i32_1 = arith.constant 0 : i32
    return %c0_i32, %arg0, %c0_i32_0 : i32, i32, i32
  }
  func.func @transform_2(%arg0: i32) -> (i32, i32) {
    %c0_i32 = arith.constant 0 : i32
    %c0_i32_0 = arith.constant 0 : i32
    %c0_i32_1 = arith.constant 0 : i32
    return %c0_i32, %c0_i32_0 : i32, i32
  }
  func.func @transform_3(%arg0: i32) -> (i32, i32) {
    %c0_i32 = arith.constant 0 : i32
    %c0_i32_0 = arith.constant 0 : i32
    return %arg0, %c0_i32 : i32, i32
  }
  func.func @transform_4(%arg0: i32) -> (i32, i32) {
    %c0_i32 = arith.constant 0 : i32
    %c0_i32_0 = arith.constant 0 : i32
    %c0_i32_1 = arith.constant 0 : i32
    return %c0_i32, %c0_i32_0 : i32, i32
  }
  func.func @transform_5(%arg0: i32) -> (i32, i32) {
    %c0_i32 = arith.constant 0 : i32
    %c0_i32_0 = arith.constant 0 : i32
    %c0_i32_1 = arith.constant 0 : i32
    return %c0_i32, %c0_i32_0 : i32, i32
  }
}

module attributes {stable_mosaic.version = 14 : i64} {
  func.func @_combine_body(%arg0: i32, %arg1: memref<1024x256xf32, #tpu.memory_space<vmem>>, %arg2: memref<1x256xf32, #tpu.memory_space<vmem>>, %arg3: memref<1x256xf32, #tpu.memory_space<vmem>>, %arg4: memref<1x256xf32, #tpu.memory_space<vmem>>, %arg5: memref<1x256xf32, #tpu.memory_space<vmem>>, %arg6: memref<1024x256xf32, #tpu.memory_space<vmem>>) attributes {dimension_semantics = [#tpu.dimension_semantics<arbitrary>], iteration_bounds = array<i64: 32>, scalar_prefetch = 0 : i64, scratch_operands = 0 : i64, tpu.core_type = #tpu.core_type<tc>, window_params = [{transform_indices = @transform_0, window_bounds = array<i64: 1024, 256>}, {pipeline_mode = #tpu.pipeline_mode<synchronous>, transform_indices = @transform_1, window_bounds = array<i64: 1, 256>}, {pipeline_mode = #tpu.pipeline_mode<synchronous>, transform_indices = @transform_2, window_bounds = array<i64: 1, 256>}, {pipeline_mode = #tpu.pipeline_mode<synchronous>, transform_indices = @transform_3, window_bounds = array<i64: 1, 256>}, {pipeline_mode = #tpu.pipeline_mode<synchronous>, transform_indices = @transform_4, window_bounds = array<i64: 1, 256>}, {transform_indices = @transform_5, window_bounds = array<i64: 1024, 256>}]} {
    %get3A = arith.constant 0 : index
    %get3A_0 = arith.constant 0 : index
    %get3A_1 = vector.load %arg1[%get3A, %get3A_0] : memref<1024x256xf32, #tpu.memory_space<vmem>>, vector<1024x256xf32>
    %get3A_2 = arith.constant 0 : index
    %get3A_3 = arith.constant 0 : index
    %get3A_4 = vector.load %arg2[%get3A_2, %get3A_3] : memref<1x256xf32, #tpu.memory_space<vmem>>, vector<1x256xf32>
    %sub3A = vector.broadcast %get3A_4 : vector<1x256xf32> to vector<1024x256xf32>
    %sub3A_5 = arith.subf %get3A_1, %sub3A : vector<1024x256xf32>
    %get3A_6 = arith.constant 0 : index
    %get3A_7 = arith.constant 0 : index
    %get3A_8 = vector.load %arg3[%get3A_6, %get3A_7] : memref<1x256xf32, #tpu.memory_space<vmem>>, vector<1x256xf32>
    %div3A = vector.broadcast %get3A_8 : vector<1x256xf32> to vector<1024x256xf32>
    %div3A_9 = arith.divf %sub3A_5, %div3A : vector<1024x256xf32>
    %get3A_10 = arith.constant 0 : index
    %get3A_11 = arith.constant 0 : index
    %get3A_12 = vector.load %arg4[%get3A_10, %get3A_11] : memref<1x256xf32, #tpu.memory_space<vmem>>, vector<1x256xf32>
    %mul3A = vector.broadcast %get3A_12 : vector<1x256xf32> to vector<1024x256xf32>
    %mul3A_13 = arith.mulf %div3A_9, %mul3A : vector<1024x256xf32>
    %get3A_14 = arith.constant 0 : index
    %get3A_15 = arith.constant 0 : index
    %get3A_16 = vector.load %arg5[%get3A_14, %get3A_15] : memref<1x256xf32, #tpu.memory_space<vmem>>, vector<1x256xf32>
    %add3A = vector.broadcast %get3A_16 : vector<1x256xf32> to vector<1024x256xf32>
    %add3A_17 = arith.addf %mul3A_13, %add3A : vector<1024x256xf32>
    %ge3A = arith.constant 0.000000e+00 : f32
    %ge3A_18 = vector.broadcast %ge3A : f32 to vector<1024x256xf32>
    %ge3A_19 = arith.cmpf oge, %add3A_17, %ge3A_18 : vector<1024x256xf32>
    %mul3A_20 = arith.constant 2.000000e-01 : f32
    %mul3A_21 = vector.broadcast %mul3A_20 : f32 to vector<1024x256xf32>
    %mul3A_22 = arith.mulf %mul3A_21, %add3A_17 : vector<1024x256xf32>
    %select_n3A = arith.select %ge3A_19, %add3A_17, %mul3A_22 : vector<1024x256xi1>, vector<1024x256xf32>
    %swap3A = arith.constant 0 : index
    %swap3A_23 = arith.constant 0 : index
    %swap3A_24 = vector.load %arg6[%swap3A, %swap3A_23] : memref<1024x256xf32, #tpu.memory_space<vmem>>, vector<1024x256xf32>
    tpu.vector_store %arg6[%swap3A, %swap3A_23], %select_n3A {strides = array<i32>} : memref<1024x256xf32, #tpu.memory_space<vmem>>, vector<1024x256xf32>,
    return
  }
  func.func @transform_0(%arg0: i32) -> (i32, i32) {
    %c0_i32 = arith.constant 0 : i32
    %c0_i32_0 = arith.constant 0 : i32
    return %arg0, %c0_i32 : i32, i32
  }
  func.func @transform_1(%arg0: i32) -> (i32, i32) {
    %c0_i32 = arith.constant 0 : i32
    %c0_i32_0 = arith.constant 0 : i32
    %c0_i32_1 = arith.constant 0 : i32
    return %c0_i32, %c0_i32_0 : i32, i32
  }
  func.func @transform_2(%arg0: i32) -> (i32, i32) {
    %c0_i32 = arith.constant 0 : i32
    %c0_i32_0 = arith.constant 0 : i32
    %c0_i32_1 = arith.constant 0 : i32
    return %c0_i32, %c0_i32_0 : i32, i32
  }
  func.func @transform_3(%arg0: i32) -> (i32, i32) {
    %c0_i32 = arith.constant 0 : i32
    %c0_i32_0 = arith.constant 0 : i32
    %c0_i32_1 = arith.constant 0 : i32
    return %c0_i32, %c0_i32_0 : i32, i32
  }
  func.func @transform_4(%arg0: i32) -> (i32, i32) {
    %c0_i32 = arith.constant 0 : i32
    %c0_i32_0 = arith.constant 0 : i32
    %c0_i32_1 = arith.constant 0 : i32
    return %c0_i32, %c0_i32_0 : i32, i32
  }
  func.func @transform_5(%arg0: i32) -> (i32, i32) {
    %c0_i32 = arith.constant 0 : i32
    %c0_i32_0 = arith.constant 0 : i32
    return %arg0, %c0_i32 : i32, i32
  }
}

module attributes {stable_mosaic.version = 14 : i64} {
  func.func @_conv5_p1_body(%arg0: i32, %arg1: memref<512x512xf32, #tpu.memory_space<vmem>>, %arg2: memref<512x1024xf32, #tpu.memory_space<vmem>>, %arg3: memref<512x1024xf32, #tpu.memory_space<vmem>>, %arg4: memref<1x1024xf32, #tpu.memory_space<vmem>>, %arg5: memref<1x1024xf32, #tpu.memory_space<vmem>>, %arg6: memref<8x1024xf32, #tpu.memory_space<vmem>>) attributes {dimension_semantics = [#tpu.dimension_semantics<arbitrary>], iteration_bounds = array<i64: 64>, scalar_prefetch = 0 : i64, scratch_operands = 1 : i64, tpu.core_type = #tpu.core_type<tc>, window_params = [{transform_indices = @transform_0, window_bounds = array<i64: 512, 512>}, {pipeline_mode = #tpu.pipeline_mode<synchronous>, transform_indices = @transform_1, window_bounds = array<i64: 512, 1024>}, {transform_indices = @transform_2, window_bounds = array<i64: 512, 1024>}, {pipeline_mode = #tpu.pipeline_mode<synchronous>, transform_indices = @transform_3, window_bounds = array<i64: 1, 1024>}, {pipeline_mode = #tpu.pipeline_mode<synchronous>, transform_indices = @transform_4, window_bounds = array<i64: 1, 1024>}]} {
    %eq3A = arith.constant 0 : i32
    %eq3A_0 = arith.cmpi eq, %arg0, %eq3A : i32
    %convert_element_type3A = arith.extui %eq3A_0 : i1 to i32
    %cond3A = arith.constant 0 : i32
    %cond3A_1 = arith.cmpi ne, %convert_element_type3A, %cond3A : i32
    scf.if %cond3A_1 {
      %broadcast_in_dim3A_29 = arith.constant 0.000000e+00 : f32
      %broadcast_in_dim3A_30 = vector.broadcast %broadcast_in_dim3A_29 : f32 to vector<8x1024xf32>
      %swap3A_31 = arith.constant 0 : index
      %swap3A_32 = arith.constant 0 : index
      %swap3A_33 = vector.load %arg6[%swap3A_31, %swap3A_32] : memref<8x1024xf32, #tpu.memory_space<vmem>>, vector<8x1024xf32>
      tpu.vector_store %arg6[%swap3A_31, %swap3A_32], %broadcast_in_dim3A_30 {strides = array<i32>} : memref<8x1024xf32, #tpu.memory_space<vmem>>, vector<8x1024xf32>,
    } else {
    }
    %get3A = arith.constant 0 : index
    %get3A_2 = arith.constant 0 : index
    %get3A_3 = vector.load %arg1[%get3A, %get3A_2] : memref<512x512xf32, #tpu.memory_space<vmem>>, vector<512x512xf32>
    %convert_element_type3A_4 = arith.truncf %get3A_3 : vector<512x512xf32> to vector<512x512xbf16>
    %get3A_5 = arith.constant 0 : index
    %get3A_6 = arith.constant 0 : index
    %get3A_7 = vector.load %arg2[%get3A_5, %get3A_6] : memref<512x1024xf32, #tpu.memory_space<vmem>>, vector<512x1024xf32>
    %convert_element_type3A_8 = arith.truncf %get3A_7 : vector<512x1024xf32> to vector<512x1024xbf16>
    %dot_general3A = arith.constant dense<0.000000e+00> : vector<512x1024xf32>
    %dot_general3A_9 = tpu.matmul %convert_element_type3A_4, %convert_element_type3A_8, %dot_general3A {dimension_numbers = #tpu.dot_dimension_numbers<[1], [0], [0], [1], [0, 0, 1, 1], [], []>, transpose_lhs_hint = false} : vector<512x512xbf16>, vector<512x1024xbf16>, vector<512x1024xf32> -> vector<512x1024xf32>
    %swap3A = arith.constant 0 : index
    %swap3A_10 = arith.constant 0 : index
    %swap3A_11 = vector.load %arg3[%swap3A, %swap3A_10] : memref<512x1024xf32, #tpu.memory_space<vmem>>, vector<512x1024xf32>
    tpu.vector_store %arg3[%swap3A, %swap3A_10], %dot_general3A_9 {strides = array<i32>} : memref<512x1024xf32, #tpu.memory_space<vmem>>, vector<512x1024xf32>,
    %get3A_12 = arith.constant 0 : index
    %get3A_13 = arith.constant 0 : index
    %get3A_14 = vector.load %arg6[%get3A_12, %get3A_13] : memref<8x1024xf32, #tpu.memory_space<vmem>>, vector<8x1024xf32>
    %reduce_sum3A = arith.constant dense<0.000000e+00> : vector<1024xf32>
    %reduce_sum3A_15 = vector.multi_reduction <add>, %dot_general3A_9, %reduce_sum3A [0] : vector<512x1024xf32> to vector<1024xf32>
    %broadcast_in_dim3A = vector.shape_cast %reduce_sum3A_15 : vector<1024xf32> to vector<1x1024xf32>
    %mul3A = arith.mulf %dot_general3A_9, %dot_general3A_9 : vector<512x1024xf32>
    %reduce_sum3A_16 = arith.constant dense<0.000000e+00> : vector<1024xf32>
    %reduce_sum3A_17 = vector.multi_reduction <add>, %mul3A, %reduce_sum3A_16 [0] : vector<512x1024xf32> to vector<1024xf32>
    %broadcast_in_dim3A_18 = vector.shape_cast %reduce_sum3A_17 : vector<1024xf32> to vector<1x1024xf32>
    %broadcast_in_dim3A_19 = arith.constant 0.000000e+00 : f32
    %broadcast_in_dim3A_20 = vector.broadcast %broadcast_in_dim3A_19 : f32 to vector<6x1024xf32>
    %concatenate3A = tpu.concatenate %broadcast_in_dim3A, %broadcast_in_dim3A_18, %broadcast_in_dim3A_20 in 0 : vector<1x1024xf32>, vector<1x1024xf32>, vector<6x1024xf32> -> vector<8x1024xf32>
    %add3A = arith.addf %get3A_14, %concatenate3A : vector<8x1024xf32>
    %swap3A_21 = arith.constant 0 : index
    %swap3A_22 = arith.constant 0 : index
    %swap3A_23 = vector.load %arg6[%swap3A_21, %swap3A_22] : memref<8x1024xf32, #tpu.memory_space<vmem>>, vector<8x1024xf32>
    tpu.vector_store %arg6[%swap3A_21, %swap3A_22], %add3A {strides = array<i32>} : memref<8x1024xf32, #tpu.memory_space<vmem>>, vector<8x1024xf32>,
    %eq3A_24 = arith.constant 63 : i32
    %eq3A_25 = arith.cmpi eq, %arg0, %eq3A_24 : i32
    %convert_element_type3A_26 = arith.extui %eq3A_25 : i1 to i32
    %cond3A_27 = arith.constant 0 : i32
    %cond3A_28 = arith.cmpi ne, %convert_element_type3A_26, %cond3A_27 : i32
    scf.if %cond3A_28 {
      %get3A_29 = arith.constant 0 : index
      %get3A_30 = arith.constant 0 : index
      %get3A_31 = vector.load %arg6[%get3A_29, %get3A_30] : memref<8x1024xf32, #tpu.memory_space<vmem>>, vector<8x1024xf32>
      %slice3A = vector.extract_strided_slice %get3A_31 {offsets = [0, 0], sizes = [1, 1024], strides = [1, 1]} : vector<8x1024xf32> to vector<1x1024xf32>
      %div3A = arith.constant 3.276800e+04 : f32
      %div3A_32 = vector.broadcast %div3A : f32 to vector<1x1024xf32>
      %div3A_33 = arith.divf %slice3A, %div3A_32 : vector<1x1024xf32>
      %slice3A_34 = vector.extract_strided_slice %get3A_31 {offsets = [1, 0], sizes = [1, 1024], strides = [1, 1]} : vector<8x1024xf32> to vector<1x1024xf32>
      %div3A_35 = arith.constant 3.276800e+04 : f32
      %div3A_36 = vector.broadcast %div3A_35 : f32 to vector<1x1024xf32>
      %div3A_37 = arith.divf %slice3A_34, %div3A_36 : vector<1x1024xf32>
      %mul3A_38 = arith.mulf %div3A_33, %div3A_33 : vector<1x1024xf32>
      %sub3A = arith.subf %div3A_37, %mul3A_38 : vector<1x1024xf32>
      %swap3A_39 = arith.constant 0 : index
      %swap3A_40 = arith.constant 0 : index
      %swap3A_41 = vector.load %arg4[%swap3A_39, %swap3A_40] : memref<1x1024xf32, #tpu.memory_space<vmem>>, vector<1x1024xf32>
      tpu.vector_store %arg4[%swap3A_39, %swap3A_40], %div3A_33 {strides = array<i32>} : memref<1x1024xf32, #tpu.memory_space<vmem>>, vector<1x1024xf32>,
      %add3A_42 = arith.constant 9.99999974E-6 : f32
      %add3A_43 = vector.broadcast %add3A_42 : f32 to vector<1x1024xf32>
      %add3A_44 = arith.addf %sub3A, %add3A_43 : vector<1x1024xf32>
      %sqrt3A = math.sqrt %add3A_44 : vector<1x1024xf32>
      %swap3A_45 = arith.constant 0 : index
      %swap3A_46 = arith.constant 0 : index
      %swap3A_47 = vector.load %arg5[%swap3A_45, %swap3A_46] : memref<1x1024xf32, #tpu.memory_space<vmem>>, vector<1x1024xf32>
      tpu.vector_store %arg5[%swap3A_45, %swap3A_46], %sqrt3A {strides = array<i32>} : memref<1x1024xf32, #tpu.memory_space<vmem>>, vector<1x1024xf32>,
    } else {
    }
    return
  }
  func.func @transform_0(%arg0: i32) -> (i32, i32) {
    %c0_i32 = arith.constant 0 : i32
    %c0_i32_0 = arith.constant 0 : i32
    return %arg0, %c0_i32 : i32, i32
  }
  func.func @transform_1(%arg0: i32) -> (i32, i32) {
    %c0_i32 = arith.constant 0 : i32
    %c0_i32_0 = arith.constant 0 : i32
    %c0_i32_1 = arith.constant 0 : i32
    return %c0_i32, %c0_i32_0 : i32, i32
  }
  func.func @transform_2(%arg0: i32) -> (i32, i32) {
    %c0_i32 = arith.constant 0 : i32
    %c0_i32_0 = arith.constant 0 : i32
    return %arg0, %c0_i32 : i32, i32
  }
  func.func @transform_3(%arg0: i32) -> (i32, i32) {
    %c0_i32 = arith.constant 0 : i32
    %c0_i32_0 = arith.constant 0 : i32
    %c0_i32_1 = arith.constant 0 : i32
    return %c0_i32, %c0_i32_0 : i32, i32
  }
  func.func @transform_4(%arg0: i32) -> (i32, i32) {
    %c0_i32 = arith.constant 0 : i32
    %c0_i32_0 = arith.constant 0 : i32
    %c0_i32_1 = arith.constant 0 : i32
    return %c0_i32, %c0_i32_0 : i32, i32
  }
}

module attributes {stable_mosaic.version = 14 : i64} {
  func.func @_conv5_p2_body(%arg0: i32, %arg1: i32, %arg2: memref<1x512x1024xf32, #tpu.memory_space<vmem>>, %arg3: memref<1x1024xf32, #tpu.memory_space<vmem>>, %arg4: memref<1x1024xf32, #tpu.memory_space<vmem>>, %arg5: memref<1x1024xf32, #tpu.memory_space<vmem>>, %arg6: memref<1x1024xf32, #tpu.memory_space<vmem>>, %arg7: memref<1x1x1024xf32, #tpu.memory_space<vmem>>, %arg8: memref<1x1x1024xf32, #tpu.memory_space<vmem>>, %arg9: memref<8x1024xf32, #tpu.memory_space<vmem>>, %arg10: memref<8x1024xf32, #tpu.memory_space<vmem>>) attributes {dimension_semantics = [#tpu.dimension_semantics<arbitrary>, #tpu.dimension_semantics<arbitrary>], iteration_bounds = array<i64: 16, 4>, scalar_prefetch = 0 : i64, scratch_operands = 2 : i64, tpu.core_type = #tpu.core_type<tc>, window_params = [{transform_indices = @transform_0, window_bounds = array<i64: 1, 512, 1024>}, {pipeline_mode = #tpu.pipeline_mode<synchronous>, transform_indices = @transform_1, window_bounds = array<i64: 1, 1024>}, {pipeline_mode = #tpu.pipeline_mode<synchronous>, transform_indices = @transform_2, window_bounds = array<i64: 1, 1024>}, {pipeline_mode = #tpu.pipeline_mode<synchronous>, transform_indices = @transform_3, window_bounds = array<i64: 1, 1024>}, {pipeline_mode = #tpu.pipeline_mode<synchronous>, transform_indices = @transform_4, window_bounds = array<i64: 1, 1024>}, {transform_indices = @transform_5, window_bounds = array<i64: 1, 1, 1024>}, {transform_indices = @transform_6, window_bounds = array<i64: 1, 1, 1024>}]} {
    %eq3A = arith.constant 0 : i32
    %eq3A_0 = arith.cmpi eq, %arg1, %eq3A : i32
    %convert_element_type3A = arith.extui %eq3A_0 : i1 to i32
    %cond3A = arith.constant 0 : i32
    %cond3A_1 = arith.cmpi ne, %convert_element_type3A, %cond3A : i32
    scf.if %cond3A_1 {
      %broadcast_in_dim3A_47 = arith.constant -3.000000e+38 : f32
      %broadcast_in_dim3A_48 = vector.broadcast %broadcast_in_dim3A_47 : f32 to vector<8x1024xf32>
      %swap3A_49 = arith.constant 0 : index
      %swap3A_50 = arith.constant 0 : index
      %swap3A_51 = vector.load %arg9[%swap3A_49, %swap3A_50] : memref<8x1024xf32, #tpu.memory_space<vmem>>, vector<8x1024xf32>
      tpu.vector_store %arg9[%swap3A_49, %swap3A_50], %broadcast_in_dim3A_48 {strides = array<i32>} : memref<8x1024xf32, #tpu.memory_space<vmem>>, vector<8x1024xf32>,
      %broadcast_in_dim3A_52 = arith.constant 0.000000e+00 : f32
      %broadcast_in_dim3A_53 = vector.broadcast %broadcast_in_dim3A_52 : f32 to vector<8x1024xf32>
      %swap3A_54 = arith.constant 0 : index
      %swap3A_55 = arith.constant 0 : index
      %swap3A_56 = vector.load %arg10[%swap3A_54, %swap3A_55] : memref<8x1024xf32, #tpu.memory_space<vmem>>, vector<8x1024xf32>
      tpu.vector_store %arg10[%swap3A_54, %swap3A_55], %broadcast_in_dim3A_53 {strides = array<i32>} : memref<8x1024xf32, #tpu.memory_space<vmem>>, vector<8x1024xf32>,
    } else {
    }
    %get3A = arith.constant 0 : index
    %get3A_2 = arith.constant 0 : index
    %get3A_3 = arith.constant 0 : index
    %get3A_4 = vector.load %arg2[%get3A, %get3A_2, %get3A_3] : memref<1x512x1024xf32, #tpu.memory_space<vmem>>, vector<1x512x1024xf32>
    %get3A_5 = vector.shape_cast %get3A_4 : vector<1x512x1024xf32> to vector<512x1024xf32>
    %get3A_6 = arith.constant 0 : index
    %get3A_7 = arith.constant 0 : index
    %get3A_8 = vector.load %arg3[%get3A_6, %get3A_7] : memref<1x1024xf32, #tpu.memory_space<vmem>>, vector<1x1024xf32>
    %sub3A = vector.broadcast %get3A_8 : vector<1x1024xf32> to vector<512x1024xf32>
    %sub3A_9 = arith.subf %get3A_5, %sub3A : vector<512x1024xf32>
    %get3A_10 = arith.constant 0 : index
    %get3A_11 = arith.constant 0 : index
    %get3A_12 = vector.load %arg4[%get3A_10, %get3A_11] : memref<1x1024xf32, #tpu.memory_space<vmem>>, vector<1x1024xf32>
    %div3A = vector.broadcast %get3A_12 : vector<1x1024xf32> to vector<512x1024xf32>
    %div3A_13 = arith.divf %sub3A_9, %div3A : vector<512x1024xf32>
    %get3A_14 = arith.constant 0 : index
    %get3A_15 = arith.constant 0 : index
    %get3A_16 = vector.load %arg5[%get3A_14, %get3A_15] : memref<1x1024xf32, #tpu.memory_space<vmem>>, vector<1x1024xf32>
    %mul3A = vector.broadcast %get3A_16 : vector<1x1024xf32> to vector<512x1024xf32>
    %mul3A_17 = arith.mulf %div3A_13, %mul3A : vector<512x1024xf32>
    %get3A_18 = arith.constant 0 : index
    %get3A_19 = arith.constant 0 : index
    %get3A_20 = vector.load %arg6[%get3A_18, %get3A_19] : memref<1x1024xf32, #tpu.memory_space<vmem>>, vector<1x1024xf32>
    %add3A = vector.broadcast %get3A_20 : vector<1x1024xf32> to vector<512x1024xf32>
    %add3A_21 = arith.addf %mul3A_17, %add3A : vector<512x1024xf32>
    %ge3A = arith.constant 0.000000e+00 : f32
    %ge3A_22 = vector.broadcast %ge3A : f32 to vector<512x1024xf32>
    %ge3A_23 = arith.cmpf oge, %add3A_21, %ge3A_22 : vector<512x1024xf32>
    %mul3A_24 = arith.constant 2.000000e-01 : f32
    %mul3A_25 = vector.broadcast %mul3A_24 : f32 to vector<512x1024xf32>
    %mul3A_26 = arith.mulf %mul3A_25, %add3A_21 : vector<512x1024xf32>
    %select_n3A = arith.select %ge3A_23, %add3A_21, %mul3A_26 : vector<512x1024xi1>, vector<512x1024xf32>
    %get3A_27 = arith.constant 0 : index
    %get3A_28 = arith.constant 0 : index
    %get3A_29 = vector.load %arg9[%get3A_27, %get3A_28] : memref<8x1024xf32, #tpu.memory_space<vmem>>, vector<1x1024xf32>
    %reduce_max3A = arith.constant dense<0xFF800000> : vector<1024xf32>
    %reduce_max3A_30 = vector.multi_reduction <maximumf>, %select_n3A, %reduce_max3A [0] : vector<512x1024xf32> to vector<1024xf32>
    %broadcast_in_dim3A = vector.shape_cast %reduce_max3A_30 : vector<1024xf32> to vector<1x1024xf32>
    %max3A = arith.maximumf %get3A_29, %broadcast_in_dim3A : vector<1x1024xf32>
    %swap3A = arith.constant 0 : index
    %swap3A_31 = arith.constant 0 : index
    %swap3A_32 = vector.load %arg9[%swap3A, %swap3A_31] : memref<8x1024xf32, #tpu.memory_space<vmem>>, vector<1x1024xf32>
    tpu.vector_store %arg9[%swap3A, %swap3A_31], %max3A {strides = array<i32>} : memref<8x1024xf32, #tpu.memory_space<vmem>>, vector<1x1024xf32>,
    %get3A_33 = arith.constant 0 : index
    %get3A_34 = arith.constant 0 : index
    %get3A_35 = vector.load %arg10[%get3A_33, %get3A_34] : memref<8x1024xf32, #tpu.memory_space<vmem>>, vector<1x1024xf32>
    %reduce_sum3A = arith.constant dense<0.000000e+00> : vector<1024xf32>
    %reduce_sum3A_36 = vector.multi_reduction <add>, %select_n3A, %reduce_sum3A [0] : vector<512x1024xf32> to vector<1024xf32>
    %broadcast_in_dim3A_37 = vector.shape_cast %reduce_sum3A_36 : vector<1024xf32> to vector<1x1024xf32>
    %add3A_38 = arith.addf %get3A_35, %broadcast_in_dim3A_37 : vector<1x1024xf32>
    %swap3A_39 = arith.constant 0 : index
    %swap3A_40 = arith.constant 0 : index
    %swap3A_41 = vector.load %arg10[%swap3A_39, %swap3A_40] : memref<8x1024xf32, #tpu.memory_space<vmem>>, vector<1x1024xf32>
    tpu.vector_store %arg10[%swap3A_39, %swap3A_40], %add3A_38 {strides = array<i32>} : memref<8x1024xf32, #tpu.memory_space<vmem>>, vector<1x1024xf32>,
    %eq3A_42 = arith.constant 3 : i32
    %eq3A_43 = arith.cmpi eq, %arg1, %eq3A_42 : i32
    %convert_element_type3A_44 = arith.extui %eq3A_43 : i1 to i32
    %cond3A_45 = arith.constant 0 : i32
    %cond3A_46 = arith.cmpi ne, %convert_element_type3A_44, %cond3A_45 : i32
    scf.if %cond3A_46 {
      %get3A_47 = arith.constant 0 : index
      %get3A_48 = arith.constant 0 : index
      %get3A_49 = vector.load %arg9[%get3A_47, %get3A_48] : memref<8x1024xf32, #tpu.memory_space<vmem>>, vector<1x1024xf32>
      %swap3A_50 = arith.constant 0 : index
      %swap3A_51 = arith.constant 0 : index
      %swap3A_52 = arith.constant 0 : index
      %swap3A_53 = vector.load %arg7[%swap3A_50, %swap3A_51, %swap3A_52] : memref<1x1x1024xf32, #tpu.memory_space<vmem>>, vector<1x1x1024xf32>
      %swap3A_54 = vector.shape_cast %swap3A_53 : vector<1x1x1024xf32> to vector<1x1024xf32>
      %swap3A_55 = vector.shape_cast %get3A_49 : vector<1x1024xf32> to vector<1x1x1024xf32>
      tpu.vector_store %arg7[%swap3A_50, %swap3A_51, %swap3A_52], %swap3A_55 {strides = array<i32>} : memref<1x1x1024xf32, #tpu.memory_space<vmem>>, vector<1x1x1024xf32>,
      %get3A_56 = arith.constant 0 : index
      %get3A_57 = arith.constant 0 : index
      %get3A_58 = vector.load %arg10[%get3A_56, %get3A_57] : memref<8x1024xf32, #tpu.memory_space<vmem>>, vector<1x1024xf32>
      %div3A_59 = arith.constant 2.048000e+03 : f32
      %div3A_60 = vector.broadcast %div3A_59 : f32 to vector<1x1024xf32>
      %div3A_61 = arith.divf %get3A_58, %div3A_60 : vector<1x1024xf32>
      %swap3A_62 = arith.constant 0 : index
      %swap3A_63 = arith.constant 0 : index
      %swap3A_64 = arith.constant 0 : index
      %swap3A_65 = vector.load %arg8[%swap3A_62, %swap3A_63, %swap3A_64] : memref<1x1x1024xf32, #tpu.memory_space<vmem>>, vector<1x1x1024xf32>
      %swap3A_66 = vector.shape_cast %swap3A_65 : vector<1x1x1024xf32> to vector<1x1024xf32>
      %swap3A_67 = vector.shape_cast %div3A_61 : vector<1x1024xf32> to vector<1x1x1024xf32>
      tpu.vector_store %arg8[%swap3A_62, %swap3A_63, %swap3A_64], %swap3A_67 {strides = array<i32>} : memref<1x1x1024xf32, #tpu.memory_space<vmem>>, vector<1x1x1024xf32>,
    } else {
    }
    return
  }
  func.func @transform_0(%arg0: i32, %arg1: i32) -> (i32, i32, i32) {
    %c0_i32 = arith.constant 0 : i32
    %c0_i32_0 = arith.constant 0 : i32
    return %arg0, %arg1, %c0_i32 : i32, i32, i32
  }
  func.func @transform_1(%arg0: i32, %arg1: i32) -> (i32, i32) {
    %c0_i32 = arith.constant 0 : i32
    %c0_i32_0 = arith.constant 0 : i32
    %c0_i32_1 = arith.constant 0 : i32
    return %c0_i32, %c0_i32_0 : i32, i32
  }
  func.func @transform_2(%arg0: i32, %arg1: i32) -> (i32, i32) {
    %c0_i32 = arith.constant 0 : i32
    %c0_i32_0 = arith.constant 0 : i32
    %c0_i32_1 = arith.constant 0 : i32
    return %c0_i32, %c0_i32_0 : i32, i32
  }
  func.func @transform_3(%arg0: i32, %arg1: i32) -> (i32, i32) {
    %c0_i32 = arith.constant 0 : i32
    %c0_i32_0 = arith.constant 0 : i32
    %c0_i32_1 = arith.constant 0 : i32
    return %c0_i32, %c0_i32_0 : i32, i32
  }
  func.func @transform_4(%arg0: i32, %arg1: i32) -> (i32, i32) {
    %c0_i32 = arith.constant 0 : i32
    %c0_i32_0 = arith.constant 0 : i32
    %c0_i32_1 = arith.constant 0 : i32
    return %c0_i32, %c0_i32_0 : i32, i32
  }
  func.func @transform_5(%arg0: i32, %arg1: i32) -> (i32, i32, i32) {
    %c0_i32 = arith.constant 0 : i32
    %c0_i32_0 = arith.constant 0 : i32
    %c0_i32_1 = arith.constant 0 : i32
    return %arg0, %c0_i32, %c0_i32_0 : i32, i32, i32
  }
  func.func @transform_6(%arg0: i32, %arg1: i32) -> (i32, i32, i32) {
    %c0_i32 = arith.constant 0 : i32
    %c0_i32_0 = arith.constant 0 : i32
    %c0_i32_1 = arith.constant 0 : i32
    return %arg0, %c0_i32, %c0_i32_0 : i32, i32, i32
  }
}

module attributes {stable_mosaic.version = 14 : i64} {
  func.func @_head_body(%arg0: memref<16x2048xf32, #tpu.memory_space<vmem>>, %arg1: memref<2048x512xf32, #tpu.memory_space<vmem>>, %arg2: memref<1x512xf32, #tpu.memory_space<vmem>>, %arg3: memref<1x512xf32, #tpu.memory_space<vmem>>, %arg4: memref<512x256xf32, #tpu.memory_space<vmem>>, %arg5: memref<1x256xf32, #tpu.memory_space<vmem>>, %arg6: memref<1x256xf32, #tpu.memory_space<vmem>>, %arg7: memref<256x40xf32, #tpu.memory_space<vmem>>, %arg8: memref<1x40xf32, #tpu.memory_space<vmem>>, %arg9: memref<16x40xf32, #tpu.memory_space<vmem>>) attributes {dimension_semantics = [], scalar_prefetch = 0 : i64, scratch_operands = 0 : i64, tpu.core_type = #tpu.core_type<tc>} {
    %get3A = arith.constant 0 : index
    %get3A_0 = arith.constant 0 : index
    %get3A_1 = vector.load %arg0[%get3A, %get3A_0] : memref<16x2048xf32, #tpu.memory_space<vmem>>, vector<16x2048xf32>
    %convert_element_type3A = arith.truncf %get3A_1 : vector<16x2048xf32> to vector<16x2048xbf16>
    %get3A_2 = arith.constant 0 : index
    %get3A_3 = arith.constant 0 : index
    %get3A_4 = vector.load %arg1[%get3A_2, %get3A_3] : memref<2048x512xf32, #tpu.memory_space<vmem>>, vector<2048x512xf32>
    %convert_element_type3A_5 = arith.truncf %get3A_4 : vector<2048x512xf32> to vector<2048x512xbf16>
    %dot_general3A = arith.constant dense<0.000000e+00> : vector<16x512xf32>
    %dot_general3A_6 = tpu.matmul %convert_element_type3A, %convert_element_type3A_5, %dot_general3A {dimension_numbers = #tpu.dot_dimension_numbers<[1], [0], [0], [1], [0, 0, 1, 1], [], []>, transpose_lhs_hint = false} : vector<16x2048xbf16>, vector<2048x512xbf16>, vector<16x512xf32> -> vector<16x512xf32>
    %reduce_sum3A = arith.constant dense<0.000000e+00> : vector<512xf32>
    %reduce_sum3A_7 = vector.multi_reduction <add>, %dot_general3A_6, %reduce_sum3A [0] : vector<16x512xf32> to vector<512xf32>
    %broadcast_in_dim3A = vector.shape_cast %reduce_sum3A_7 : vector<512xf32> to vector<1x512xf32>
    %div3A = arith.constant 1.600000e+01 : f32
    %div3A_8 = vector.broadcast %div3A : f32 to vector<1x512xf32>
    %div3A_9 = arith.divf %broadcast_in_dim3A, %div3A_8 : vector<1x512xf32>
    %sub3A = vector.broadcast %div3A_9 : vector<1x512xf32> to vector<16x512xf32>
    %sub3A_10 = arith.subf %dot_general3A_6, %sub3A : vector<16x512xf32>
    %sub3A_11 = vector.broadcast %div3A_9 : vector<1x512xf32> to vector<16x512xf32>
    %sub3A_12 = arith.subf %dot_general3A_6, %sub3A_11 : vector<16x512xf32>
    %mul3A = arith.mulf %sub3A_10, %sub3A_12 : vector<16x512xf32>
    %reduce_sum3A_13 = arith.constant dense<0.000000e+00> : vector<512xf32>
    %reduce_sum3A_14 = vector.multi_reduction <add>, %mul3A, %reduce_sum3A_13 [0] : vector<16x512xf32> to vector<512xf32>
    %broadcast_in_dim3A_15 = vector.shape_cast %reduce_sum3A_14 : vector<512xf32> to vector<1x512xf32>
    %div3A_16 = arith.constant 1.600000e+01 : f32
    %div3A_17 = vector.broadcast %div3A_16 : f32 to vector<1x512xf32>
    %div3A_18 = arith.divf %broadcast_in_dim3A_15, %div3A_17 : vector<1x512xf32>
    %sub3A_19 = vector.broadcast %div3A_9 : vector<1x512xf32> to vector<16x512xf32>
    %sub3A_20 = arith.subf %dot_general3A_6, %sub3A_19 : vector<16x512xf32>
    %add3A = arith.constant 9.99999974E-6 : f32
    %add3A_21 = vector.broadcast %add3A : f32 to vector<1x512xf32>
    %add3A_22 = arith.addf %div3A_18, %add3A_21 : vector<1x512xf32>
    %sqrt3A = math.sqrt %add3A_22 : vector<1x512xf32>
    %div3A_23 = vector.broadcast %sqrt3A : vector<1x512xf32> to vector<16x512xf32>
    %div3A_24 = arith.divf %sub3A_20, %div3A_23 : vector<16x512xf32>
    %get3A_25 = arith.constant 0 : index
    %get3A_26 = arith.constant 0 : index
    %get3A_27 = vector.load %arg2[%get3A_25, %get3A_26] : memref<1x512xf32, #tpu.memory_space<vmem>>, vector<1x512xf32>
    %mul3A_28 = vector.broadcast %get3A_27 : vector<1x512xf32> to vector<16x512xf32>
    %mul3A_29 = arith.mulf %div3A_24, %mul3A_28 : vector<16x512xf32>
    %get3A_30 = arith.constant 0 : index
    %get3A_31 = arith.constant 0 : index
    %get3A_32 = vector.load %arg3[%get3A_30, %get3A_31] : memref<1x512xf32, #tpu.memory_space<vmem>>, vector<1x512xf32>
    %add3A_33 = vector.broadcast %get3A_32 : vector<1x512xf32> to vector<16x512xf32>
    %add3A_34 = arith.addf %mul3A_29, %add3A_33 : vector<16x512xf32>
    %ge3A = arith.constant 0.000000e+00 : f32
    %ge3A_35 = vector.broadcast %ge3A : f32 to vector<16x512xf32>
    %ge3A_36 = arith.cmpf oge, %add3A_34, %ge3A_35 : vector<16x512xf32>
    %mul3A_37 = arith.constant 2.000000e-01 : f32
    %mul3A_38 = vector.broadcast %mul3A_37 : f32 to vector<16x512xf32>
    %mul3A_39 = arith.mulf %mul3A_38, %add3A_34 : vector<16x512xf32>
    %select_n3A = arith.select %ge3A_36, %add3A_34, %mul3A_39 : vector<16x512xi1>, vector<16x512xf32>
    %convert_element_type3A_40 = arith.truncf %select_n3A : vector<16x512xf32> to vector<16x512xbf16>
    %get3A_41 = arith.constant 0 : index
    %get3A_42 = arith.constant 0 : index
    %get3A_43 = vector.load %arg4[%get3A_41, %get3A_42] : memref<512x256xf32, #tpu.memory_space<vmem>>, vector<512x256xf32>
    %convert_element_type3A_44 = arith.truncf %get3A_43 : vector<512x256xf32> to vector<512x256xbf16>
    %dot_general3A_45 = arith.constant dense<0.000000e+00> : vector<16x256xf32>
    %dot_general3A_46 = tpu.matmul %convert_element_type3A_40, %convert_element_type3A_44, %dot_general3A_45 {dimension_numbers = #tpu.dot_dimension_numbers<[1], [0], [0], [1], [0, 0, 1, 1], [], []>, transpose_lhs_hint = false} : vector<16x512xbf16>, vector<512x256xbf16>, vector<16x256xf32> -> vector<16x256xf32>
    %reduce_sum3A_47 = arith.constant dense<0.000000e+00> : vector<256xf32>
    %reduce_sum3A_48 = vector.multi_reduction <add>, %dot_general3A_46, %reduce_sum3A_47 [0] : vector<16x256xf32> to vector<256xf32>
    %broadcast_in_dim3A_49 = vector.shape_cast %reduce_sum3A_48 : vector<256xf32> to vector<1x256xf32>
    %div3A_50 = arith.constant 1.600000e+01 : f32
    %div3A_51 = vector.broadcast %div3A_50 : f32 to vector<1x256xf32>
    %div3A_52 = arith.divf %broadcast_in_dim3A_49, %div3A_51 : vector<1x256xf32>
    %sub3A_53 = vector.broadcast %div3A_52 : vector<1x256xf32> to vector<16x256xf32>
    %sub3A_54 = arith.subf %dot_general3A_46, %sub3A_53 : vector<16x256xf32>
    %sub3A_55 = vector.broadcast %div3A_52 : vector<1x256xf32> to vector<16x256xf32>
    %sub3A_56 = arith.subf %dot_general3A_46, %sub3A_55 : vector<16x256xf32>
    %mul3A_57 = arith.mulf %sub3A_54, %sub3A_56 : vector<16x256xf32>
    %reduce_sum3A_58 = arith.constant dense<0.000000e+00> : vector<256xf32>
    %reduce_sum3A_59 = vector.multi_reduction <add>, %mul3A_57, %reduce_sum3A_58 [0] : vector<16x256xf32> to vector<256xf32>
    %broadcast_in_dim3A_60 = vector.shape_cast %reduce_sum3A_59 : vector<256xf32> to vector<1x256xf32>
    %div3A_61 = arith.constant 1.600000e+01 : f32
    %div3A_62 = vector.broadcast %div3A_61 : f32 to vector<1x256xf32>
    %div3A_63 = arith.divf %broadcast_in_dim3A_60, %div3A_62 : vector<1x256xf32>
    %sub3A_64 = vector.broadcast %div3A_52 : vector<1x256xf32> to vector<16x256xf32>
    %sub3A_65 = arith.subf %dot_general3A_46, %sub3A_64 : vector<16x256xf32>
    %add3A_66 = arith.constant 9.99999974E-6 : f32
    %add3A_67 = vector.broadcast %add3A_66 : f32 to vector<1x256xf32>
    %add3A_68 = arith.addf %div3A_63, %add3A_67 : vector<1x256xf32>
    %sqrt3A_69 = math.sqrt %add3A_68 : vector<1x256xf32>
    %div3A_70 = vector.broadcast %sqrt3A_69 : vector<1x256xf32> to vector<16x256xf32>
    %div3A_71 = arith.divf %sub3A_65, %div3A_70 : vector<16x256xf32>
    %get3A_72 = arith.constant 0 : index
    %get3A_73 = arith.constant 0 : index
    %get3A_74 = vector.load %arg5[%get3A_72, %get3A_73] : memref<1x256xf32, #tpu.memory_space<vmem>>, vector<1x256xf32>
    %mul3A_75 = vector.broadcast %get3A_74 : vector<1x256xf32> to vector<16x256xf32>
    %mul3A_76 = arith.mulf %div3A_71, %mul3A_75 : vector<16x256xf32>
    %get3A_77 = arith.constant 0 : index
    %get3A_78 = arith.constant 0 : index
    %get3A_79 = vector.load %arg6[%get3A_77, %get3A_78] : memref<1x256xf32, #tpu.memory_space<vmem>>, vector<1x256xf32>
    %add3A_80 = vector.broadcast %get3A_79 : vector<1x256xf32> to vector<16x256xf32>
    %add3A_81 = arith.addf %mul3A_76, %add3A_80 : vector<16x256xf32>
    %ge3A_82 = arith.constant 0.000000e+00 : f32
    %ge3A_83 = vector.broadcast %ge3A_82 : f32 to vector<16x256xf32>
    %ge3A_84 = arith.cmpf oge, %add3A_81, %ge3A_83 : vector<16x256xf32>
    %mul3A_85 = arith.constant 2.000000e-01 : f32
    %mul3A_86 = vector.broadcast %mul3A_85 : f32 to vector<16x256xf32>
    %mul3A_87 = arith.mulf %mul3A_86, %add3A_81 : vector<16x256xf32>
    %select_n3A_88 = arith.select %ge3A_84, %add3A_81, %mul3A_87 : vector<16x256xi1>, vector<16x256xf32>
    %convert_element_type3A_89 = arith.truncf %select_n3A_88 : vector<16x256xf32> to vector<16x256xbf16>
    %get3A_90 = arith.constant 0 : index
    %get3A_91 = arith.constant 0 : index
    %get3A_92 = vector.load %arg7[%get3A_90, %get3A_91] : memref<256x40xf32, #tpu.memory_space<vmem>>, vector<256x40xf32>
    %convert_element_type3A_93 = arith.truncf %get3A_92 : vector<256x40xf32> to vector<256x40xbf16>
    %dot_general3A_94 = arith.constant dense<0.000000e+00> : vector<16x40xf32>
    %dot_general3A_95 = tpu.matmul %convert_element_type3A_89, %convert_element_type3A_93, %dot_general3A_94 {dimension_numbers = #tpu.dot_dimension_numbers<[1], [0], [0], [1], [0, 0, 1, 1], [], []>, transpose_lhs_hint = false} : vector<16x256xbf16>, vector<256x40xbf16>, vector<16x40xf32> -> vector<16x40xf32>
    %get3A_96 = arith.constant 0 : index
    %get3A_97 = arith.constant 0 : index
    %get3A_98 = vector.load %arg8[%get3A_96, %get3A_97] : memref<1x40xf32, #tpu.memory_space<vmem>>, vector<1x40xf32>
    %add3A_99 = vector.broadcast %get3A_98 : vector<1x40xf32> to vector<16x40xf32>
    %add3A_100 = arith.addf %dot_general3A_95, %add3A_99 : vector<16x40xf32>
    %swap3A = arith.constant 0 : index
    %swap3A_101 = arith.constant 0 : index
    %swap3A_102 = vector.load %arg9[%swap3A, %swap3A_101] : memref<16x40xf32, #tpu.memory_space<vmem>>, vector<16x40xf32>
    tpu.vector_store %arg9[%swap3A, %swap3A_101], %add3A_100 {strides = array<i32>} : memref<16x40xf32, #tpu.memory_space<vmem>>, vector<16x40xf32>,
    return
  }
}

</mosaic_0001>

<sc_bundles>
// kernel: kernel.25.cloned.1.call-start
scs
__scs_entry_jumppad:
0x0: {  	(pc) =	sbr.rel $0x88, $3  }
0x1: {  	(tag) =	ssettag $0x0;
	lr =	simm.s32 $0x1  }
0x2: {  	[smem:$0x3F89] =	sst lr;
	_ =	strace $0xD0000000  }
0x3: {  	_ = 	snop  }
0x4: {  	_ = 	snop  }
0x5: {  	_ = 	snop  }
0x6: {  	_ = 	snop  }
0x7: {  	_ = 	snop  }
__scs_overlays_trampoline_lowered:
0x8: {  	[smem:$0x3F98] =	sst s0  }
0x9: {  	[smem:$0x3F99] =	sst s1  }
0xa: {  	[smem:$0x3F9A] =	sst s2  }
0xb: {  	[smem:$0x3F9B] =	sst s3  }
0xc: {  	[smem:$0x3F9C] =	sst s4  }
0xd: {  	[smem:$0x3F9D] =	sst s5  }
0xe: {  	[smem:$0x3F9E] =	sst s6  }
0xf: {  	[smem:$0x3F9F] =	sst s7  }
0x10: {  	[smem:$0x3FA0] =	sst s8  }
0x11: {  	[smem:$0x3FA1] =	sst s9;
	s0 =	simm.s32 @!p0 $0x0  }
0x12: {  	s1 =	sld [smem:$0x3F87];
	s0 =	simm.s32 @p0 $0x1  }
0x13: {  	[smem:$0x3FA2] =	sst s0;
	s0 =	simm.s32 @!p1 $0x0  }
0x14: {  	s2 =	sld [smem:$0x3F86];
	s0 =	simm.s32 @p1 $0x1  }
0x15: {  	[smem:$0x3FA3] =	sst s0;
	s0 =	simm.s32 @!p2 $0x0  }
0x16: {  	s3 =	sld [smem:$0x3FDB];
	s0 =	simm.s32 @p2 $0x1  }
0x17: {  	s4 =	simm.s32 $0x1BF5;
	[smem:$0x3FA5] =	sst s0  }
0x18: {  	s0 =	sld [smem:$0x3F88];
	_ =	swait.ge [sflag:s4], $0x0  }
0x19: {  	s7 =	sld [smem:$0x3F89]  }
0x1a: {  	s8 =	sadd.s32 $0xFFFFE003, lr  }
0x1b: {  	s9 =	sadd.s32 $0xFFFFFEF7, lr;
	s5 =	simm.s32 $0xFFFFFFFF;
	p2 =	slt.u32 s8, $0xFFFFF086  }
0x1c: {  	p1 =	slt.u32 s9, $0xF7A;
	s5 =	simm.s32 @!p2 $0x0  }
0x1d: {  	s5 =	simm.s32 @p1 $0x1;
	p0 =	seq.s32 s7, s2  }
0x1e: {  	s7 =	smul.u32 @!p0 $0xF7A, s2;
	p2 =	seq.s32 @!p0 s5, $0x0  }
0x1f: {  	s9 =	smul.u32 $0xF7A, s1;
	s8 =	simm.s32 @!p0 $0x1BF5;
	p2 =	por !p2, p0  }
0x20: {  	[sflag:s8] =	ssyncset.s32 @!p0 $0xFFFFF086;
	s6 =	sadd.s32 @!p0 s3, s7;
	s7 =	simm.s32 @!p0 $0x108  }
0x21: {  	s3 =	sadd.s32 s3, s9;
	s6 =	sadd.s32 @!p0 $0x88, s6;
	s7 =	simm.s32 @p2 $0x1082  }
0x22: {  	[simem:s7], [sflag:s8] =	dma.local @!p0 [hbm:s6], $0xF7A  }
0x23: {  	s9 =	sor.u32 $0xD0000000, s2;
	s6 =	simm.s32 $0x108;
	_ =	swait.ge @!p0 [sflag:s8], $0x0  }
0x24: {  	s3 =	sadd.s32 $0x88, s3;
	s6 =	simm.s32 @!p1 $0x1082;
	[sflag:s4] =	ssyncset.s32 $0xFFFFF086  }
0x25: {  	[simem:s6], [sflag:s4] =	dma.local [hbm:s3], $0xF7A  }
0x26: {  	[smem:$0x3F89] =	sst s1;
	(tag) =	ssettag s2;
	_ =	strace s9  }
0x27: {  	s1 =	sld [smem:$0x3F99]  }
0x28: {  	s2 =	sld [smem:$0x3F9A]  }
0x29: {  	s4 =	sld [smem:$0x3F9C]  }
0x2a: {  	p0 =	seq.s32 s5, $0x0;
	s5 =	sld [smem:$0x3F9D]  }
0x2b: {  	s6 =	sld [smem:$0x3F9E]  }
0x2c: {  	s7 =	sld [smem:$0x3F9F]  }
0x2d: {  	s3 =	simm.s32 $0x108;
	s8 =	sld [smem:$0x3FA0]  }
0x2e: {  	s3 =	simm.s32 @!p0 $0x1082;
	s9 =	sld [smem:$0x3FA1]  }
0x2f: {  	lr =	sadd.s32 s0, s3;
	s0 =	sld [smem:$0x3F98]  }
0x30: {  	s3 =	sld [smem:$0x3F9B]  }
0x31: {  	[smem:$0x3FA4] =	sst s10  }
0x32: {  	s10 =	sld [smem:$0x3FA2];
	_ =	sdelay $0x3  }
0x33: {  	p0 =	seq.s32 s10, $0x1;
	s10 =	sld [smem:$0x3FA4];
	_ =	sdelay $0x3  }
0x34: {  	[smem:$0x3FA4] =	sst s10  }
0x35: {  	s10 =	sld [smem:$0x3FA3];
	_ =	sdelay $0x3  }
0x36: {  	p1 =	seq.s32 s10, $0x1;
	s10 =	sld [smem:$0x3FA4];
	_ =	sdelay $0x3  }
0x37: {  	[smem:$0x3FA4] =	sst s10  }
0x38: {  	s10 =	sld [smem:$0x3FA5]  }
0x39: {  	_ = 	snop;
	(pc) =	sbr.ind lr, $3  }
0x3a: {  	_ = 	snop  }
0x3b: {  	_ = 	snop  }
0x3c: {  	p2 =	seq.s32 s10, $0x1;
	s10 =	sld [smem:$0x3FA4]  }
0x3d: {  	_ =	shalt  }
0x3e: {  	_ =	shalt  }
0x3f: {  	_ =	shalt  }
0x40: {  	_ =	shalt  }
0x41: {  	_ =	shalt  }
0x42: {  	_ =	shalt  }
0x43: {  	_ =	shalt  }
0x44: {  	_ =	shalt  }
0x45: {  	_ =	shalt  }
0x46: {  	_ =	shalt  }
0x47: {  	_ =	shalt  }
0x48: {  	_ =	shalt  }
0x49: {  	_ =	shalt  }
0x4a: {  	_ =	shalt  }
0x4b: {  	_ =	shalt  }
0x4c: {  	_ =	shalt  }
0x4d: {  	_ =	shalt  }
0x4e: {  	_ =	shalt  }
0x4f: {  	_ =	shalt  }
0x50: {  	_ =	shalt  }
0x51: {  	_ =	shalt  }
0x52: {  	_ =	shalt  }
0x53: {  	_ =	shalt  }
0x54: {  	_ =	shalt  }
0x55: {  	_ =	shalt  }
0x56: {  	_ =	shalt  }
0x57: {  	_ =	shalt  }
0x58: {  	_ =	shalt  }
0x59: {  	_ =	shalt  }
0x5a: {  	_ =	shalt  }
0x5b: {  	_ =	shalt  }
0x5c: {  	_ =	shalt  }
0x5d: {  	_ =	shalt  }
0x5e: {  	_ =	shalt  }
0x5f: {  	_ =	shalt  }
0x60: {  	_ =	shalt  }
0x61: {  	_ =	shalt  }
0x62: {  	_ =	shalt  }
0x63: {  	_ =	shalt  }
0x64: {  	_ =	shalt  }
0x65: {  	_ =	shalt  }
0x66: {  	_ =	shalt  }
0x67: {  	_ =	shalt  }
0x68: {  	_ =	shalt  }
0x69: {  	_ =	shalt  }
0x6a: {  	_ =	shalt  }
0x6b: {  	_ =	shalt  }
0x6c: {  	_ =	shalt  }
0x6d: {  	_ =	shalt  }
0x6e: {  	_ =	shalt  }
0x6f: {  	_ =	shalt  }
0x70: {  	_ =	shalt  }
0x71: {  	_ =	shalt  }
0x72: {  	_ =	shalt  }
0x73: {  	_ =	shalt  }
0x74: {  	_ =	shalt  }
0x75: {  	_ =	shalt  }
0x76: {  	_ =	shalt  }
0x77: {  	_ =	shalt  }
0x78: {  	_ =	shalt  }
0x79: {  	_ =	shalt  }
0x7a: {  	_ =	shalt  }
0x7b: {  	_ =	shalt  }
0x7c: {  	_ =	shalt  }
0x7d: {  	_ =	shalt  }
0x7e: {  	_ =	shalt  }
0x7f: {  	_ =	shalt  }
0x80: {  	_ =	shalt  }
0x81: {  	_ =	shalt  }
0x82: {  	_ =	shalt  }
0x83: {  	_ =	shalt  }
0x84: {  	_ =	shalt  }
0x85: {  	_ =	shalt  }
0x86: {  	_ =	shalt  }
0x87: {  	_ =	shalt  }
.Lfunc_end0:
.L_simem_size_0:
called_computation_lowered:
.L_overlay_start_0:
0x88: {  	s2 =	sld [smem:$0x3FD9]  }
0x89: {  	s3 =	sld [smem:$0x3FFE];
	_ =	sdelay $0x1  }
0x8a: {  	s1 =	srdreg.scid  }
0x8b: {  	s0 =	sand.u32 $0x1, s1  }
0x8c: {  	s17 =	sshll.u32 s0, $0xA;
	s2 =	sadd.s32 s3, s2  }
0x8d: {  	s2 =	sadd.s32 s2, s17  }
0x8e: {  	[smem:$0x3FB0] =	sst s2  }
0x8f: {  	_ = 	snop  }
0x90: {  	s2 =	sld [smem:$0x3FD0];
	(tm) =	ssettm $0x1  }
0x91: {  	s18 =	sld [smem:$0x3FFB];
	_ =	sdelay $0x3  }
0x92: {  	_ =	strace s18  }
0x93: {  	s3 =	sld [smem:$0x3FFC];
	_ =	sdelay $0x3  }
0x94: {  	_ =	strace s3  }
0x95: {  	s3 =	sld [smem:$0x3FFD];
	_ =	sdelay $0x3  }
0x96: {  	_ =	strace s3  }
0x97: {  	_ =	strace $0x8FFFFFFF  }
0x98: {  	s19 =	sld [smem:$0x3FDB];
	_ =	sdelay $0x1  }
0x99: {  	s4 =	simm.s32 $_scs_section_size  }
0x9a: {  	s5 =	simm.s32 $_size__tile_overlayer_lowered;
	s6 =	simm.s32 $_tile_overlayer_lowered  }
0x9b: {  	s22 =	simm.s32 $0x1BFF;
	s21 =	sshll.u32 s6, $0x1;
	s3 =	sadd.s32 s4, s19  }
0x9c: {  	s7 =	simm.s32 $0x0;
	s20 =	sshll.u32 s5, $0x1;
	s5 =	sadd.s32 s21, s3  }
0x9d: {  	[timem:s7], [sflag:s22] =	dma.local [hbm:s5], s20  }
0x9e: {  	_ =	swait.ge [sflag:s22], s20  }
0x9f: {  	s4 =	ssub.s32 $0x0, s20;
	[sflag:s22] =	ssyncset.done $0x0  }
0xa0: {  	[sflag:s22] =	ssyncadd.s32 s4;
	_ =	sdelay $0x1  }
0xa1: {  	s23 =	simm.s32 $0x1B8B  }
0xa2: {  	_ =	swait.ge [sflag:s23], $0x1  }
0xa3: {  	[sflag:s23] =	ssyncset.done $0x0  }
0xa4: {  	s25 =	simm.s32 $0x1B8E;
	s24 =	sld [smem:$0x3FFE];
	[sflag:s23] =	ssyncadd.s32 $0xFFFFFFFF  }
0xa5: {  	s26 =	simm.s32 $execute0_lowered;
	[smem:$0x3FD2] =	sst s25  }
0xa6: {  	s5 =	sshll.u32 s26, $0x1;
	_ =	strace $0x80000046;
	[dreg:$0x1] =	wrdreg $0xFFFFFFFF  }
0xa7: {  	s28 =	simm.s32 $_size_execute0_lowered;
	s3 =	sadd.s32 s3, s5;
	[dreg:$0x0] =	wrdreg $0x0  }
0xa8: {  	s5 =	sshll.u32 s28, $0x1;
	[dreg:$0x2] =	wrdreg s3  }
0xa9: {  	[dreg:$0x3] =	wrdreg s5  }
0xaa: {  	[dreg:$0x4] =	wrdreg $0xC0  }
0xab: {  	_ =	task [dreg:s7], $0x5FFFF  }
0xac: {  	[dreg:$0x1] =	wrdreg $0xFFFFFFFF  }
0xad: {  	[dreg:$0x0] =	wrdreg $0x60  }
0xae: {  	[dreg:$0x2] =	wrdreg s24  }
0xaf: {  	[dreg:$0x3] =	wrdreg s2  }
0xb0: {  	[dreg:$0x4] =	wrdreg $0x9  }
0xb1: {  	_ =	task.clear_ibuf [dreg:s7], $0x5FFFF;
	_ =	strace $0x90000046  }
0xb2: {  	s29 =	simm.s32 $0x9;
	_ =	strace $0x80000048  }
0xb3: {  	_ =	swait.ge [sflag:s29], $0x1  }
0xb4: {  	[sflag:s29] =	ssyncadd.s32 $0xFFFFFFFF  }
0xb5: {  	_ =	strace $0x90000048  }
0xb6: {  	_ =	sfence  }
0xb7: {  	s30 =	sld [smem:$0x0];
	_ =	sdelay $0x2  }
0xb8: {  	s31 =	sshll.u32 s1, $0xD;
	s1 =	sshrl.u32 s1, $0x2  }
0xb9: {  	s3 =	sand.u32 $0x4000, s31;
	s1 =	sadd.s32 s1, s30  }
0xba: {  	s0 =	sor.u32 s3, s0;
	s1 =	sshll.u32 s1, $0x11  }
0xbb: {  	s0 =	sor.u32 s1, s0  }
0xbc: {  	s0 =	sadd.s32 $0x8F2B, s0  }
0xbd: {  	[sflag:s0] =	ssyncadd.remote.s32 $0x1  }
0xbe: {  	_ =	sfence.sel $0xFFFF  }
0xbf: {  	[dreg:$0x0] =	wrdreg $0xFFFFFFFF;
	(pc) =	sbr.abs _section_cstart, $3  }
0xc0: {  	[dreg:$0x1] =	wrdreg $0xFFFFFFFF  }
0xc1: {  	_ =	task.clear_ibuf [dreg:s7], $0x2FFFF;
	_ =	strace $0x9FFFFFFF  }
0xc2: {  	(tm) =	ssettm $0x7FFFFFFF  }
0xc3: {  	_ =	shalt  }
tec
execute0_lowered:
.L_overlay_start_1:
0x0: {  	(tag) =	ssettag $0x1  }
0x1: {  	s1 =	srdreg.scid;
	s5 =	rddreg [dreg:$0x0]  }
0x2: {  	s0 =	stileid.u32;
	s2 =	rddreg [dreg:$0x1];
	s3 =	simm.s32 $0x0  }
0x3: {  	s11 =	simm.s32 $0x50;
	s12 =	simm.s32 $0x180;
	s13 =	simm.s32 $0x1  }
0x4: {  	s14 =	simm.s32 $0x100;
	s15 =	simm.s32 $0x2;
	s16 =	simm.s32 $0x0  }
0x5: {  	s6 =	sand.u32 $0x1, s1;
	s4 =	smul.u32 $0xA000, s0;
	s1 =	rddreg [dreg:$0x2]  }
0x6: {  	[smem:$0x7FF] =	sst s3;
	s7 =	smul.u32 $0x5000, s6;
	s30 =	ssub.s32 $0x2, s6  }
0x7: {  	s31 =	sshll.u32 s0, $0xB;
	_ =	strace $0x80000047;
	s9 =	sshrl.u32 s30, $0x1  }
0x8: {  	s10 =	sshll.u32 s6, $0xA;
	s4 =	sadd.s32 s7, s4;
	s7 =	ssub.s32 s30, s9  }
0x9: {  	s9 =	simm.s32 $0x80;
	s4 =	sshrl.u32 s4, $0x3;
	s6 =	smax.u32 s7, $0x1  }
0xa: {  	s7 =	sor.u32 s10, s31;
	s10 =	simm.s32 $0x3;
	s8 =	sadd.s32 s4, s5  }
0xb: {  	s4 =	sadd.s32 $0x5200, s5;
	s5 =	sadd.s32 $0x99200, s5;
	s8 =	sadd.s32 $0x85200, s8  }
.LBB2_1:
0xc: {  	[tilespmem:s9], [sflag:$0x3] =	stream.linear.gather [hbm4b:s2+s3], $0x80, $0x38;
	[tilespmem:$0x2980] =	vst v63  }
0xd: {  	_ =	swait.ge [sflag:s10], $0x80  }
0xe: {  	[sflag:s10] =	ssyncset.done $0x0  }
0xf: {  	[sflag:s10] =	ssyncadd.s32 $0xFFFFFF80  }
0x10: {  	[tilespmem:s3], [sflag:$0x3] =	stream.linear.gather [hbm4b:s8+s3], $0x50, $0x38;
	[tilespmem:$0x2980] =	vst v63  }
0x11: {  	_ =	swait.ge [sflag:s10], $0x50  }
0x12: {  	[sflag:s10] =	ssyncset.done $0x0  }
0x13: {  	[sflag:s10] =	ssyncadd.s32 $0xFFFFFFB0  }
0x14: {  	v0 =	vld [tilespmem:$0xC0]  }
0x15: {  	v1 =	vld [tilespmem:$0xA0]  }
0x16: {  	v2 =	vld [tilespmem:$0xB0]  }
0x17: {  	v3 =	vld [tilespmem:$0x90]  }
0x18: {  	s17 =	sadd.s32 $0x0, s7;
	v4 =	vld [tilespmem:$0x80]  }
0x19: {  	v0 =	vadd.s32 s17, v0  }
0x1a: {  	v1 =	vadd.s32 s17, v1;
	[tilespmem:$0x140] =	vst v0  }
0x1b: {  	v61 =	vadd.s32 s17, v2;
	[tilespmem:$0x120] =	vst v1  }
0x1c: {  	v62 =	vadd.s32 s17, v3;
	[tilespmem:$0x130] =	vst v61  }
0x1d: {  	v63 =	vadd.s32 s17, v4;
	[tilespmem:$0x110] =	vst v62  }
0x1e: {  	[tilespmem:$0x100] =	vst v63  }
0x1f: {  	[tilespmem:s12], [sflag:$0x1] =	stream.indirect.gather [hbm4b:s4+s11], $0x80, s3, s11, $0xb8;
	[tilespmem:$0x2980] =	vst v63  }
0x20: {  	_ =	swait.ge [sflag:s13], $0x2800  }
0x21: {  	s18 =	smov.u32 s8;
	s17 =	simm.s32 $0x4;
	[sflag:s13] =	ssyncset.done $0x0  }
.LBB2_2:
0x22: {  	p0 =	sne.s32 s17, $0x3FC;
	[sflag:s13] =	ssyncadd.s32 $0xFFFFD800;
	s18 =	sadd.s32 $0xA, s18  }
0x23: {  	[hbm4b:s5+s11] =	stream.indirect.scatter [tilespmem:s12], [sflag:$0x2], $0x80, s14, s11, $0xb8;
	[tilespmem:$0x2980] =	vst v63  }
0x24: {  	s19 =	smov.u32 s17;
	s17 =	sadd.s32 $0x4, s17;
	_ =	swait.ge [sflag:s15], $0x2800  }
0x25: {  	[sflag:s15] =	ssyncset.done $0x0  }
0x26: {  	[sflag:s15] =	ssyncadd.s32 $0xFFFFD800  }
0x27: {  	[tilespmem:s3], [sflag:$0x3] =	stream.linear.gather [hbm4b:s18+s3], $0x50, $0x38;
	[tilespmem:$0x2980] =	vst v63  }
0x28: {  	_ =	swait.ge [sflag:s10], $0x50  }
0x29: {  	[sflag:s10] =	ssyncset.done $0x0  }
0x2a: {  	[sflag:s10] =	ssyncadd.s32 $0xFFFFFFB0  }
0x2b: {  	v0 =	vld [tilespmem:$0xC0]  }
0x2c: {  	v1 =	vld [tilespmem:$0xA0]  }
0x2d: {  	v2 =	vld [tilespmem:$0xB0]  }
0x2e: {  	v3 =	vld [tilespmem:$0x90]  }
0x2f: {  	s19 =	sadd.s32 s19, s7;
	v4 =	vld [tilespmem:$0x80]  }
0x30: {  	v0 =	vadd.s32 s19, v0  }
0x31: {  	v1 =	vadd.s32 s19, v1;
	[tilespmem:$0x140] =	vst v0  }
0x32: {  	[tilespmem:$0x120] =	vst v1;
	v0 =	vadd.s32 s19, v2  }
0x33: {  	v1 =	vadd.s32 s19, v3;
	[tilespmem:$0x130] =	vst v0  }
.Ltmp0:
0x34: {  	v0 =	vadd.s32 s19, v4;
	[tilespmem:$0x110] =	vst v1;
	(pc) =	sbr.rel @p0 .LBB2_2-.Ltmp0, $4  }
0x35: {  	[tilespmem:$0x100] =	vst v0  }
0x36: {  	[tilespmem:s12], [sflag:$0x1] =	stream.indirect.gather [hbm4b:s4+s11], $0x80, s3, s11, $0xb8;
	[tilespmem:$0x2980] =	vst v63  }
0x37: {  	_ =	swait.ge [sflag:s13], $0x2800  }
0x38: {  	[sflag:s13] =	ssyncset.done $0x0  }
0x39: {  	s16 =	sadd.s32 $0x1, s16  }
0x3a: {  	p0 =	sne.s32 s16, s6  }
.Ltmp1:
0x3b: {  	[sflag:s13] =	ssyncadd.s32 $0xFFFFD800;
	(pc) =	sbr.rel @p0 .LBB2_1-.Ltmp1, $4  }
0x3c: {  	[hbm4b:s5+s11] =	stream.indirect.scatter [tilespmem:s12], [sflag:$0x2], $0x80, s14, s11, $0xb8;
	[tilespmem:$0x2980] =	vst v63  }
0x3d: {  	_ =	swait.ge [sflag:s15], $0x2800  }
0x3e: {  	[sflag:s15] =	ssyncset.done $0x0  }
0x3f: {  	[sflag:s15] =	ssyncadd.s32 $0xFFFFD800  }
0x40: {  	_ =	sfence.sel $0x180000  }
0x41: {  	[bflag:$0x0] =	sbarrier.arrive $0xFFFF  }
0x42: {  	p0 =	sne.s32 s0, $0x0;
	_ =	strace $0x90000047  }
0x43: {  	s0 =	sadd.s32 @!p0 $0x100000, s1;
	[bflag:$0x2] =	sbarrier.arrive $0xFFFF  }
0x44: {  	[sflag:s0] =	ssyncadd.tile.s32 @!p0 $0x1;
	_ =	shalt  }
.Lfunc_end2:
_tile_overlayer_lowered:
.L_overlay_start_2:
0x45: {  	(tag) =	ssettag $0x2  }
0x46: {  	s0 =	rddreg [dreg:$0x0];
	s2 =	stileid.u32  }
0x47: {  	s1 =	rddreg [dreg:$0x1];
	p0 =	sne.s32 s2, $0x0  }
0x48: {  	s3 =	rddreg [dreg:$0x2];
	[bflag:$0x3] =	sbarrier.arrive $0xFFFF;
	s2 =	simm.s32 @!p0 $0x1C03  }
0x49: {  	[timem:s3], [sflag:s2] =	dma.local @!p0 [hbm:s0], s1  }
0x4a: {  	s0 =	simm.s32 @!p0 $0x3  }
0x4b: {  	_ =	swait.ge @!p0 [sflag:s0], s1  }
0x4c: {  	s1 =	ssub.s32 @!p0 $0x0, s1;
	[sflag:s0] =	ssyncset.done @!p0 $0x0  }
0x4d: {  	[sflag:s0] =	ssyncadd.s32 @!p0 s1  }
0x4e: {  	[bflag:$0x3] =	sbarrier.arrive $0xFFFF  }
0x4f: {  	_ =	shalt  }

// kernel: kernel.28.cloned.1.call-start
scs
__scs_entry_jumppad:
0x0: {  	(pc) =	sbr.rel $0x88, $3  }
0x1: {  	(tag) =	ssettag $0x0;
	lr =	simm.s32 $0x1  }
0x2: {  	[smem:$0x3F89] =	sst lr;
	_ =	strace $0xD0000000  }
0x3: {  	_ = 	snop  }
0x4: {  	_ = 	snop  }
0x5: {  	_ = 	snop  }
0x6: {  	_ = 	snop  }
0x7: {  	_ = 	snop  }
__scs_overlays_trampoline_lowered:
0x8: {  	[smem:$0x3F98] =	sst s0  }
0x9: {  	[smem:$0x3F99] =	sst s1  }
0xa: {  	[smem:$0x3F9A] =	sst s2  }
0xb: {  	[smem:$0x3F9B] =	sst s3  }
0xc: {  	[smem:$0x3F9C] =	sst s4  }
0xd: {  	[smem:$0x3F9D] =	sst s5  }
0xe: {  	[smem:$0x3F9E] =	sst s6  }
0xf: {  	[smem:$0x3F9F] =	sst s7  }
0x10: {  	[smem:$0x3FA0] =	sst s8  }
0x11: {  	[smem:$0x3FA1] =	sst s9;
	s0 =	simm.s32 @!p0 $0x0  }
0x12: {  	s1 =	sld [smem:$0x3F87];
	s0 =	simm.s32 @p0 $0x1  }
0x13: {  	[smem:$0x3FA2] =	sst s0;
	s0 =	simm.s32 @!p1 $0x0  }
0x14: {  	s2 =	sld [smem:$0x3F86];
	s0 =	simm.s32 @p1 $0x1  }
0x15: {  	[smem:$0x3FA3] =	sst s0;
	s0 =	simm.s32 @!p2 $0x0  }
0x16: {  	s3 =	sld [smem:$0x3FDB];
	s0 =	simm.s32 @p2 $0x1  }
0x17: {  	s4 =	simm.s32 $0x1BF5;
	[smem:$0x3FA5] =	sst s0  }
0x18: {  	s0 =	sld [smem:$0x3F88];
	_ =	swait.ge [sflag:s4], $0x0  }
0x19: {  	s7 =	sld [smem:$0x3F89]  }
0x1a: {  	s8 =	sadd.s32 $0xFFFFE003, lr  }
0x1b: {  	s9 =	sadd.s32 $0xFFFFFEF7, lr;
	s5 =	simm.s32 $0xFFFFFFFF;
	p2 =	slt.u32 s8, $0xFFFFF086  }
0x1c: {  	p1 =	slt.u32 s9, $0xF7A;
	s5 =	simm.s32 @!p2 $0x0  }
0x1d: {  	s5 =	simm.s32 @p1 $0x1;
	p0 =	seq.s32 s7, s2  }
0x1e: {  	s7 =	smul.u32 @!p0 $0xF7A, s2;
	p2 =	seq.s32 @!p0 s5, $0x0  }
0x1f: {  	s9 =	smul.u32 $0xF7A, s1;
	s8 =	simm.s32 @!p0 $0x1BF5;
	p2 =	por !p2, p0  }
0x20: {  	[sflag:s8] =	ssyncset.s32 @!p0 $0xFFFFF086;
	s6 =	sadd.s32 @!p0 s3, s7;
	s7 =	simm.s32 @!p0 $0x108  }
0x21: {  	s3 =	sadd.s32 s3, s9;
	s6 =	sadd.s32 @!p0 $0x88, s6;
	s7 =	simm.s32 @p2 $0x1082  }
0x22: {  	[simem:s7], [sflag:s8] =	dma.local @!p0 [hbm:s6], $0xF7A  }
0x23: {  	s9 =	sor.u32 $0xD0000000, s2;
	s6 =	simm.s32 $0x108;
	_ =	swait.ge @!p0 [sflag:s8], $0x0  }
0x24: {  	s3 =	sadd.s32 $0x88, s3;
	s6 =	simm.s32 @!p1 $0x1082;
	[sflag:s4] =	ssyncset.s32 $0xFFFFF086  }
0x25: {  	[simem:s6], [sflag:s4] =	dma.local [hbm:s3], $0xF7A  }
0x26: {  	[smem:$0x3F89] =	sst s1;
	(tag) =	ssettag s2;
	_ =	strace s9  }
0x27: {  	s1 =	sld [smem:$0x3F99]  }
0x28: {  	s2 =	sld [smem:$0x3F9A]  }
0x29: {  	s4 =	sld [smem:$0x3F9C]  }
0x2a: {  	p0 =	seq.s32 s5, $0x0;
	s5 =	sld [smem:$0x3F9D]  }
0x2b: {  	s6 =	sld [smem:$0x3F9E]  }
0x2c: {  	s7 =	sld [smem:$0x3F9F]  }
0x2d: {  	s3 =	simm.s32 $0x108;
	s8 =	sld [smem:$0x3FA0]  }
0x2e: {  	s3 =	simm.s32 @!p0 $0x1082;
	s9 =	sld [smem:$0x3FA1]  }
0x2f: {  	lr =	sadd.s32 s0, s3;
	s0 =	sld [smem:$0x3F98]  }
0x30: {  	s3 =	sld [smem:$0x3F9B]  }
0x31: {  	[smem:$0x3FA4] =	sst s10  }
0x32: {  	s10 =	sld [smem:$0x3FA2];
	_ =	sdelay $0x3  }
0x33: {  	p0 =	seq.s32 s10, $0x1;
	s10 =	sld [smem:$0x3FA4];
	_ =	sdelay $0x3  }
0x34: {  	[smem:$0x3FA4] =	sst s10  }
0x35: {  	s10 =	sld [smem:$0x3FA3];
	_ =	sdelay $0x3  }
0x36: {  	p1 =	seq.s32 s10, $0x1;
	s10 =	sld [smem:$0x3FA4];
	_ =	sdelay $0x3  }
0x37: {  	[smem:$0x3FA4] =	sst s10  }
0x38: {  	s10 =	sld [smem:$0x3FA5]  }
0x39: {  	_ = 	snop;
	(pc) =	sbr.ind lr, $3  }
0x3a: {  	_ = 	snop  }
0x3b: {  	_ = 	snop  }
0x3c: {  	p2 =	seq.s32 s10, $0x1;
	s10 =	sld [smem:$0x3FA4]  }
0x3d: {  	_ =	shalt  }
0x3e: {  	_ =	shalt  }
0x3f: {  	_ =	shalt  }
0x40: {  	_ =	shalt  }
0x41: {  	_ =	shalt  }
0x42: {  	_ =	shalt  }
0x43: {  	_ =	shalt  }
0x44: {  	_ =	shalt  }
0x45: {  	_ =	shalt  }
0x46: {  	_ =	shalt  }
0x47: {  	_ =	shalt  }
0x48: {  	_ =	shalt  }
0x49: {  	_ =	shalt  }
0x4a: {  	_ =	shalt  }
0x4b: {  	_ =	shalt  }
0x4c: {  	_ =	shalt  }
0x4d: {  	_ =	shalt  }
0x4e: {  	_ =	shalt  }
0x4f: {  	_ =	shalt  }
0x50: {  	_ =	shalt  }
0x51: {  	_ =	shalt  }
0x52: {  	_ =	shalt  }
0x53: {  	_ =	shalt  }
0x54: {  	_ =	shalt  }
0x55: {  	_ =	shalt  }
0x56: {  	_ =	shalt  }
0x57: {  	_ =	shalt  }
0x58: {  	_ =	shalt  }
0x59: {  	_ =	shalt  }
0x5a: {  	_ =	shalt  }
0x5b: {  	_ =	shalt  }
0x5c: {  	_ =	shalt  }
0x5d: {  	_ =	shalt  }
0x5e: {  	_ =	shalt  }
0x5f: {  	_ =	shalt  }
0x60: {  	_ =	shalt  }
0x61: {  	_ =	shalt  }
0x62: {  	_ =	shalt  }
0x63: {  	_ =	shalt  }
0x64: {  	_ =	shalt  }
0x65: {  	_ =	shalt  }
0x66: {  	_ =	shalt  }
0x67: {  	_ =	shalt  }
0x68: {  	_ =	shalt  }
0x69: {  	_ =	shalt  }
0x6a: {  	_ =	shalt  }
0x6b: {  	_ =	shalt  }
0x6c: {  	_ =	shalt  }
0x6d: {  	_ =	shalt  }
0x6e: {  	_ =	shalt  }
0x6f: {  	_ =	shalt  }
0x70: {  	_ =	shalt  }
0x71: {  	_ =	shalt  }
0x72: {  	_ =	shalt  }
0x73: {  	_ =	shalt  }
0x74: {  	_ =	shalt  }
0x75: {  	_ =	shalt  }
0x76: {  	_ =	shalt  }
0x77: {  	_ =	shalt  }
0x78: {  	_ =	shalt  }
0x79: {  	_ =	shalt  }
0x7a: {  	_ =	shalt  }
0x7b: {  	_ =	shalt  }
0x7c: {  	_ =	shalt  }
0x7d: {  	_ =	shalt  }
0x7e: {  	_ =	shalt  }
0x7f: {  	_ =	shalt  }
0x80: {  	_ =	shalt  }
0x81: {  	_ =	shalt  }
0x82: {  	_ =	shalt  }
0x83: {  	_ =	shalt  }
0x84: {  	_ =	shalt  }
0x85: {  	_ =	shalt  }
0x86: {  	_ =	shalt  }
0x87: {  	_ =	shalt  }
.Lfunc_end0:
.L_simem_size_0:
called_computation.1_lowered:
.L_overlay_start_0:
0x88: {  	s2 =	sld [smem:$0x3FD9]  }
0x89: {  	s3 =	sld [smem:$0x3FFE];
	_ =	sdelay $0x1  }
0x8a: {  	s1 =	srdreg.scid  }
0x8b: {  	s0 =	sand.u32 $0x1, s1  }
0x8c: {  	s17 =	sshll.u32 s0, $0xA;
	s2 =	sadd.s32 s3, s2  }
0x8d: {  	s2 =	sadd.s32 s2, s17  }
0x8e: {  	[smem:$0x3FB0] =	sst s2  }
0x8f: {  	_ = 	snop  }
0x90: {  	s2 =	sld [smem:$0x3FD0];
	(tm) =	ssettm $0x1  }
0x91: {  	s18 =	sld [smem:$0x3FFB];
	_ =	sdelay $0x3  }
0x92: {  	_ =	strace s18  }
0x93: {  	s3 =	sld [smem:$0x3FFC];
	_ =	sdelay $0x3  }
0x94: {  	_ =	strace s3  }
0x95: {  	s3 =	sld [smem:$0x3FFD];
	_ =	sdelay $0x3  }
0x96: {  	_ =	strace s3  }
0x97: {  	_ =	strace $0x8FFFFFFF  }
0x98: {  	s19 =	sld [smem:$0x3FDB];
	_ =	sdelay $0x1  }
0x99: {  	s4 =	simm.s32 $_scs_section_size  }
0x9a: {  	s5 =	simm.s32 $_size__tile_overlayer_lowered;
	s6 =	simm.s32 $_tile_overlayer_lowered  }
0x9b: {  	s22 =	simm.s32 $0x1BFF;
	s21 =	sshll.u32 s6, $0x1;
	s3 =	sadd.s32 s4, s19  }
0x9c: {  	s7 =	simm.s32 $0x0;
	s20 =	sshll.u32 s5, $0x1;
	s5 =	sadd.s32 s21, s3  }
0x9d: {  	[timem:s7], [sflag:s22] =	dma.local [hbm:s5], s20  }
0x9e: {  	_ =	swait.ge [sflag:s22], s20  }
0x9f: {  	s4 =	ssub.s32 $0x0, s20;
	[sflag:s22] =	ssyncset.done $0x0  }
0xa0: {  	[sflag:s22] =	ssyncadd.s32 s4;
	_ =	sdelay $0x1  }
0xa1: {  	s23 =	simm.s32 $0x1B8B  }
0xa2: {  	_ =	swait.ge [sflag:s23], $0x1  }
0xa3: {  	[sflag:s23] =	ssyncset.done $0x0  }
0xa4: {  	s25 =	simm.s32 $0x1B8E;
	s24 =	sld [smem:$0x3FFE];
	[sflag:s23] =	ssyncadd.s32 $0xFFFFFFFF  }
0xa5: {  	s26 =	simm.s32 $execute0_lowered;
	[smem:$0x3FD2] =	sst s25  }
0xa6: {  	s5 =	sshll.u32 s26, $0x1;
	_ =	strace $0x80000049;
	[dreg:$0x1] =	wrdreg $0xFFFFFFFF  }
0xa7: {  	s28 =	simm.s32 $_size_execute0_lowered;
	s3 =	sadd.s32 s3, s5;
	[dreg:$0x0] =	wrdreg $0x0  }
0xa8: {  	s5 =	sshll.u32 s28, $0x1;
	[dreg:$0x2] =	wrdreg s3  }
0xa9: {  	[dreg:$0x3] =	wrdreg s5  }
0xaa: {  	[dreg:$0x4] =	wrdreg $0xC0  }
0xab: {  	_ =	task [dreg:s7], $0x5FFFF  }
0xac: {  	[dreg:$0x1] =	wrdreg $0xFFFFFFFF  }
0xad: {  	[dreg:$0x0] =	wrdreg $0x60  }
0xae: {  	[dreg:$0x2] =	wrdreg s24  }
0xaf: {  	[dreg:$0x3] =	wrdreg s2  }
0xb0: {  	[dreg:$0x4] =	wrdreg $0x9  }
0xb1: {  	_ =	task.clear_ibuf [dreg:s7], $0x5FFFF;
	_ =	strace $0x90000049  }
0xb2: {  	s29 =	simm.s32 $0x9;
	_ =	strace $0x8000004B  }
0xb3: {  	_ =	swait.ge [sflag:s29], $0x1  }
0xb4: {  	[sflag:s29] =	ssyncadd.s32 $0xFFFFFFFF  }
0xb5: {  	_ =	strace $0x9000004B  }
0xb6: {  	_ =	sfence  }
0xb7: {  	s30 =	sld [smem:$0x0];
	_ =	sdelay $0x2  }
0xb8: {  	s31 =	sshll.u32 s1, $0xD;
	s1 =	sshrl.u32 s1, $0x2  }
0xb9: {  	s3 =	sand.u32 $0x4000, s31;
	s1 =	sadd.s32 s1, s30  }
0xba: {  	s0 =	sor.u32 s3, s0;
	s1 =	sshll.u32 s1, $0x11  }
0xbb: {  	s0 =	sor.u32 s1, s0  }
0xbc: {  	s0 =	sadd.s32 $0x8F2B, s0  }
0xbd: {  	[sflag:s0] =	ssyncadd.remote.s32 $0x1  }
0xbe: {  	_ =	sfence.sel $0xFFFF  }
0xbf: {  	[dreg:$0x0] =	wrdreg $0xFFFFFFFF;
	(pc) =	sbr.abs _section_cstart, $3  }
0xc0: {  	[dreg:$0x1] =	wrdreg $0xFFFFFFFF  }
0xc1: {  	_ =	task.clear_ibuf [dreg:s7], $0x2FFFF;
	_ =	strace $0x9FFFFFFF  }
0xc2: {  	(tm) =	ssettm $0x7FFFFFFF  }
0xc3: {  	_ =	shalt  }
tec
execute0_lowered:
.L_overlay_start_1:
0x0: {  	(tag) =	ssettag $0x1  }
0x1: {  	s1 =	srdreg.scid;
	s5 =	rddreg [dreg:$0x0]  }
0x2: {  	s0 =	stileid.u32;
	s2 =	rddreg [dreg:$0x1];
	s3 =	simm.s32 $0x0  }
0x3: {  	s11 =	simm.s32 $0x50;
	s12 =	simm.s32 $0x180;
	s13 =	simm.s32 $0x1  }
0x4: {  	s14 =	simm.s32 $0x100;
	s15 =	simm.s32 $0x2;
	s16 =	simm.s32 $0x0  }
0x5: {  	s6 =	sand.u32 $0x1, s1;
	s4 =	smul.u32 $0xA000, s0;
	s1 =	rddreg [dreg:$0x2]  }
0x6: {  	[smem:$0x7FF] =	sst s3;
	s7 =	smul.u32 $0x5000, s6;
	s30 =	ssub.s32 $0x2, s6  }
0x7: {  	s31 =	sshll.u32 s0, $0xB;
	_ =	strace $0x8000004A;
	s9 =	sshrl.u32 s30, $0x1  }
0x8: {  	s10 =	sshll.u32 s6, $0xA;
	s4 =	sadd.s32 s7, s4;
	s7 =	ssub.s32 s30, s9  }
0x9: {  	s9 =	simm.s32 $0x80;
	s4 =	sshrl.u32 s4, $0x3;
	s6 =	smax.u32 s7, $0x1  }
0xa: {  	s7 =	sor.u32 s10, s31;
	s10 =	simm.s32 $0x3;
	s8 =	sadd.s32 s4, s5  }
0xb: {  	s4 =	sadd.s32 $0x5200, s5;
	s5 =	sadd.s32 $0x99200, s5;
	s8 =	sadd.s32 $0x85200, s8  }
.LBB2_1:
0xc: {  	[tilespmem:s9], [sflag:$0x3] =	stream.linear.gather [hbm4b:s2+s3], $0x80, $0x38;
	[tilespmem:$0x2980] =	vst v63  }
0xd: {  	_ =	swait.ge [sflag:s10], $0x80  }
0xe: {  	[sflag:s10] =	ssyncset.done $0x0  }
0xf: {  	[sflag:s10] =	ssyncadd.s32 $0xFFFFFF80  }
0x10: {  	[tilespmem:s3], [sflag:$0x3] =	stream.linear.gather [hbm4b:s8+s3], $0x50, $0x38;
	[tilespmem:$0x2980] =	vst v63  }
0x11: {  	_ =	swait.ge [sflag:s10], $0x50  }
0x12: {  	[sflag:s10] =	ssyncset.done $0x0  }
0x13: {  	[sflag:s10] =	ssyncadd.s32 $0xFFFFFFB0  }
0x14: {  	v0 =	vld [tilespmem:$0xC0]  }
0x15: {  	v1 =	vld [tilespmem:$0xA0]  }
0x16: {  	v2 =	vld [tilespmem:$0xB0]  }
0x17: {  	v3 =	vld [tilespmem:$0x90]  }
0x18: {  	s17 =	sadd.s32 $0x0, s7;
	v4 =	vld [tilespmem:$0x80]  }
0x19: {  	v0 =	vadd.s32 s17, v0  }
0x1a: {  	v1 =	vadd.s32 s17, v1;
	[tilespmem:$0x140] =	vst v0  }
0x1b: {  	v61 =	vadd.s32 s17, v2;
	[tilespmem:$0x120] =	vst v1  }
0x1c: {  	v62 =	vadd.s32 s17, v3;
	[tilespmem:$0x130] =	vst v61  }
0x1d: {  	v63 =	vadd.s32 s17, v4;
	[tilespmem:$0x110] =	vst v62  }
0x1e: {  	[tilespmem:$0x100] =	vst v63  }
0x1f: {  	[tilespmem:s12], [sflag:$0x1] =	stream.indirect.gather [hbm4b:s4+s11], $0x80, s3, s11, $0xb8;
	[tilespmem:$0x2980] =	vst v63  }
0x20: {  	_ =	swait.ge [sflag:s13], $0x2800  }
0x21: {  	s18 =	smov.u32 s8;
	s17 =	simm.s32 $0x4;
	[sflag:s13] =	ssyncset.done $0x0  }
.LBB2_2:
0x22: {  	p0 =	sne.s32 s17, $0x3FC;
	[sflag:s13] =	ssyncadd.s32 $0xFFFFD800;
	s18 =	sadd.s32 $0xA, s18  }
0x23: {  	[hbm4b:s5+s11] =	stream.indirect.scatter [tilespmem:s12], [sflag:$0x2], $0x80, s14, s11, $0xb8;
	[tilespmem:$0x2980] =	vst v63  }
0x24: {  	s19 =	smov.u32 s17;
	s17 =	sadd.s32 $0x4, s17;
	_ =	swait.ge [sflag:s15], $0x2800  }
0x25: {  	[sflag:s15] =	ssyncset.done $0x0  }
0x26: {  	[sflag:s15] =	ssyncadd.s32 $0xFFFFD800  }
0x27: {  	[tilespmem:s3], [sflag:$0x3] =	stream.linear.gather [hbm4b:s18+s3], $0x50, $0x38;
	[tilespmem:$0x2980] =	vst v63  }
0x28: {  	_ =	swait.ge [sflag:s10], $0x50  }
0x29: {  	[sflag:s10] =	ssyncset.done $0x0  }
0x2a: {  	[sflag:s10] =	ssyncadd.s32 $0xFFFFFFB0  }
0x2b: {  	v0 =	vld [tilespmem:$0xC0]  }
0x2c: {  	v1 =	vld [tilespmem:$0xA0]  }
0x2d: {  	v2 =	vld [tilespmem:$0xB0]  }
0x2e: {  	v3 =	vld [tilespmem:$0x90]  }
0x2f: {  	s19 =	sadd.s32 s19, s7;
	v4 =	vld [tilespmem:$0x80]  }
0x30: {  	v0 =	vadd.s32 s19, v0  }
0x31: {  	v1 =	vadd.s32 s19, v1;
	[tilespmem:$0x140] =	vst v0  }
0x32: {  	[tilespmem:$0x120] =	vst v1;
	v0 =	vadd.s32 s19, v2  }
0x33: {  	v1 =	vadd.s32 s19, v3;
	[tilespmem:$0x130] =	vst v0  }
.Ltmp0:
0x34: {  	v0 =	vadd.s32 s19, v4;
	[tilespmem:$0x110] =	vst v1;
	(pc) =	sbr.rel @p0 .LBB2_2-.Ltmp0, $4  }
0x35: {  	[tilespmem:$0x100] =	vst v0  }
0x36: {  	[tilespmem:s12], [sflag:$0x1] =	stream.indirect.gather [hbm4b:s4+s11], $0x80, s3, s11, $0xb8;
	[tilespmem:$0x2980] =	vst v63  }
0x37: {  	_ =	swait.ge [sflag:s13], $0x2800  }
0x38: {  	[sflag:s13] =	ssyncset.done $0x0  }
0x39: {  	s16 =	sadd.s32 $0x1, s16  }
0x3a: {  	p0 =	sne.s32 s16, s6  }
.Ltmp1:
0x3b: {  	[sflag:s13] =	ssyncadd.s32 $0xFFFFD800;
	(pc) =	sbr.rel @p0 .LBB2_1-.Ltmp1, $4  }
0x3c: {  	[hbm4b:s5+s11] =	stream.indirect.scatter [tilespmem:s12], [sflag:$0x2], $0x80, s14, s11, $0xb8;
	[tilespmem:$0x2980] =	vst v63  }
0x3d: {  	_ =	swait.ge [sflag:s15], $0x2800  }
0x3e: {  	[sflag:s15] =	ssyncset.done $0x0  }
0x3f: {  	[sflag:s15] =	ssyncadd.s32 $0xFFFFD800  }
0x40: {  	_ =	sfence.sel $0x180000  }
0x41: {  	[bflag:$0x0] =	sbarrier.arrive $0xFFFF  }
0x42: {  	p0 =	sne.s32 s0, $0x0;
	_ =	strace $0x9000004A  }
0x43: {  	s0 =	sadd.s32 @!p0 $0x100000, s1;
	[bflag:$0x2] =	sbarrier.arrive $0xFFFF  }
0x44: {  	[sflag:s0] =	ssyncadd.tile.s32 @!p0 $0x1;
	_ =	shalt  }
.Lfunc_end2:
_tile_overlayer_lowered:
.L_overlay_start_2:
0x45: {  	(tag) =	ssettag $0x2  }
0x46: {  	s0 =	rddreg [dreg:$0x0];
	s2 =	stileid.u32  }
0x47: {  	s1 =	rddreg [dreg:$0x1];
	p0 =	sne.s32 s2, $0x0  }
0x48: {  	s3 =	rddreg [dreg:$0x2];
	[bflag:$0x3] =	sbarrier.arrive $0xFFFF;
	s2 =	simm.s32 @!p0 $0x1C03  }
0x49: {  	[timem:s3], [sflag:s2] =	dma.local @!p0 [hbm:s0], s1  }
0x4a: {  	s0 =	simm.s32 @!p0 $0x3  }
0x4b: {  	_ =	swait.ge @!p0 [sflag:s0], s1  }
0x4c: {  	s1 =	ssub.s32 @!p0 $0x0, s1;
	[sflag:s0] =	ssyncset.done @!p0 $0x0  }
0x4d: {  	[sflag:s0] =	ssyncadd.s32 @!p0 s1  }
0x4e: {  	[bflag:$0x3] =	sbarrier.arrive $0xFFFF  }
0x4f: {  	_ =	shalt  }

// kernel: kernel.31.cloned.1.call-start
scs
__scs_entry_jumppad:
0x0: {  	(pc) =	sbr.rel $0x88, $3  }
0x1: {  	(tag) =	ssettag $0x0;
	lr =	simm.s32 $0x1  }
0x2: {  	[smem:$0x3F89] =	sst lr;
	_ =	strace $0xD0000000  }
0x3: {  	_ = 	snop  }
0x4: {  	_ = 	snop  }
0x5: {  	_ = 	snop  }
0x6: {  	_ = 	snop  }
0x7: {  	_ = 	snop  }
__scs_overlays_trampoline_lowered:
0x8: {  	[smem:$0x3F98] =	sst s0  }
0x9: {  	[smem:$0x3F99] =	sst s1  }
0xa: {  	[smem:$0x3F9A] =	sst s2  }
0xb: {  	[smem:$0x3F9B] =	sst s3  }
0xc: {  	[smem:$0x3F9C] =	sst s4  }
0xd: {  	[smem:$0x3F9D] =	sst s5  }
0xe: {  	[smem:$0x3F9E] =	sst s6  }
0xf: {  	[smem:$0x3F9F] =	sst s7  }
0x10: {  	[smem:$0x3FA0] =	sst s8  }
0x11: {  	[smem:$0x3FA1] =	sst s9;
	s0 =	simm.s32 @!p0 $0x0  }
0x12: {  	s1 =	sld [smem:$0x3F87];
	s0 =	simm.s32 @p0 $0x1  }
0x13: {  	[smem:$0x3FA2] =	sst s0;
	s0 =	simm.s32 @!p1 $0x0  }
0x14: {  	s2 =	sld [smem:$0x3F86];
	s0 =	simm.s32 @p1 $0x1  }
0x15: {  	[smem:$0x3FA3] =	sst s0;
	s0 =	simm.s32 @!p2 $0x0  }
0x16: {  	s3 =	sld [smem:$0x3FDB];
	s0 =	simm.s32 @p2 $0x1  }
0x17: {  	s4 =	simm.s32 $0x1BF5;
	[smem:$0x3FA5] =	sst s0  }
0x18: {  	s0 =	sld [smem:$0x3F88];
	_ =	swait.ge [sflag:s4], $0x0  }
0x19: {  	s7 =	sld [smem:$0x3F89]  }
0x1a: {  	s8 =	sadd.s32 $0xFFFFE003, lr  }
0x1b: {  	s9 =	sadd.s32 $0xFFFFFEF7, lr;
	s5 =	simm.s32 $0xFFFFFFFF;
	p2 =	slt.u32 s8, $0xFFFFF086  }
0x1c: {  	p1 =	slt.u32 s9, $0xF7A;
	s5 =	simm.s32 @!p2 $0x0  }
0x1d: {  	s5 =	simm.s32 @p1 $0x1;
	p0 =	seq.s32 s7, s2  }
0x1e: {  	s7 =	smul.u32 @!p0 $0xF7A, s2;
	p2 =	seq.s32 @!p0 s5, $0x0  }
0x1f: {  	s9 =	smul.u32 $0xF7A, s1;
	s8 =	simm.s32 @!p0 $0x1BF5;
	p2 =	por !p2, p0  }
0x20: {  	[sflag:s8] =	ssyncset.s32 @!p0 $0xFFFFF086;
	s6 =	sadd.s32 @!p0 s3, s7;
	s7 =	simm.s32 @!p0 $0x108  }
0x21: {  	s3 =	sadd.s32 s3, s9;
	s6 =	sadd.s32 @!p0 $0x88, s6;
	s7 =	simm.s32 @p2 $0x1082  }
0x22: {  	[simem:s7], [sflag:s8] =	dma.local @!p0 [hbm:s6], $0xF7A  }
0x23: {  	s9 =	sor.u32 $0xD0000000, s2;
	s6 =	simm.s32 $0x108;
	_ =	swait.ge @!p0 [sflag:s8], $0x0  }
0x24: {  	s3 =	sadd.s32 $0x88, s3;
	s6 =	simm.s32 @!p1 $0x1082;
	[sflag:s4] =	ssyncset.s32 $0xFFFFF086  }
0x25: {  	[simem:s6], [sflag:s4] =	dma.local [hbm:s3], $0xF7A  }
0x26: {  	[smem:$0x3F89] =	sst s1;
	(tag) =	ssettag s2;
	_ =	strace s9  }
0x27: {  	s1 =	sld [smem:$0x3F99]  }
0x28: {  	s2 =	sld [smem:$0x3F9A]  }
0x29: {  	s4 =	sld [smem:$0x3F9C]  }
0x2a: {  	p0 =	seq.s32 s5, $0x0;
	s5 =	sld [smem:$0x3F9D]  }
0x2b: {  	s6 =	sld [smem:$0x3F9E]  }
0x2c: {  	s7 =	sld [smem:$0x3F9F]  }
0x2d: {  	s3 =	simm.s32 $0x108;
	s8 =	sld [smem:$0x3FA0]  }
0x2e: {  	s3 =	simm.s32 @!p0 $0x1082;
	s9 =	sld [smem:$0x3FA1]  }
0x2f: {  	lr =	sadd.s32 s0, s3;
	s0 =	sld [smem:$0x3F98]  }
0x30: {  	s3 =	sld [smem:$0x3F9B]  }
0x31: {  	[smem:$0x3FA4] =	sst s10  }
0x32: {  	s10 =	sld [smem:$0x3FA2];
	_ =	sdelay $0x3  }
0x33: {  	p0 =	seq.s32 s10, $0x1;
	s10 =	sld [smem:$0x3FA4];
	_ =	sdelay $0x3  }
0x34: {  	[smem:$0x3FA4] =	sst s10  }
0x35: {  	s10 =	sld [smem:$0x3FA3];
	_ =	sdelay $0x3  }
0x36: {  	p1 =	seq.s32 s10, $0x1;
	s10 =	sld [smem:$0x3FA4];
	_ =	sdelay $0x3  }
0x37: {  	[smem:$0x3FA4] =	sst s10  }
0x38: {  	s10 =	sld [smem:$0x3FA5]  }
0x39: {  	_ = 	snop;
	(pc) =	sbr.ind lr, $3  }
0x3a: {  	_ = 	snop  }
0x3b: {  	_ = 	snop  }
0x3c: {  	p2 =	seq.s32 s10, $0x1;
	s10 =	sld [smem:$0x3FA4]  }
0x3d: {  	_ =	shalt  }
0x3e: {  	_ =	shalt  }
0x3f: {  	_ =	shalt  }
0x40: {  	_ =	shalt  }
0x41: {  	_ =	shalt  }
0x42: {  	_ =	shalt  }
0x43: {  	_ =	shalt  }
0x44: {  	_ =	shalt  }
0x45: {  	_ =	shalt  }
0x46: {  	_ =	shalt  }
0x47: {  	_ =	shalt  }
0x48: {  	_ =	shalt  }
0x49: {  	_ =	shalt  }
0x4a: {  	_ =	shalt  }
0x4b: {  	_ =	shalt  }
0x4c: {  	_ =	shalt  }
0x4d: {  	_ =	shalt  }
0x4e: {  	_ =	shalt  }
0x4f: {  	_ =	shalt  }
0x50: {  	_ =	shalt  }
0x51: {  	_ =	shalt  }
0x52: {  	_ =	shalt  }
0x53: {  	_ =	shalt  }
0x54: {  	_ =	shalt  }
0x55: {  	_ =	shalt  }
0x56: {  	_ =	shalt  }
0x57: {  	_ =	shalt  }
0x58: {  	_ =	shalt  }
0x59: {  	_ =	shalt  }
0x5a: {  	_ =	shalt  }
0x5b: {  	_ =	shalt  }
0x5c: {  	_ =	shalt  }
0x5d: {  	_ =	shalt  }
0x5e: {  	_ =	shalt  }
0x5f: {  	_ =	shalt  }
0x60: {  	_ =	shalt  }
0x61: {  	_ =	shalt  }
0x62: {  	_ =	shalt  }
0x63: {  	_ =	shalt  }
0x64: {  	_ =	shalt  }
0x65: {  	_ =	shalt  }
0x66: {  	_ =	shalt  }
0x67: {  	_ =	shalt  }
0x68: {  	_ =	shalt  }
0x69: {  	_ =	shalt  }
0x6a: {  	_ =	shalt  }
0x6b: {  	_ =	shalt  }
0x6c: {  	_ =	shalt  }
0x6d: {  	_ =	shalt  }
0x6e: {  	_ =	shalt  }
0x6f: {  	_ =	shalt  }
0x70: {  	_ =	shalt  }
0x71: {  	_ =	shalt  }
0x72: {  	_ =	shalt  }
0x73: {  	_ =	shalt  }
0x74: {  	_ =	shalt  }
0x75: {  	_ =	shalt  }
0x76: {  	_ =	shalt  }
0x77: {  	_ =	shalt  }
0x78: {  	_ =	shalt  }
0x79: {  	_ =	shalt  }
0x7a: {  	_ =	shalt  }
0x7b: {  	_ =	shalt  }
0x7c: {  	_ =	shalt  }
0x7d: {  	_ =	shalt  }
0x7e: {  	_ =	shalt  }
0x7f: {  	_ =	shalt  }
0x80: {  	_ =	shalt  }
0x81: {  	_ =	shalt  }
0x82: {  	_ =	shalt  }
0x83: {  	_ =	shalt  }
0x84: {  	_ =	shalt  }
0x85: {  	_ =	shalt  }
0x86: {  	_ =	shalt  }
0x87: {  	_ =	shalt  }
.Lfunc_end0:
.L_simem_size_0:
called_computation.2_lowered:
.L_overlay_start_0:
0x88: {  	s2 =	sld [smem:$0x3FD9]  }
0x89: {  	s3 =	sld [smem:$0x3FFE];
	_ =	sdelay $0x1  }
0x8a: {  	s1 =	srdreg.scid  }
0x8b: {  	s0 =	sand.u32 $0x1, s1  }
0x8c: {  	s17 =	sshll.u32 s0, $0xA;
	s2 =	sadd.s32 s3, s2  }
0x8d: {  	s2 =	sadd.s32 s2, s17  }
0x8e: {  	[smem:$0x3FB0] =	sst s2  }
0x8f: {  	_ = 	snop  }
0x90: {  	s2 =	sld [smem:$0x3FD0];
	(tm) =	ssettm $0x1  }
0x91: {  	s18 =	sld [smem:$0x3FFB];
	_ =	sdelay $0x3  }
0x92: {  	_ =	strace s18  }
0x93: {  	s3 =	sld [smem:$0x3FFC];
	_ =	sdelay $0x3  }
0x94: {  	_ =	strace s3  }
0x95: {  	s3 =	sld [smem:$0x3FFD];
	_ =	sdelay $0x3  }
0x96: {  	_ =	strace s3  }
0x97: {  	_ =	strace $0x8FFFFFFF  }
0x98: {  	s19 =	sld [smem:$0x3FDB];
	_ =	sdelay $0x1  }
0x99: {  	s4 =	simm.s32 $_scs_section_size  }
0x9a: {  	s5 =	simm.s32 $_size__tile_overlayer_lowered;
	s6 =	simm.s32 $_tile_overlayer_lowered  }
0x9b: {  	s22 =	simm.s32 $0x1BFF;
	s21 =	sshll.u32 s6, $0x1;
	s3 =	sadd.s32 s4, s19  }
0x9c: {  	s7 =	simm.s32 $0x0;
	s20 =	sshll.u32 s5, $0x1;
	s5 =	sadd.s32 s21, s3  }
0x9d: {  	[timem:s7], [sflag:s22] =	dma.local [hbm:s5], s20  }
0x9e: {  	_ =	swait.ge [sflag:s22], s20  }
0x9f: {  	s4 =	ssub.s32 $0x0, s20;
	[sflag:s22] =	ssyncset.done $0x0  }
0xa0: {  	[sflag:s22] =	ssyncadd.s32 s4;
	_ =	sdelay $0x1  }
0xa1: {  	s23 =	simm.s32 $0x1B8B  }
0xa2: {  	_ =	swait.ge [sflag:s23], $0x1  }
0xa3: {  	[sflag:s23] =	ssyncset.done $0x0  }
0xa4: {  	s25 =	simm.s32 $0x1B8E;
	s24 =	sld [smem:$0x3FFE];
	[sflag:s23] =	ssyncadd.s32 $0xFFFFFFFF  }
0xa5: {  	s26 =	simm.s32 $execute0_lowered;
	[smem:$0x3FD2] =	sst s25  }
0xa6: {  	s5 =	sshll.u32 s26, $0x1;
	_ =	strace $0x8000004C;
	[dreg:$0x1] =	wrdreg $0xFFFFFFFF  }
0xa7: {  	s28 =	simm.s32 $_size_execute0_lowered;
	s3 =	sadd.s32 s3, s5;
	[dreg:$0x0] =	wrdreg $0x0  }
0xa8: {  	s5 =	sshll.u32 s28, $0x1;
	[dreg:$0x2] =	wrdreg s3  }
0xa9: {  	[dreg:$0x3] =	wrdreg s5  }
0xaa: {  	[dreg:$0x4] =	wrdreg $0xC0  }
0xab: {  	_ =	task [dreg:s7], $0x5FFFF  }
0xac: {  	[dreg:$0x1] =	wrdreg $0xFFFFFFFF  }
0xad: {  	[dreg:$0x0] =	wrdreg $0x60  }
0xae: {  	[dreg:$0x2] =	wrdreg s24  }
0xaf: {  	[dreg:$0x3] =	wrdreg s2  }
0xb0: {  	[dreg:$0x4] =	wrdreg $0x9  }
0xb1: {  	_ =	task.clear_ibuf [dreg:s7], $0x5FFFF;
	_ =	strace $0x9000004C  }
0xb2: {  	s29 =	simm.s32 $0x9;
	_ =	strace $0x8000004E  }
0xb3: {  	_ =	swait.ge [sflag:s29], $0x1  }
0xb4: {  	[sflag:s29] =	ssyncadd.s32 $0xFFFFFFFF  }
0xb5: {  	_ =	strace $0x9000004E  }
0xb6: {  	_ =	sfence  }
0xb7: {  	s30 =	sld [smem:$0x0];
	_ =	sdelay $0x2  }
0xb8: {  	s31 =	sshll.u32 s1, $0xD;
	s1 =	sshrl.u32 s1, $0x2  }
0xb9: {  	s3 =	sand.u32 $0x4000, s31;
	s1 =	sadd.s32 s1, s30  }
0xba: {  	s0 =	sor.u32 s3, s0;
	s1 =	sshll.u32 s1, $0x11  }
0xbb: {  	s0 =	sor.u32 s1, s0  }
0xbc: {  	s0 =	sadd.s32 $0x8F2B, s0  }
0xbd: {  	[sflag:s0] =	ssyncadd.remote.s32 $0x1  }
0xbe: {  	_ =	sfence.sel $0xFFFF  }
0xbf: {  	[dreg:$0x0] =	wrdreg $0xFFFFFFFF;
	(pc) =	sbr.abs _section_cstart, $3  }
0xc0: {  	[dreg:$0x1] =	wrdreg $0xFFFFFFFF  }
0xc1: {  	_ =	task.clear_ibuf [dreg:s7], $0x2FFFF;
	_ =	strace $0x9FFFFFFF  }
0xc2: {  	(tm) =	ssettm $0x7FFFFFFF  }
0xc3: {  	_ =	shalt  }
tec
execute0_lowered:
.L_overlay_start_1:
0x0: {  	(tag) =	ssettag $0x1  }
0x1: {  	s1 =	srdreg.scid;
	s5 =	rddreg [dreg:$0x0]  }
0x2: {  	s0 =	stileid.u32;
	s2 =	rddreg [dreg:$0x1];
	s3 =	simm.s32 $0x0  }
0x3: {  	s11 =	simm.s32 $0x50;
	s12 =	simm.s32 $0x180;
	s13 =	simm.s32 $0x1  }
0x4: {  	s14 =	simm.s32 $0x100;
	s15 =	simm.s32 $0x2;
	s16 =	simm.s32 $0x0  }
0x5: {  	s6 =	sand.u32 $0x1, s1;
	s4 =	smul.u32 $0xA000, s0;
	s1 =	rddreg [dreg:$0x2]  }
0x6: {  	[smem:$0x7FF] =	sst s3;
	s7 =	smul.u32 $0x5000, s6;
	s30 =	ssub.s32 $0x2, s6  }
0x7: {  	s31 =	sshll.u32 s0, $0xB;
	_ =	strace $0x8000004D;
	s9 =	sshrl.u32 s30, $0x1  }
0x8: {  	s10 =	sshll.u32 s6, $0xA;
	s4 =	sadd.s32 s7, s4;
	s7 =	ssub.s32 s30, s9  }
0x9: {  	s9 =	simm.s32 $0x80;
	s4 =	sshrl.u32 s4, $0x3;
	s6 =	smax.u32 s7, $0x1  }
0xa: {  	s7 =	sor.u32 s10, s31;
	s8 =	sadd.s32 s4, s5;
	s4 =	sadd.s32 $0x85200, s5  }
0xb: {  	s10 =	simm.s32 $0x3;
	s5 =	sadd.s32 $0x119200, s5;
	s8 =	sadd.s32 $0x105200, s8  }
.LBB2_1:
0xc: {  	[tilespmem:s9], [sflag:$0x3] =	stream.linear.gather [hbm4b:s2+s3], $0x80, $0x38;
	[tilespmem:$0x2980] =	vst v63  }
0xd: {  	_ =	swait.ge [sflag:s10], $0x80  }
0xe: {  	[sflag:s10] =	ssyncset.done $0x0  }
0xf: {  	[sflag:s10] =	ssyncadd.s32 $0xFFFFFF80  }
0x10: {  	[tilespmem:s3], [sflag:$0x3] =	stream.linear.gather [hbm4b:s8+s3], $0x50, $0x38;
	[tilespmem:$0x2980] =	vst v63  }
0x11: {  	_ =	swait.ge [sflag:s10], $0x50  }
0x12: {  	[sflag:s10] =	ssyncset.done $0x0  }
0x13: {  	[sflag:s10] =	ssyncadd.s32 $0xFFFFFFB0  }
0x14: {  	v0 =	vld [tilespmem:$0xC0]  }
0x15: {  	v1 =	vld [tilespmem:$0xA0]  }
0x16: {  	v2 =	vld [tilespmem:$0xB0]  }
0x17: {  	v3 =	vld [tilespmem:$0x90]  }
0x18: {  	s17 =	sadd.s32 $0x0, s7;
	v4 =	vld [tilespmem:$0x80]  }
0x19: {  	v0 =	vadd.s32 s17, v0  }
0x1a: {  	v1 =	vadd.s32 s17, v1;
	[tilespmem:$0x140] =	vst v0  }
0x1b: {  	v61 =	vadd.s32 s17, v2;
	[tilespmem:$0x120] =	vst v1  }
0x1c: {  	v62 =	vadd.s32 s17, v3;
	[tilespmem:$0x130] =	vst v61  }
0x1d: {  	v63 =	vadd.s32 s17, v4;
	[tilespmem:$0x110] =	vst v62  }
0x1e: {  	[tilespmem:$0x100] =	vst v63  }
0x1f: {  	[tilespmem:s12], [sflag:$0x1] =	stream.indirect.gather [hbm4b:s4+s11], $0x80, s3, s11, $0xb8;
	[tilespmem:$0x2980] =	vst v63  }
0x20: {  	_ =	swait.ge [sflag:s13], $0x2800  }
0x21: {  	s18 =	smov.u32 s8;
	s17 =	simm.s32 $0x4;
	[sflag:s13] =	ssyncset.done $0x0  }
.LBB2_2:
0x22: {  	p0 =	sne.s32 s17, $0x3FC;
	[sflag:s13] =	ssyncadd.s32 $0xFFFFD800;
	s18 =	sadd.s32 $0xA, s18  }
0x23: {  	[hbm4b:s5+s11] =	stream.indirect.scatter [tilespmem:s12], [sflag:$0x2], $0x80, s14, s11, $0xb8;
	[tilespmem:$0x2980] =	vst v63  }
0x24: {  	s19 =	smov.u32 s17;
	s17 =	sadd.s32 $0x4, s17;
	_ =	swait.ge [sflag:s15], $0x2800  }
0x25: {  	[sflag:s15] =	ssyncset.done $0x0  }
0x26: {  	[sflag:s15] =	ssyncadd.s32 $0xFFFFD800  }
0x27: {  	[tilespmem:s3], [sflag:$0x3] =	stream.linear.gather [hbm4b:s18+s3], $0x50, $0x38;
	[tilespmem:$0x2980] =	vst v63  }
0x28: {  	_ =	swait.ge [sflag:s10], $0x50  }
0x29: {  	[sflag:s10] =	ssyncset.done $0x0  }
0x2a: {  	[sflag:s10] =	ssyncadd.s32 $0xFFFFFFB0  }
0x2b: {  	v0 =	vld [tilespmem:$0xC0]  }
0x2c: {  	v1 =	vld [tilespmem:$0xA0]  }
0x2d: {  	v2 =	vld [tilespmem:$0xB0]  }
0x2e: {  	v3 =	vld [tilespmem:$0x90]  }
0x2f: {  	s19 =	sadd.s32 s19, s7;
	v4 =	vld [tilespmem:$0x80]  }
0x30: {  	v0 =	vadd.s32 s19, v0  }
0x31: {  	v1 =	vadd.s32 s19, v1;
	[tilespmem:$0x140] =	vst v0  }
0x32: {  	[tilespmem:$0x120] =	vst v1;
	v0 =	vadd.s32 s19, v2  }
0x33: {  	v1 =	vadd.s32 s19, v3;
	[tilespmem:$0x130] =	vst v0  }
.Ltmp0:
0x34: {  	v0 =	vadd.s32 s19, v4;
	[tilespmem:$0x110] =	vst v1;
	(pc) =	sbr.rel @p0 .LBB2_2-.Ltmp0, $4  }
0x35: {  	[tilespmem:$0x100] =	vst v0  }
0x36: {  	[tilespmem:s12], [sflag:$0x1] =	stream.indirect.gather [hbm4b:s4+s11], $0x80, s3, s11, $0xb8;
	[tilespmem:$0x2980] =	vst v63  }
0x37: {  	_ =	swait.ge [sflag:s13], $0x2800  }
0x38: {  	[sflag:s13] =	ssyncset.done $0x0  }
0x39: {  	s16 =	sadd.s32 $0x1, s16  }
0x3a: {  	p0 =	sne.s32 s16, s6  }
.Ltmp1:
0x3b: {  	[sflag:s13] =	ssyncadd.s32 $0xFFFFD800;
	(pc) =	sbr.rel @p0 .LBB2_1-.Ltmp1, $4  }
0x3c: {  	[hbm4b:s5+s11] =	stream.indirect.scatter [tilespmem:s12], [sflag:$0x2], $0x80, s14, s11, $0xb8;
	[tilespmem:$0x2980] =	vst v63  }
0x3d: {  	_ =	swait.ge [sflag:s15], $0x2800  }
0x3e: {  	[sflag:s15] =	ssyncset.done $0x0  }
0x3f: {  	[sflag:s15] =	ssyncadd.s32 $0xFFFFD800  }
0x40: {  	_ =	sfence.sel $0x180000  }
0x41: {  	[bflag:$0x0] =	sbarrier.arrive $0xFFFF  }
0x42: {  	p0 =	sne.s32 s0, $0x0;
	_ =	strace $0x9000004D  }
0x43: {  	s0 =	sadd.s32 @!p0 $0x100000, s1;
	[bflag:$0x2] =	sbarrier.arrive $0xFFFF  }
0x44: {  	[sflag:s0] =	ssyncadd.tile.s32 @!p0 $0x1;
	_ =	shalt  }
.Lfunc_end2:
_tile_overlayer_lowered:
.L_overlay_start_2:
0x45: {  	(tag) =	ssettag $0x2  }
0x46: {  	s0 =	rddreg [dreg:$0x0];
	s2 =	stileid.u32  }
0x47: {  	s1 =	rddreg [dreg:$0x1];
	p0 =	sne.s32 s2, $0x0  }
0x48: {  	s3 =	rddreg [dreg:$0x2];
	[bflag:$0x3] =	sbarrier.arrive $0xFFFF;
	s2 =	simm.s32 @!p0 $0x1C03  }
0x49: {  	[timem:s3], [sflag:s2] =	dma.local @!p0 [hbm:s0], s1  }
0x4a: {  	s0 =	simm.s32 @!p0 $0x3  }
0x4b: {  	_ =	swait.ge @!p0 [sflag:s0], s1  }
0x4c: {  	s1 =	ssub.s32 @!p0 $0x0, s1;
	[sflag:s0] =	ssyncset.done @!p0 $0x0  }
0x4d: {  	[sflag:s0] =	ssyncadd.s32 @!p0 s1  }
0x4e: {  	[bflag:$0x3] =	sbarrier.arrive $0xFFFF  }
0x4f: {  	_ =	shalt  }

// kernel: kernel.34.cloned.1.call-start
scs
__scs_entry_jumppad:
0x0: {  	(pc) =	sbr.rel $0x88, $3  }
0x1: {  	(tag) =	ssettag $0x0;
	lr =	simm.s32 $0x1  }
0x2: {  	[smem:$0x3F89] =	sst lr;
	_ =	strace $0xD0000000  }
0x3: {  	_ = 	snop  }
0x4: {  	_ = 	snop  }
0x5: {  	_ = 	snop  }
0x6: {  	_ = 	snop  }
0x7: {  	_ = 	snop  }
__scs_overlays_trampoline_lowered:
0x8: {  	[smem:$0x3F98] =	sst s0  }
0x9: {  	[smem:$0x3F99] =	sst s1  }
0xa: {  	[smem:$0x3F9A] =	sst s2  }
0xb: {  	[smem:$0x3F9B] =	sst s3  }
0xc: {  	[smem:$0x3F9C] =	sst s4  }
0xd: {  	[smem:$0x3F9D] =	sst s5  }
0xe: {  	[smem:$0x3F9E] =	sst s6  }
0xf: {  	[smem:$0x3F9F] =	sst s7  }
0x10: {  	[smem:$0x3FA0] =	sst s8  }
0x11: {  	[smem:$0x3FA1] =	sst s9;
	s0 =	simm.s32 @!p0 $0x0  }
0x12: {  	s1 =	sld [smem:$0x3F87];
	s0 =	simm.s32 @p0 $0x1  }
0x13: {  	[smem:$0x3FA2] =	sst s0;
	s0 =	simm.s32 @!p1 $0x0  }
0x14: {  	s2 =	sld [smem:$0x3F86];
	s0 =	simm.s32 @p1 $0x1  }
0x15: {  	[smem:$0x3FA3] =	sst s0;
	s0 =	simm.s32 @!p2 $0x0  }
0x16: {  	s3 =	sld [smem:$0x3FDB];
	s0 =	simm.s32 @p2 $0x1  }
0x17: {  	s4 =	simm.s32 $0x1BF5;
	[smem:$0x3FA5] =	sst s0  }
0x18: {  	s0 =	sld [smem:$0x3F88];
	_ =	swait.ge [sflag:s4], $0x0  }
0x19: {  	s7 =	sld [smem:$0x3F89]  }
0x1a: {  	s8 =	sadd.s32 $0xFFFFE003, lr  }
0x1b: {  	s9 =	sadd.s32 $0xFFFFFEF7, lr;
	s5 =	simm.s32 $0xFFFFFFFF;
	p2 =	slt.u32 s8, $0xFFFFF086  }
0x1c: {  	p1 =	slt.u32 s9, $0xF7A;
	s5 =	simm.s32 @!p2 $0x0  }
0x1d: {  	s5 =	simm.s32 @p1 $0x1;
	p0 =	seq.s32 s7, s2  }
0x1e: {  	s7 =	smul.u32 @!p0 $0xF7A, s2;
	p2 =	seq.s32 @!p0 s5, $0x0  }
0x1f: {  	s9 =	smul.u32 $0xF7A, s1;
	s8 =	simm.s32 @!p0 $0x1BF5;
	p2 =	por !p2, p0  }
0x20: {  	[sflag:s8] =	ssyncset.s32 @!p0 $0xFFFFF086;
	s6 =	sadd.s32 @!p0 s3, s7;
	s7 =	simm.s32 @!p0 $0x108  }
0x21: {  	s3 =	sadd.s32 s3, s9;
	s6 =	sadd.s32 @!p0 $0x88, s6;
	s7 =	simm.s32 @p2 $0x1082  }
0x22: {  	[simem:s7], [sflag:s8] =	dma.local @!p0 [hbm:s6], $0xF7A  }
0x23: {  	s9 =	sor.u32 $0xD0000000, s2;
	s6 =	simm.s32 $0x108;
	_ =	swait.ge @!p0 [sflag:s8], $0x0  }
0x24: {  	s3 =	sadd.s32 $0x88, s3;
	s6 =	simm.s32 @!p1 $0x1082;
	[sflag:s4] =	ssyncset.s32 $0xFFFFF086  }
0x25: {  	[simem:s6], [sflag:s4] =	dma.local [hbm:s3], $0xF7A  }
0x26: {  	[smem:$0x3F89] =	sst s1;
	(tag) =	ssettag s2;
	_ =	strace s9  }
0x27: {  	s1 =	sld [smem:$0x3F99]  }
0x28: {  	s2 =	sld [smem:$0x3F9A]  }
0x29: {  	s4 =	sld [smem:$0x3F9C]  }
0x2a: {  	p0 =	seq.s32 s5, $0x0;
	s5 =	sld [smem:$0x3F9D]  }
0x2b: {  	s6 =	sld [smem:$0x3F9E]  }
0x2c: {  	s7 =	sld [smem:$0x3F9F]  }
0x2d: {  	s3 =	simm.s32 $0x108;
	s8 =	sld [smem:$0x3FA0]  }
0x2e: {  	s3 =	simm.s32 @!p0 $0x1082;
	s9 =	sld [smem:$0x3FA1]  }
0x2f: {  	lr =	sadd.s32 s0, s3;
	s0 =	sld [smem:$0x3F98]  }
0x30: {  	s3 =	sld [smem:$0x3F9B]  }
0x31: {  	[smem:$0x3FA4] =	sst s10  }
0x32: {  	s10 =	sld [smem:$0x3FA2];
	_ =	sdelay $0x3  }
0x33: {  	p0 =	seq.s32 s10, $0x1;
	s10 =	sld [smem:$0x3FA4];
	_ =	sdelay $0x3  }
0x34: {  	[smem:$0x3FA4] =	sst s10  }
0x35: {  	s10 =	sld [smem:$0x3FA3];
	_ =	sdelay $0x3  }
0x36: {  	p1 =	seq.s32 s10, $0x1;
	s10 =	sld [smem:$0x3FA4];
	_ =	sdelay $0x3  }
0x37: {  	[smem:$0x3FA4] =	sst s10  }
0x38: {  	s10 =	sld [smem:$0x3FA5]  }
0x39: {  	_ = 	snop;
	(pc) =	sbr.ind lr, $3  }
0x3a: {  	_ = 	snop  }
0x3b: {  	_ = 	snop  }
0x3c: {  	p2 =	seq.s32 s10, $0x1;
	s10 =	sld [smem:$0x3FA4]  }
0x3d: {  	_ =	shalt  }
0x3e: {  	_ =	shalt  }
0x3f: {  	_ =	shalt  }
0x40: {  	_ =	shalt  }
0x41: {  	_ =	shalt  }
0x42: {  	_ =	shalt  }
0x43: {  	_ =	shalt  }
0x44: {  	_ =	shalt  }
0x45: {  	_ =	shalt  }
0x46: {  	_ =	shalt  }
0x47: {  	_ =	shalt  }
0x48: {  	_ =	shalt  }
0x49: {  	_ =	shalt  }
0x4a: {  	_ =	shalt  }
0x4b: {  	_ =	shalt  }
0x4c: {  	_ =	shalt  }
0x4d: {  	_ =	shalt  }
0x4e: {  	_ =	shalt  }
0x4f: {  	_ =	shalt  }
0x50: {  	_ =	shalt  }
0x51: {  	_ =	shalt  }
0x52: {  	_ =	shalt  }
0x53: {  	_ =	shalt  }
0x54: {  	_ =	shalt  }
0x55: {  	_ =	shalt  }
0x56: {  	_ =	shalt  }
0x57: {  	_ =	shalt  }
0x58: {  	_ =	shalt  }
0x59: {  	_ =	shalt  }
0x5a: {  	_ =	shalt  }
0x5b: {  	_ =	shalt  }
0x5c: {  	_ =	shalt  }
0x5d: {  	_ =	shalt  }
0x5e: {  	_ =	shalt  }
0x5f: {  	_ =	shalt  }
0x60: {  	_ =	shalt  }
0x61: {  	_ =	shalt  }
0x62: {  	_ =	shalt  }
0x63: {  	_ =	shalt  }
0x64: {  	_ =	shalt  }
0x65: {  	_ =	shalt  }
0x66: {  	_ =	shalt  }
0x67: {  	_ =	shalt  }
0x68: {  	_ =	shalt  }
0x69: {  	_ =	shalt  }
0x6a: {  	_ =	shalt  }
0x6b: {  	_ =	shalt  }
0x6c: {  	_ =	shalt  }
0x6d: {  	_ =	shalt  }
0x6e: {  	_ =	shalt  }
0x6f: {  	_ =	shalt  }
0x70: {  	_ =	shalt  }
0x71: {  	_ =	shalt  }
0x72: {  	_ =	shalt  }
0x73: {  	_ =	shalt  }
0x74: {  	_ =	shalt  }
0x75: {  	_ =	shalt  }
0x76: {  	_ =	shalt  }
0x77: {  	_ =	shalt  }
0x78: {  	_ =	shalt  }
0x79: {  	_ =	shalt  }
0x7a: {  	_ =	shalt  }
0x7b: {  	_ =	shalt  }
0x7c: {  	_ =	shalt  }
0x7d: {  	_ =	shalt  }
0x7e: {  	_ =	shalt  }
0x7f: {  	_ =	shalt  }
0x80: {  	_ =	shalt  }
0x81: {  	_ =	shalt  }
0x82: {  	_ =	shalt  }
0x83: {  	_ =	shalt  }
0x84: {  	_ =	shalt  }
0x85: {  	_ =	shalt  }
0x86: {  	_ =	shalt  }
0x87: {  	_ =	shalt  }
.Lfunc_end0:
.L_simem_size_0:
called_computation.3_lowered:
.L_overlay_start_0:
0x88: {  	s2 =	sld [smem:$0x3FD9]  }
0x89: {  	s3 =	sld [smem:$0x3FFE];
	_ =	sdelay $0x1  }
0x8a: {  	s1 =	srdreg.scid  }
0x8b: {  	s0 =	sand.u32 $0x1, s1  }
0x8c: {  	s17 =	sshll.u32 s0, $0xA;
	s2 =	sadd.s32 s3, s2  }
0x8d: {  	s2 =	sadd.s32 s2, s17  }
0x8e: {  	[smem:$0x3FB0] =	sst s2  }
0x8f: {  	_ = 	snop  }
0x90: {  	s2 =	sld [smem:$0x3FD0];
	(tm) =	ssettm $0x1  }
0x91: {  	s18 =	sld [smem:$0x3FFB];
	_ =	sdelay $0x3  }
0x92: {  	_ =	strace s18  }
0x93: {  	s3 =	sld [smem:$0x3FFC];
	_ =	sdelay $0x3  }
0x94: {  	_ =	strace s3  }
0x95: {  	s3 =	sld [smem:$0x3FFD];
	_ =	sdelay $0x3  }
0x96: {  	_ =	strace s3  }
0x97: {  	_ =	strace $0x8FFFFFFF  }
0x98: {  	s19 =	sld [smem:$0x3FDB];
	_ =	sdelay $0x1  }
0x99: {  	s4 =	simm.s32 $_scs_section_size  }
0x9a: {  	s5 =	simm.s32 $_size__tile_overlayer_lowered;
	s6 =	simm.s32 $_tile_overlayer_lowered  }
0x9b: {  	s22 =	simm.s32 $0x1BFF;
	s21 =	sshll.u32 s6, $0x1;
	s3 =	sadd.s32 s4, s19  }
0x9c: {  	s7 =	simm.s32 $0x0;
	s20 =	sshll.u32 s5, $0x1;
	s5 =	sadd.s32 s21, s3  }
0x9d: {  	[timem:s7], [sflag:s22] =	dma.local [hbm:s5], s20  }
0x9e: {  	_ =	swait.ge [sflag:s22], s20  }
0x9f: {  	s4 =	ssub.s32 $0x0, s20;
	[sflag:s22] =	ssyncset.done $0x0  }
0xa0: {  	[sflag:s22] =	ssyncadd.s32 s4;
	_ =	sdelay $0x1  }
0xa1: {  	s23 =	simm.s32 $0x1B8B  }
0xa2: {  	_ =	swait.ge [sflag:s23], $0x1  }
0xa3: {  	[sflag:s23] =	ssyncset.done $0x0  }
0xa4: {  	s25 =	simm.s32 $0x1B8E;
	s24 =	sld [smem:$0x3FFE];
	[sflag:s23] =	ssyncadd.s32 $0xFFFFFFFF  }
0xa5: {  	s26 =	simm.s32 $execute0_lowered;
	[smem:$0x3FD2] =	sst s25  }
0xa6: {  	s5 =	sshll.u32 s26, $0x1;
	_ =	strace $0x8000004F;
	[dreg:$0x1] =	wrdreg $0xFFFFFFFF  }
0xa7: {  	s28 =	simm.s32 $_size_execute0_lowered;
	s3 =	sadd.s32 s3, s5;
	[dreg:$0x0] =	wrdreg $0x0  }
0xa8: {  	s5 =	sshll.u32 s28, $0x1;
	[dreg:$0x2] =	wrdreg s3  }
0xa9: {  	[dreg:$0x3] =	wrdreg s5  }
0xaa: {  	[dreg:$0x4] =	wrdreg $0xC0  }
0xab: {  	_ =	task [dreg:s7], $0x5FFFF  }
0xac: {  	[dreg:$0x1] =	wrdreg $0xFFFFFFFF  }
0xad: {  	[dreg:$0x0] =	wrdreg $0x60  }
0xae: {  	[dreg:$0x2] =	wrdreg s24  }
0xaf: {  	[dreg:$0x3] =	wrdreg s2  }
0xb0: {  	[dreg:$0x4] =	wrdreg $0x9  }
0xb1: {  	_ =	task.clear_ibuf [dreg:s7], $0x5FFFF;
	_ =	strace $0x9000004F  }
0xb2: {  	s29 =	simm.s32 $0x9;
	_ =	strace $0x80000051  }
0xb3: {  	_ =	swait.ge [sflag:s29], $0x1  }
0xb4: {  	[sflag:s29] =	ssyncadd.s32 $0xFFFFFFFF  }
0xb5: {  	_ =	strace $0x90000051  }
0xb6: {  	_ =	sfence  }
0xb7: {  	s30 =	sld [smem:$0x0];
	_ =	sdelay $0x2  }
0xb8: {  	s31 =	sshll.u32 s1, $0xD;
	s1 =	sshrl.u32 s1, $0x2  }
0xb9: {  	s3 =	sand.u32 $0x4000, s31;
	s1 =	sadd.s32 s1, s30  }
0xba: {  	s0 =	sor.u32 s3, s0;
	s1 =	sshll.u32 s1, $0x11  }
0xbb: {  	s0 =	sor.u32 s1, s0  }
0xbc: {  	s0 =	sadd.s32 $0x8F2B, s0  }
0xbd: {  	[sflag:s0] =	ssyncadd.remote.s32 $0x1  }
0xbe: {  	_ =	sfence.sel $0xFFFF  }
0xbf: {  	[dreg:$0x0] =	wrdreg $0xFFFFFFFF;
	(pc) =	sbr.abs _section_cstart, $3  }
0xc0: {  	[dreg:$0x1] =	wrdreg $0xFFFFFFFF  }
0xc1: {  	_ =	task.clear_ibuf [dreg:s7], $0x2FFFF;
	_ =	strace $0x9FFFFFFF  }
0xc2: {  	(tm) =	ssettm $0x7FFFFFFF  }
0xc3: {  	_ =	shalt  }
tec
execute0_lowered:
.L_overlay_start_1:
0x0: {  	(tag) =	ssettag $0x1  }
0x1: {  	s1 =	srdreg.scid;
	s5 =	rddreg [dreg:$0x0]  }
0x2: {  	s0 =	stileid.u32;
	s2 =	rddreg [dreg:$0x1];
	s3 =	simm.s32 $0x0  }
0x3: {  	s11 =	simm.s32 $0x50;
	s12 =	simm.s32 $0x180;
	s13 =	simm.s32 $0x1  }
0x4: {  	s14 =	simm.s32 $0x100;
	s15 =	simm.s32 $0x2;
	s16 =	simm.s32 $0x0  }
0x5: {  	s6 =	sand.u32 $0x1, s1;
	s4 =	smul.u32 $0xA000, s0;
	s1 =	rddreg [dreg:$0x2]  }
0x6: {  	[smem:$0x7FF] =	sst s3;
	s7 =	smul.u32 $0x5000, s6;
	s30 =	ssub.s32 $0x2, s6  }
0x7: {  	s31 =	sshll.u32 s0, $0xB;
	_ =	strace $0x80000050;
	s9 =	sshrl.u32 s30, $0x1  }
0x8: {  	s10 =	sshll.u32 s6, $0xA;
	s4 =	sadd.s32 s7, s4;
	s7 =	ssub.s32 s30, s9  }
0x9: {  	s9 =	simm.s32 $0x80;
	s4 =	sshrl.u32 s4, $0x3;
	s6 =	smax.u32 s7, $0x1  }
0xa: {  	s7 =	sor.u32 s10, s31;
	s8 =	sadd.s32 s4, s5;
	s4 =	sadd.s32 $0x105200, s5  }
0xb: {  	s10 =	simm.s32 $0x3;
	s5 =	sadd.s32 $0x199200, s5;
	s8 =	sadd.s32 $0x185200, s8  }
.LBB2_1:
0xc: {  	[tilespmem:s9], [sflag:$0x3] =	stream.linear.gather [hbm4b:s2+s3], $0x80, $0x38;
	[tilespmem:$0x2980] =	vst v63  }
0xd: {  	_ =	swait.ge [sflag:s10], $0x80  }
0xe: {  	[sflag:s10] =	ssyncset.done $0x0  }
0xf: {  	[sflag:s10] =	ssyncadd.s32 $0xFFFFFF80  }
0x10: {  	[tilespmem:s3], [sflag:$0x3] =	stream.linear.gather [hbm4b:s8+s3], $0x50, $0x38;
	[tilespmem:$0x2980] =	vst v63  }
0x11: {  	_ =	swait.ge [sflag:s10], $0x50  }
0x12: {  	[sflag:s10] =	ssyncset.done $0x0  }
0x13: {  	[sflag:s10] =	ssyncadd.s32 $0xFFFFFFB0  }
0x14: {  	v0 =	vld [tilespmem:$0xC0]  }
0x15: {  	v1 =	vld [tilespmem:$0xA0]  }
0x16: {  	v2 =	vld [tilespmem:$0xB0]  }
0x17: {  	v3 =	vld [tilespmem:$0x90]  }
0x18: {  	s17 =	sadd.s32 $0x0, s7;
	v4 =	vld [tilespmem:$0x80]  }
0x19: {  	v0 =	vadd.s32 s17, v0  }
0x1a: {  	v1 =	vadd.s32 s17, v1;
	[tilespmem:$0x140] =	vst v0  }
0x1b: {  	v61 =	vadd.s32 s17, v2;
	[tilespmem:$0x120] =	vst v1  }
0x1c: {  	v62 =	vadd.s32 s17, v3;
	[tilespmem:$0x130] =	vst v61  }
0x1d: {  	v63 =	vadd.s32 s17, v4;
	[tilespmem:$0x110] =	vst v62  }
0x1e: {  	[tilespmem:$0x100] =	vst v63  }
0x1f: {  	[tilespmem:s12], [sflag:$0x1] =	stream.indirect.gather [hbm4b:s4+s11], $0x80, s3, s11, $0xb8;
	[tilespmem:$0x2980] =	vst v63  }
0x20: {  	_ =	swait.ge [sflag:s13], $0x2800  }
0x21: {  	s18 =	smov.u32 s8;
	s17 =	simm.s32 $0x4;
	[sflag:s13] =	ssyncset.done $0x0  }
.LBB2_2:
0x22: {  	p0 =	sne.s32 s17, $0x3FC;
	[sflag:s13] =	ssyncadd.s32 $0xFFFFD800;
	s18 =	sadd.s32 $0xA, s18  }
0x23: {  	[hbm4b:s5+s11] =	stream.indirect.scatter [tilespmem:s12], [sflag:$0x2], $0x80, s14, s11, $0xb8;
	[tilespmem:$0x2980] =	vst v63  }
0x24: {  	s19 =	smov.u32 s17;
	s17 =	sadd.s32 $0x4, s17;
	_ =	swait.ge [sflag:s15], $0x2800  }
0x25: {  	[sflag:s15] =	ssyncset.done $0x0  }
0x26: {  	[sflag:s15] =	ssyncadd.s32 $0xFFFFD800  }
0x27: {  	[tilespmem:s3], [sflag:$0x3] =	stream.linear.gather [hbm4b:s18+s3], $0x50, $0x38;
	[tilespmem:$0x2980] =	vst v63  }
0x28: {  	_ =	swait.ge [sflag:s10], $0x50  }
0x29: {  	[sflag:s10] =	ssyncset.done $0x0  }
0x2a: {  	[sflag:s10] =	ssyncadd.s32 $0xFFFFFFB0  }
0x2b: {  	v0 =	vld [tilespmem:$0xC0]  }
0x2c: {  	v1 =	vld [tilespmem:$0xA0]  }
0x2d: {  	v2 =	vld [tilespmem:$0xB0]  }
0x2e: {  	v3 =	vld [tilespmem:$0x90]  }
0x2f: {  	s19 =	sadd.s32 s19, s7;
	v4 =	vld [tilespmem:$0x80]  }
0x30: {  	v0 =	vadd.s32 s19, v0  }
0x31: {  	v1 =	vadd.s32 s19, v1;
	[tilespmem:$0x140] =	vst v0  }
0x32: {  	[tilespmem:$0x120] =	vst v1;
	v0 =	vadd.s32 s19, v2  }
0x33: {  	v1 =	vadd.s32 s19, v3;
	[tilespmem:$0x130] =	vst v0  }
.Ltmp0:
0x34: {  	v0 =	vadd.s32 s19, v4;
	[tilespmem:$0x110] =	vst v1;
	(pc) =	sbr.rel @p0 .LBB2_2-.Ltmp0, $4  }
0x35: {  	[tilespmem:$0x100] =	vst v0  }
0x36: {  	[tilespmem:s12], [sflag:$0x1] =	stream.indirect.gather [hbm4b:s4+s11], $0x80, s3, s11, $0xb8;
	[tilespmem:$0x2980] =	vst v63  }
0x37: {  	_ =	swait.ge [sflag:s13], $0x2800  }
0x38: {  	[sflag:s13] =	ssyncset.done $0x0  }
0x39: {  	s16 =	sadd.s32 $0x1, s16  }
0x3a: {  	p0 =	sne.s32 s16, s6  }
.Ltmp1:
0x3b: {  	[sflag:s13] =	ssyncadd.s32 $0xFFFFD800;
	(pc) =	sbr.rel @p0 .LBB2_1-.Ltmp1, $4  }
0x3c: {  	[hbm4b:s5+s11] =	stream.indirect.scatter [tilespmem:s12], [sflag:$0x2], $0x80, s14, s11, $0xb8;
	[tilespmem:$0x2980] =	vst v63  }
0x3d: {  	_ =	swait.ge [sflag:s15], $0x2800  }
0x3e: {  	[sflag:s15] =	ssyncset.done $0x0  }
0x3f: {  	[sflag:s15] =	ssyncadd.s32 $0xFFFFD800  }
0x40: {  	_ =	sfence.sel $0x180000  }
0x41: {  	[bflag:$0x0] =	sbarrier.arrive $0xFFFF  }
0x42: {  	p0 =	sne.s32 s0, $0x0;
	_ =	strace $0x90000050  }
0x43: {  	s0 =	sadd.s32 @!p0 $0x100000, s1;
	[bflag:$0x2] =	sbarrier.arrive $0xFFFF  }
0x44: {  	[sflag:s0] =	ssyncadd.tile.s32 @!p0 $0x1;
	_ =	shalt  }
.Lfunc_end2:
_tile_overlayer_lowered:
.L_overlay_start_2:
0x45: {  	(tag) =	ssettag $0x2  }
0x46: {  	s0 =	rddreg [dreg:$0x0];
	s2 =	stileid.u32  }
0x47: {  	s1 =	rddreg [dreg:$0x1];
	p0 =	sne.s32 s2, $0x0  }
0x48: {  	s3 =	rddreg [dreg:$0x2];
	[bflag:$0x3] =	sbarrier.arrive $0xFFFF;
	s2 =	simm.s32 @!p0 $0x1C03  }
0x49: {  	[timem:s3], [sflag:s2] =	dma.local @!p0 [hbm:s0], s1  }
0x4a: {  	s0 =	simm.s32 @!p0 $0x3  }
0x4b: {  	_ =	swait.ge @!p0 [sflag:s0], s1  }
0x4c: {  	s1 =	ssub.s32 @!p0 $0x0, s1;
	[sflag:s0] =	ssyncset.done @!p0 $0x0  }
0x4d: {  	[sflag:s0] =	ssyncadd.s32 @!p0 s1  }
0x4e: {  	[bflag:$0x3] =	sbarrier.arrive $0xFFFF  }
0x4f: {  	_ =	shalt  }

</sc_bundles>
